<compile_context>
chip_gen: v7x
topology: tpu7x:2x2x1
jax: 0.10.2.dev20260603
libtpu: 0.0.44.dev20260713+nightly
codegen_flags: <defaults>
</compile_context>

<pallas_src>
import math

import jax
import jax.numpy as jnp
from jax import lax
from jax.experimental import pallas as pl
from jax.experimental.pallas import tpu as pltpu
from jax.experimental.pallas import tpu_sc as plsc

NUM_EXPERTS = 16
TOPK = 256
LANES = 16
NCORES = 2



def _gate_body(x_ref, gw_ref, pt_ref, xbf_ref):
    xb = x_ref[0]
    gw = gw_ref[...]
    s = lax.dot_general(gw, xb, (((1,), (1,)), ((), ())),
                        preferred_element_type=jnp.float32)
    m = jnp.max(s, axis=0, keepdims=True)
    e = jnp.exp(s - m)
    p = e / jnp.sum(e, axis=0, keepdims=True)
    pt_ref[0] = lax.bitcast_convert_type(p, jnp.int32)
    xbf_ref[0] = xb.astype(jnp.bfloat16)



def _srl31(x):
    return lax.shift_right_logical(x, 31)


def _routing_body(pt_hbm, idx_hbm, pv_hbm, prow, idxv, pvv, idx_smem, pv_smem):
    c = lax.axis_index("c")
    s = lax.axis_index("s")
    r = s * NCORES + c
    T = prow.shape[0]
    NV = T // LANES
    b = r // NUM_EXPERTS
    e = r % NUM_EXPERTS

    pltpu.sync_copy(pt_hbm.at[r], prow)

    def count_gt(mid):
        tfv = jnp.full((LANES,), mid, jnp.int32)

        def cbody(i, acc):
            a = acc
            for u in range(4):
                v = prow[pl.ds((i * 4 + u) * LANES, LANES)]
                a = a + _srl31(tfv - v)
            return a

        acc = lax.fori_loop(0, NV // 4, cbody, jnp.zeros((LANES,), jnp.int32))
        tot = acc[0]
        for j in range(1, LANES):
            tot = tot + acc[j]
        return tot

    def bs_body(_, carry):
        lo, hi = carry
        mid = lo + ((hi - lo) >> 1)
        big = count_gt(mid) >= TOPK
        return jnp.where(big, mid, lo), jnp.where(big, hi, mid)

    lo, hi = lax.fori_loop(0, 31, bs_body,
                           (jnp.int32(0), jnp.int32(0x3F800001)))
    tf_s = hi
    n_gt = count_gt(tf_s)
    rem = TOPK - n_gt

    TRASH = jnp.int32(TOPK)

    def comp_body(i, carry):
        ptr, eq_taken = carry
        v = prow[pl.ds(i * LANES, LANES)]
        for j in range(LANES):
            val = v[j]
            take_eq = (val == tf_s) & (eq_taken < rem)
            take = (val > tf_s) | take_eq
            pos = jnp.where(take, ptr, TRASH)
            idx_smem[pos] = i * LANES + j
            pv_smem[pos] = val
            ptr = ptr + take.astype(jnp.int32)
            eq_taken = eq_taken + take_eq.astype(jnp.int32)
        return ptr, eq_taken

    lax.fori_loop(0, NV, comp_body, (jnp.int32(0), jnp.int32(0)))

    iota = lax.iota(jnp.int32, LANES)
    ones = [1 - _srl31((iota - j) | (j - iota)) for j in range(LANES)]
    for k2 in range(TOPK // LANES):
        w = jnp.zeros((LANES,), jnp.int32)
        p = jnp.zeros((LANES,), jnp.int32)
        for j in range(LANES):
            w = w + jnp.full((LANES,), idx_smem[k2 * LANES + j],
                             jnp.int32) * ones[j]
            p = p + jnp.full((LANES,), pv_smem[k2 * LANES + j],
                             jnp.int32) * ones[j]
        idxv[pl.ds(k2 * LANES, LANES)] = w
        pvv[pl.ds(k2 * LANES, LANES)] = p

    row2 = e * (idx_hbm.shape[0] // NUM_EXPERTS) + b
    pltpu.sync_copy(idxv, idx_hbm.at[row2])
    pltpu.sync_copy(pvv, pv_hbm.at[row2])



def _ffn_body(xbf_ref, idx_ref, pv_ref, w1_ref, w2_ref, out_ref):
    e = pl.program_id(0)

    @pl.when(e == 0)
    def _():
        out_ref[...] = jnp.zeros_like(out_ref)

    B, T, C = out_ref.shape
    K = TOPK
    w1b = w1_ref[0].astype(jnp.bfloat16)
    w2b = w2_ref[0].astype(jnp.bfloat16)
    iota_t = lax.broadcasted_iota(jnp.int32, (1, T), 1)
    ohs = []
    xgs = []
    for b in range(B):
        idxv = idx_ref[0, 0, pl.ds(b * K, K)]
        oh_bf = (iota_t == idxv[:, None]).astype(jnp.bfloat16)
        ohs.append(oh_bf)
        xgs.append(
            lax.dot_general(oh_bf, xbf_ref[b], (((1,), (0,)), ((), ())),
                            preferred_element_type=jnp.float32))
    xg = jnp.concatenate(xgs, axis=0)
    h = lax.dot_general(xg.astype(jnp.bfloat16), w1b,
                        (((1,), (0,)), ((), ())),
                        preferred_element_type=jnp.float32)
    h = 0.5 * h * (1.0 + lax.erf(h * (1.0 / math.sqrt(2.0))))
    y = lax.dot_general(h.astype(jnp.bfloat16), w2b,
                        (((1,), (0,)), ((), ())),
                        preferred_element_type=jnp.float32)
    pv = lax.bitcast_convert_type(pv_ref[0, 0], jnp.float32)
    y = (y * pv[:, None]).astype(jnp.bfloat16)
    for b in range(B):
        out_ref[b] += lax.dot_general(ohs[b], y[b * K:(b + 1) * K],
                                      (((0,), (0,)), ((), ())),
                                      preferred_element_type=jnp.float32)



def kernel(x, gate_w, w1, w2):
    B, T, C = x.shape
    E = gate_w.shape[0]
    H = w1.shape[2]
    K = TOPK
    R = B * E

    pt, xbf = pl.pallas_call(
        _gate_body,
        grid=(B,),
        in_specs=[
            pl.BlockSpec((1, T, C), lambda b: (b, 0, 0)),
            pl.BlockSpec((E, C), lambda b: (0, 0)),
        ],
        out_specs=[
            pl.BlockSpec((1, E, T), lambda b: (b, 0, 0)),
            pl.BlockSpec((1, T, C), lambda b: (b, 0, 0)),
        ],
        out_shape=[
            jax.ShapeDtypeStruct((B, E, T), jnp.int32),
            jax.ShapeDtypeStruct((B, T, C), jnp.bfloat16),
        ],
    )(x, gate_w)

    mesh = plsc.VectorSubcoreMesh(core_axis_name="c", subcore_axis_name="s")
    routing = pl.kernel(
        _routing_body,
        mesh=mesh,
        out_type=[
            jax.ShapeDtypeStruct((R, K), jnp.int32),
            jax.ShapeDtypeStruct((R, K), jnp.int32),
        ],
        scratch_types=[
            pltpu.VMEM((T,), jnp.int32),
            pltpu.VMEM((K,), jnp.int32),
            pltpu.VMEM((K,), jnp.int32),
            pltpu.SMEM((K + LANES,), jnp.int32),
            pltpu.SMEM((K + LANES,), jnp.int32),
        ],
    )
    idx, pvb = routing(pt.reshape(R, T))

    out = pl.pallas_call(
        _ffn_body,
        grid=(E,),
        in_specs=[
            pl.BlockSpec((B, T, C), lambda e: (0, 0, 0)),
            pl.BlockSpec((1, 1, B * K), lambda e: (e, 0, 0)),
            pl.BlockSpec((1, 1, B * K), lambda e: (e, 0, 0)),
            pl.BlockSpec((1, C, H), lambda e: (e, 0, 0)),
            pl.BlockSpec((1, H, C), lambda e: (e, 0, 0)),
        ],
        out_specs=pl.BlockSpec((B, T, C), lambda e: (0, 0, 0)),
        out_shape=jax.ShapeDtypeStruct((B, T, C), jnp.float32),
    )(xbf, idx.reshape(E, 1, B * K), pvb.reshape(E, 1, B * K), w1, w2)
    return out

# --- scband reference (transcript-rebuilt; emitter-appended) ---
"""Pipeline reference for scband-feed-forward-ecmoe-2233382994610 (READ-ONLY COPY).

The authoritative reference and input builder live on the scoring server;
editing this copy changes nothing except your own understanding.
"""

import jax, jax.numpy as jnp
import numpy as np

NUM_EXPERTS = 16
EXPERT_CAPACITY = 2.0
N_EMBD = 768
N_HIDDEN = 1024  # 128 * ceil(1024/128)
B, T = 2, 2048


def setup_inputs(seed: int = 0) -> dict:
    key = jax.random.key(seed)
    k1, k2, k3, k4 = jax.random.split(key, 4)
    x = jax.random.normal(k1, (B, T, N_EMBD), dtype=jnp.float32)
    gate_w = jax.random.normal(k2, (NUM_EXPERTS, N_EMBD), dtype=jnp.float32) * 0.02
    w1 = jax.random.normal(k3, (NUM_EXPERTS, N_EMBD, N_HIDDEN), dtype=jnp.float32) * 0.02
    w2 = jax.random.normal(k4, (NUM_EXPERTS, N_HIDDEN, N_EMBD), dtype=jnp.float32) * 0.02
    return {"x": x, "gate_w": gate_w, "w1": w1, "w2": w2}


def reference(x, gate_w, w1, w2):
    Bb, Tt, Cc = x.shape
    E = gate_w.shape[0]
    tokens_per_expert = int(EXPERT_CAPACITY * Tt / E)
    # gate: nn.Linear(n_embd, num_experts, bias=False) -> x @ W^T
    scores = jnp.einsum('BTC,EC->BTE', x, gate_w)
    probs = jax.nn.softmax(scores, axis=-1)
    probs_expert = jnp.transpose(probs, (0, 2, 1))  # [B, E, T]
    expert_token_probs, expert_tokens = jax.lax.top_k(probs_expert, tokens_per_expert)  # [B, E, l]
    onehot = jax.nn.one_hot(expert_tokens, Tt, dtype=jnp.float32)  # [B, E, l, T]
    xin = jnp.einsum('BElT,BTC->BElC', onehot, x)
    act = jnp.einsum('BElC,ECH->BElH', xin, w1)
    act = jax.nn.gelu(act, approximate=False)  # torch nn.GELU() default = exact erf
    act = jnp.einsum('BElH,EHC->BElC', act, w2)
    act = act * expert_token_probs[..., None]
    out = jnp.einsum('BElC,BElT->BTC', act, onehot)
    return out

if __name__ == "__main__":
    import jax
    _d = setup_inputs()
    print(jax.jit(kernel)(*tuple(_d.values())))

</pallas_src>

<mosaic_0001>
#map = affine_map<(d0, d1) -> (0, 0)>
module attributes {stable_mosaic.version = 14 : i64} {
  func.func @_routing_body(%arg0: i32, %arg1: i32, %arg2: memref<32x2048xi32, #tpu.memory_space<hbm>>, %arg3: memref<32x256xi32, #tpu.memory_space<hbm>>, %arg4: memref<32x256xi32, #tpu.memory_space<hbm>>, %arg5: memref<2048xi32, #tpu.memory_space<vmem>>, %arg6: memref<256xi32, #tpu.memory_space<vmem>>, %arg7: memref<256xi32, #tpu.memory_space<vmem>>, %arg8: memref<272xi32, #tpu.memory_space<smem>>, %arg9: memref<272xi32, #tpu.memory_space<smem>>) attributes {dimension_semantics = [#tpu.dimension_semantics<core_parallel>, #tpu.dimension_semantics<subcore_parallel>], iteration_bounds = array<i64: 2, 16>, scalar_prefetch = 0 : i64, scratch_operands = 5 : i64, tpu.core_type = #tpu.core_type<sc_vector_subcore>, window_params = [{transform_indices = #map}, {transform_indices = #map}, {transform_indices = #map}]} {
    %mul3A = arith.constant 2 : i32
    %mul3A_0 = arith.muli %arg1, %mul3A : i32
    %add3A = arith.addi %mul3A_0, %arg0 : i32
    %jit3A = arith.constant 16 : i32
    %div3A = arith.divsi %add3A, %jit3A : i32
    %sign3A = arith.constant 0 : i32
    %sign3A_1 = arith.cmpi sgt, %add3A, %sign3A : i32
    %sign3A_2 = arith.extui %sign3A_1 : i1 to i32
    %sign3A_3 = arith.constant 0 : i32
    %sign3A_4 = arith.cmpi slt, %add3A, %sign3A_3 : i32
    %sign3A_5 = arith.extui %sign3A_4 : i1 to i32
    %sign3A_6 = arith.subi %sign3A_2, %sign3A_5 : i32
    %sign3A_7 = arith.constant 0 : i32
    %sign3A_8 = arith.cmpi sgt, %jit3A, %sign3A_7 : i32
    %sign3A_9 = arith.extui %sign3A_8 : i1 to i32
    %sign3A_10 = arith.constant 0 : i32
    %sign3A_11 = arith.cmpi slt, %jit3A, %sign3A_10 : i32
    %sign3A_12 = arith.extui %sign3A_11 : i1 to i32
    %sign3A_13 = arith.subi %sign3A_9, %sign3A_12 : i32
    %ne3A = arith.cmpi ne, %sign3A_6, %sign3A_13 : i32
    %rem3A = arith.remsi %add3A, %jit3A : i32
    %ne3A_14 = arith.constant 0 : i32
    %ne3A_15 = arith.cmpi ne, %rem3A, %ne3A_14 : i32
    %and3A = arith.andi %ne3A, %ne3A_15 : i1
    %sub3A = arith.constant 1 : i32
    %sub3A_16 = arith.subi %div3A, %sub3A : i32
    %select_n3A = arith.select %and3A, %sub3A_16, %div3A : i32
    %jit3A_17 = arith.constant 16 : i32
    %eq3A = arith.constant 0 : i32
    %eq3A_18 = arith.cmpi eq, %jit3A_17, %eq3A : i32
    %jit3A_19 = arith.constant 1 : i32
    %select_n3A_20 = arith.select %eq3A_18, %jit3A_19, %jit3A_17 : i32
    %rem3A_21 = arith.remsi %add3A, %select_n3A_20 : i32
    %ne3A_22 = arith.constant 0 : i32
    %ne3A_23 = arith.cmpi ne, %rem3A_21, %ne3A_22 : i32
    %lt3A = arith.constant 0 : i32
    %lt3A_24 = arith.cmpi slt, %rem3A_21, %lt3A : i32
    %lt3A_25 = arith.constant 0 : i32
    %lt3A_26 = arith.cmpi slt, %select_n3A_20, %lt3A_25 : i32
    %ne3A_27 = arith.xori %lt3A_24, %lt3A_26 : i1
    %and3A_28 = arith.andi %ne3A_27, %ne3A_23 : i1
    %add3A_29 = arith.addi %rem3A_21, %select_n3A_20 : i32
    %select_n3A_30 = arith.select %and3A_28, %add3A_29, %rem3A_21 : i32
    "tpu.region"() ({
      %run_scoped3A = tpu.sem_alloc : memref<!tpu.dma_semaphore, #tpu.memory_space<semaphore_mem>>
      %dma_start3A = arith.constant 0 : i32
      %dma_start3A_3573 = tpu.memref_slice %arg2[%add3A, %dma_start3A] : memref<32x2048xi32, #tpu.memory_space<hbm>> -> memref<1x2048xi32, #tpu.memory_space<hbm>>
      %dma_start3A_3574 = tpu.memref_squeeze %dma_start3A_3573 : memref<1x2048xi32, #tpu.memory_space<hbm>> -> memref<2048xi32, #tpu.memory_space<hbm>>
      %dma_start3A_3575 = arith.constant 0 : i32
      %dma_start3A_3576 = tpu.memref_slice %arg2[%add3A, %dma_start3A_3575] : memref<32x2048xi32, #tpu.memory_space<hbm>> -> memref<1x2048xi32, #tpu.memory_space<hbm>>
      %dma_start3A_3577 = tpu.memref_squeeze %dma_start3A_3576 : memref<1x2048xi32, #tpu.memory_space<hbm>> -> memref<2048xi32, #tpu.memory_space<hbm>>
      tpu.enqueue_dma source(%dma_start3A_3577 : memref<2048xi32, #tpu.memory_space<hbm>>) target(%arg5 : memref<2048xi32, #tpu.memory_space<vmem>>) target_semaphore(%run_scoped3A : memref<!tpu.dma_semaphore, #tpu.memory_space<semaphore_mem>>)
      %dma_wait3A = arith.constant 0 : i32
      %dma_wait3A_3578 = tpu.memref_slice %arg2[%add3A, %dma_wait3A] : memref<32x2048xi32, #tpu.memory_space<hbm>> -> memref<1x2048xi32, #tpu.memory_space<hbm>>
      %dma_wait3A_3579 = tpu.memref_squeeze %dma_wait3A_3578 : memref<1x2048xi32, #tpu.memory_space<hbm>> -> memref<2048xi32, #tpu.memory_space<hbm>>
      %dma_wait3A_3580 = arith.constant 0 : i32
      %dma_wait3A_3581 = tpu.memref_slice %arg2[%add3A, %dma_wait3A_3580] : memref<32x2048xi32, #tpu.memory_space<hbm>> -> memref<1x2048xi32, #tpu.memory_space<hbm>>
      %dma_wait3A_3582 = tpu.memref_squeeze %dma_wait3A_3581 : memref<1x2048xi32, #tpu.memory_space<hbm>> -> memref<2048xi32, #tpu.memory_space<hbm>>
      tpu.wait_dma2 semaphore(%run_scoped3A : memref<!tpu.dma_semaphore, #tpu.memory_space<semaphore_mem>>) src(%dma_wait3A_3582 : memref<2048xi32, #tpu.memory_space<hbm>>) dst(%arg5 : memref<2048xi32, #tpu.memory_space<vmem>>)
      tpu.yield
    }) : () -> ()
    %scan3A = arith.constant 0 : i32
    %scan3A_31 = arith.constant 1065353217 : i32
    %scan3A_32 = arith.constant 0 : i32
    %scan3A_33 = arith.constant 31 : i32
    %scan3A_34 = arith.addi %scan3A_32, %scan3A_33 : i32
    %scan3A_35 = arith.constant 1 : i32
    %scan3A_36:2 = scf.for %scan3A_3573 = %scan3A_32 to %scan3A_34 step %scan3A_35 iter_args(%scan3A_3574 = %scan3A, %scan3A_3575 = %scan3A_31) -> (i32, i32)  : i32 {
      %sub3A_3576 = arith.subi %scan3A_3575, %scan3A_3574 : i32
      %shift_right_arithmetic3A = arith.constant 1 : i32
      %shift_right_arithmetic3A_3577 = arith.shrsi %sub3A_3576, %shift_right_arithmetic3A : i32
      %add3A_3578 = arith.addi %scan3A_3574, %shift_right_arithmetic3A_3577 : i32
      %broadcast_in_dim3A_3579 = vector.broadcast %add3A_3578 : i32 to vector<16xi32>
      %broadcast_in_dim3A_3580 = arith.constant 0 : i32
      %broadcast_in_dim3A_3581 = vector.broadcast %broadcast_in_dim3A_3580 : i32 to vector<16xi32>
      %scan3A_3582 = arith.constant 0 : i32
      %scan3A_3583 = arith.constant 32 : i32
      %scan3A_3584 = arith.addi %scan3A_3582, %scan3A_3583 : i32
      %scan3A_3585 = arith.constant 1 : i32
      %scan3A_3586 = scf.for %scan3A_3638 = %scan3A_3582 to %scan3A_3584 step %scan3A_3585 iter_args(%scan3A_3639 = %broadcast_in_dim3A_3581) -> (vector<16xi32>)  : i32 {
        %mul3A_3640 = arith.constant 4 : i32
        %mul3A_3641 = arith.muli %scan3A_3638, %mul3A_3640 : i32
        %add3A_3642 = arith.constant 0 : i32
        %add3A_3643 = arith.addi %mul3A_3641, %add3A_3642 : i32
        %mul3A_3644 = arith.constant 16 : i32
        %mul3A_3645 = arith.muli %add3A_3643, %mul3A_3644 : i32
        %get3A_3646 = arith.index_cast %mul3A_3645 : i32 to index
        %get3A_3647 = tpu.vector_load %arg5[%get3A_3646] {strides = array<i32>} : memref<2048xi32, #tpu.memory_space<vmem>>, vector<16xi32>,
        %get3A_3648 = vector.shape_cast %get3A_3647 : vector<16xi32> to vector<16xi32>
        %sub3A_3649 = arith.subi %broadcast_in_dim3A_3579, %get3A_3648 : vector<16xi32>
        %shift_right_logical3A_3650 = arith.constant 31 : i32
        %shift_right_logical3A_3651 = vector.broadcast %shift_right_logical3A_3650 : i32 to vector<16xi32>
        %shift_right_logical3A_3652 = arith.shrui %sub3A_3649, %shift_right_logical3A_3651 : vector<16xi32>
        %add3A_3653 = arith.addi %scan3A_3639, %shift_right_logical3A_3652 : vector<16xi32>
        %mul3A_3654 = arith.constant 4 : i32
        %mul3A_3655 = arith.muli %scan3A_3638, %mul3A_3654 : i32
        %add3A_3656 = arith.constant 1 : i32
        %add3A_3657 = arith.addi %mul3A_3655, %add3A_3656 : i32
        %mul3A_3658 = arith.constant 16 : i32
        %mul3A_3659 = arith.muli %add3A_3657, %mul3A_3658 : i32
        %get3A_3660 = arith.index_cast %mul3A_3659 : i32 to index
        %get3A_3661 = tpu.vector_load %arg5[%get3A_3660] {strides = array<i32>} : memref<2048xi32, #tpu.memory_space<vmem>>, vector<16xi32>,
        %get3A_3662 = vector.shape_cast %get3A_3661 : vector<16xi32> to vector<16xi32>
        %sub3A_3663 = arith.subi %broadcast_in_dim3A_3579, %get3A_3662 : vector<16xi32>
        %shift_right_logical3A_3664 = arith.constant 31 : i32
        %shift_right_logical3A_3665 = vector.broadcast %shift_right_logical3A_3664 : i32 to vector<16xi32>
        %shift_right_logical3A_3666 = arith.shrui %sub3A_3663, %shift_right_logical3A_3665 : vector<16xi32>
        %add3A_3667 = arith.addi %add3A_3653, %shift_right_logical3A_3666 : vector<16xi32>
        %mul3A_3668 = arith.constant 4 : i32
        %mul3A_3669 = arith.muli %scan3A_3638, %mul3A_3668 : i32
        %add3A_3670 = arith.constant 2 : i32
        %add3A_3671 = arith.addi %mul3A_3669, %add3A_3670 : i32
        %mul3A_3672 = arith.constant 16 : i32
        %mul3A_3673 = arith.muli %add3A_3671, %mul3A_3672 : i32
        %get3A_3674 = arith.index_cast %mul3A_3673 : i32 to index
        %get3A_3675 = tpu.vector_load %arg5[%get3A_3674] {strides = array<i32>} : memref<2048xi32, #tpu.memory_space<vmem>>, vector<16xi32>,
        %get3A_3676 = vector.shape_cast %get3A_3675 : vector<16xi32> to vector<16xi32>
        %sub3A_3677 = arith.subi %broadcast_in_dim3A_3579, %get3A_3676 : vector<16xi32>
        %shift_right_logical3A_3678 = arith.constant 31 : i32
        %shift_right_logical3A_3679 = vector.broadcast %shift_right_logical3A_3678 : i32 to vector<16xi32>
        %shift_right_logical3A_3680 = arith.shrui %sub3A_3677, %shift_right_logical3A_3679 : vector<16xi32>
        %add3A_3681 = arith.addi %add3A_3667, %shift_right_logical3A_3680 : vector<16xi32>
        %mul3A_3682 = arith.constant 4 : i32
        %mul3A_3683 = arith.muli %scan3A_3638, %mul3A_3682 : i32
        %add3A_3684 = arith.constant 3 : i32
        %add3A_3685 = arith.addi %mul3A_3683, %add3A_3684 : i32
        %mul3A_3686 = arith.constant 16 : i32
        %mul3A_3687 = arith.muli %add3A_3685, %mul3A_3686 : i32
        %get3A_3688 = arith.index_cast %mul3A_3687 : i32 to index
        %get3A_3689 = tpu.vector_load %arg5[%get3A_3688] {strides = array<i32>} : memref<2048xi32, #tpu.memory_space<vmem>>, vector<16xi32>,
        %get3A_3690 = vector.shape_cast %get3A_3689 : vector<16xi32> to vector<16xi32>
        %sub3A_3691 = arith.subi %broadcast_in_dim3A_3579, %get3A_3690 : vector<16xi32>
        %shift_right_logical3A_3692 = arith.constant 31 : i32
        %shift_right_logical3A_3693 = vector.broadcast %shift_right_logical3A_3692 : i32 to vector<16xi32>
        %shift_right_logical3A_3694 = arith.shrui %sub3A_3691, %shift_right_logical3A_3693 : vector<16xi32>
        %add3A_3695 = arith.addi %add3A_3681, %shift_right_logical3A_3694 : vector<16xi32>
        scf.yield %add3A_3695 : vector<16xi32>
      }
      %scan3A_3587 = arith.constant 32 : i32
      %slice3A_3588 = vector.extract_strided_slice %scan3A_3586 {offsets = [0], sizes = [1], strides = [1]} : vector<16xi32> to vector<1xi32>
      %squeeze3A_3589 = vector.extract %slice3A_3588[0] : i32 from vector<1xi32>
      %slice3A_3590 = vector.extract_strided_slice %scan3A_3586 {offsets = [1], sizes = [1], strides = [1]} : vector<16xi32> to vector<1xi32>
      %squeeze3A_3591 = vector.extract %slice3A_3590[0] : i32 from vector<1xi32>
      %add3A_3592 = arith.addi %squeeze3A_3589, %squeeze3A_3591 : i32
      %slice3A_3593 = vector.extract_strided_slice %scan3A_3586 {offsets = [2], sizes = [1], strides = [1]} : vector<16xi32> to vector<1xi32>
      %squeeze3A_3594 = vector.extract %slice3A_3593[0] : i32 from vector<1xi32>
      %add3A_3595 = arith.addi %add3A_3592, %squeeze3A_3594 : i32
      %slice3A_3596 = vector.extract_strided_slice %scan3A_3586 {offsets = [3], sizes = [1], strides = [1]} : vector<16xi32> to vector<1xi32>
      %squeeze3A_3597 = vector.extract %slice3A_3596[0] : i32 from vector<1xi32>
      %add3A_3598 = arith.addi %add3A_3595, %squeeze3A_3597 : i32
      %slice3A_3599 = vector.extract_strided_slice %scan3A_3586 {offsets = [4], sizes = [1], strides = [1]} : vector<16xi32> to vector<1xi32>
      %squeeze3A_3600 = vector.extract %slice3A_3599[0] : i32 from vector<1xi32>
      %add3A_3601 = arith.addi %add3A_3598, %squeeze3A_3600 : i32
      %slice3A_3602 = vector.extract_strided_slice %scan3A_3586 {offsets = [5], sizes = [1], strides = [1]} : vector<16xi32> to vector<1xi32>
      %squeeze3A_3603 = vector.extract %slice3A_3602[0] : i32 from vector<1xi32>
      %add3A_3604 = arith.addi %add3A_3601, %squeeze3A_3603 : i32
      %slice3A_3605 = vector.extract_strided_slice %scan3A_3586 {offsets = [6], sizes = [1], strides = [1]} : vector<16xi32> to vector<1xi32>
      %squeeze3A_3606 = vector.extract %slice3A_3605[0] : i32 from vector<1xi32>
      %add3A_3607 = arith.addi %add3A_3604, %squeeze3A_3606 : i32
      %slice3A_3608 = vector.extract_strided_slice %scan3A_3586 {offsets = [7], sizes = [1], strides = [1]} : vector<16xi32> to vector<1xi32>
      %squeeze3A_3609 = vector.extract %slice3A_3608[0] : i32 from vector<1xi32>
      %add3A_3610 = arith.addi %add3A_3607, %squeeze3A_3609 : i32
      %slice3A_3611 = vector.extract_strided_slice %scan3A_3586 {offsets = [8], sizes = [1], strides = [1]} : vector<16xi32> to vector<1xi32>
      %squeeze3A_3612 = vector.extract %slice3A_3611[0] : i32 from vector<1xi32>
      %add3A_3613 = arith.addi %add3A_3610, %squeeze3A_3612 : i32
      %slice3A_3614 = vector.extract_strided_slice %scan3A_3586 {offsets = [9], sizes = [1], strides = [1]} : vector<16xi32> to vector<1xi32>
      %squeeze3A_3615 = vector.extract %slice3A_3614[0] : i32 from vector<1xi32>
      %add3A_3616 = arith.addi %add3A_3613, %squeeze3A_3615 : i32
      %slice3A_3617 = vector.extract_strided_slice %scan3A_3586 {offsets = [10], sizes = [1], strides = [1]} : vector<16xi32> to vector<1xi32>
      %squeeze3A_3618 = vector.extract %slice3A_3617[0] : i32 from vector<1xi32>
      %add3A_3619 = arith.addi %add3A_3616, %squeeze3A_3618 : i32
      %slice3A_3620 = vector.extract_strided_slice %scan3A_3586 {offsets = [11], sizes = [1], strides = [1]} : vector<16xi32> to vector<1xi32>
      %squeeze3A_3621 = vector.extract %slice3A_3620[0] : i32 from vector<1xi32>
      %add3A_3622 = arith.addi %add3A_3619, %squeeze3A_3621 : i32
      %slice3A_3623 = vector.extract_strided_slice %scan3A_3586 {offsets = [12], sizes = [1], strides = [1]} : vector<16xi32> to vector<1xi32>
      %squeeze3A_3624 = vector.extract %slice3A_3623[0] : i32 from vector<1xi32>
      %add3A_3625 = arith.addi %add3A_3622, %squeeze3A_3624 : i32
      %slice3A_3626 = vector.extract_strided_slice %scan3A_3586 {offsets = [13], sizes = [1], strides = [1]} : vector<16xi32> to vector<1xi32>
      %squeeze3A_3627 = vector.extract %slice3A_3626[0] : i32 from vector<1xi32>
      %add3A_3628 = arith.addi %add3A_3625, %squeeze3A_3627 : i32
      %slice3A_3629 = vector.extract_strided_slice %scan3A_3586 {offsets = [14], sizes = [1], strides = [1]} : vector<16xi32> to vector<1xi32>
      %squeeze3A_3630 = vector.extract %slice3A_3629[0] : i32 from vector<1xi32>
      %add3A_3631 = arith.addi %add3A_3628, %squeeze3A_3630 : i32
      %slice3A_3632 = vector.extract_strided_slice %scan3A_3586 {offsets = [15], sizes = [1], strides = [1]} : vector<16xi32> to vector<1xi32>
      %squeeze3A_3633 = vector.extract %slice3A_3632[0] : i32 from vector<1xi32>
      %add3A_3634 = arith.addi %add3A_3631, %squeeze3A_3633 : i32
      %ge3A = arith.constant 256 : i32
      %ge3A_3635 = arith.cmpi sge, %add3A_3634, %ge3A : i32
      %select_n3A_3636 = arith.select %ge3A_3635, %add3A_3578, %scan3A_3574 : i32
      %select_n3A_3637 = arith.select %ge3A_3635, %scan3A_3575, %add3A_3578 : i32
      scf.yield %select_n3A_3636, %select_n3A_3637 : i32, i32
    }
    %scan3A_37 = arith.constant 31 : i32
    %broadcast_in_dim3A = vector.broadcast %scan3A_36#1 : i32 to vector<16xi32>
    %broadcast_in_dim3A_38 = arith.constant 0 : i32
    %broadcast_in_dim3A_39 = vector.broadcast %broadcast_in_dim3A_38 : i32 to vector<16xi32>
    %scan3A_40 = arith.constant 0 : i32
    %scan3A_41 = arith.constant 32 : i32
    %scan3A_42 = arith.addi %scan3A_40, %scan3A_41 : i32
    %scan3A_43 = arith.constant 1 : i32
    %scan3A_44 = scf.for %scan3A_3573 = %scan3A_40 to %scan3A_42 step %scan3A_43 iter_args(%scan3A_3574 = %broadcast_in_dim3A_39) -> (vector<16xi32>)  : i32 {
      %mul3A_3575 = arith.constant 4 : i32
      %mul3A_3576 = arith.muli %scan3A_3573, %mul3A_3575 : i32
      %add3A_3577 = arith.constant 0 : i32
      %add3A_3578 = arith.addi %mul3A_3576, %add3A_3577 : i32
      %mul3A_3579 = arith.constant 16 : i32
      %mul3A_3580 = arith.muli %add3A_3578, %mul3A_3579 : i32
      %get3A_3581 = arith.index_cast %mul3A_3580 : i32 to index
      %get3A_3582 = tpu.vector_load %arg5[%get3A_3581] {strides = array<i32>} : memref<2048xi32, #tpu.memory_space<vmem>>, vector<16xi32>,
      %get3A_3583 = vector.shape_cast %get3A_3582 : vector<16xi32> to vector<16xi32>
      %sub3A_3584 = arith.subi %broadcast_in_dim3A, %get3A_3583 : vector<16xi32>
      %shift_right_logical3A_3585 = arith.constant 31 : i32
      %shift_right_logical3A_3586 = vector.broadcast %shift_right_logical3A_3585 : i32 to vector<16xi32>
      %shift_right_logical3A_3587 = arith.shrui %sub3A_3584, %shift_right_logical3A_3586 : vector<16xi32>
      %add3A_3588 = arith.addi %scan3A_3574, %shift_right_logical3A_3587 : vector<16xi32>
      %mul3A_3589 = arith.constant 4 : i32
      %mul3A_3590 = arith.muli %scan3A_3573, %mul3A_3589 : i32
      %add3A_3591 = arith.constant 1 : i32
      %add3A_3592 = arith.addi %mul3A_3590, %add3A_3591 : i32
      %mul3A_3593 = arith.constant 16 : i32
      %mul3A_3594 = arith.muli %add3A_3592, %mul3A_3593 : i32
      %get3A_3595 = arith.index_cast %mul3A_3594 : i32 to index
      %get3A_3596 = tpu.vector_load %arg5[%get3A_3595] {strides = array<i32>} : memref<2048xi32, #tpu.memory_space<vmem>>, vector<16xi32>,
      %get3A_3597 = vector.shape_cast %get3A_3596 : vector<16xi32> to vector<16xi32>
      %sub3A_3598 = arith.subi %broadcast_in_dim3A, %get3A_3597 : vector<16xi32>
      %shift_right_logical3A_3599 = arith.constant 31 : i32
      %shift_right_logical3A_3600 = vector.broadcast %shift_right_logical3A_3599 : i32 to vector<16xi32>
      %shift_right_logical3A_3601 = arith.shrui %sub3A_3598, %shift_right_logical3A_3600 : vector<16xi32>
      %add3A_3602 = arith.addi %add3A_3588, %shift_right_logical3A_3601 : vector<16xi32>
      %mul3A_3603 = arith.constant 4 : i32
      %mul3A_3604 = arith.muli %scan3A_3573, %mul3A_3603 : i32
      %add3A_3605 = arith.constant 2 : i32
      %add3A_3606 = arith.addi %mul3A_3604, %add3A_3605 : i32
      %mul3A_3607 = arith.constant 16 : i32
      %mul3A_3608 = arith.muli %add3A_3606, %mul3A_3607 : i32
      %get3A_3609 = arith.index_cast %mul3A_3608 : i32 to index
      %get3A_3610 = tpu.vector_load %arg5[%get3A_3609] {strides = array<i32>} : memref<2048xi32, #tpu.memory_space<vmem>>, vector<16xi32>,
      %get3A_3611 = vector.shape_cast %get3A_3610 : vector<16xi32> to vector<16xi32>
      %sub3A_3612 = arith.subi %broadcast_in_dim3A, %get3A_3611 : vector<16xi32>
      %shift_right_logical3A_3613 = arith.constant 31 : i32
      %shift_right_logical3A_3614 = vector.broadcast %shift_right_logical3A_3613 : i32 to vector<16xi32>
      %shift_right_logical3A_3615 = arith.shrui %sub3A_3612, %shift_right_logical3A_3614 : vector<16xi32>
      %add3A_3616 = arith.addi %add3A_3602, %shift_right_logical3A_3615 : vector<16xi32>
      %mul3A_3617 = arith.constant 4 : i32
      %mul3A_3618 = arith.muli %scan3A_3573, %mul3A_3617 : i32
      %add3A_3619 = arith.constant 3 : i32
      %add3A_3620 = arith.addi %mul3A_3618, %add3A_3619 : i32
      %mul3A_3621 = arith.constant 16 : i32
      %mul3A_3622 = arith.muli %add3A_3620, %mul3A_3621 : i32
      %get3A_3623 = arith.index_cast %mul3A_3622 : i32 to index
      %get3A_3624 = tpu.vector_load %arg5[%get3A_3623] {strides = array<i32>} : memref<2048xi32, #tpu.memory_space<vmem>>, vector<16xi32>,
      %get3A_3625 = vector.shape_cast %get3A_3624 : vector<16xi32> to vector<16xi32>
      %sub3A_3626 = arith.subi %broadcast_in_dim3A, %get3A_3625 : vector<16xi32>
      %shift_right_logical3A_3627 = arith.constant 31 : i32
      %shift_right_logical3A_3628 = vector.broadcast %shift_right_logical3A_3627 : i32 to vector<16xi32>
      %shift_right_logical3A_3629 = arith.shrui %sub3A_3626, %shift_right_logical3A_3628 : vector<16xi32>
      %add3A_3630 = arith.addi %add3A_3616, %shift_right_logical3A_3629 : vector<16xi32>
      scf.yield %add3A_3630 : vector<16xi32>
    }
    %scan3A_45 = arith.constant 32 : i32
    %slice3A = vector.extract_strided_slice %scan3A_44 {offsets = [0], sizes = [1], strides = [1]} : vector<16xi32> to vector<1xi32>
    %squeeze3A = vector.extract %slice3A[0] : i32 from vector<1xi32>
    %slice3A_46 = vector.extract_strided_slice %scan3A_44 {offsets = [1], sizes = [1], strides = [1]} : vector<16xi32> to vector<1xi32>
    %squeeze3A_47 = vector.extract %slice3A_46[0] : i32 from vector<1xi32>
    %add3A_48 = arith.addi %squeeze3A, %squeeze3A_47 : i32
    %slice3A_49 = vector.extract_strided_slice %scan3A_44 {offsets = [2], sizes = [1], strides = [1]} : vector<16xi32> to vector<1xi32>
    %squeeze3A_50 = vector.extract %slice3A_49[0] : i32 from vector<1xi32>
    %add3A_51 = arith.addi %add3A_48, %squeeze3A_50 : i32
    %slice3A_52 = vector.extract_strided_slice %scan3A_44 {offsets = [3], sizes = [1], strides = [1]} : vector<16xi32> to vector<1xi32>
    %squeeze3A_53 = vector.extract %slice3A_52[0] : i32 from vector<1xi32>
    %add3A_54 = arith.addi %add3A_51, %squeeze3A_53 : i32
    %slice3A_55 = vector.extract_strided_slice %scan3A_44 {offsets = [4], sizes = [1], strides = [1]} : vector<16xi32> to vector<1xi32>
    %squeeze3A_56 = vector.extract %slice3A_55[0] : i32 from vector<1xi32>
    %add3A_57 = arith.addi %add3A_54, %squeeze3A_56 : i32
    %slice3A_58 = vector.extract_strided_slice %scan3A_44 {offsets = [5], sizes = [1], strides = [1]} : vector<16xi32> to vector<1xi32>
    %squeeze3A_59 = vector.extract %slice3A_58[0] : i32 from vector<1xi32>
    %add3A_60 = arith.addi %add3A_57, %squeeze3A_59 : i32
    %slice3A_61 = vector.extract_strided_slice %scan3A_44 {offsets = [6], sizes = [1], strides = [1]} : vector<16xi32> to vector<1xi32>
    %squeeze3A_62 = vector.extract %slice3A_61[0] : i32 from vector<1xi32>
    %add3A_63 = arith.addi %add3A_60, %squeeze3A_62 : i32
    %slice3A_64 = vector.extract_strided_slice %scan3A_44 {offsets = [7], sizes = [1], strides = [1]} : vector<16xi32> to vector<1xi32>
    %squeeze3A_65 = vector.extract %slice3A_64[0] : i32 from vector<1xi32>
    %add3A_66 = arith.addi %add3A_63, %squeeze3A_65 : i32
    %slice3A_67 = vector.extract_strided_slice %scan3A_44 {offsets = [8], sizes = [1], strides = [1]} : vector<16xi32> to vector<1xi32>
    %squeeze3A_68 = vector.extract %slice3A_67[0] : i32 from vector<1xi32>
    %add3A_69 = arith.addi %add3A_66, %squeeze3A_68 : i32
    %slice3A_70 = vector.extract_strided_slice %scan3A_44 {offsets = [9], sizes = [1], strides = [1]} : vector<16xi32> to vector<1xi32>
    %squeeze3A_71 = vector.extract %slice3A_70[0] : i32 from vector<1xi32>
    %add3A_72 = arith.addi %add3A_69, %squeeze3A_71 : i32
    %slice3A_73 = vector.extract_strided_slice %scan3A_44 {offsets = [10], sizes = [1], strides = [1]} : vector<16xi32> to vector<1xi32>
    %squeeze3A_74 = vector.extract %slice3A_73[0] : i32 from vector<1xi32>
    %add3A_75 = arith.addi %add3A_72, %squeeze3A_74 : i32
    %slice3A_76 = vector.extract_strided_slice %scan3A_44 {offsets = [11], sizes = [1], strides = [1]} : vector<16xi32> to vector<1xi32>
    %squeeze3A_77 = vector.extract %slice3A_76[0] : i32 from vector<1xi32>
    %add3A_78 = arith.addi %add3A_75, %squeeze3A_77 : i32
    %slice3A_79 = vector.extract_strided_slice %scan3A_44 {offsets = [12], sizes = [1], strides = [1]} : vector<16xi32> to vector<1xi32>
    %squeeze3A_80 = vector.extract %slice3A_79[0] : i32 from vector<1xi32>
    %add3A_81 = arith.addi %add3A_78, %squeeze3A_80 : i32
    %slice3A_82 = vector.extract_strided_slice %scan3A_44 {offsets = [13], sizes = [1], strides = [1]} : vector<16xi32> to vector<1xi32>
    %squeeze3A_83 = vector.extract %slice3A_82[0] : i32 from vector<1xi32>
    %add3A_84 = arith.addi %add3A_81, %squeeze3A_83 : i32
    %slice3A_85 = vector.extract_strided_slice %scan3A_44 {offsets = [14], sizes = [1], strides = [1]} : vector<16xi32> to vector<1xi32>
    %squeeze3A_86 = vector.extract %slice3A_85[0] : i32 from vector<1xi32>
    %add3A_87 = arith.addi %add3A_84, %squeeze3A_86 : i32
    %slice3A_88 = vector.extract_strided_slice %scan3A_44 {offsets = [15], sizes = [1], strides = [1]} : vector<16xi32> to vector<1xi32>
    %squeeze3A_89 = vector.extract %slice3A_88[0] : i32 from vector<1xi32>
    %add3A_90 = arith.addi %add3A_87, %squeeze3A_89 : i32
    %sub3A_91 = arith.constant 256 : i32
    %sub3A_92 = arith.subi %sub3A_91, %add3A_90 : i32
    %scan3A_93 = arith.constant 256 : i32
    %scan3A_94 = arith.constant 0 : i32
    %scan3A_95 = arith.constant 0 : i32
    %scan3A_96 = arith.constant 0 : i32
    %scan3A_97 = arith.constant 128 : i32
    %scan3A_98 = arith.addi %scan3A_96, %scan3A_97 : i32
    %scan3A_99 = arith.constant 1 : i32
    %scan3A_100:2 = scf.for %scan3A_3573 = %scan3A_96 to %scan3A_98 step %scan3A_99 iter_args(%scan3A_3574 = %scan3A_94, %scan3A_3575 = %scan3A_95) -> (i32, i32)  : i32 {
      %mul3A_3576 = arith.constant 16 : i32
      %mul3A_3577 = arith.muli %scan3A_3573, %mul3A_3576 : i32
      %get3A_3578 = arith.index_cast %mul3A_3577 : i32 to index
      %get3A_3579 = tpu.vector_load %arg5[%get3A_3578] {strides = array<i32>} : memref<2048xi32, #tpu.memory_space<vmem>>, vector<16xi32>,
      %get3A_3580 = vector.shape_cast %get3A_3579 : vector<16xi32> to vector<16xi32>
      %slice3A_3581 = vector.extract_strided_slice %get3A_3580 {offsets = [0], sizes = [1], strides = [1]} : vector<16xi32> to vector<1xi32>
      %squeeze3A_3582 = vector.extract %slice3A_3581[0] : i32 from vector<1xi32>
      %eq3A_3583 = arith.cmpi eq, %squeeze3A_3582, %scan3A_36#1 : i32
      %lt3A_3584 = arith.cmpi slt, %scan3A_3575, %sub3A_92 : i32
      %and3A_3585 = arith.andi %eq3A_3583, %lt3A_3584 : i1
      %gt3A = arith.cmpi sgt, %squeeze3A_3582, %scan3A_36#1 : i32
      %or3A_3586 = arith.ori %gt3A, %and3A_3585 : i1
      %select_n3A_3587 = arith.select %or3A_3586, %scan3A_3574, %scan3A_93 : i32
      %mul3A_3588 = arith.constant 16 : i32
      %mul3A_3589 = arith.muli %scan3A_3573, %mul3A_3588 : i32
      %add3A_3590 = arith.constant 0 : i32
      %add3A_3591 = arith.addi %mul3A_3589, %add3A_3590 : i32
      %swap3A_3592 = arith.index_cast %select_n3A_3587 : i32 to index
      %swap3A_3593 = memref.load %arg8[%swap3A_3592] : memref<272xi32, #tpu.memory_space<smem>>
      memref.store %add3A_3591, %arg8[%swap3A_3592] : memref<272xi32, #tpu.memory_space<smem>>
      %swap3A_3594 = arith.index_cast %select_n3A_3587 : i32 to index
      %swap3A_3595 = memref.load %arg9[%swap3A_3594] : memref<272xi32, #tpu.memory_space<smem>>
      memref.store %squeeze3A_3582, %arg9[%swap3A_3594] : memref<272xi32, #tpu.memory_space<smem>>
      %convert_element_type3A = arith.extui %or3A_3586 : i1 to i32
      %add3A_3596 = arith.addi %scan3A_3574, %convert_element_type3A : i32
      %convert_element_type3A_3597 = arith.extui %and3A_3585 : i1 to i32
      %add3A_3598 = arith.addi %scan3A_3575, %convert_element_type3A_3597 : i32
      %slice3A_3599 = vector.extract_strided_slice %get3A_3580 {offsets = [1], sizes = [1], strides = [1]} : vector<16xi32> to vector<1xi32>
      %squeeze3A_3600 = vector.extract %slice3A_3599[0] : i32 from vector<1xi32>
      %eq3A_3601 = arith.cmpi eq, %squeeze3A_3600, %scan3A_36#1 : i32
      %lt3A_3602 = arith.cmpi slt, %add3A_3598, %sub3A_92 : i32
      %and3A_3603 = arith.andi %eq3A_3601, %lt3A_3602 : i1
      %gt3A_3604 = arith.cmpi sgt, %squeeze3A_3600, %scan3A_36#1 : i32
      %or3A_3605 = arith.ori %gt3A_3604, %and3A_3603 : i1
      %select_n3A_3606 = arith.select %or3A_3605, %add3A_3596, %scan3A_93 : i32
      %mul3A_3607 = arith.constant 16 : i32
      %mul3A_3608 = arith.muli %scan3A_3573, %mul3A_3607 : i32
      %add3A_3609 = arith.constant 1 : i32
      %add3A_3610 = arith.addi %mul3A_3608, %add3A_3609 : i32
      %swap3A_3611 = arith.index_cast %select_n3A_3606 : i32 to index
      %swap3A_3612 = memref.load %arg8[%swap3A_3611] : memref<272xi32, #tpu.memory_space<smem>>
      memref.store %add3A_3610, %arg8[%swap3A_3611] : memref<272xi32, #tpu.memory_space<smem>>
      %swap3A_3613 = arith.index_cast %select_n3A_3606 : i32 to index
      %swap3A_3614 = memref.load %arg9[%swap3A_3613] : memref<272xi32, #tpu.memory_space<smem>>
      memref.store %squeeze3A_3600, %arg9[%swap3A_3613] : memref<272xi32, #tpu.memory_space<smem>>
      %convert_element_type3A_3615 = arith.extui %or3A_3605 : i1 to i32
      %add3A_3616 = arith.addi %add3A_3596, %convert_element_type3A_3615 : i32
      %convert_element_type3A_3617 = arith.extui %and3A_3603 : i1 to i32
      %add3A_3618 = arith.addi %add3A_3598, %convert_element_type3A_3617 : i32
      %slice3A_3619 = vector.extract_strided_slice %get3A_3580 {offsets = [2], sizes = [1], strides = [1]} : vector<16xi32> to vector<1xi32>
      %squeeze3A_3620 = vector.extract %slice3A_3619[0] : i32 from vector<1xi32>
      %eq3A_3621 = arith.cmpi eq, %squeeze3A_3620, %scan3A_36#1 : i32
      %lt3A_3622 = arith.cmpi slt, %add3A_3618, %sub3A_92 : i32
      %and3A_3623 = arith.andi %eq3A_3621, %lt3A_3622 : i1
      %gt3A_3624 = arith.cmpi sgt, %squeeze3A_3620, %scan3A_36#1 : i32
      %or3A_3625 = arith.ori %gt3A_3624, %and3A_3623 : i1
      %select_n3A_3626 = arith.select %or3A_3625, %add3A_3616, %scan3A_93 : i32
      %mul3A_3627 = arith.constant 16 : i32
      %mul3A_3628 = arith.muli %scan3A_3573, %mul3A_3627 : i32
      %add3A_3629 = arith.constant 2 : i32
      %add3A_3630 = arith.addi %mul3A_3628, %add3A_3629 : i32
      %swap3A_3631 = arith.index_cast %select_n3A_3626 : i32 to index
      %swap3A_3632 = memref.load %arg8[%swap3A_3631] : memref<272xi32, #tpu.memory_space<smem>>
      memref.store %add3A_3630, %arg8[%swap3A_3631] : memref<272xi32, #tpu.memory_space<smem>>
      %swap3A_3633 = arith.index_cast %select_n3A_3626 : i32 to index
      %swap3A_3634 = memref.load %arg9[%swap3A_3633] : memref<272xi32, #tpu.memory_space<smem>>
      memref.store %squeeze3A_3620, %arg9[%swap3A_3633] : memref<272xi32, #tpu.memory_space<smem>>
      %convert_element_type3A_3635 = arith.extui %or3A_3625 : i1 to i32
      %add3A_3636 = arith.addi %add3A_3616, %convert_element_type3A_3635 : i32
      %convert_element_type3A_3637 = arith.extui %and3A_3623 : i1 to i32
      %add3A_3638 = arith.addi %add3A_3618, %convert_element_type3A_3637 : i32
      %slice3A_3639 = vector.extract_strided_slice %get3A_3580 {offsets = [3], sizes = [1], strides = [1]} : vector<16xi32> to vector<1xi32>
      %squeeze3A_3640 = vector.extract %slice3A_3639[0] : i32 from vector<1xi32>
      %eq3A_3641 = arith.cmpi eq, %squeeze3A_3640, %scan3A_36#1 : i32
      %lt3A_3642 = arith.cmpi slt, %add3A_3638, %sub3A_92 : i32
      %and3A_3643 = arith.andi %eq3A_3641, %lt3A_3642 : i1
      %gt3A_3644 = arith.cmpi sgt, %squeeze3A_3640, %scan3A_36#1 : i32
      %or3A_3645 = arith.ori %gt3A_3644, %and3A_3643 : i1
      %select_n3A_3646 = arith.select %or3A_3645, %add3A_3636, %scan3A_93 : i32
      %mul3A_3647 = arith.constant 16 : i32
      %mul3A_3648 = arith.muli %scan3A_3573, %mul3A_3647 : i32
      %add3A_3649 = arith.constant 3 : i32
      %add3A_3650 = arith.addi %mul3A_3648, %add3A_3649 : i32
      %swap3A_3651 = arith.index_cast %select_n3A_3646 : i32 to index
      %swap3A_3652 = memref.load %arg8[%swap3A_3651] : memref<272xi32, #tpu.memory_space<smem>>
      memref.store %add3A_3650, %arg8[%swap3A_3651] : memref<272xi32, #tpu.memory_space<smem>>
      %swap3A_3653 = arith.index_cast %select_n3A_3646 : i32 to index
      %swap3A_3654 = memref.load %arg9[%swap3A_3653] : memref<272xi32, #tpu.memory_space<smem>>
      memref.store %squeeze3A_3640, %arg9[%swap3A_3653] : memref<272xi32, #tpu.memory_space<smem>>
      %convert_element_type3A_3655 = arith.extui %or3A_3645 : i1 to i32
      %add3A_3656 = arith.addi %add3A_3636, %convert_element_type3A_3655 : i32
      %convert_element_type3A_3657 = arith.extui %and3A_3643 : i1 to i32
      %add3A_3658 = arith.addi %add3A_3638, %convert_element_type3A_3657 : i32
      %slice3A_3659 = vector.extract_strided_slice %get3A_3580 {offsets = [4], sizes = [1], strides = [1]} : vector<16xi32> to vector<1xi32>
      %squeeze3A_3660 = vector.extract %slice3A_3659[0] : i32 from vector<1xi32>
      %eq3A_3661 = arith.cmpi eq, %squeeze3A_3660, %scan3A_36#1 : i32
      %lt3A_3662 = arith.cmpi slt, %add3A_3658, %sub3A_92 : i32
      %and3A_3663 = arith.andi %eq3A_3661, %lt3A_3662 : i1
      %gt3A_3664 = arith.cmpi sgt, %squeeze3A_3660, %scan3A_36#1 : i32
      %or3A_3665 = arith.ori %gt3A_3664, %and3A_3663 : i1
      %select_n3A_3666 = arith.select %or3A_3665, %add3A_3656, %scan3A_93 : i32
      %mul3A_3667 = arith.constant 16 : i32
      %mul3A_3668 = arith.muli %scan3A_3573, %mul3A_3667 : i32
      %add3A_3669 = arith.constant 4 : i32
      %add3A_3670 = arith.addi %mul3A_3668, %add3A_3669 : i32
      %swap3A_3671 = arith.index_cast %select_n3A_3666 : i32 to index
      %swap3A_3672 = memref.load %arg8[%swap3A_3671] : memref<272xi32, #tpu.memory_space<smem>>
      memref.store %add3A_3670, %arg8[%swap3A_3671] : memref<272xi32, #tpu.memory_space<smem>>
      %swap3A_3673 = arith.index_cast %select_n3A_3666 : i32 to index
      %swap3A_3674 = memref.load %arg9[%swap3A_3673] : memref<272xi32, #tpu.memory_space<smem>>
      memref.store %squeeze3A_3660, %arg9[%swap3A_3673] : memref<272xi32, #tpu.memory_space<smem>>
      %convert_element_type3A_3675 = arith.extui %or3A_3665 : i1 to i32
      %add3A_3676 = arith.addi %add3A_3656, %convert_element_type3A_3675 : i32
      %convert_element_type3A_3677 = arith.extui %and3A_3663 : i1 to i32
      %add3A_3678 = arith.addi %add3A_3658, %convert_element_type3A_3677 : i32
      %slice3A_3679 = vector.extract_strided_slice %get3A_3580 {offsets = [5], sizes = [1], strides = [1]} : vector<16xi32> to vector<1xi32>
      %squeeze3A_3680 = vector.extract %slice3A_3679[0] : i32 from vector<1xi32>
      %eq3A_3681 = arith.cmpi eq, %squeeze3A_3680, %scan3A_36#1 : i32
      %lt3A_3682 = arith.cmpi slt, %add3A_3678, %sub3A_92 : i32
      %and3A_3683 = arith.andi %eq3A_3681, %lt3A_3682 : i1
      %gt3A_3684 = arith.cmpi sgt, %squeeze3A_3680, %scan3A_36#1 : i32
      %or3A_3685 = arith.ori %gt3A_3684, %and3A_3683 : i1
      %select_n3A_3686 = arith.select %or3A_3685, %add3A_3676, %scan3A_93 : i32
      %mul3A_3687 = arith.constant 16 : i32
      %mul3A_3688 = arith.muli %scan3A_3573, %mul3A_3687 : i32
      %add3A_3689 = arith.constant 5 : i32
      %add3A_3690 = arith.addi %mul3A_3688, %add3A_3689 : i32
      %swap3A_3691 = arith.index_cast %select_n3A_3686 : i32 to index
      %swap3A_3692 = memref.load %arg8[%swap3A_3691] : memref<272xi32, #tpu.memory_space<smem>>
      memref.store %add3A_3690, %arg8[%swap3A_3691] : memref<272xi32, #tpu.memory_space<smem>>
      %swap3A_3693 = arith.index_cast %select_n3A_3686 : i32 to index
      %swap3A_3694 = memref.load %arg9[%swap3A_3693] : memref<272xi32, #tpu.memory_space<smem>>
      memref.store %squeeze3A_3680, %arg9[%swap3A_3693] : memref<272xi32, #tpu.memory_space<smem>>
      %convert_element_type3A_3695 = arith.extui %or3A_3685 : i1 to i32
      %add3A_3696 = arith.addi %add3A_3676, %convert_element_type3A_3695 : i32
      %convert_element_type3A_3697 = arith.extui %and3A_3683 : i1 to i32
      %add3A_3698 = arith.addi %add3A_3678, %convert_element_type3A_3697 : i32
      %slice3A_3699 = vector.extract_strided_slice %get3A_3580 {offsets = [6], sizes = [1], strides = [1]} : vector<16xi32> to vector<1xi32>
      %squeeze3A_3700 = vector.extract %slice3A_3699[0] : i32 from vector<1xi32>
      %eq3A_3701 = arith.cmpi eq, %squeeze3A_3700, %scan3A_36#1 : i32
      %lt3A_3702 = arith.cmpi slt, %add3A_3698, %sub3A_92 : i32
      %and3A_3703 = arith.andi %eq3A_3701, %lt3A_3702 : i1
      %gt3A_3704 = arith.cmpi sgt, %squeeze3A_3700, %scan3A_36#1 : i32
      %or3A_3705 = arith.ori %gt3A_3704, %and3A_3703 : i1
      %select_n3A_3706 = arith.select %or3A_3705, %add3A_3696, %scan3A_93 : i32
      %mul3A_3707 = arith.constant 16 : i32
      %mul3A_3708 = arith.muli %scan3A_3573, %mul3A_3707 : i32
      %add3A_3709 = arith.constant 6 : i32
      %add3A_3710 = arith.addi %mul3A_3708, %add3A_3709 : i32
      %swap3A_3711 = arith.index_cast %select_n3A_3706 : i32 to index
      %swap3A_3712 = memref.load %arg8[%swap3A_3711] : memref<272xi32, #tpu.memory_space<smem>>
      memref.store %add3A_3710, %arg8[%swap3A_3711] : memref<272xi32, #tpu.memory_space<smem>>
      %swap3A_3713 = arith.index_cast %select_n3A_3706 : i32 to index
      %swap3A_3714 = memref.load %arg9[%swap3A_3713] : memref<272xi32, #tpu.memory_space<smem>>
      memref.store %squeeze3A_3700, %arg9[%swap3A_3713] : memref<272xi32, #tpu.memory_space<smem>>
      %convert_element_type3A_3715 = arith.extui %or3A_3705 : i1 to i32
      %add3A_3716 = arith.addi %add3A_3696, %convert_element_type3A_3715 : i32
      %convert_element_type3A_3717 = arith.extui %and3A_3703 : i1 to i32
      %add3A_3718 = arith.addi %add3A_3698, %convert_element_type3A_3717 : i32
      %slice3A_3719 = vector.extract_strided_slice %get3A_3580 {offsets = [7], sizes = [1], strides = [1]} : vector<16xi32> to vector<1xi32>
      %squeeze3A_3720 = vector.extract %slice3A_3719[0] : i32 from vector<1xi32>
      %eq3A_3721 = arith.cmpi eq, %squeeze3A_3720, %scan3A_36#1 : i32
      %lt3A_3722 = arith.cmpi slt, %add3A_3718, %sub3A_92 : i32
      %and3A_3723 = arith.andi %eq3A_3721, %lt3A_3722 : i1
      %gt3A_3724 = arith.cmpi sgt, %squeeze3A_3720, %scan3A_36#1 : i32
      %or3A_3725 = arith.ori %gt3A_3724, %and3A_3723 : i1
      %select_n3A_3726 = arith.select %or3A_3725, %add3A_3716, %scan3A_93 : i32
      %mul3A_3727 = arith.constant 16 : i32
      %mul3A_3728 = arith.muli %scan3A_3573, %mul3A_3727 : i32
      %add3A_3729 = arith.constant 7 : i32
      %add3A_3730 = arith.addi %mul3A_3728, %add3A_3729 : i32
      %swap3A_3731 = arith.index_cast %select_n3A_3726 : i32 to index
      %swap3A_3732 = memref.load %arg8[%swap3A_3731] : memref<272xi32, #tpu.memory_space<smem>>
      memref.store %add3A_3730, %arg8[%swap3A_3731] : memref<272xi32, #tpu.memory_space<smem>>
      %swap3A_3733 = arith.index_cast %select_n3A_3726 : i32 to index
      %swap3A_3734 = memref.load %arg9[%swap3A_3733] : memref<272xi32, #tpu.memory_space<smem>>
      memref.store %squeeze3A_3720, %arg9[%swap3A_3733] : memref<272xi32, #tpu.memory_space<smem>>
      %convert_element_type3A_3735 = arith.extui %or3A_3725 : i1 to i32
      %add3A_3736 = arith.addi %add3A_3716, %convert_element_type3A_3735 : i32
      %convert_element_type3A_3737 = arith.extui %and3A_3723 : i1 to i32
      %add3A_3738 = arith.addi %add3A_3718, %convert_element_type3A_3737 : i32
      %slice3A_3739 = vector.extract_strided_slice %get3A_3580 {offsets = [8], sizes = [1], strides = [1]} : vector<16xi32> to vector<1xi32>
      %squeeze3A_3740 = vector.extract %slice3A_3739[0] : i32 from vector<1xi32>
      %eq3A_3741 = arith.cmpi eq, %squeeze3A_3740, %scan3A_36#1 : i32
      %lt3A_3742 = arith.cmpi slt, %add3A_3738, %sub3A_92 : i32
      %and3A_3743 = arith.andi %eq3A_3741, %lt3A_3742 : i1
      %gt3A_3744 = arith.cmpi sgt, %squeeze3A_3740, %scan3A_36#1 : i32
      %or3A_3745 = arith.ori %gt3A_3744, %and3A_3743 : i1
      %select_n3A_3746 = arith.select %or3A_3745, %add3A_3736, %scan3A_93 : i32
      %mul3A_3747 = arith.constant 16 : i32
      %mul3A_3748 = arith.muli %scan3A_3573, %mul3A_3747 : i32
      %add3A_3749 = arith.constant 8 : i32
      %add3A_3750 = arith.addi %mul3A_3748, %add3A_3749 : i32
      %swap3A_3751 = arith.index_cast %select_n3A_3746 : i32 to index
      %swap3A_3752 = memref.load %arg8[%swap3A_3751] : memref<272xi32, #tpu.memory_space<smem>>
      memref.store %add3A_3750, %arg8[%swap3A_3751] : memref<272xi32, #tpu.memory_space<smem>>
      %swap3A_3753 = arith.index_cast %select_n3A_3746 : i32 to index
      %swap3A_3754 = memref.load %arg9[%swap3A_3753] : memref<272xi32, #tpu.memory_space<smem>>
      memref.store %squeeze3A_3740, %arg9[%swap3A_3753] : memref<272xi32, #tpu.memory_space<smem>>
      %convert_element_type3A_3755 = arith.extui %or3A_3745 : i1 to i32
      %add3A_3756 = arith.addi %add3A_3736, %convert_element_type3A_3755 : i32
      %convert_element_type3A_3757 = arith.extui %and3A_3743 : i1 to i32
      %add3A_3758 = arith.addi %add3A_3738, %convert_element_type3A_3757 : i32
      %slice3A_3759 = vector.extract_strided_slice %get3A_3580 {offsets = [9], sizes = [1], strides = [1]} : vector<16xi32> to vector<1xi32>
      %squeeze3A_3760 = vector.extract %slice3A_3759[0] : i32 from vector<1xi32>
      %eq3A_3761 = arith.cmpi eq, %squeeze3A_3760, %scan3A_36#1 : i32
      %lt3A_3762 = arith.cmpi slt, %add3A_3758, %sub3A_92 : i32
      %and3A_3763 = arith.andi %eq3A_3761, %lt3A_3762 : i1
      %gt3A_3764 = arith.cmpi sgt, %squeeze3A_3760, %scan3A_36#1 : i32
      %or3A_3765 = arith.ori %gt3A_3764, %and3A_3763 : i1
      %select_n3A_3766 = arith.select %or3A_3765, %add3A_3756, %scan3A_93 : i32
      %mul3A_3767 = arith.constant 16 : i32
      %mul3A_3768 = arith.muli %scan3A_3573, %mul3A_3767 : i32
      %add3A_3769 = arith.constant 9 : i32
      %add3A_3770 = arith.addi %mul3A_3768, %add3A_3769 : i32
      %swap3A_3771 = arith.index_cast %select_n3A_3766 : i32 to index
      %swap3A_3772 = memref.load %arg8[%swap3A_3771] : memref<272xi32, #tpu.memory_space<smem>>
      memref.store %add3A_3770, %arg8[%swap3A_3771] : memref<272xi32, #tpu.memory_space<smem>>
      %swap3A_3773 = arith.index_cast %select_n3A_3766 : i32 to index
      %swap3A_3774 = memref.load %arg9[%swap3A_3773] : memref<272xi32, #tpu.memory_space<smem>>
      memref.store %squeeze3A_3760, %arg9[%swap3A_3773] : memref<272xi32, #tpu.memory_space<smem>>
      %convert_element_type3A_3775 = arith.extui %or3A_3765 : i1 to i32
      %add3A_3776 = arith.addi %add3A_3756, %convert_element_type3A_3775 : i32
      %convert_element_type3A_3777 = arith.extui %and3A_3763 : i1 to i32
      %add3A_3778 = arith.addi %add3A_3758, %convert_element_type3A_3777 : i32
      %slice3A_3779 = vector.extract_strided_slice %get3A_3580 {offsets = [10], sizes = [1], strides = [1]} : vector<16xi32> to vector<1xi32>
      %squeeze3A_3780 = vector.extract %slice3A_3779[0] : i32 from vector<1xi32>
      %eq3A_3781 = arith.cmpi eq, %squeeze3A_3780, %scan3A_36#1 : i32
      %lt3A_3782 = arith.cmpi slt, %add3A_3778, %sub3A_92 : i32
      %and3A_3783 = arith.andi %eq3A_3781, %lt3A_3782 : i1
      %gt3A_3784 = arith.cmpi sgt, %squeeze3A_3780, %scan3A_36#1 : i32
      %or3A_3785 = arith.ori %gt3A_3784, %and3A_3783 : i1
      %select_n3A_3786 = arith.select %or3A_3785, %add3A_3776, %scan3A_93 : i32
      %mul3A_3787 = arith.constant 16 : i32
      %mul3A_3788 = arith.muli %scan3A_3573, %mul3A_3787 : i32
      %add3A_3789 = arith.constant 10 : i32
      %add3A_3790 = arith.addi %mul3A_3788, %add3A_3789 : i32
      %swap3A_3791 = arith.index_cast %select_n3A_3786 : i32 to index
      %swap3A_3792 = memref.load %arg8[%swap3A_3791] : memref<272xi32, #tpu.memory_space<smem>>
      memref.store %add3A_3790, %arg8[%swap3A_3791] : memref<272xi32, #tpu.memory_space<smem>>
      %swap3A_3793 = arith.index_cast %select_n3A_3786 : i32 to index
      %swap3A_3794 = memref.load %arg9[%swap3A_3793] : memref<272xi32, #tpu.memory_space<smem>>
      memref.store %squeeze3A_3780, %arg9[%swap3A_3793] : memref<272xi32, #tpu.memory_space<smem>>
      %convert_element_type3A_3795 = arith.extui %or3A_3785 : i1 to i32
      %add3A_3796 = arith.addi %add3A_3776, %convert_element_type3A_3795 : i32
      %convert_element_type3A_3797 = arith.extui %and3A_3783 : i1 to i32
      %add3A_3798 = arith.addi %add3A_3778, %convert_element_type3A_3797 : i32
      %slice3A_3799 = vector.extract_strided_slice %get3A_3580 {offsets = [11], sizes = [1], strides = [1]} : vector<16xi32> to vector<1xi32>
      %squeeze3A_3800 = vector.extract %slice3A_3799[0] : i32 from vector<1xi32>
      %eq3A_3801 = arith.cmpi eq, %squeeze3A_3800, %scan3A_36#1 : i32
      %lt3A_3802 = arith.cmpi slt, %add3A_3798, %sub3A_92 : i32
      %and3A_3803 = arith.andi %eq3A_3801, %lt3A_3802 : i1
      %gt3A_3804 = arith.cmpi sgt, %squeeze3A_3800, %scan3A_36#1 : i32
      %or3A_3805 = arith.ori %gt3A_3804, %and3A_3803 : i1
      %select_n3A_3806 = arith.select %or3A_3805, %add3A_3796, %scan3A_93 : i32
      %mul3A_3807 = arith.constant 16 : i32
      %mul3A_3808 = arith.muli %scan3A_3573, %mul3A_3807 : i32
      %add3A_3809 = arith.constant 11 : i32
      %add3A_3810 = arith.addi %mul3A_3808, %add3A_3809 : i32
      %swap3A_3811 = arith.index_cast %select_n3A_3806 : i32 to index
      %swap3A_3812 = memref.load %arg8[%swap3A_3811] : memref<272xi32, #tpu.memory_space<smem>>
      memref.store %add3A_3810, %arg8[%swap3A_3811] : memref<272xi32, #tpu.memory_space<smem>>
      %swap3A_3813 = arith.index_cast %select_n3A_3806 : i32 to index
      %swap3A_3814 = memref.load %arg9[%swap3A_3813] : memref<272xi32, #tpu.memory_space<smem>>
      memref.store %squeeze3A_3800, %arg9[%swap3A_3813] : memref<272xi32, #tpu.memory_space<smem>>
      %convert_element_type3A_3815 = arith.extui %or3A_3805 : i1 to i32
      %add3A_3816 = arith.addi %add3A_3796, %convert_element_type3A_3815 : i32
      %convert_element_type3A_3817 = arith.extui %and3A_3803 : i1 to i32
      %add3A_3818 = arith.addi %add3A_3798, %convert_element_type3A_3817 : i32
      %slice3A_3819 = vector.extract_strided_slice %get3A_3580 {offsets = [12], sizes = [1], strides = [1]} : vector<16xi32> to vector<1xi32>
      %squeeze3A_3820 = vector.extract %slice3A_3819[0] : i32 from vector<1xi32>
      %eq3A_3821 = arith.cmpi eq, %squeeze3A_3820, %scan3A_36#1 : i32
      %lt3A_3822 = arith.cmpi slt, %add3A_3818, %sub3A_92 : i32
      %and3A_3823 = arith.andi %eq3A_3821, %lt3A_3822 : i1
      %gt3A_3824 = arith.cmpi sgt, %squeeze3A_3820, %scan3A_36#1 : i32
      %or3A_3825 = arith.ori %gt3A_3824, %and3A_3823 : i1
      %select_n3A_3826 = arith.select %or3A_3825, %add3A_3816, %scan3A_93 : i32
      %mul3A_3827 = arith.constant 16 : i32
      %mul3A_3828 = arith.muli %scan3A_3573, %mul3A_3827 : i32
      %add3A_3829 = arith.constant 12 : i32
      %add3A_3830 = arith.addi %mul3A_3828, %add3A_3829 : i32
      %swap3A_3831 = arith.index_cast %select_n3A_3826 : i32 to index
      %swap3A_3832 = memref.load %arg8[%swap3A_3831] : memref<272xi32, #tpu.memory_space<smem>>
      memref.store %add3A_3830, %arg8[%swap3A_3831] : memref<272xi32, #tpu.memory_space<smem>>
      %swap3A_3833 = arith.index_cast %select_n3A_3826 : i32 to index
      %swap3A_3834 = memref.load %arg9[%swap3A_3833] : memref<272xi32, #tpu.memory_space<smem>>
      memref.store %squeeze3A_3820, %arg9[%swap3A_3833] : memref<272xi32, #tpu.memory_space<smem>>
      %convert_element_type3A_3835 = arith.extui %or3A_3825 : i1 to i32
      %add3A_3836 = arith.addi %add3A_3816, %convert_element_type3A_3835 : i32
      %convert_element_type3A_3837 = arith.extui %and3A_3823 : i1 to i32
      %add3A_3838 = arith.addi %add3A_3818, %convert_element_type3A_3837 : i32
      %slice3A_3839 = vector.extract_strided_slice %get3A_3580 {offsets = [13], sizes = [1], strides = [1]} : vector<16xi32> to vector<1xi32>
      %squeeze3A_3840 = vector.extract %slice3A_3839[0] : i32 from vector<1xi32>
      %eq3A_3841 = arith.cmpi eq, %squeeze3A_3840, %scan3A_36#1 : i32
      %lt3A_3842 = arith.cmpi slt, %add3A_3838, %sub3A_92 : i32
      %and3A_3843 = arith.andi %eq3A_3841, %lt3A_3842 : i1
      %gt3A_3844 = arith.cmpi sgt, %squeeze3A_3840, %scan3A_36#1 : i32
      %or3A_3845 = arith.ori %gt3A_3844, %and3A_3843 : i1
      %select_n3A_3846 = arith.select %or3A_3845, %add3A_3836, %scan3A_93 : i32
      %mul3A_3847 = arith.constant 16 : i32
      %mul3A_3848 = arith.muli %scan3A_3573, %mul3A_3847 : i32
      %add3A_3849 = arith.constant 13 : i32
      %add3A_3850 = arith.addi %mul3A_3848, %add3A_3849 : i32
      %swap3A_3851 = arith.index_cast %select_n3A_3846 : i32 to index
      %swap3A_3852 = memref.load %arg8[%swap3A_3851] : memref<272xi32, #tpu.memory_space<smem>>
      memref.store %add3A_3850, %arg8[%swap3A_3851] : memref<272xi32, #tpu.memory_space<smem>>
      %swap3A_3853 = arith.index_cast %select_n3A_3846 : i32 to index
      %swap3A_3854 = memref.load %arg9[%swap3A_3853] : memref<272xi32, #tpu.memory_space<smem>>
      memref.store %squeeze3A_3840, %arg9[%swap3A_3853] : memref<272xi32, #tpu.memory_space<smem>>
      %convert_element_type3A_3855 = arith.extui %or3A_3845 : i1 to i32
      %add3A_3856 = arith.addi %add3A_3836, %convert_element_type3A_3855 : i32
      %convert_element_type3A_3857 = arith.extui %and3A_3843 : i1 to i32
      %add3A_3858 = arith.addi %add3A_3838, %convert_element_type3A_3857 : i32
      %slice3A_3859 = vector.extract_strided_slice %get3A_3580 {offsets = [14], sizes = [1], strides = [1]} : vector<16xi32> to vector<1xi32>
      %squeeze3A_3860 = vector.extract %slice3A_3859[0] : i32 from vector<1xi32>
      %eq3A_3861 = arith.cmpi eq, %squeeze3A_3860, %scan3A_36#1 : i32
      %lt3A_3862 = arith.cmpi slt, %add3A_3858, %sub3A_92 : i32
      %and3A_3863 = arith.andi %eq3A_3861, %lt3A_3862 : i1
      %gt3A_3864 = arith.cmpi sgt, %squeeze3A_3860, %scan3A_36#1 : i32
      %or3A_3865 = arith.ori %gt3A_3864, %and3A_3863 : i1
      %select_n3A_3866 = arith.select %or3A_3865, %add3A_3856, %scan3A_93 : i32
      %mul3A_3867 = arith.constant 16 : i32
      %mul3A_3868 = arith.muli %scan3A_3573, %mul3A_3867 : i32
      %add3A_3869 = arith.constant 14 : i32
      %add3A_3870 = arith.addi %mul3A_3868, %add3A_3869 : i32
      %swap3A_3871 = arith.index_cast %select_n3A_3866 : i32 to index
      %swap3A_3872 = memref.load %arg8[%swap3A_3871] : memref<272xi32, #tpu.memory_space<smem>>
      memref.store %add3A_3870, %arg8[%swap3A_3871] : memref<272xi32, #tpu.memory_space<smem>>
      %swap3A_3873 = arith.index_cast %select_n3A_3866 : i32 to index
      %swap3A_3874 = memref.load %arg9[%swap3A_3873] : memref<272xi32, #tpu.memory_space<smem>>
      memref.store %squeeze3A_3860, %arg9[%swap3A_3873] : memref<272xi32, #tpu.memory_space<smem>>
      %convert_element_type3A_3875 = arith.extui %or3A_3865 : i1 to i32
      %add3A_3876 = arith.addi %add3A_3856, %convert_element_type3A_3875 : i32
      %convert_element_type3A_3877 = arith.extui %and3A_3863 : i1 to i32
      %add3A_3878 = arith.addi %add3A_3858, %convert_element_type3A_3877 : i32
      %slice3A_3879 = vector.extract_strided_slice %get3A_3580 {offsets = [15], sizes = [1], strides = [1]} : vector<16xi32> to vector<1xi32>
      %squeeze3A_3880 = vector.extract %slice3A_3879[0] : i32 from vector<1xi32>
      %eq3A_3881 = arith.cmpi eq, %squeeze3A_3880, %scan3A_36#1 : i32
      %lt3A_3882 = arith.cmpi slt, %add3A_3878, %sub3A_92 : i32
      %and3A_3883 = arith.andi %eq3A_3881, %lt3A_3882 : i1
      %gt3A_3884 = arith.cmpi sgt, %squeeze3A_3880, %scan3A_36#1 : i32
      %or3A_3885 = arith.ori %gt3A_3884, %and3A_3883 : i1
      %select_n3A_3886 = arith.select %or3A_3885, %add3A_3876, %scan3A_93 : i32
      %mul3A_3887 = arith.constant 16 : i32
      %mul3A_3888 = arith.muli %scan3A_3573, %mul3A_3887 : i32
      %add3A_3889 = arith.constant 15 : i32
      %add3A_3890 = arith.addi %mul3A_3888, %add3A_3889 : i32
      %swap3A_3891 = arith.index_cast %select_n3A_3886 : i32 to index
      %swap3A_3892 = memref.load %arg8[%swap3A_3891] : memref<272xi32, #tpu.memory_space<smem>>
      memref.store %add3A_3890, %arg8[%swap3A_3891] : memref<272xi32, #tpu.memory_space<smem>>
      %swap3A_3893 = arith.index_cast %select_n3A_3886 : i32 to index
      %swap3A_3894 = memref.load %arg9[%swap3A_3893] : memref<272xi32, #tpu.memory_space<smem>>
      memref.store %squeeze3A_3880, %arg9[%swap3A_3893] : memref<272xi32, #tpu.memory_space<smem>>
      %convert_element_type3A_3895 = arith.extui %or3A_3885 : i1 to i32
      %add3A_3896 = arith.addi %add3A_3876, %convert_element_type3A_3895 : i32
      %convert_element_type3A_3897 = arith.extui %and3A_3883 : i1 to i32
      %add3A_3898 = arith.addi %add3A_3878, %convert_element_type3A_3897 : i32
      scf.yield %add3A_3896, %add3A_3898 : i32, i32
    }
    %scan3A_101 = arith.constant 128 : i32
    %iota3A = tpu.iota {dimensions = array<i32: 0>} : vector<16xi32>
    %sub3A_102 = arith.constant 0 : i32
    %sub3A_103 = vector.broadcast %sub3A_102 : i32 to vector<16xi32>
    %sub3A_104 = arith.subi %iota3A, %sub3A_103 : vector<16xi32>
    %sub3A_105 = arith.constant 0 : i32
    %sub3A_106 = vector.broadcast %sub3A_105 : i32 to vector<16xi32>
    %sub3A_107 = arith.subi %sub3A_106, %iota3A : vector<16xi32>
    %or3A = arith.ori %sub3A_104, %sub3A_107 : vector<16xi32>
    %shift_right_logical3A = arith.constant 31 : i32
    %shift_right_logical3A_108 = vector.broadcast %shift_right_logical3A : i32 to vector<16xi32>
    %shift_right_logical3A_109 = arith.shrui %or3A, %shift_right_logical3A_108 : vector<16xi32>
    %sub3A_110 = arith.constant 1 : i32
    %sub3A_111 = vector.broadcast %sub3A_110 : i32 to vector<16xi32>
    %sub3A_112 = arith.subi %sub3A_111, %shift_right_logical3A_109 : vector<16xi32>
    %sub3A_113 = arith.constant 1 : i32
    %sub3A_114 = vector.broadcast %sub3A_113 : i32 to vector<16xi32>
    %sub3A_115 = arith.subi %iota3A, %sub3A_114 : vector<16xi32>
    %sub3A_116 = arith.constant 1 : i32
    %sub3A_117 = vector.broadcast %sub3A_116 : i32 to vector<16xi32>
    %sub3A_118 = arith.subi %sub3A_117, %iota3A : vector<16xi32>
    %or3A_119 = arith.ori %sub3A_115, %sub3A_118 : vector<16xi32>
    %shift_right_logical3A_120 = arith.constant 31 : i32
    %shift_right_logical3A_121 = vector.broadcast %shift_right_logical3A_120 : i32 to vector<16xi32>
    %shift_right_logical3A_122 = arith.shrui %or3A_119, %shift_right_logical3A_121 : vector<16xi32>
    %sub3A_123 = arith.constant 1 : i32
    %sub3A_124 = vector.broadcast %sub3A_123 : i32 to vector<16xi32>
    %sub3A_125 = arith.subi %sub3A_124, %shift_right_logical3A_122 : vector<16xi32>
    %sub3A_126 = arith.constant 2 : i32
    %sub3A_127 = vector.broadcast %sub3A_126 : i32 to vector<16xi32>
    %sub3A_128 = arith.subi %iota3A, %sub3A_127 : vector<16xi32>
    %sub3A_129 = arith.constant 2 : i32
    %sub3A_130 = vector.broadcast %sub3A_129 : i32 to vector<16xi32>
    %sub3A_131 = arith.subi %sub3A_130, %iota3A : vector<16xi32>
    %or3A_132 = arith.ori %sub3A_128, %sub3A_131 : vector<16xi32>
    %shift_right_logical3A_133 = arith.constant 31 : i32
    %shift_right_logical3A_134 = vector.broadcast %shift_right_logical3A_133 : i32 to vector<16xi32>
    %shift_right_logical3A_135 = arith.shrui %or3A_132, %shift_right_logical3A_134 : vector<16xi32>
    %sub3A_136 = arith.constant 1 : i32
    %sub3A_137 = vector.broadcast %sub3A_136 : i32 to vector<16xi32>
    %sub3A_138 = arith.subi %sub3A_137, %shift_right_logical3A_135 : vector<16xi32>
    %sub3A_139 = arith.constant 3 : i32
    %sub3A_140 = vector.broadcast %sub3A_139 : i32 to vector<16xi32>
    %sub3A_141 = arith.subi %iota3A, %sub3A_140 : vector<16xi32>
    %sub3A_142 = arith.constant 3 : i32
    %sub3A_143 = vector.broadcast %sub3A_142 : i32 to vector<16xi32>
    %sub3A_144 = arith.subi %sub3A_143, %iota3A : vector<16xi32>
    %or3A_145 = arith.ori %sub3A_141, %sub3A_144 : vector<16xi32>
    %shift_right_logical3A_146 = arith.constant 31 : i32
    %shift_right_logical3A_147 = vector.broadcast %shift_right_logical3A_146 : i32 to vector<16xi32>
    %shift_right_logical3A_148 = arith.shrui %or3A_145, %shift_right_logical3A_147 : vector<16xi32>
    %sub3A_149 = arith.constant 1 : i32
    %sub3A_150 = vector.broadcast %sub3A_149 : i32 to vector<16xi32>
    %sub3A_151 = arith.subi %sub3A_150, %shift_right_logical3A_148 : vector<16xi32>
    %sub3A_152 = arith.constant 4 : i32
    %sub3A_153 = vector.broadcast %sub3A_152 : i32 to vector<16xi32>
    %sub3A_154 = arith.subi %iota3A, %sub3A_153 : vector<16xi32>
    %sub3A_155 = arith.constant 4 : i32
    %sub3A_156 = vector.broadcast %sub3A_155 : i32 to vector<16xi32>
    %sub3A_157 = arith.subi %sub3A_156, %iota3A : vector<16xi32>
    %or3A_158 = arith.ori %sub3A_154, %sub3A_157 : vector<16xi32>
    %shift_right_logical3A_159 = arith.constant 31 : i32
    %shift_right_logical3A_160 = vector.broadcast %shift_right_logical3A_159 : i32 to vector<16xi32>
    %shift_right_logical3A_161 = arith.shrui %or3A_158, %shift_right_logical3A_160 : vector<16xi32>
    %sub3A_162 = arith.constant 1 : i32
    %sub3A_163 = vector.broadcast %sub3A_162 : i32 to vector<16xi32>
    %sub3A_164 = arith.subi %sub3A_163, %shift_right_logical3A_161 : vector<16xi32>
    %sub3A_165 = arith.constant 5 : i32
    %sub3A_166 = vector.broadcast %sub3A_165 : i32 to vector<16xi32>
    %sub3A_167 = arith.subi %iota3A, %sub3A_166 : vector<16xi32>
    %sub3A_168 = arith.constant 5 : i32
    %sub3A_169 = vector.broadcast %sub3A_168 : i32 to vector<16xi32>
    %sub3A_170 = arith.subi %sub3A_169, %iota3A : vector<16xi32>
    %or3A_171 = arith.ori %sub3A_167, %sub3A_170 : vector<16xi32>
    %shift_right_logical3A_172 = arith.constant 31 : i32
    %shift_right_logical3A_173 = vector.broadcast %shift_right_logical3A_172 : i32 to vector<16xi32>
    %shift_right_logical3A_174 = arith.shrui %or3A_171, %shift_right_logical3A_173 : vector<16xi32>
    %sub3A_175 = arith.constant 1 : i32
    %sub3A_176 = vector.broadcast %sub3A_175 : i32 to vector<16xi32>
    %sub3A_177 = arith.subi %sub3A_176, %shift_right_logical3A_174 : vector<16xi32>
    %sub3A_178 = arith.constant 6 : i32
    %sub3A_179 = vector.broadcast %sub3A_178 : i32 to vector<16xi32>
    %sub3A_180 = arith.subi %iota3A, %sub3A_179 : vector<16xi32>
    %sub3A_181 = arith.constant 6 : i32
    %sub3A_182 = vector.broadcast %sub3A_181 : i32 to vector<16xi32>
    %sub3A_183 = arith.subi %sub3A_182, %iota3A : vector<16xi32>
    %or3A_184 = arith.ori %sub3A_180, %sub3A_183 : vector<16xi32>
    %shift_right_logical3A_185 = arith.constant 31 : i32
    %shift_right_logical3A_186 = vector.broadcast %shift_right_logical3A_185 : i32 to vector<16xi32>
    %shift_right_logical3A_187 = arith.shrui %or3A_184, %shift_right_logical3A_186 : vector<16xi32>
    %sub3A_188 = arith.constant 1 : i32
    %sub3A_189 = vector.broadcast %sub3A_188 : i32 to vector<16xi32>
    %sub3A_190 = arith.subi %sub3A_189, %shift_right_logical3A_187 : vector<16xi32>
    %sub3A_191 = arith.constant 7 : i32
    %sub3A_192 = vector.broadcast %sub3A_191 : i32 to vector<16xi32>
    %sub3A_193 = arith.subi %iota3A, %sub3A_192 : vector<16xi32>
    %sub3A_194 = arith.constant 7 : i32
    %sub3A_195 = vector.broadcast %sub3A_194 : i32 to vector<16xi32>
    %sub3A_196 = arith.subi %sub3A_195, %iota3A : vector<16xi32>
    %or3A_197 = arith.ori %sub3A_193, %sub3A_196 : vector<16xi32>
    %shift_right_logical3A_198 = arith.constant 31 : i32
    %shift_right_logical3A_199 = vector.broadcast %shift_right_logical3A_198 : i32 to vector<16xi32>
    %shift_right_logical3A_200 = arith.shrui %or3A_197, %shift_right_logical3A_199 : vector<16xi32>
    %sub3A_201 = arith.constant 1 : i32
    %sub3A_202 = vector.broadcast %sub3A_201 : i32 to vector<16xi32>
    %sub3A_203 = arith.subi %sub3A_202, %shift_right_logical3A_200 : vector<16xi32>
    %sub3A_204 = arith.constant 8 : i32
    %sub3A_205 = vector.broadcast %sub3A_204 : i32 to vector<16xi32>
    %sub3A_206 = arith.subi %iota3A, %sub3A_205 : vector<16xi32>
    %sub3A_207 = arith.constant 8 : i32
    %sub3A_208 = vector.broadcast %sub3A_207 : i32 to vector<16xi32>
    %sub3A_209 = arith.subi %sub3A_208, %iota3A : vector<16xi32>
    %or3A_210 = arith.ori %sub3A_206, %sub3A_209 : vector<16xi32>
    %shift_right_logical3A_211 = arith.constant 31 : i32
    %shift_right_logical3A_212 = vector.broadcast %shift_right_logical3A_211 : i32 to vector<16xi32>
    %shift_right_logical3A_213 = arith.shrui %or3A_210, %shift_right_logical3A_212 : vector<16xi32>
    %sub3A_214 = arith.constant 1 : i32
    %sub3A_215 = vector.broadcast %sub3A_214 : i32 to vector<16xi32>
    %sub3A_216 = arith.subi %sub3A_215, %shift_right_logical3A_213 : vector<16xi32>
    %sub3A_217 = arith.constant 9 : i32
    %sub3A_218 = vector.broadcast %sub3A_217 : i32 to vector<16xi32>
    %sub3A_219 = arith.subi %iota3A, %sub3A_218 : vector<16xi32>
    %sub3A_220 = arith.constant 9 : i32
    %sub3A_221 = vector.broadcast %sub3A_220 : i32 to vector<16xi32>
    %sub3A_222 = arith.subi %sub3A_221, %iota3A : vector<16xi32>
    %or3A_223 = arith.ori %sub3A_219, %sub3A_222 : vector<16xi32>
    %shift_right_logical3A_224 = arith.constant 31 : i32
    %shift_right_logical3A_225 = vector.broadcast %shift_right_logical3A_224 : i32 to vector<16xi32>
    %shift_right_logical3A_226 = arith.shrui %or3A_223, %shift_right_logical3A_225 : vector<16xi32>
    %sub3A_227 = arith.constant 1 : i32
    %sub3A_228 = vector.broadcast %sub3A_227 : i32 to vector<16xi32>
    %sub3A_229 = arith.subi %sub3A_228, %shift_right_logical3A_226 : vector<16xi32>
    %sub3A_230 = arith.constant 10 : i32
    %sub3A_231 = vector.broadcast %sub3A_230 : i32 to vector<16xi32>
    %sub3A_232 = arith.subi %iota3A, %sub3A_231 : vector<16xi32>
    %sub3A_233 = arith.constant 10 : i32
    %sub3A_234 = vector.broadcast %sub3A_233 : i32 to vector<16xi32>
    %sub3A_235 = arith.subi %sub3A_234, %iota3A : vector<16xi32>
    %or3A_236 = arith.ori %sub3A_232, %sub3A_235 : vector<16xi32>
    %shift_right_logical3A_237 = arith.constant 31 : i32
    %shift_right_logical3A_238 = vector.broadcast %shift_right_logical3A_237 : i32 to vector<16xi32>
    %shift_right_logical3A_239 = arith.shrui %or3A_236, %shift_right_logical3A_238 : vector<16xi32>
    %sub3A_240 = arith.constant 1 : i32
    %sub3A_241 = vector.broadcast %sub3A_240 : i32 to vector<16xi32>
    %sub3A_242 = arith.subi %sub3A_241, %shift_right_logical3A_239 : vector<16xi32>
    %sub3A_243 = arith.constant 11 : i32
    %sub3A_244 = vector.broadcast %sub3A_243 : i32 to vector<16xi32>
    %sub3A_245 = arith.subi %iota3A, %sub3A_244 : vector<16xi32>
    %sub3A_246 = arith.constant 11 : i32
    %sub3A_247 = vector.broadcast %sub3A_246 : i32 to vector<16xi32>
    %sub3A_248 = arith.subi %sub3A_247, %iota3A : vector<16xi32>
    %or3A_249 = arith.ori %sub3A_245, %sub3A_248 : vector<16xi32>
    %shift_right_logical3A_250 = arith.constant 31 : i32
    %shift_right_logical3A_251 = vector.broadcast %shift_right_logical3A_250 : i32 to vector<16xi32>
    %shift_right_logical3A_252 = arith.shrui %or3A_249, %shift_right_logical3A_251 : vector<16xi32>
    %sub3A_253 = arith.constant 1 : i32
    %sub3A_254 = vector.broadcast %sub3A_253 : i32 to vector<16xi32>
    %sub3A_255 = arith.subi %sub3A_254, %shift_right_logical3A_252 : vector<16xi32>
    %sub3A_256 = arith.constant 12 : i32
    %sub3A_257 = vector.broadcast %sub3A_256 : i32 to vector<16xi32>
    %sub3A_258 = arith.subi %iota3A, %sub3A_257 : vector<16xi32>
    %sub3A_259 = arith.constant 12 : i32
    %sub3A_260 = vector.broadcast %sub3A_259 : i32 to vector<16xi32>
    %sub3A_261 = arith.subi %sub3A_260, %iota3A : vector<16xi32>
    %or3A_262 = arith.ori %sub3A_258, %sub3A_261 : vector<16xi32>
    %shift_right_logical3A_263 = arith.constant 31 : i32
    %shift_right_logical3A_264 = vector.broadcast %shift_right_logical3A_263 : i32 to vector<16xi32>
    %shift_right_logical3A_265 = arith.shrui %or3A_262, %shift_right_logical3A_264 : vector<16xi32>
    %sub3A_266 = arith.constant 1 : i32
    %sub3A_267 = vector.broadcast %sub3A_266 : i32 to vector<16xi32>
    %sub3A_268 = arith.subi %sub3A_267, %shift_right_logical3A_265 : vector<16xi32>
    %sub3A_269 = arith.constant 13 : i32
    %sub3A_270 = vector.broadcast %sub3A_269 : i32 to vector<16xi32>
    %sub3A_271 = arith.subi %iota3A, %sub3A_270 : vector<16xi32>
    %sub3A_272 = arith.constant 13 : i32
    %sub3A_273 = vector.broadcast %sub3A_272 : i32 to vector<16xi32>
    %sub3A_274 = arith.subi %sub3A_273, %iota3A : vector<16xi32>
    %or3A_275 = arith.ori %sub3A_271, %sub3A_274 : vector<16xi32>
    %shift_right_logical3A_276 = arith.constant 31 : i32
    %shift_right_logical3A_277 = vector.broadcast %shift_right_logical3A_276 : i32 to vector<16xi32>
    %shift_right_logical3A_278 = arith.shrui %or3A_275, %shift_right_logical3A_277 : vector<16xi32>
    %sub3A_279 = arith.constant 1 : i32
    %sub3A_280 = vector.broadcast %sub3A_279 : i32 to vector<16xi32>
    %sub3A_281 = arith.subi %sub3A_280, %shift_right_logical3A_278 : vector<16xi32>
    %sub3A_282 = arith.constant 14 : i32
    %sub3A_283 = vector.broadcast %sub3A_282 : i32 to vector<16xi32>
    %sub3A_284 = arith.subi %iota3A, %sub3A_283 : vector<16xi32>
    %sub3A_285 = arith.constant 14 : i32
    %sub3A_286 = vector.broadcast %sub3A_285 : i32 to vector<16xi32>
    %sub3A_287 = arith.subi %sub3A_286, %iota3A : vector<16xi32>
    %or3A_288 = arith.ori %sub3A_284, %sub3A_287 : vector<16xi32>
    %shift_right_logical3A_289 = arith.constant 31 : i32
    %shift_right_logical3A_290 = vector.broadcast %shift_right_logical3A_289 : i32 to vector<16xi32>
    %shift_right_logical3A_291 = arith.shrui %or3A_288, %shift_right_logical3A_290 : vector<16xi32>
    %sub3A_292 = arith.constant 1 : i32
    %sub3A_293 = vector.broadcast %sub3A_292 : i32 to vector<16xi32>
    %sub3A_294 = arith.subi %sub3A_293, %shift_right_logical3A_291 : vector<16xi32>
    %sub3A_295 = arith.constant 15 : i32
    %sub3A_296 = vector.broadcast %sub3A_295 : i32 to vector<16xi32>
    %sub3A_297 = arith.subi %iota3A, %sub3A_296 : vector<16xi32>
    %sub3A_298 = arith.constant 15 : i32
    %sub3A_299 = vector.broadcast %sub3A_298 : i32 to vector<16xi32>
    %sub3A_300 = arith.subi %sub3A_299, %iota3A : vector<16xi32>
    %or3A_301 = arith.ori %sub3A_297, %sub3A_300 : vector<16xi32>
    %shift_right_logical3A_302 = arith.constant 31 : i32
    %shift_right_logical3A_303 = vector.broadcast %shift_right_logical3A_302 : i32 to vector<16xi32>
    %shift_right_logical3A_304 = arith.shrui %or3A_301, %shift_right_logical3A_303 : vector<16xi32>
    %sub3A_305 = arith.constant 1 : i32
    %sub3A_306 = vector.broadcast %sub3A_305 : i32 to vector<16xi32>
    %sub3A_307 = arith.subi %sub3A_306, %shift_right_logical3A_304 : vector<16xi32>
    %broadcast_in_dim3A_308 = arith.constant 0 : i32
    %broadcast_in_dim3A_309 = vector.broadcast %broadcast_in_dim3A_308 : i32 to vector<16xi32>
    %broadcast_in_dim3A_310 = arith.constant 0 : i32
    %broadcast_in_dim3A_311 = vector.broadcast %broadcast_in_dim3A_310 : i32 to vector<16xi32>
    %get3A = arith.constant 0 : i32
    %get3A_312 = arith.index_cast %get3A : i32 to index
    %get3A_313 = memref.load %arg8[%get3A_312] : memref<272xi32, #tpu.memory_space<smem>>
    %broadcast_in_dim3A_314 = vector.broadcast %get3A_313 : i32 to vector<16xi32>
    %mul3A_315 = arith.muli %broadcast_in_dim3A_314, %sub3A_112 : vector<16xi32>
    %add3A_316 = arith.addi %broadcast_in_dim3A_309, %mul3A_315 : vector<16xi32>
    %get3A_317 = arith.constant 0 : i32
    %get3A_318 = arith.index_cast %get3A_317 : i32 to index
    %get3A_319 = memref.load %arg9[%get3A_318] : memref<272xi32, #tpu.memory_space<smem>>
    %broadcast_in_dim3A_320 = vector.broadcast %get3A_319 : i32 to vector<16xi32>
    %mul3A_321 = arith.muli %broadcast_in_dim3A_320, %sub3A_112 : vector<16xi32>
    %add3A_322 = arith.addi %broadcast_in_dim3A_311, %mul3A_321 : vector<16xi32>
    %get3A_323 = arith.constant 1 : i32
    %get3A_324 = arith.index_cast %get3A_323 : i32 to index
    %get3A_325 = memref.load %arg8[%get3A_324] : memref<272xi32, #tpu.memory_space<smem>>
    %broadcast_in_dim3A_326 = vector.broadcast %get3A_325 : i32 to vector<16xi32>
    %mul3A_327 = arith.muli %broadcast_in_dim3A_326, %sub3A_125 : vector<16xi32>
    %add3A_328 = arith.addi %add3A_316, %mul3A_327 : vector<16xi32>
    %get3A_329 = arith.constant 1 : i32
    %get3A_330 = arith.index_cast %get3A_329 : i32 to index
    %get3A_331 = memref.load %arg9[%get3A_330] : memref<272xi32, #tpu.memory_space<smem>>
    %broadcast_in_dim3A_332 = vector.broadcast %get3A_331 : i32 to vector<16xi32>
    %mul3A_333 = arith.muli %broadcast_in_dim3A_332, %sub3A_125 : vector<16xi32>
    %add3A_334 = arith.addi %add3A_322, %mul3A_333 : vector<16xi32>
    %get3A_335 = arith.constant 2 : i32
    %get3A_336 = arith.index_cast %get3A_335 : i32 to index
    %get3A_337 = memref.load %arg8[%get3A_336] : memref<272xi32, #tpu.memory_space<smem>>
    %broadcast_in_dim3A_338 = vector.broadcast %get3A_337 : i32 to vector<16xi32>
    %mul3A_339 = arith.muli %broadcast_in_dim3A_338, %sub3A_138 : vector<16xi32>
    %add3A_340 = arith.addi %add3A_328, %mul3A_339 : vector<16xi32>
    %get3A_341 = arith.constant 2 : i32
    %get3A_342 = arith.index_cast %get3A_341 : i32 to index
    %get3A_343 = memref.load %arg9[%get3A_342] : memref<272xi32, #tpu.memory_space<smem>>
    %broadcast_in_dim3A_344 = vector.broadcast %get3A_343 : i32 to vector<16xi32>
    %mul3A_345 = arith.muli %broadcast_in_dim3A_344, %sub3A_138 : vector<16xi32>
    %add3A_346 = arith.addi %add3A_334, %mul3A_345 : vector<16xi32>
    %get3A_347 = arith.constant 3 : i32
    %get3A_348 = arith.index_cast %get3A_347 : i32 to index
    %get3A_349 = memref.load %arg8[%get3A_348] : memref<272xi32, #tpu.memory_space<smem>>
    %broadcast_in_dim3A_350 = vector.broadcast %get3A_349 : i32 to vector<16xi32>
    %mul3A_351 = arith.muli %broadcast_in_dim3A_350, %sub3A_151 : vector<16xi32>
    %add3A_352 = arith.addi %add3A_340, %mul3A_351 : vector<16xi32>
    %get3A_353 = arith.constant 3 : i32
    %get3A_354 = arith.index_cast %get3A_353 : i32 to index
    %get3A_355 = memref.load %arg9[%get3A_354] : memref<272xi32, #tpu.memory_space<smem>>
    %broadcast_in_dim3A_356 = vector.broadcast %get3A_355 : i32 to vector<16xi32>
    %mul3A_357 = arith.muli %broadcast_in_dim3A_356, %sub3A_151 : vector<16xi32>
    %add3A_358 = arith.addi %add3A_346, %mul3A_357 : vector<16xi32>
    %get3A_359 = arith.constant 4 : i32
    %get3A_360 = arith.index_cast %get3A_359 : i32 to index
    %get3A_361 = memref.load %arg8[%get3A_360] : memref<272xi32, #tpu.memory_space<smem>>
    %broadcast_in_dim3A_362 = vector.broadcast %get3A_361 : i32 to vector<16xi32>
    %mul3A_363 = arith.muli %broadcast_in_dim3A_362, %sub3A_164 : vector<16xi32>
    %add3A_364 = arith.addi %add3A_352, %mul3A_363 : vector<16xi32>
    %get3A_365 = arith.constant 4 : i32
    %get3A_366 = arith.index_cast %get3A_365 : i32 to index
    %get3A_367 = memref.load %arg9[%get3A_366] : memref<272xi32, #tpu.memory_space<smem>>
    %broadcast_in_dim3A_368 = vector.broadcast %get3A_367 : i32 to vector<16xi32>
    %mul3A_369 = arith.muli %broadcast_in_dim3A_368, %sub3A_164 : vector<16xi32>
    %add3A_370 = arith.addi %add3A_358, %mul3A_369 : vector<16xi32>
    %get3A_371 = arith.constant 5 : i32
    %get3A_372 = arith.index_cast %get3A_371 : i32 to index
    %get3A_373 = memref.load %arg8[%get3A_372] : memref<272xi32, #tpu.memory_space<smem>>
    %broadcast_in_dim3A_374 = vector.broadcast %get3A_373 : i32 to vector<16xi32>
    %mul3A_375 = arith.muli %broadcast_in_dim3A_374, %sub3A_177 : vector<16xi32>
    %add3A_376 = arith.addi %add3A_364, %mul3A_375 : vector<16xi32>
    %get3A_377 = arith.constant 5 : i32
    %get3A_378 = arith.index_cast %get3A_377 : i32 to index
    %get3A_379 = memref.load %arg9[%get3A_378] : memref<272xi32, #tpu.memory_space<smem>>
    %broadcast_in_dim3A_380 = vector.broadcast %get3A_379 : i32 to vector<16xi32>
    %mul3A_381 = arith.muli %broadcast_in_dim3A_380, %sub3A_177 : vector<16xi32>
    %add3A_382 = arith.addi %add3A_370, %mul3A_381 : vector<16xi32>
    %get3A_383 = arith.constant 6 : i32
    %get3A_384 = arith.index_cast %get3A_383 : i32 to index
    %get3A_385 = memref.load %arg8[%get3A_384] : memref<272xi32, #tpu.memory_space<smem>>
    %broadcast_in_dim3A_386 = vector.broadcast %get3A_385 : i32 to vector<16xi32>
    %mul3A_387 = arith.muli %broadcast_in_dim3A_386, %sub3A_190 : vector<16xi32>
    %add3A_388 = arith.addi %add3A_376, %mul3A_387 : vector<16xi32>
    %get3A_389 = arith.constant 6 : i32
    %get3A_390 = arith.index_cast %get3A_389 : i32 to index
    %get3A_391 = memref.load %arg9[%get3A_390] : memref<272xi32, #tpu.memory_space<smem>>
    %broadcast_in_dim3A_392 = vector.broadcast %get3A_391 : i32 to vector<16xi32>
    %mul3A_393 = arith.muli %broadcast_in_dim3A_392, %sub3A_190 : vector<16xi32>
    %add3A_394 = arith.addi %add3A_382, %mul3A_393 : vector<16xi32>
    %get3A_395 = arith.constant 7 : i32
    %get3A_396 = arith.index_cast %get3A_395 : i32 to index
    %get3A_397 = memref.load %arg8[%get3A_396] : memref<272xi32, #tpu.memory_space<smem>>
    %broadcast_in_dim3A_398 = vector.broadcast %get3A_397 : i32 to vector<16xi32>
    %mul3A_399 = arith.muli %broadcast_in_dim3A_398, %sub3A_203 : vector<16xi32>
    %add3A_400 = arith.addi %add3A_388, %mul3A_399 : vector<16xi32>
    %get3A_401 = arith.constant 7 : i32
    %get3A_402 = arith.index_cast %get3A_401 : i32 to index
    %get3A_403 = memref.load %arg9[%get3A_402] : memref<272xi32, #tpu.memory_space<smem>>
    %broadcast_in_dim3A_404 = vector.broadcast %get3A_403 : i32 to vector<16xi32>
    %mul3A_405 = arith.muli %broadcast_in_dim3A_404, %sub3A_203 : vector<16xi32>
    %add3A_406 = arith.addi %add3A_394, %mul3A_405 : vector<16xi32>
    %get3A_407 = arith.constant 8 : i32
    %get3A_408 = arith.index_cast %get3A_407 : i32 to index
    %get3A_409 = memref.load %arg8[%get3A_408] : memref<272xi32, #tpu.memory_space<smem>>
    %broadcast_in_dim3A_410 = vector.broadcast %get3A_409 : i32 to vector<16xi32>
    %mul3A_411 = arith.muli %broadcast_in_dim3A_410, %sub3A_216 : vector<16xi32>
    %add3A_412 = arith.addi %add3A_400, %mul3A_411 : vector<16xi32>
    %get3A_413 = arith.constant 8 : i32
    %get3A_414 = arith.index_cast %get3A_413 : i32 to index
    %get3A_415 = memref.load %arg9[%get3A_414] : memref<272xi32, #tpu.memory_space<smem>>
    %broadcast_in_dim3A_416 = vector.broadcast %get3A_415 : i32 to vector<16xi32>
    %mul3A_417 = arith.muli %broadcast_in_dim3A_416, %sub3A_216 : vector<16xi32>
    %add3A_418 = arith.addi %add3A_406, %mul3A_417 : vector<16xi32>
    %get3A_419 = arith.constant 9 : i32
    %get3A_420 = arith.index_cast %get3A_419 : i32 to index
    %get3A_421 = memref.load %arg8[%get3A_420] : memref<272xi32, #tpu.memory_space<smem>>
    %broadcast_in_dim3A_422 = vector.broadcast %get3A_421 : i32 to vector<16xi32>
    %mul3A_423 = arith.muli %broadcast_in_dim3A_422, %sub3A_229 : vector<16xi32>
    %add3A_424 = arith.addi %add3A_412, %mul3A_423 : vector<16xi32>
    %get3A_425 = arith.constant 9 : i32
    %get3A_426 = arith.index_cast %get3A_425 : i32 to index
    %get3A_427 = memref.load %arg9[%get3A_426] : memref<272xi32, #tpu.memory_space<smem>>
    %broadcast_in_dim3A_428 = vector.broadcast %get3A_427 : i32 to vector<16xi32>
    %mul3A_429 = arith.muli %broadcast_in_dim3A_428, %sub3A_229 : vector<16xi32>
    %add3A_430 = arith.addi %add3A_418, %mul3A_429 : vector<16xi32>
    %get3A_431 = arith.constant 10 : i32
    %get3A_432 = arith.index_cast %get3A_431 : i32 to index
    %get3A_433 = memref.load %arg8[%get3A_432] : memref<272xi32, #tpu.memory_space<smem>>
    %broadcast_in_dim3A_434 = vector.broadcast %get3A_433 : i32 to vector<16xi32>
    %mul3A_435 = arith.muli %broadcast_in_dim3A_434, %sub3A_242 : vector<16xi32>
    %add3A_436 = arith.addi %add3A_424, %mul3A_435 : vector<16xi32>
    %get3A_437 = arith.constant 10 : i32
    %get3A_438 = arith.index_cast %get3A_437 : i32 to index
    %get3A_439 = memref.load %arg9[%get3A_438] : memref<272xi32, #tpu.memory_space<smem>>
    %broadcast_in_dim3A_440 = vector.broadcast %get3A_439 : i32 to vector<16xi32>
    %mul3A_441 = arith.muli %broadcast_in_dim3A_440, %sub3A_242 : vector<16xi32>
    %add3A_442 = arith.addi %add3A_430, %mul3A_441 : vector<16xi32>
    %get3A_443 = arith.constant 11 : i32
    %get3A_444 = arith.index_cast %get3A_443 : i32 to index
    %get3A_445 = memref.load %arg8[%get3A_444] : memref<272xi32, #tpu.memory_space<smem>>
    %broadcast_in_dim3A_446 = vector.broadcast %get3A_445 : i32 to vector<16xi32>
    %mul3A_447 = arith.muli %broadcast_in_dim3A_446, %sub3A_255 : vector<16xi32>
    %add3A_448 = arith.addi %add3A_436, %mul3A_447 : vector<16xi32>
    %get3A_449 = arith.constant 11 : i32
    %get3A_450 = arith.index_cast %get3A_449 : i32 to index
    %get3A_451 = memref.load %arg9[%get3A_450] : memref<272xi32, #tpu.memory_space<smem>>
    %broadcast_in_dim3A_452 = vector.broadcast %get3A_451 : i32 to vector<16xi32>
    %mul3A_453 = arith.muli %broadcast_in_dim3A_452, %sub3A_255 : vector<16xi32>
    %add3A_454 = arith.addi %add3A_442, %mul3A_453 : vector<16xi32>
    %get3A_455 = arith.constant 12 : i32
    %get3A_456 = arith.index_cast %get3A_455 : i32 to index
    %get3A_457 = memref.load %arg8[%get3A_456] : memref<272xi32, #tpu.memory_space<smem>>
    %broadcast_in_dim3A_458 = vector.broadcast %get3A_457 : i32 to vector<16xi32>
    %mul3A_459 = arith.muli %broadcast_in_dim3A_458, %sub3A_268 : vector<16xi32>
    %add3A_460 = arith.addi %add3A_448, %mul3A_459 : vector<16xi32>
    %get3A_461 = arith.constant 12 : i32
    %get3A_462 = arith.index_cast %get3A_461 : i32 to index
    %get3A_463 = memref.load %arg9[%get3A_462] : memref<272xi32, #tpu.memory_space<smem>>
    %broadcast_in_dim3A_464 = vector.broadcast %get3A_463 : i32 to vector<16xi32>
    %mul3A_465 = arith.muli %broadcast_in_dim3A_464, %sub3A_268 : vector<16xi32>
    %add3A_466 = arith.addi %add3A_454, %mul3A_465 : vector<16xi32>
    %get3A_467 = arith.constant 13 : i32
    %get3A_468 = arith.index_cast %get3A_467 : i32 to index
    %get3A_469 = memref.load %arg8[%get3A_468] : memref<272xi32, #tpu.memory_space<smem>>
    %broadcast_in_dim3A_470 = vector.broadcast %get3A_469 : i32 to vector<16xi32>
    %mul3A_471 = arith.muli %broadcast_in_dim3A_470, %sub3A_281 : vector<16xi32>
    %add3A_472 = arith.addi %add3A_460, %mul3A_471 : vector<16xi32>
    %get3A_473 = arith.constant 13 : i32
    %get3A_474 = arith.index_cast %get3A_473 : i32 to index
    %get3A_475 = memref.load %arg9[%get3A_474] : memref<272xi32, #tpu.memory_space<smem>>
    %broadcast_in_dim3A_476 = vector.broadcast %get3A_475 : i32 to vector<16xi32>
    %mul3A_477 = arith.muli %broadcast_in_dim3A_476, %sub3A_281 : vector<16xi32>
    %add3A_478 = arith.addi %add3A_466, %mul3A_477 : vector<16xi32>
    %get3A_479 = arith.constant 14 : i32
    %get3A_480 = arith.index_cast %get3A_479 : i32 to index
    %get3A_481 = memref.load %arg8[%get3A_480] : memref<272xi32, #tpu.memory_space<smem>>
    %broadcast_in_dim3A_482 = vector.broadcast %get3A_481 : i32 to vector<16xi32>
    %mul3A_483 = arith.muli %broadcast_in_dim3A_482, %sub3A_294 : vector<16xi32>
    %add3A_484 = arith.addi %add3A_472, %mul3A_483 : vector<16xi32>
    %get3A_485 = arith.constant 14 : i32
    %get3A_486 = arith.index_cast %get3A_485 : i32 to index
    %get3A_487 = memref.load %arg9[%get3A_486] : memref<272xi32, #tpu.memory_space<smem>>
    %broadcast_in_dim3A_488 = vector.broadcast %get3A_487 : i32 to vector<16xi32>
    %mul3A_489 = arith.muli %broadcast_in_dim3A_488, %sub3A_294 : vector<16xi32>
    %add3A_490 = arith.addi %add3A_478, %mul3A_489 : vector<16xi32>
    %get3A_491 = arith.constant 15 : i32
    %get3A_492 = arith.index_cast %get3A_491 : i32 to index
    %get3A_493 = memref.load %arg8[%get3A_492] : memref<272xi32, #tpu.memory_space<smem>>
    %broadcast_in_dim3A_494 = vector.broadcast %get3A_493 : i32 to vector<16xi32>
    %mul3A_495 = arith.muli %broadcast_in_dim3A_494, %sub3A_307 : vector<16xi32>
    %add3A_496 = arith.addi %add3A_484, %mul3A_495 : vector<16xi32>
    %get3A_497 = arith.constant 15 : i32
    %get3A_498 = arith.index_cast %get3A_497 : i32 to index
    %get3A_499 = memref.load %arg9[%get3A_498] : memref<272xi32, #tpu.memory_space<smem>>
    %broadcast_in_dim3A_500 = vector.broadcast %get3A_499 : i32 to vector<16xi32>
    %mul3A_501 = arith.muli %broadcast_in_dim3A_500, %sub3A_307 : vector<16xi32>
    %add3A_502 = arith.addi %add3A_490, %mul3A_501 : vector<16xi32>
    %swap3A = arith.constant 0 : index
    %swap3A_503 = tpu.vector_load %arg6[%swap3A] {strides = array<i32>} : memref<256xi32, #tpu.memory_space<vmem>>, vector<16xi32>,
    %swap3A_504 = vector.shape_cast %swap3A_503 : vector<16xi32> to vector<16xi32>
    %swap3A_505 = vector.shape_cast %add3A_496 : vector<16xi32> to vector<16xi32>
    tpu.vector_store %arg6[%swap3A], %swap3A_505 {strides = array<i32>} : memref<256xi32, #tpu.memory_space<vmem>>, vector<16xi32>,
    %swap3A_506 = arith.constant 0 : index
    %swap3A_507 = tpu.vector_load %arg7[%swap3A_506] {strides = array<i32>} : memref<256xi32, #tpu.memory_space<vmem>>, vector<16xi32>,
    %swap3A_508 = vector.shape_cast %swap3A_507 : vector<16xi32> to vector<16xi32>
    %swap3A_509 = vector.shape_cast %add3A_502 : vector<16xi32> to vector<16xi32>
    tpu.vector_store %arg7[%swap3A_506], %swap3A_509 {strides = array<i32>} : memref<256xi32, #tpu.memory_space<vmem>>, vector<16xi32>,
    %broadcast_in_dim3A_510 = arith.constant 0 : i32
    %broadcast_in_dim3A_511 = vector.broadcast %broadcast_in_dim3A_510 : i32 to vector<16xi32>
    %broadcast_in_dim3A_512 = arith.constant 0 : i32
    %broadcast_in_dim3A_513 = vector.broadcast %broadcast_in_dim3A_512 : i32 to vector<16xi32>
    %get3A_514 = arith.constant 16 : i32
    %get3A_515 = arith.index_cast %get3A_514 : i32 to index
    %get3A_516 = memref.load %arg8[%get3A_515] : memref<272xi32, #tpu.memory_space<smem>>
    %broadcast_in_dim3A_517 = vector.broadcast %get3A_516 : i32 to vector<16xi32>
    %mul3A_518 = arith.muli %broadcast_in_dim3A_517, %sub3A_112 : vector<16xi32>
    %add3A_519 = arith.addi %broadcast_in_dim3A_511, %mul3A_518 : vector<16xi32>
    %get3A_520 = arith.constant 16 : i32
    %get3A_521 = arith.index_cast %get3A_520 : i32 to index
    %get3A_522 = memref.load %arg9[%get3A_521] : memref<272xi32, #tpu.memory_space<smem>>
    %broadcast_in_dim3A_523 = vector.broadcast %get3A_522 : i32 to vector<16xi32>
    %mul3A_524 = arith.muli %broadcast_in_dim3A_523, %sub3A_112 : vector<16xi32>
    %add3A_525 = arith.addi %broadcast_in_dim3A_513, %mul3A_524 : vector<16xi32>
    %get3A_526 = arith.constant 17 : i32
    %get3A_527 = arith.index_cast %get3A_526 : i32 to index
    %get3A_528 = memref.load %arg8[%get3A_527] : memref<272xi32, #tpu.memory_space<smem>>
    %broadcast_in_dim3A_529 = vector.broadcast %get3A_528 : i32 to vector<16xi32>
    %mul3A_530 = arith.muli %broadcast_in_dim3A_529, %sub3A_125 : vector<16xi32>
    %add3A_531 = arith.addi %add3A_519, %mul3A_530 : vector<16xi32>
    %get3A_532 = arith.constant 17 : i32
    %get3A_533 = arith.index_cast %get3A_532 : i32 to index
    %get3A_534 = memref.load %arg9[%get3A_533] : memref<272xi32, #tpu.memory_space<smem>>
    %broadcast_in_dim3A_535 = vector.broadcast %get3A_534 : i32 to vector<16xi32>
    %mul3A_536 = arith.muli %broadcast_in_dim3A_535, %sub3A_125 : vector<16xi32>
    %add3A_537 = arith.addi %add3A_525, %mul3A_536 : vector<16xi32>
    %get3A_538 = arith.constant 18 : i32
    %get3A_539 = arith.index_cast %get3A_538 : i32 to index
    %get3A_540 = memref.load %arg8[%get3A_539] : memref<272xi32, #tpu.memory_space<smem>>
    %broadcast_in_dim3A_541 = vector.broadcast %get3A_540 : i32 to vector<16xi32>
    %mul3A_542 = arith.muli %broadcast_in_dim3A_541, %sub3A_138 : vector<16xi32>
    %add3A_543 = arith.addi %add3A_531, %mul3A_542 : vector<16xi32>
    %get3A_544 = arith.constant 18 : i32
    %get3A_545 = arith.index_cast %get3A_544 : i32 to index
    %get3A_546 = memref.load %arg9[%get3A_545] : memref<272xi32, #tpu.memory_space<smem>>
    %broadcast_in_dim3A_547 = vector.broadcast %get3A_546 : i32 to vector<16xi32>
    %mul3A_548 = arith.muli %broadcast_in_dim3A_547, %sub3A_138 : vector<16xi32>
    %add3A_549 = arith.addi %add3A_537, %mul3A_548 : vector<16xi32>
    %get3A_550 = arith.constant 19 : i32
    %get3A_551 = arith.index_cast %get3A_550 : i32 to index
    %get3A_552 = memref.load %arg8[%get3A_551] : memref<272xi32, #tpu.memory_space<smem>>
    %broadcast_in_dim3A_553 = vector.broadcast %get3A_552 : i32 to vector<16xi32>
    %mul3A_554 = arith.muli %broadcast_in_dim3A_553, %sub3A_151 : vector<16xi32>
    %add3A_555 = arith.addi %add3A_543, %mul3A_554 : vector<16xi32>
    %get3A_556 = arith.constant 19 : i32
    %get3A_557 = arith.index_cast %get3A_556 : i32 to index
    %get3A_558 = memref.load %arg9[%get3A_557] : memref<272xi32, #tpu.memory_space<smem>>
    %broadcast_in_dim3A_559 = vector.broadcast %get3A_558 : i32 to vector<16xi32>
    %mul3A_560 = arith.muli %broadcast_in_dim3A_559, %sub3A_151 : vector<16xi32>
    %add3A_561 = arith.addi %add3A_549, %mul3A_560 : vector<16xi32>
    %get3A_562 = arith.constant 20 : i32
    %get3A_563 = arith.index_cast %get3A_562 : i32 to index
    %get3A_564 = memref.load %arg8[%get3A_563] : memref<272xi32, #tpu.memory_space<smem>>
    %broadcast_in_dim3A_565 = vector.broadcast %get3A_564 : i32 to vector<16xi32>
    %mul3A_566 = arith.muli %broadcast_in_dim3A_565, %sub3A_164 : vector<16xi32>
    %add3A_567 = arith.addi %add3A_555, %mul3A_566 : vector<16xi32>
    %get3A_568 = arith.constant 20 : i32
    %get3A_569 = arith.index_cast %get3A_568 : i32 to index
    %get3A_570 = memref.load %arg9[%get3A_569] : memref<272xi32, #tpu.memory_space<smem>>
    %broadcast_in_dim3A_571 = vector.broadcast %get3A_570 : i32 to vector<16xi32>
    %mul3A_572 = arith.muli %broadcast_in_dim3A_571, %sub3A_164 : vector<16xi32>
    %add3A_573 = arith.addi %add3A_561, %mul3A_572 : vector<16xi32>
    %get3A_574 = arith.constant 21 : i32
    %get3A_575 = arith.index_cast %get3A_574 : i32 to index
    %get3A_576 = memref.load %arg8[%get3A_575] : memref<272xi32, #tpu.memory_space<smem>>
    %broadcast_in_dim3A_577 = vector.broadcast %get3A_576 : i32 to vector<16xi32>
    %mul3A_578 = arith.muli %broadcast_in_dim3A_577, %sub3A_177 : vector<16xi32>
    %add3A_579 = arith.addi %add3A_567, %mul3A_578 : vector<16xi32>
    %get3A_580 = arith.constant 21 : i32
    %get3A_581 = arith.index_cast %get3A_580 : i32 to index
    %get3A_582 = memref.load %arg9[%get3A_581] : memref<272xi32, #tpu.memory_space<smem>>
    %broadcast_in_dim3A_583 = vector.broadcast %get3A_582 : i32 to vector<16xi32>
    %mul3A_584 = arith.muli %broadcast_in_dim3A_583, %sub3A_177 : vector<16xi32>
    %add3A_585 = arith.addi %add3A_573, %mul3A_584 : vector<16xi32>
    %get3A_586 = arith.constant 22 : i32
    %get3A_587 = arith.index_cast %get3A_586 : i32 to index
    %get3A_588 = memref.load %arg8[%get3A_587] : memref<272xi32, #tpu.memory_space<smem>>
    %broadcast_in_dim3A_589 = vector.broadcast %get3A_588 : i32 to vector<16xi32>
    %mul3A_590 = arith.muli %broadcast_in_dim3A_589, %sub3A_190 : vector<16xi32>
    %add3A_591 = arith.addi %add3A_579, %mul3A_590 : vector<16xi32>
    %get3A_592 = arith.constant 22 : i32
    %get3A_593 = arith.index_cast %get3A_592 : i32 to index
    %get3A_594 = memref.load %arg9[%get3A_593] : memref<272xi32, #tpu.memory_space<smem>>
    %broadcast_in_dim3A_595 = vector.broadcast %get3A_594 : i32 to vector<16xi32>
    %mul3A_596 = arith.muli %broadcast_in_dim3A_595, %sub3A_190 : vector<16xi32>
    %add3A_597 = arith.addi %add3A_585, %mul3A_596 : vector<16xi32>
    %get3A_598 = arith.constant 23 : i32
    %get3A_599 = arith.index_cast %get3A_598 : i32 to index
    %get3A_600 = memref.load %arg8[%get3A_599] : memref<272xi32, #tpu.memory_space<smem>>
    %broadcast_in_dim3A_601 = vector.broadcast %get3A_600 : i32 to vector<16xi32>
    %mul3A_602 = arith.muli %broadcast_in_dim3A_601, %sub3A_203 : vector<16xi32>
    %add3A_603 = arith.addi %add3A_591, %mul3A_602 : vector<16xi32>
    %get3A_604 = arith.constant 23 : i32
    %get3A_605 = arith.index_cast %get3A_604 : i32 to index
    %get3A_606 = memref.load %arg9[%get3A_605] : memref<272xi32, #tpu.memory_space<smem>>
    %broadcast_in_dim3A_607 = vector.broadcast %get3A_606 : i32 to vector<16xi32>
    %mul3A_608 = arith.muli %broadcast_in_dim3A_607, %sub3A_203 : vector<16xi32>
    %add3A_609 = arith.addi %add3A_597, %mul3A_608 : vector<16xi32>
    %get3A_610 = arith.constant 24 : i32
    %get3A_611 = arith.index_cast %get3A_610 : i32 to index
    %get3A_612 = memref.load %arg8[%get3A_611] : memref<272xi32, #tpu.memory_space<smem>>
    %broadcast_in_dim3A_613 = vector.broadcast %get3A_612 : i32 to vector<16xi32>
    %mul3A_614 = arith.muli %broadcast_in_dim3A_613, %sub3A_216 : vector<16xi32>
    %add3A_615 = arith.addi %add3A_603, %mul3A_614 : vector<16xi32>
    %get3A_616 = arith.constant 24 : i32
    %get3A_617 = arith.index_cast %get3A_616 : i32 to index
    %get3A_618 = memref.load %arg9[%get3A_617] : memref<272xi32, #tpu.memory_space<smem>>
    %broadcast_in_dim3A_619 = vector.broadcast %get3A_618 : i32 to vector<16xi32>
    %mul3A_620 = arith.muli %broadcast_in_dim3A_619, %sub3A_216 : vector<16xi32>
    %add3A_621 = arith.addi %add3A_609, %mul3A_620 : vector<16xi32>
    %get3A_622 = arith.constant 25 : i32
    %get3A_623 = arith.index_cast %get3A_622 : i32 to index
    %get3A_624 = memref.load %arg8[%get3A_623] : memref<272xi32, #tpu.memory_space<smem>>
    %broadcast_in_dim3A_625 = vector.broadcast %get3A_624 : i32 to vector<16xi32>
    %mul3A_626 = arith.muli %broadcast_in_dim3A_625, %sub3A_229 : vector<16xi32>
    %add3A_627 = arith.addi %add3A_615, %mul3A_626 : vector<16xi32>
    %get3A_628 = arith.constant 25 : i32
    %get3A_629 = arith.index_cast %get3A_628 : i32 to index
    %get3A_630 = memref.load %arg9[%get3A_629] : memref<272xi32, #tpu.memory_space<smem>>
    %broadcast_in_dim3A_631 = vector.broadcast %get3A_630 : i32 to vector<16xi32>
    %mul3A_632 = arith.muli %broadcast_in_dim3A_631, %sub3A_229 : vector<16xi32>
    %add3A_633 = arith.addi %add3A_621, %mul3A_632 : vector<16xi32>
    %get3A_634 = arith.constant 26 : i32
    %get3A_635 = arith.index_cast %get3A_634 : i32 to index
    %get3A_636 = memref.load %arg8[%get3A_635] : memref<272xi32, #tpu.memory_space<smem>>
    %broadcast_in_dim3A_637 = vector.broadcast %get3A_636 : i32 to vector<16xi32>
    %mul3A_638 = arith.muli %broadcast_in_dim3A_637, %sub3A_242 : vector<16xi32>
    %add3A_639 = arith.addi %add3A_627, %mul3A_638 : vector<16xi32>
    %get3A_640 = arith.constant 26 : i32
    %get3A_641 = arith.index_cast %get3A_640 : i32 to index
    %get3A_642 = memref.load %arg9[%get3A_641] : memref<272xi32, #tpu.memory_space<smem>>
    %broadcast_in_dim3A_643 = vector.broadcast %get3A_642 : i32 to vector<16xi32>
    %mul3A_644 = arith.muli %broadcast_in_dim3A_643, %sub3A_242 : vector<16xi32>
    %add3A_645 = arith.addi %add3A_633, %mul3A_644 : vector<16xi32>
    %get3A_646 = arith.constant 27 : i32
    %get3A_647 = arith.index_cast %get3A_646 : i32 to index
    %get3A_648 = memref.load %arg8[%get3A_647] : memref<272xi32, #tpu.memory_space<smem>>
    %broadcast_in_dim3A_649 = vector.broadcast %get3A_648 : i32 to vector<16xi32>
    %mul3A_650 = arith.muli %broadcast_in_dim3A_649, %sub3A_255 : vector<16xi32>
    %add3A_651 = arith.addi %add3A_639, %mul3A_650 : vector<16xi32>
    %get3A_652 = arith.constant 27 : i32
    %get3A_653 = arith.index_cast %get3A_652 : i32 to index
    %get3A_654 = memref.load %arg9[%get3A_653] : memref<272xi32, #tpu.memory_space<smem>>
    %broadcast_in_dim3A_655 = vector.broadcast %get3A_654 : i32 to vector<16xi32>
    %mul3A_656 = arith.muli %broadcast_in_dim3A_655, %sub3A_255 : vector<16xi32>
    %add3A_657 = arith.addi %add3A_645, %mul3A_656 : vector<16xi32>
    %get3A_658 = arith.constant 28 : i32
    %get3A_659 = arith.index_cast %get3A_658 : i32 to index
    %get3A_660 = memref.load %arg8[%get3A_659] : memref<272xi32, #tpu.memory_space<smem>>
    %broadcast_in_dim3A_661 = vector.broadcast %get3A_660 : i32 to vector<16xi32>
    %mul3A_662 = arith.muli %broadcast_in_dim3A_661, %sub3A_268 : vector<16xi32>
    %add3A_663 = arith.addi %add3A_651, %mul3A_662 : vector<16xi32>
    %get3A_664 = arith.constant 28 : i32
    %get3A_665 = arith.index_cast %get3A_664 : i32 to index
    %get3A_666 = memref.load %arg9[%get3A_665] : memref<272xi32, #tpu.memory_space<smem>>
    %broadcast_in_dim3A_667 = vector.broadcast %get3A_666 : i32 to vector<16xi32>
    %mul3A_668 = arith.muli %broadcast_in_dim3A_667, %sub3A_268 : vector<16xi32>
    %add3A_669 = arith.addi %add3A_657, %mul3A_668 : vector<16xi32>
    %get3A_670 = arith.constant 29 : i32
    %get3A_671 = arith.index_cast %get3A_670 : i32 to index
    %get3A_672 = memref.load %arg8[%get3A_671] : memref<272xi32, #tpu.memory_space<smem>>
    %broadcast_in_dim3A_673 = vector.broadcast %get3A_672 : i32 to vector<16xi32>
    %mul3A_674 = arith.muli %broadcast_in_dim3A_673, %sub3A_281 : vector<16xi32>
    %add3A_675 = arith.addi %add3A_663, %mul3A_674 : vector<16xi32>
    %get3A_676 = arith.constant 29 : i32
    %get3A_677 = arith.index_cast %get3A_676 : i32 to index
    %get3A_678 = memref.load %arg9[%get3A_677] : memref<272xi32, #tpu.memory_space<smem>>
    %broadcast_in_dim3A_679 = vector.broadcast %get3A_678 : i32 to vector<16xi32>
    %mul3A_680 = arith.muli %broadcast_in_dim3A_679, %sub3A_281 : vector<16xi32>
    %add3A_681 = arith.addi %add3A_669, %mul3A_680 : vector<16xi32>
    %get3A_682 = arith.constant 30 : i32
    %get3A_683 = arith.index_cast %get3A_682 : i32 to index
    %get3A_684 = memref.load %arg8[%get3A_683] : memref<272xi32, #tpu.memory_space<smem>>
    %broadcast_in_dim3A_685 = vector.broadcast %get3A_684 : i32 to vector<16xi32>
    %mul3A_686 = arith.muli %broadcast_in_dim3A_685, %sub3A_294 : vector<16xi32>
    %add3A_687 = arith.addi %add3A_675, %mul3A_686 : vector<16xi32>
    %get3A_688 = arith.constant 30 : i32
    %get3A_689 = arith.index_cast %get3A_688 : i32 to index
    %get3A_690 = memref.load %arg9[%get3A_689] : memref<272xi32, #tpu.memory_space<smem>>
    %broadcast_in_dim3A_691 = vector.broadcast %get3A_690 : i32 to vector<16xi32>
    %mul3A_692 = arith.muli %broadcast_in_dim3A_691, %sub3A_294 : vector<16xi32>
    %add3A_693 = arith.addi %add3A_681, %mul3A_692 : vector<16xi32>
    %get3A_694 = arith.constant 31 : i32
    %get3A_695 = arith.index_cast %get3A_694 : i32 to index
    %get3A_696 = memref.load %arg8[%get3A_695] : memref<272xi32, #tpu.memory_space<smem>>
    %broadcast_in_dim3A_697 = vector.broadcast %get3A_696 : i32 to vector<16xi32>
    %mul3A_698 = arith.muli %broadcast_in_dim3A_697, %sub3A_307 : vector<16xi32>
    %add3A_699 = arith.addi %add3A_687, %mul3A_698 : vector<16xi32>
    %get3A_700 = arith.constant 31 : i32
    %get3A_701 = arith.index_cast %get3A_700 : i32 to index
    %get3A_702 = memref.load %arg9[%get3A_701] : memref<272xi32, #tpu.memory_space<smem>>
    %broadcast_in_dim3A_703 = vector.broadcast %get3A_702 : i32 to vector<16xi32>
    %mul3A_704 = arith.muli %broadcast_in_dim3A_703, %sub3A_307 : vector<16xi32>
    %add3A_705 = arith.addi %add3A_693, %mul3A_704 : vector<16xi32>
    %swap3A_706 = arith.constant 16 : index
    %swap3A_707 = tpu.vector_load %arg6[%swap3A_706] {strides = array<i32>} : memref<256xi32, #tpu.memory_space<vmem>>, vector<16xi32>,
    %swap3A_708 = vector.shape_cast %swap3A_707 : vector<16xi32> to vector<16xi32>
    %swap3A_709 = vector.shape_cast %add3A_699 : vector<16xi32> to vector<16xi32>
    tpu.vector_store %arg6[%swap3A_706], %swap3A_709 {strides = array<i32>} : memref<256xi32, #tpu.memory_space<vmem>>, vector<16xi32>,
    %swap3A_710 = arith.constant 16 : index
    %swap3A_711 = tpu.vector_load %arg7[%swap3A_710] {strides = array<i32>} : memref<256xi32, #tpu.memory_space<vmem>>, vector<16xi32>,
    %swap3A_712 = vector.shape_cast %swap3A_711 : vector<16xi32> to vector<16xi32>
    %swap3A_713 = vector.shape_cast %add3A_705 : vector<16xi32> to vector<16xi32>
    tpu.vector_store %arg7[%swap3A_710], %swap3A_713 {strides = array<i32>} : memref<256xi32, #tpu.memory_space<vmem>>, vector<16xi32>,
    %broadcast_in_dim3A_714 = arith.constant 0 : i32
    %broadcast_in_dim3A_715 = vector.broadcast %broadcast_in_dim3A_714 : i32 to vector<16xi32>
    %broadcast_in_dim3A_716 = arith.constant 0 : i32
    %broadcast_in_dim3A_717 = vector.broadcast %broadcast_in_dim3A_716 : i32 to vector<16xi32>
    %get3A_718 = arith.constant 32 : i32
    %get3A_719 = arith.index_cast %get3A_718 : i32 to index
    %get3A_720 = memref.load %arg8[%get3A_719] : memref<272xi32, #tpu.memory_space<smem>>
    %broadcast_in_dim3A_721 = vector.broadcast %get3A_720 : i32 to vector<16xi32>
    %mul3A_722 = arith.muli %broadcast_in_dim3A_721, %sub3A_112 : vector<16xi32>
    %add3A_723 = arith.addi %broadcast_in_dim3A_715, %mul3A_722 : vector<16xi32>
    %get3A_724 = arith.constant 32 : i32
    %get3A_725 = arith.index_cast %get3A_724 : i32 to index
    %get3A_726 = memref.load %arg9[%get3A_725] : memref<272xi32, #tpu.memory_space<smem>>
    %broadcast_in_dim3A_727 = vector.broadcast %get3A_726 : i32 to vector<16xi32>
    %mul3A_728 = arith.muli %broadcast_in_dim3A_727, %sub3A_112 : vector<16xi32>
    %add3A_729 = arith.addi %broadcast_in_dim3A_717, %mul3A_728 : vector<16xi32>
    %get3A_730 = arith.constant 33 : i32
    %get3A_731 = arith.index_cast %get3A_730 : i32 to index
    %get3A_732 = memref.load %arg8[%get3A_731] : memref<272xi32, #tpu.memory_space<smem>>
    %broadcast_in_dim3A_733 = vector.broadcast %get3A_732 : i32 to vector<16xi32>
    %mul3A_734 = arith.muli %broadcast_in_dim3A_733, %sub3A_125 : vector<16xi32>
    %add3A_735 = arith.addi %add3A_723, %mul3A_734 : vector<16xi32>
    %get3A_736 = arith.constant 33 : i32
    %get3A_737 = arith.index_cast %get3A_736 : i32 to index
    %get3A_738 = memref.load %arg9[%get3A_737] : memref<272xi32, #tpu.memory_space<smem>>
    %broadcast_in_dim3A_739 = vector.broadcast %get3A_738 : i32 to vector<16xi32>
    %mul3A_740 = arith.muli %broadcast_in_dim3A_739, %sub3A_125 : vector<16xi32>
    %add3A_741 = arith.addi %add3A_729, %mul3A_740 : vector<16xi32>
    %get3A_742 = arith.constant 34 : i32
    %get3A_743 = arith.index_cast %get3A_742 : i32 to index
    %get3A_744 = memref.load %arg8[%get3A_743] : memref<272xi32, #tpu.memory_space<smem>>
    %broadcast_in_dim3A_745 = vector.broadcast %get3A_744 : i32 to vector<16xi32>
    %mul3A_746 = arith.muli %broadcast_in_dim3A_745, %sub3A_138 : vector<16xi32>
    %add3A_747 = arith.addi %add3A_735, %mul3A_746 : vector<16xi32>
    %get3A_748 = arith.constant 34 : i32
    %get3A_749 = arith.index_cast %get3A_748 : i32 to index
    %get3A_750 = memref.load %arg9[%get3A_749] : memref<272xi32, #tpu.memory_space<smem>>
    %broadcast_in_dim3A_751 = vector.broadcast %get3A_750 : i32 to vector<16xi32>
    %mul3A_752 = arith.muli %broadcast_in_dim3A_751, %sub3A_138 : vector<16xi32>
    %add3A_753 = arith.addi %add3A_741, %mul3A_752 : vector<16xi32>
    %get3A_754 = arith.constant 35 : i32
    %get3A_755 = arith.index_cast %get3A_754 : i32 to index
    %get3A_756 = memref.load %arg8[%get3A_755] : memref<272xi32, #tpu.memory_space<smem>>
    %broadcast_in_dim3A_757 = vector.broadcast %get3A_756 : i32 to vector<16xi32>
    %mul3A_758 = arith.muli %broadcast_in_dim3A_757, %sub3A_151 : vector<16xi32>
    %add3A_759 = arith.addi %add3A_747, %mul3A_758 : vector<16xi32>
    %get3A_760 = arith.constant 35 : i32
    %get3A_761 = arith.index_cast %get3A_760 : i32 to index
    %get3A_762 = memref.load %arg9[%get3A_761] : memref<272xi32, #tpu.memory_space<smem>>
    %broadcast_in_dim3A_763 = vector.broadcast %get3A_762 : i32 to vector<16xi32>
    %mul3A_764 = arith.muli %broadcast_in_dim3A_763, %sub3A_151 : vector<16xi32>
    %add3A_765 = arith.addi %add3A_753, %mul3A_764 : vector<16xi32>
    %get3A_766 = arith.constant 36 : i32
    %get3A_767 = arith.index_cast %get3A_766 : i32 to index
    %get3A_768 = memref.load %arg8[%get3A_767] : memref<272xi32, #tpu.memory_space<smem>>
    %broadcast_in_dim3A_769 = vector.broadcast %get3A_768 : i32 to vector<16xi32>
    %mul3A_770 = arith.muli %broadcast_in_dim3A_769, %sub3A_164 : vector<16xi32>
    %add3A_771 = arith.addi %add3A_759, %mul3A_770 : vector<16xi32>
    %get3A_772 = arith.constant 36 : i32
    %get3A_773 = arith.index_cast %get3A_772 : i32 to index
    %get3A_774 = memref.load %arg9[%get3A_773] : memref<272xi32, #tpu.memory_space<smem>>
    %broadcast_in_dim3A_775 = vector.broadcast %get3A_774 : i32 to vector<16xi32>
    %mul3A_776 = arith.muli %broadcast_in_dim3A_775, %sub3A_164 : vector<16xi32>
    %add3A_777 = arith.addi %add3A_765, %mul3A_776 : vector<16xi32>
    %get3A_778 = arith.constant 37 : i32
    %get3A_779 = arith.index_cast %get3A_778 : i32 to index
    %get3A_780 = memref.load %arg8[%get3A_779] : memref<272xi32, #tpu.memory_space<smem>>
    %broadcast_in_dim3A_781 = vector.broadcast %get3A_780 : i32 to vector<16xi32>
    %mul3A_782 = arith.muli %broadcast_in_dim3A_781, %sub3A_177 : vector<16xi32>
    %add3A_783 = arith.addi %add3A_771, %mul3A_782 : vector<16xi32>
    %get3A_784 = arith.constant 37 : i32
    %get3A_785 = arith.index_cast %get3A_784 : i32 to index
    %get3A_786 = memref.load %arg9[%get3A_785] : memref<272xi32, #tpu.memory_space<smem>>
    %broadcast_in_dim3A_787 = vector.broadcast %get3A_786 : i32 to vector<16xi32>
    %mul3A_788 = arith.muli %broadcast_in_dim3A_787, %sub3A_177 : vector<16xi32>
    %add3A_789 = arith.addi %add3A_777, %mul3A_788 : vector<16xi32>
    %get3A_790 = arith.constant 38 : i32
    %get3A_791 = arith.index_cast %get3A_790 : i32 to index
    %get3A_792 = memref.load %arg8[%get3A_791] : memref<272xi32, #tpu.memory_space<smem>>
    %broadcast_in_dim3A_793 = vector.broadcast %get3A_792 : i32 to vector<16xi32>
    %mul3A_794 = arith.muli %broadcast_in_dim3A_793, %sub3A_190 : vector<16xi32>
    %add3A_795 = arith.addi %add3A_783, %mul3A_794 : vector<16xi32>
    %get3A_796 = arith.constant 38 : i32
    %get3A_797 = arith.index_cast %get3A_796 : i32 to index
    %get3A_798 = memref.load %arg9[%get3A_797] : memref<272xi32, #tpu.memory_space<smem>>
    %broadcast_in_dim3A_799 = vector.broadcast %get3A_798 : i32 to vector<16xi32>
    %mul3A_800 = arith.muli %broadcast_in_dim3A_799, %sub3A_190 : vector<16xi32>
    %add3A_801 = arith.addi %add3A_789, %mul3A_800 : vector<16xi32>
    %get3A_802 = arith.constant 39 : i32
    %get3A_803 = arith.index_cast %get3A_802 : i32 to index
    %get3A_804 = memref.load %arg8[%get3A_803] : memref<272xi32, #tpu.memory_space<smem>>
    %broadcast_in_dim3A_805 = vector.broadcast %get3A_804 : i32 to vector<16xi32>
    %mul3A_806 = arith.muli %broadcast_in_dim3A_805, %sub3A_203 : vector<16xi32>
    %add3A_807 = arith.addi %add3A_795, %mul3A_806 : vector<16xi32>
    %get3A_808 = arith.constant 39 : i32
    %get3A_809 = arith.index_cast %get3A_808 : i32 to index
    %get3A_810 = memref.load %arg9[%get3A_809] : memref<272xi32, #tpu.memory_space<smem>>
    %broadcast_in_dim3A_811 = vector.broadcast %get3A_810 : i32 to vector<16xi32>
    %mul3A_812 = arith.muli %broadcast_in_dim3A_811, %sub3A_203 : vector<16xi32>
    %add3A_813 = arith.addi %add3A_801, %mul3A_812 : vector<16xi32>
    %get3A_814 = arith.constant 40 : i32
    %get3A_815 = arith.index_cast %get3A_814 : i32 to index
    %get3A_816 = memref.load %arg8[%get3A_815] : memref<272xi32, #tpu.memory_space<smem>>
    %broadcast_in_dim3A_817 = vector.broadcast %get3A_816 : i32 to vector<16xi32>
    %mul3A_818 = arith.muli %broadcast_in_dim3A_817, %sub3A_216 : vector<16xi32>
    %add3A_819 = arith.addi %add3A_807, %mul3A_818 : vector<16xi32>
    %get3A_820 = arith.constant 40 : i32
    %get3A_821 = arith.index_cast %get3A_820 : i32 to index
    %get3A_822 = memref.load %arg9[%get3A_821] : memref<272xi32, #tpu.memory_space<smem>>
    %broadcast_in_dim3A_823 = vector.broadcast %get3A_822 : i32 to vector<16xi32>
    %mul3A_824 = arith.muli %broadcast_in_dim3A_823, %sub3A_216 : vector<16xi32>
    %add3A_825 = arith.addi %add3A_813, %mul3A_824 : vector<16xi32>
    %get3A_826 = arith.constant 41 : i32
    %get3A_827 = arith.index_cast %get3A_826 : i32 to index
    %get3A_828 = memref.load %arg8[%get3A_827] : memref<272xi32, #tpu.memory_space<smem>>
    %broadcast_in_dim3A_829 = vector.broadcast %get3A_828 : i32 to vector<16xi32>
    %mul3A_830 = arith.muli %broadcast_in_dim3A_829, %sub3A_229 : vector<16xi32>
    %add3A_831 = arith.addi %add3A_819, %mul3A_830 : vector<16xi32>
    %get3A_832 = arith.constant 41 : i32
    %get3A_833 = arith.index_cast %get3A_832 : i32 to index
    %get3A_834 = memref.load %arg9[%get3A_833] : memref<272xi32, #tpu.memory_space<smem>>
    %broadcast_in_dim3A_835 = vector.broadcast %get3A_834 : i32 to vector<16xi32>
    %mul3A_836 = arith.muli %broadcast_in_dim3A_835, %sub3A_229 : vector<16xi32>
    %add3A_837 = arith.addi %add3A_825, %mul3A_836 : vector<16xi32>
    %get3A_838 = arith.constant 42 : i32
    %get3A_839 = arith.index_cast %get3A_838 : i32 to index
    %get3A_840 = memref.load %arg8[%get3A_839] : memref<272xi32, #tpu.memory_space<smem>>
    %broadcast_in_dim3A_841 = vector.broadcast %get3A_840 : i32 to vector<16xi32>
    %mul3A_842 = arith.muli %broadcast_in_dim3A_841, %sub3A_242 : vector<16xi32>
    %add3A_843 = arith.addi %add3A_831, %mul3A_842 : vector<16xi32>
    %get3A_844 = arith.constant 42 : i32
    %get3A_845 = arith.index_cast %get3A_844 : i32 to index
    %get3A_846 = memref.load %arg9[%get3A_845] : memref<272xi32, #tpu.memory_space<smem>>
    %broadcast_in_dim3A_847 = vector.broadcast %get3A_846 : i32 to vector<16xi32>
    %mul3A_848 = arith.muli %broadcast_in_dim3A_847, %sub3A_242 : vector<16xi32>
    %add3A_849 = arith.addi %add3A_837, %mul3A_848 : vector<16xi32>
    %get3A_850 = arith.constant 43 : i32
    %get3A_851 = arith.index_cast %get3A_850 : i32 to index
    %get3A_852 = memref.load %arg8[%get3A_851] : memref<272xi32, #tpu.memory_space<smem>>
    %broadcast_in_dim3A_853 = vector.broadcast %get3A_852 : i32 to vector<16xi32>
    %mul3A_854 = arith.muli %broadcast_in_dim3A_853, %sub3A_255 : vector<16xi32>
    %add3A_855 = arith.addi %add3A_843, %mul3A_854 : vector<16xi32>
    %get3A_856 = arith.constant 43 : i32
    %get3A_857 = arith.index_cast %get3A_856 : i32 to index
    %get3A_858 = memref.load %arg9[%get3A_857] : memref<272xi32, #tpu.memory_space<smem>>
    %broadcast_in_dim3A_859 = vector.broadcast %get3A_858 : i32 to vector<16xi32>
    %mul3A_860 = arith.muli %broadcast_in_dim3A_859, %sub3A_255 : vector<16xi32>
    %add3A_861 = arith.addi %add3A_849, %mul3A_860 : vector<16xi32>
    %get3A_862 = arith.constant 44 : i32
    %get3A_863 = arith.index_cast %get3A_862 : i32 to index
    %get3A_864 = memref.load %arg8[%get3A_863] : memref<272xi32, #tpu.memory_space<smem>>
    %broadcast_in_dim3A_865 = vector.broadcast %get3A_864 : i32 to vector<16xi32>
    %mul3A_866 = arith.muli %broadcast_in_dim3A_865, %sub3A_268 : vector<16xi32>
    %add3A_867 = arith.addi %add3A_855, %mul3A_866 : vector<16xi32>
    %get3A_868 = arith.constant 44 : i32
    %get3A_869 = arith.index_cast %get3A_868 : i32 to index
    %get3A_870 = memref.load %arg9[%get3A_869] : memref<272xi32, #tpu.memory_space<smem>>
    %broadcast_in_dim3A_871 = vector.broadcast %get3A_870 : i32 to vector<16xi32>
    %mul3A_872 = arith.muli %broadcast_in_dim3A_871, %sub3A_268 : vector<16xi32>
    %add3A_873 = arith.addi %add3A_861, %mul3A_872 : vector<16xi32>
    %get3A_874 = arith.constant 45 : i32
    %get3A_875 = arith.index_cast %get3A_874 : i32 to index
    %get3A_876 = memref.load %arg8[%get3A_875] : memref<272xi32, #tpu.memory_space<smem>>
    %broadcast_in_dim3A_877 = vector.broadcast %get3A_876 : i32 to vector<16xi32>
    %mul3A_878 = arith.muli %broadcast_in_dim3A_877, %sub3A_281 : vector<16xi32>
    %add3A_879 = arith.addi %add3A_867, %mul3A_878 : vector<16xi32>
    %get3A_880 = arith.constant 45 : i32
    %get3A_881 = arith.index_cast %get3A_880 : i32 to index
    %get3A_882 = memref.load %arg9[%get3A_881] : memref<272xi32, #tpu.memory_space<smem>>
    %broadcast_in_dim3A_883 = vector.broadcast %get3A_882 : i32 to vector<16xi32>
    %mul3A_884 = arith.muli %broadcast_in_dim3A_883, %sub3A_281 : vector<16xi32>
    %add3A_885 = arith.addi %add3A_873, %mul3A_884 : vector<16xi32>
    %get3A_886 = arith.constant 46 : i32
    %get3A_887 = arith.index_cast %get3A_886 : i32 to index
    %get3A_888 = memref.load %arg8[%get3A_887] : memref<272xi32, #tpu.memory_space<smem>>
    %broadcast_in_dim3A_889 = vector.broadcast %get3A_888 : i32 to vector<16xi32>
    %mul3A_890 = arith.muli %broadcast_in_dim3A_889, %sub3A_294 : vector<16xi32>
    %add3A_891 = arith.addi %add3A_879, %mul3A_890 : vector<16xi32>
    %get3A_892 = arith.constant 46 : i32
    %get3A_893 = arith.index_cast %get3A_892 : i32 to index
    %get3A_894 = memref.load %arg9[%get3A_893] : memref<272xi32, #tpu.memory_space<smem>>
    %broadcast_in_dim3A_895 = vector.broadcast %get3A_894 : i32 to vector<16xi32>
    %mul3A_896 = arith.muli %broadcast_in_dim3A_895, %sub3A_294 : vector<16xi32>
    %add3A_897 = arith.addi %add3A_885, %mul3A_896 : vector<16xi32>
    %get3A_898 = arith.constant 47 : i32
    %get3A_899 = arith.index_cast %get3A_898 : i32 to index
    %get3A_900 = memref.load %arg8[%get3A_899] : memref<272xi32, #tpu.memory_space<smem>>
    %broadcast_in_dim3A_901 = vector.broadcast %get3A_900 : i32 to vector<16xi32>
    %mul3A_902 = arith.muli %broadcast_in_dim3A_901, %sub3A_307 : vector<16xi32>
    %add3A_903 = arith.addi %add3A_891, %mul3A_902 : vector<16xi32>
    %get3A_904 = arith.constant 47 : i32
    %get3A_905 = arith.index_cast %get3A_904 : i32 to index
    %get3A_906 = memref.load %arg9[%get3A_905] : memref<272xi32, #tpu.memory_space<smem>>
    %broadcast_in_dim3A_907 = vector.broadcast %get3A_906 : i32 to vector<16xi32>
    %mul3A_908 = arith.muli %broadcast_in_dim3A_907, %sub3A_307 : vector<16xi32>
    %add3A_909 = arith.addi %add3A_897, %mul3A_908 : vector<16xi32>
    %swap3A_910 = arith.constant 32 : index
    %swap3A_911 = tpu.vector_load %arg6[%swap3A_910] {strides = array<i32>} : memref<256xi32, #tpu.memory_space<vmem>>, vector<16xi32>,
    %swap3A_912 = vector.shape_cast %swap3A_911 : vector<16xi32> to vector<16xi32>
    %swap3A_913 = vector.shape_cast %add3A_903 : vector<16xi32> to vector<16xi32>
    tpu.vector_store %arg6[%swap3A_910], %swap3A_913 {strides = array<i32>} : memref<256xi32, #tpu.memory_space<vmem>>, vector<16xi32>,
    %swap3A_914 = arith.constant 32 : index
    %swap3A_915 = tpu.vector_load %arg7[%swap3A_914] {strides = array<i32>} : memref<256xi32, #tpu.memory_space<vmem>>, vector<16xi32>,
    %swap3A_916 = vector.shape_cast %swap3A_915 : vector<16xi32> to vector<16xi32>
    %swap3A_917 = vector.shape_cast %add3A_909 : vector<16xi32> to vector<16xi32>
    tpu.vector_store %arg7[%swap3A_914], %swap3A_917 {strides = array<i32>} : memref<256xi32, #tpu.memory_space<vmem>>, vector<16xi32>,
    %broadcast_in_dim3A_918 = arith.constant 0 : i32
    %broadcast_in_dim3A_919 = vector.broadcast %broadcast_in_dim3A_918 : i32 to vector<16xi32>
    %broadcast_in_dim3A_920 = arith.constant 0 : i32
    %broadcast_in_dim3A_921 = vector.broadcast %broadcast_in_dim3A_920 : i32 to vector<16xi32>
    %get3A_922 = arith.constant 48 : i32
    %get3A_923 = arith.index_cast %get3A_922 : i32 to index
    %get3A_924 = memref.load %arg8[%get3A_923] : memref<272xi32, #tpu.memory_space<smem>>
    %broadcast_in_dim3A_925 = vector.broadcast %get3A_924 : i32 to vector<16xi32>
    %mul3A_926 = arith.muli %broadcast_in_dim3A_925, %sub3A_112 : vector<16xi32>
    %add3A_927 = arith.addi %broadcast_in_dim3A_919, %mul3A_926 : vector<16xi32>
    %get3A_928 = arith.constant 48 : i32
    %get3A_929 = arith.index_cast %get3A_928 : i32 to index
    %get3A_930 = memref.load %arg9[%get3A_929] : memref<272xi32, #tpu.memory_space<smem>>
    %broadcast_in_dim3A_931 = vector.broadcast %get3A_930 : i32 to vector<16xi32>
    %mul3A_932 = arith.muli %broadcast_in_dim3A_931, %sub3A_112 : vector<16xi32>
    %add3A_933 = arith.addi %broadcast_in_dim3A_921, %mul3A_932 : vector<16xi32>
    %get3A_934 = arith.constant 49 : i32
    %get3A_935 = arith.index_cast %get3A_934 : i32 to index
    %get3A_936 = memref.load %arg8[%get3A_935] : memref<272xi32, #tpu.memory_space<smem>>
    %broadcast_in_dim3A_937 = vector.broadcast %get3A_936 : i32 to vector<16xi32>
    %mul3A_938 = arith.muli %broadcast_in_dim3A_937, %sub3A_125 : vector<16xi32>
    %add3A_939 = arith.addi %add3A_927, %mul3A_938 : vector<16xi32>
    %get3A_940 = arith.constant 49 : i32
    %get3A_941 = arith.index_cast %get3A_940 : i32 to index
    %get3A_942 = memref.load %arg9[%get3A_941] : memref<272xi32, #tpu.memory_space<smem>>
    %broadcast_in_dim3A_943 = vector.broadcast %get3A_942 : i32 to vector<16xi32>
    %mul3A_944 = arith.muli %broadcast_in_dim3A_943, %sub3A_125 : vector<16xi32>
    %add3A_945 = arith.addi %add3A_933, %mul3A_944 : vector<16xi32>
    %get3A_946 = arith.constant 50 : i32
    %get3A_947 = arith.index_cast %get3A_946 : i32 to index
    %get3A_948 = memref.load %arg8[%get3A_947] : memref<272xi32, #tpu.memory_space<smem>>
    %broadcast_in_dim3A_949 = vector.broadcast %get3A_948 : i32 to vector<16xi32>
    %mul3A_950 = arith.muli %broadcast_in_dim3A_949, %sub3A_138 : vector<16xi32>
    %add3A_951 = arith.addi %add3A_939, %mul3A_950 : vector<16xi32>
    %get3A_952 = arith.constant 50 : i32
    %get3A_953 = arith.index_cast %get3A_952 : i32 to index
    %get3A_954 = memref.load %arg9[%get3A_953] : memref<272xi32, #tpu.memory_space<smem>>
    %broadcast_in_dim3A_955 = vector.broadcast %get3A_954 : i32 to vector<16xi32>
    %mul3A_956 = arith.muli %broadcast_in_dim3A_955, %sub3A_138 : vector<16xi32>
    %add3A_957 = arith.addi %add3A_945, %mul3A_956 : vector<16xi32>
    %get3A_958 = arith.constant 51 : i32
    %get3A_959 = arith.index_cast %get3A_958 : i32 to index
    %get3A_960 = memref.load %arg8[%get3A_959] : memref<272xi32, #tpu.memory_space<smem>>
    %broadcast_in_dim3A_961 = vector.broadcast %get3A_960 : i32 to vector<16xi32>
    %mul3A_962 = arith.muli %broadcast_in_dim3A_961, %sub3A_151 : vector<16xi32>
    %add3A_963 = arith.addi %add3A_951, %mul3A_962 : vector<16xi32>
    %get3A_964 = arith.constant 51 : i32
    %get3A_965 = arith.index_cast %get3A_964 : i32 to index
    %get3A_966 = memref.load %arg9[%get3A_965] : memref<272xi32, #tpu.memory_space<smem>>
    %broadcast_in_dim3A_967 = vector.broadcast %get3A_966 : i32 to vector<16xi32>
    %mul3A_968 = arith.muli %broadcast_in_dim3A_967, %sub3A_151 : vector<16xi32>
    %add3A_969 = arith.addi %add3A_957, %mul3A_968 : vector<16xi32>
    %get3A_970 = arith.constant 52 : i32
    %get3A_971 = arith.index_cast %get3A_970 : i32 to index
    %get3A_972 = memref.load %arg8[%get3A_971] : memref<272xi32, #tpu.memory_space<smem>>
    %broadcast_in_dim3A_973 = vector.broadcast %get3A_972 : i32 to vector<16xi32>
    %mul3A_974 = arith.muli %broadcast_in_dim3A_973, %sub3A_164 : vector<16xi32>
    %add3A_975 = arith.addi %add3A_963, %mul3A_974 : vector<16xi32>
    %get3A_976 = arith.constant 52 : i32
    %get3A_977 = arith.index_cast %get3A_976 : i32 to index
    %get3A_978 = memref.load %arg9[%get3A_977] : memref<272xi32, #tpu.memory_space<smem>>
    %broadcast_in_dim3A_979 = vector.broadcast %get3A_978 : i32 to vector<16xi32>
    %mul3A_980 = arith.muli %broadcast_in_dim3A_979, %sub3A_164 : vector<16xi32>
    %add3A_981 = arith.addi %add3A_969, %mul3A_980 : vector<16xi32>
    %get3A_982 = arith.constant 53 : i32
    %get3A_983 = arith.index_cast %get3A_982 : i32 to index
    %get3A_984 = memref.load %arg8[%get3A_983] : memref<272xi32, #tpu.memory_space<smem>>
    %broadcast_in_dim3A_985 = vector.broadcast %get3A_984 : i32 to vector<16xi32>
    %mul3A_986 = arith.muli %broadcast_in_dim3A_985, %sub3A_177 : vector<16xi32>
    %add3A_987 = arith.addi %add3A_975, %mul3A_986 : vector<16xi32>
    %get3A_988 = arith.constant 53 : i32
    %get3A_989 = arith.index_cast %get3A_988 : i32 to index
    %get3A_990 = memref.load %arg9[%get3A_989] : memref<272xi32, #tpu.memory_space<smem>>
    %broadcast_in_dim3A_991 = vector.broadcast %get3A_990 : i32 to vector<16xi32>
    %mul3A_992 = arith.muli %broadcast_in_dim3A_991, %sub3A_177 : vector<16xi32>
    %add3A_993 = arith.addi %add3A_981, %mul3A_992 : vector<16xi32>
    %get3A_994 = arith.constant 54 : i32
    %get3A_995 = arith.index_cast %get3A_994 : i32 to index
    %get3A_996 = memref.load %arg8[%get3A_995] : memref<272xi32, #tpu.memory_space<smem>>
    %broadcast_in_dim3A_997 = vector.broadcast %get3A_996 : i32 to vector<16xi32>
    %mul3A_998 = arith.muli %broadcast_in_dim3A_997, %sub3A_190 : vector<16xi32>
    %add3A_999 = arith.addi %add3A_987, %mul3A_998 : vector<16xi32>
    %get3A_1000 = arith.constant 54 : i32
    %get3A_1001 = arith.index_cast %get3A_1000 : i32 to index
    %get3A_1002 = memref.load %arg9[%get3A_1001] : memref<272xi32, #tpu.memory_space<smem>>
    %broadcast_in_dim3A_1003 = vector.broadcast %get3A_1002 : i32 to vector<16xi32>
    %mul3A_1004 = arith.muli %broadcast_in_dim3A_1003, %sub3A_190 : vector<16xi32>
    %add3A_1005 = arith.addi %add3A_993, %mul3A_1004 : vector<16xi32>
    %get3A_1006 = arith.constant 55 : i32
    %get3A_1007 = arith.index_cast %get3A_1006 : i32 to index
    %get3A_1008 = memref.load %arg8[%get3A_1007] : memref<272xi32, #tpu.memory_space<smem>>
    %broadcast_in_dim3A_1009 = vector.broadcast %get3A_1008 : i32 to vector<16xi32>
    %mul3A_1010 = arith.muli %broadcast_in_dim3A_1009, %sub3A_203 : vector<16xi32>
    %add3A_1011 = arith.addi %add3A_999, %mul3A_1010 : vector<16xi32>
    %get3A_1012 = arith.constant 55 : i32
    %get3A_1013 = arith.index_cast %get3A_1012 : i32 to index
    %get3A_1014 = memref.load %arg9[%get3A_1013] : memref<272xi32, #tpu.memory_space<smem>>
    %broadcast_in_dim3A_1015 = vector.broadcast %get3A_1014 : i32 to vector<16xi32>
    %mul3A_1016 = arith.muli %broadcast_in_dim3A_1015, %sub3A_203 : vector<16xi32>
    %add3A_1017 = arith.addi %add3A_1005, %mul3A_1016 : vector<16xi32>
    %get3A_1018 = arith.constant 56 : i32
    %get3A_1019 = arith.index_cast %get3A_1018 : i32 to index
    %get3A_1020 = memref.load %arg8[%get3A_1019] : memref<272xi32, #tpu.memory_space<smem>>
    %broadcast_in_dim3A_1021 = vector.broadcast %get3A_1020 : i32 to vector<16xi32>
    %mul3A_1022 = arith.muli %broadcast_in_dim3A_1021, %sub3A_216 : vector<16xi32>
    %add3A_1023 = arith.addi %add3A_1011, %mul3A_1022 : vector<16xi32>
    %get3A_1024 = arith.constant 56 : i32
    %get3A_1025 = arith.index_cast %get3A_1024 : i32 to index
    %get3A_1026 = memref.load %arg9[%get3A_1025] : memref<272xi32, #tpu.memory_space<smem>>
    %broadcast_in_dim3A_1027 = vector.broadcast %get3A_1026 : i32 to vector<16xi32>
    %mul3A_1028 = arith.muli %broadcast_in_dim3A_1027, %sub3A_216 : vector<16xi32>
    %add3A_1029 = arith.addi %add3A_1017, %mul3A_1028 : vector<16xi32>
    %get3A_1030 = arith.constant 57 : i32
    %get3A_1031 = arith.index_cast %get3A_1030 : i32 to index
    %get3A_1032 = memref.load %arg8[%get3A_1031] : memref<272xi32, #tpu.memory_space<smem>>
    %broadcast_in_dim3A_1033 = vector.broadcast %get3A_1032 : i32 to vector<16xi32>
    %mul3A_1034 = arith.muli %broadcast_in_dim3A_1033, %sub3A_229 : vector<16xi32>
    %add3A_1035 = arith.addi %add3A_1023, %mul3A_1034 : vector<16xi32>
    %get3A_1036 = arith.constant 57 : i32
    %get3A_1037 = arith.index_cast %get3A_1036 : i32 to index
    %get3A_1038 = memref.load %arg9[%get3A_1037] : memref<272xi32, #tpu.memory_space<smem>>
    %broadcast_in_dim3A_1039 = vector.broadcast %get3A_1038 : i32 to vector<16xi32>
    %mul3A_1040 = arith.muli %broadcast_in_dim3A_1039, %sub3A_229 : vector<16xi32>
    %add3A_1041 = arith.addi %add3A_1029, %mul3A_1040 : vector<16xi32>
    %get3A_1042 = arith.constant 58 : i32
    %get3A_1043 = arith.index_cast %get3A_1042 : i32 to index
    %get3A_1044 = memref.load %arg8[%get3A_1043] : memref<272xi32, #tpu.memory_space<smem>>
    %broadcast_in_dim3A_1045 = vector.broadcast %get3A_1044 : i32 to vector<16xi32>
    %mul3A_1046 = arith.muli %broadcast_in_dim3A_1045, %sub3A_242 : vector<16xi32>
    %add3A_1047 = arith.addi %add3A_1035, %mul3A_1046 : vector<16xi32>
    %get3A_1048 = arith.constant 58 : i32
    %get3A_1049 = arith.index_cast %get3A_1048 : i32 to index
    %get3A_1050 = memref.load %arg9[%get3A_1049] : memref<272xi32, #tpu.memory_space<smem>>
    %broadcast_in_dim3A_1051 = vector.broadcast %get3A_1050 : i32 to vector<16xi32>
    %mul3A_1052 = arith.muli %broadcast_in_dim3A_1051, %sub3A_242 : vector<16xi32>
    %add3A_1053 = arith.addi %add3A_1041, %mul3A_1052 : vector<16xi32>
    %get3A_1054 = arith.constant 59 : i32
    %get3A_1055 = arith.index_cast %get3A_1054 : i32 to index
    %get3A_1056 = memref.load %arg8[%get3A_1055] : memref<272xi32, #tpu.memory_space<smem>>
    %broadcast_in_dim3A_1057 = vector.broadcast %get3A_1056 : i32 to vector<16xi32>
    %mul3A_1058 = arith.muli %broadcast_in_dim3A_1057, %sub3A_255 : vector<16xi32>
    %add3A_1059 = arith.addi %add3A_1047, %mul3A_1058 : vector<16xi32>
    %get3A_1060 = arith.constant 59 : i32
    %get3A_1061 = arith.index_cast %get3A_1060 : i32 to index
    %get3A_1062 = memref.load %arg9[%get3A_1061] : memref<272xi32, #tpu.memory_space<smem>>
    %broadcast_in_dim3A_1063 = vector.broadcast %get3A_1062 : i32 to vector<16xi32>
    %mul3A_1064 = arith.muli %broadcast_in_dim3A_1063, %sub3A_255 : vector<16xi32>
    %add3A_1065 = arith.addi %add3A_1053, %mul3A_1064 : vector<16xi32>
    %get3A_1066 = arith.constant 60 : i32
    %get3A_1067 = arith.index_cast %get3A_1066 : i32 to index
    %get3A_1068 = memref.load %arg8[%get3A_1067] : memref<272xi32, #tpu.memory_space<smem>>
    %broadcast_in_dim3A_1069 = vector.broadcast %get3A_1068 : i32 to vector<16xi32>
    %mul3A_1070 = arith.muli %broadcast_in_dim3A_1069, %sub3A_268 : vector<16xi32>
    %add3A_1071 = arith.addi %add3A_1059, %mul3A_1070 : vector<16xi32>
    %get3A_1072 = arith.constant 60 : i32
    %get3A_1073 = arith.index_cast %get3A_1072 : i32 to index
    %get3A_1074 = memref.load %arg9[%get3A_1073] : memref<272xi32, #tpu.memory_space<smem>>
    %broadcast_in_dim3A_1075 = vector.broadcast %get3A_1074 : i32 to vector<16xi32>
    %mul3A_1076 = arith.muli %broadcast_in_dim3A_1075, %sub3A_268 : vector<16xi32>
    %add3A_1077 = arith.addi %add3A_1065, %mul3A_1076 : vector<16xi32>
    %get3A_1078 = arith.constant 61 : i32
    %get3A_1079 = arith.index_cast %get3A_1078 : i32 to index
    %get3A_1080 = memref.load %arg8[%get3A_1079] : memref<272xi32, #tpu.memory_space<smem>>
    %broadcast_in_dim3A_1081 = vector.broadcast %get3A_1080 : i32 to vector<16xi32>
    %mul3A_1082 = arith.muli %broadcast_in_dim3A_1081, %sub3A_281 : vector<16xi32>
    %add3A_1083 = arith.addi %add3A_1071, %mul3A_1082 : vector<16xi32>
    %get3A_1084 = arith.constant 61 : i32
    %get3A_1085 = arith.index_cast %get3A_1084 : i32 to index
    %get3A_1086 = memref.load %arg9[%get3A_1085] : memref<272xi32, #tpu.memory_space<smem>>
    %broadcast_in_dim3A_1087 = vector.broadcast %get3A_1086 : i32 to vector<16xi32>
    %mul3A_1088 = arith.muli %broadcast_in_dim3A_1087, %sub3A_281 : vector<16xi32>
    %add3A_1089 = arith.addi %add3A_1077, %mul3A_1088 : vector<16xi32>
    %get3A_1090 = arith.constant 62 : i32
    %get3A_1091 = arith.index_cast %get3A_1090 : i32 to index
    %get3A_1092 = memref.load %arg8[%get3A_1091] : memref<272xi32, #tpu.memory_space<smem>>
    %broadcast_in_dim3A_1093 = vector.broadcast %get3A_1092 : i32 to vector<16xi32>
    %mul3A_1094 = arith.muli %broadcast_in_dim3A_1093, %sub3A_294 : vector<16xi32>
    %add3A_1095 = arith.addi %add3A_1083, %mul3A_1094 : vector<16xi32>
    %get3A_1096 = arith.constant 62 : i32
    %get3A_1097 = arith.index_cast %get3A_1096 : i32 to index
    %get3A_1098 = memref.load %arg9[%get3A_1097] : memref<272xi32, #tpu.memory_space<smem>>
    %broadcast_in_dim3A_1099 = vector.broadcast %get3A_1098 : i32 to vector<16xi32>
    %mul3A_1100 = arith.muli %broadcast_in_dim3A_1099, %sub3A_294 : vector<16xi32>
    %add3A_1101 = arith.addi %add3A_1089, %mul3A_1100 : vector<16xi32>
    %get3A_1102 = arith.constant 63 : i32
    %get3A_1103 = arith.index_cast %get3A_1102 : i32 to index
    %get3A_1104 = memref.load %arg8[%get3A_1103] : memref<272xi32, #tpu.memory_space<smem>>
    %broadcast_in_dim3A_1105 = vector.broadcast %get3A_1104 : i32 to vector<16xi32>
    %mul3A_1106 = arith.muli %broadcast_in_dim3A_1105, %sub3A_307 : vector<16xi32>
    %add3A_1107 = arith.addi %add3A_1095, %mul3A_1106 : vector<16xi32>
    %get3A_1108 = arith.constant 63 : i32
    %get3A_1109 = arith.index_cast %get3A_1108 : i32 to index
    %get3A_1110 = memref.load %arg9[%get3A_1109] : memref<272xi32, #tpu.memory_space<smem>>
    %broadcast_in_dim3A_1111 = vector.broadcast %get3A_1110 : i32 to vector<16xi32>
    %mul3A_1112 = arith.muli %broadcast_in_dim3A_1111, %sub3A_307 : vector<16xi32>
    %add3A_1113 = arith.addi %add3A_1101, %mul3A_1112 : vector<16xi32>
    %swap3A_1114 = arith.constant 48 : index
    %swap3A_1115 = tpu.vector_load %arg6[%swap3A_1114] {strides = array<i32>} : memref<256xi32, #tpu.memory_space<vmem>>, vector<16xi32>,
    %swap3A_1116 = vector.shape_cast %swap3A_1115 : vector<16xi32> to vector<16xi32>
    %swap3A_1117 = vector.shape_cast %add3A_1107 : vector<16xi32> to vector<16xi32>
    tpu.vector_store %arg6[%swap3A_1114], %swap3A_1117 {strides = array<i32>} : memref<256xi32, #tpu.memory_space<vmem>>, vector<16xi32>,
    %swap3A_1118 = arith.constant 48 : index
    %swap3A_1119 = tpu.vector_load %arg7[%swap3A_1118] {strides = array<i32>} : memref<256xi32, #tpu.memory_space<vmem>>, vector<16xi32>,
    %swap3A_1120 = vector.shape_cast %swap3A_1119 : vector<16xi32> to vector<16xi32>
    %swap3A_1121 = vector.shape_cast %add3A_1113 : vector<16xi32> to vector<16xi32>
    tpu.vector_store %arg7[%swap3A_1118], %swap3A_1121 {strides = array<i32>} : memref<256xi32, #tpu.memory_space<vmem>>, vector<16xi32>,
    %broadcast_in_dim3A_1122 = arith.constant 0 : i32
    %broadcast_in_dim3A_1123 = vector.broadcast %broadcast_in_dim3A_1122 : i32 to vector<16xi32>
    %broadcast_in_dim3A_1124 = arith.constant 0 : i32
    %broadcast_in_dim3A_1125 = vector.broadcast %broadcast_in_dim3A_1124 : i32 to vector<16xi32>
    %get3A_1126 = arith.constant 64 : i32
    %get3A_1127 = arith.index_cast %get3A_1126 : i32 to index
    %get3A_1128 = memref.load %arg8[%get3A_1127] : memref<272xi32, #tpu.memory_space<smem>>
    %broadcast_in_dim3A_1129 = vector.broadcast %get3A_1128 : i32 to vector<16xi32>
    %mul3A_1130 = arith.muli %broadcast_in_dim3A_1129, %sub3A_112 : vector<16xi32>
    %add3A_1131 = arith.addi %broadcast_in_dim3A_1123, %mul3A_1130 : vector<16xi32>
    %get3A_1132 = arith.constant 64 : i32
    %get3A_1133 = arith.index_cast %get3A_1132 : i32 to index
    %get3A_1134 = memref.load %arg9[%get3A_1133] : memref<272xi32, #tpu.memory_space<smem>>
    %broadcast_in_dim3A_1135 = vector.broadcast %get3A_1134 : i32 to vector<16xi32>
    %mul3A_1136 = arith.muli %broadcast_in_dim3A_1135, %sub3A_112 : vector<16xi32>
    %add3A_1137 = arith.addi %broadcast_in_dim3A_1125, %mul3A_1136 : vector<16xi32>
    %get3A_1138 = arith.constant 65 : i32
    %get3A_1139 = arith.index_cast %get3A_1138 : i32 to index
    %get3A_1140 = memref.load %arg8[%get3A_1139] : memref<272xi32, #tpu.memory_space<smem>>
    %broadcast_in_dim3A_1141 = vector.broadcast %get3A_1140 : i32 to vector<16xi32>
    %mul3A_1142 = arith.muli %broadcast_in_dim3A_1141, %sub3A_125 : vector<16xi32>
    %add3A_1143 = arith.addi %add3A_1131, %mul3A_1142 : vector<16xi32>
    %get3A_1144 = arith.constant 65 : i32
    %get3A_1145 = arith.index_cast %get3A_1144 : i32 to index
    %get3A_1146 = memref.load %arg9[%get3A_1145] : memref<272xi32, #tpu.memory_space<smem>>
    %broadcast_in_dim3A_1147 = vector.broadcast %get3A_1146 : i32 to vector<16xi32>
    %mul3A_1148 = arith.muli %broadcast_in_dim3A_1147, %sub3A_125 : vector<16xi32>
    %add3A_1149 = arith.addi %add3A_1137, %mul3A_1148 : vector<16xi32>
    %get3A_1150 = arith.constant 66 : i32
    %get3A_1151 = arith.index_cast %get3A_1150 : i32 to index
    %get3A_1152 = memref.load %arg8[%get3A_1151] : memref<272xi32, #tpu.memory_space<smem>>
    %broadcast_in_dim3A_1153 = vector.broadcast %get3A_1152 : i32 to vector<16xi32>
    %mul3A_1154 = arith.muli %broadcast_in_dim3A_1153, %sub3A_138 : vector<16xi32>
    %add3A_1155 = arith.addi %add3A_1143, %mul3A_1154 : vector<16xi32>
    %get3A_1156 = arith.constant 66 : i32
    %get3A_1157 = arith.index_cast %get3A_1156 : i32 to index
    %get3A_1158 = memref.load %arg9[%get3A_1157] : memref<272xi32, #tpu.memory_space<smem>>
    %broadcast_in_dim3A_1159 = vector.broadcast %get3A_1158 : i32 to vector<16xi32>
    %mul3A_1160 = arith.muli %broadcast_in_dim3A_1159, %sub3A_138 : vector<16xi32>
    %add3A_1161 = arith.addi %add3A_1149, %mul3A_1160 : vector<16xi32>
    %get3A_1162 = arith.constant 67 : i32
    %get3A_1163 = arith.index_cast %get3A_1162 : i32 to index
    %get3A_1164 = memref.load %arg8[%get3A_1163] : memref<272xi32, #tpu.memory_space<smem>>
    %broadcast_in_dim3A_1165 = vector.broadcast %get3A_1164 : i32 to vector<16xi32>
    %mul3A_1166 = arith.muli %broadcast_in_dim3A_1165, %sub3A_151 : vector<16xi32>
    %add3A_1167 = arith.addi %add3A_1155, %mul3A_1166 : vector<16xi32>
    %get3A_1168 = arith.constant 67 : i32
    %get3A_1169 = arith.index_cast %get3A_1168 : i32 to index
    %get3A_1170 = memref.load %arg9[%get3A_1169] : memref<272xi32, #tpu.memory_space<smem>>
    %broadcast_in_dim3A_1171 = vector.broadcast %get3A_1170 : i32 to vector<16xi32>
    %mul3A_1172 = arith.muli %broadcast_in_dim3A_1171, %sub3A_151 : vector<16xi32>
    %add3A_1173 = arith.addi %add3A_1161, %mul3A_1172 : vector<16xi32>
    %get3A_1174 = arith.constant 68 : i32
    %get3A_1175 = arith.index_cast %get3A_1174 : i32 to index
    %get3A_1176 = memref.load %arg8[%get3A_1175] : memref<272xi32, #tpu.memory_space<smem>>
    %broadcast_in_dim3A_1177 = vector.broadcast %get3A_1176 : i32 to vector<16xi32>
    %mul3A_1178 = arith.muli %broadcast_in_dim3A_1177, %sub3A_164 : vector<16xi32>
    %add3A_1179 = arith.addi %add3A_1167, %mul3A_1178 : vector<16xi32>
    %get3A_1180 = arith.constant 68 : i32
    %get3A_1181 = arith.index_cast %get3A_1180 : i32 to index
    %get3A_1182 = memref.load %arg9[%get3A_1181] : memref<272xi32, #tpu.memory_space<smem>>
    %broadcast_in_dim3A_1183 = vector.broadcast %get3A_1182 : i32 to vector<16xi32>
    %mul3A_1184 = arith.muli %broadcast_in_dim3A_1183, %sub3A_164 : vector<16xi32>
    %add3A_1185 = arith.addi %add3A_1173, %mul3A_1184 : vector<16xi32>
    %get3A_1186 = arith.constant 69 : i32
    %get3A_1187 = arith.index_cast %get3A_1186 : i32 to index
    %get3A_1188 = memref.load %arg8[%get3A_1187] : memref<272xi32, #tpu.memory_space<smem>>
    %broadcast_in_dim3A_1189 = vector.broadcast %get3A_1188 : i32 to vector<16xi32>
    %mul3A_1190 = arith.muli %broadcast_in_dim3A_1189, %sub3A_177 : vector<16xi32>
    %add3A_1191 = arith.addi %add3A_1179, %mul3A_1190 : vector<16xi32>
    %get3A_1192 = arith.constant 69 : i32
    %get3A_1193 = arith.index_cast %get3A_1192 : i32 to index
    %get3A_1194 = memref.load %arg9[%get3A_1193] : memref<272xi32, #tpu.memory_space<smem>>
    %broadcast_in_dim3A_1195 = vector.broadcast %get3A_1194 : i32 to vector<16xi32>
    %mul3A_1196 = arith.muli %broadcast_in_dim3A_1195, %sub3A_177 : vector<16xi32>
    %add3A_1197 = arith.addi %add3A_1185, %mul3A_1196 : vector<16xi32>
    %get3A_1198 = arith.constant 70 : i32
    %get3A_1199 = arith.index_cast %get3A_1198 : i32 to index
    %get3A_1200 = memref.load %arg8[%get3A_1199] : memref<272xi32, #tpu.memory_space<smem>>
    %broadcast_in_dim3A_1201 = vector.broadcast %get3A_1200 : i32 to vector<16xi32>
    %mul3A_1202 = arith.muli %broadcast_in_dim3A_1201, %sub3A_190 : vector<16xi32>
    %add3A_1203 = arith.addi %add3A_1191, %mul3A_1202 : vector<16xi32>
    %get3A_1204 = arith.constant 70 : i32
    %get3A_1205 = arith.index_cast %get3A_1204 : i32 to index
    %get3A_1206 = memref.load %arg9[%get3A_1205] : memref<272xi32, #tpu.memory_space<smem>>
    %broadcast_in_dim3A_1207 = vector.broadcast %get3A_1206 : i32 to vector<16xi32>
    %mul3A_1208 = arith.muli %broadcast_in_dim3A_1207, %sub3A_190 : vector<16xi32>
    %add3A_1209 = arith.addi %add3A_1197, %mul3A_1208 : vector<16xi32>
    %get3A_1210 = arith.constant 71 : i32
    %get3A_1211 = arith.index_cast %get3A_1210 : i32 to index
    %get3A_1212 = memref.load %arg8[%get3A_1211] : memref<272xi32, #tpu.memory_space<smem>>
    %broadcast_in_dim3A_1213 = vector.broadcast %get3A_1212 : i32 to vector<16xi32>
    %mul3A_1214 = arith.muli %broadcast_in_dim3A_1213, %sub3A_203 : vector<16xi32>
    %add3A_1215 = arith.addi %add3A_1203, %mul3A_1214 : vector<16xi32>
    %get3A_1216 = arith.constant 71 : i32
    %get3A_1217 = arith.index_cast %get3A_1216 : i32 to index
    %get3A_1218 = memref.load %arg9[%get3A_1217] : memref<272xi32, #tpu.memory_space<smem>>
    %broadcast_in_dim3A_1219 = vector.broadcast %get3A_1218 : i32 to vector<16xi32>
    %mul3A_1220 = arith.muli %broadcast_in_dim3A_1219, %sub3A_203 : vector<16xi32>
    %add3A_1221 = arith.addi %add3A_1209, %mul3A_1220 : vector<16xi32>
    %get3A_1222 = arith.constant 72 : i32
    %get3A_1223 = arith.index_cast %get3A_1222 : i32 to index
    %get3A_1224 = memref.load %arg8[%get3A_1223] : memref<272xi32, #tpu.memory_space<smem>>
    %broadcast_in_dim3A_1225 = vector.broadcast %get3A_1224 : i32 to vector<16xi32>
    %mul3A_1226 = arith.muli %broadcast_in_dim3A_1225, %sub3A_216 : vector<16xi32>
    %add3A_1227 = arith.addi %add3A_1215, %mul3A_1226 : vector<16xi32>
    %get3A_1228 = arith.constant 72 : i32
    %get3A_1229 = arith.index_cast %get3A_1228 : i32 to index
    %get3A_1230 = memref.load %arg9[%get3A_1229] : memref<272xi32, #tpu.memory_space<smem>>
    %broadcast_in_dim3A_1231 = vector.broadcast %get3A_1230 : i32 to vector<16xi32>
    %mul3A_1232 = arith.muli %broadcast_in_dim3A_1231, %sub3A_216 : vector<16xi32>
    %add3A_1233 = arith.addi %add3A_1221, %mul3A_1232 : vector<16xi32>
    %get3A_1234 = arith.constant 73 : i32
    %get3A_1235 = arith.index_cast %get3A_1234 : i32 to index
    %get3A_1236 = memref.load %arg8[%get3A_1235] : memref<272xi32, #tpu.memory_space<smem>>
    %broadcast_in_dim3A_1237 = vector.broadcast %get3A_1236 : i32 to vector<16xi32>
    %mul3A_1238 = arith.muli %broadcast_in_dim3A_1237, %sub3A_229 : vector<16xi32>
    %add3A_1239 = arith.addi %add3A_1227, %mul3A_1238 : vector<16xi32>
    %get3A_1240 = arith.constant 73 : i32
    %get3A_1241 = arith.index_cast %get3A_1240 : i32 to index
    %get3A_1242 = memref.load %arg9[%get3A_1241] : memref<272xi32, #tpu.memory_space<smem>>
    %broadcast_in_dim3A_1243 = vector.broadcast %get3A_1242 : i32 to vector<16xi32>
    %mul3A_1244 = arith.muli %broadcast_in_dim3A_1243, %sub3A_229 : vector<16xi32>
    %add3A_1245 = arith.addi %add3A_1233, %mul3A_1244 : vector<16xi32>
    %get3A_1246 = arith.constant 74 : i32
    %get3A_1247 = arith.index_cast %get3A_1246 : i32 to index
    %get3A_1248 = memref.load %arg8[%get3A_1247] : memref<272xi32, #tpu.memory_space<smem>>
    %broadcast_in_dim3A_1249 = vector.broadcast %get3A_1248 : i32 to vector<16xi32>
    %mul3A_1250 = arith.muli %broadcast_in_dim3A_1249, %sub3A_242 : vector<16xi32>
    %add3A_1251 = arith.addi %add3A_1239, %mul3A_1250 : vector<16xi32>
    %get3A_1252 = arith.constant 74 : i32
    %get3A_1253 = arith.index_cast %get3A_1252 : i32 to index
    %get3A_1254 = memref.load %arg9[%get3A_1253] : memref<272xi32, #tpu.memory_space<smem>>
    %broadcast_in_dim3A_1255 = vector.broadcast %get3A_1254 : i32 to vector<16xi32>
    %mul3A_1256 = arith.muli %broadcast_in_dim3A_1255, %sub3A_242 : vector<16xi32>
    %add3A_1257 = arith.addi %add3A_1245, %mul3A_1256 : vector<16xi32>
    %get3A_1258 = arith.constant 75 : i32
    %get3A_1259 = arith.index_cast %get3A_1258 : i32 to index
    %get3A_1260 = memref.load %arg8[%get3A_1259] : memref<272xi32, #tpu.memory_space<smem>>
    %broadcast_in_dim3A_1261 = vector.broadcast %get3A_1260 : i32 to vector<16xi32>
    %mul3A_1262 = arith.muli %broadcast_in_dim3A_1261, %sub3A_255 : vector<16xi32>
    %add3A_1263 = arith.addi %add3A_1251, %mul3A_1262 : vector<16xi32>
    %get3A_1264 = arith.constant 75 : i32
    %get3A_1265 = arith.index_cast %get3A_1264 : i32 to index
    %get3A_1266 = memref.load %arg9[%get3A_1265] : memref<272xi32, #tpu.memory_space<smem>>
    %broadcast_in_dim3A_1267 = vector.broadcast %get3A_1266 : i32 to vector<16xi32>
    %mul3A_1268 = arith.muli %broadcast_in_dim3A_1267, %sub3A_255 : vector<16xi32>
    %add3A_1269 = arith.addi %add3A_1257, %mul3A_1268 : vector<16xi32>
    %get3A_1270 = arith.constant 76 : i32
    %get3A_1271 = arith.index_cast %get3A_1270 : i32 to index
    %get3A_1272 = memref.load %arg8[%get3A_1271] : memref<272xi32, #tpu.memory_space<smem>>
    %broadcast_in_dim3A_1273 = vector.broadcast %get3A_1272 : i32 to vector<16xi32>
    %mul3A_1274 = arith.muli %broadcast_in_dim3A_1273, %sub3A_268 : vector<16xi32>
    %add3A_1275 = arith.addi %add3A_1263, %mul3A_1274 : vector<16xi32>
    %get3A_1276 = arith.constant 76 : i32
    %get3A_1277 = arith.index_cast %get3A_1276 : i32 to index
    %get3A_1278 = memref.load %arg9[%get3A_1277] : memref<272xi32, #tpu.memory_space<smem>>
    %broadcast_in_dim3A_1279 = vector.broadcast %get3A_1278 : i32 to vector<16xi32>
    %mul3A_1280 = arith.muli %broadcast_in_dim3A_1279, %sub3A_268 : vector<16xi32>
    %add3A_1281 = arith.addi %add3A_1269, %mul3A_1280 : vector<16xi32>
    %get3A_1282 = arith.constant 77 : i32
    %get3A_1283 = arith.index_cast %get3A_1282 : i32 to index
    %get3A_1284 = memref.load %arg8[%get3A_1283] : memref<272xi32, #tpu.memory_space<smem>>
    %broadcast_in_dim3A_1285 = vector.broadcast %get3A_1284 : i32 to vector<16xi32>
    %mul3A_1286 = arith.muli %broadcast_in_dim3A_1285, %sub3A_281 : vector<16xi32>
    %add3A_1287 = arith.addi %add3A_1275, %mul3A_1286 : vector<16xi32>
    %get3A_1288 = arith.constant 77 : i32
    %get3A_1289 = arith.index_cast %get3A_1288 : i32 to index
    %get3A_1290 = memref.load %arg9[%get3A_1289] : memref<272xi32, #tpu.memory_space<smem>>
    %broadcast_in_dim3A_1291 = vector.broadcast %get3A_1290 : i32 to vector<16xi32>
    %mul3A_1292 = arith.muli %broadcast_in_dim3A_1291, %sub3A_281 : vector<16xi32>
    %add3A_1293 = arith.addi %add3A_1281, %mul3A_1292 : vector<16xi32>
    %get3A_1294 = arith.constant 78 : i32
    %get3A_1295 = arith.index_cast %get3A_1294 : i32 to index
    %get3A_1296 = memref.load %arg8[%get3A_1295] : memref<272xi32, #tpu.memory_space<smem>>
    %broadcast_in_dim3A_1297 = vector.broadcast %get3A_1296 : i32 to vector<16xi32>
    %mul3A_1298 = arith.muli %broadcast_in_dim3A_1297, %sub3A_294 : vector<16xi32>
    %add3A_1299 = arith.addi %add3A_1287, %mul3A_1298 : vector<16xi32>
    %get3A_1300 = arith.constant 78 : i32
    %get3A_1301 = arith.index_cast %get3A_1300 : i32 to index
    %get3A_1302 = memref.load %arg9[%get3A_1301] : memref<272xi32, #tpu.memory_space<smem>>
    %broadcast_in_dim3A_1303 = vector.broadcast %get3A_1302 : i32 to vector<16xi32>
    %mul3A_1304 = arith.muli %broadcast_in_dim3A_1303, %sub3A_294 : vector<16xi32>
    %add3A_1305 = arith.addi %add3A_1293, %mul3A_1304 : vector<16xi32>
    %get3A_1306 = arith.constant 79 : i32
    %get3A_1307 = arith.index_cast %get3A_1306 : i32 to index
    %get3A_1308 = memref.load %arg8[%get3A_1307] : memref<272xi32, #tpu.memory_space<smem>>
    %broadcast_in_dim3A_1309 = vector.broadcast %get3A_1308 : i32 to vector<16xi32>
    %mul3A_1310 = arith.muli %broadcast_in_dim3A_1309, %sub3A_307 : vector<16xi32>
    %add3A_1311 = arith.addi %add3A_1299, %mul3A_1310 : vector<16xi32>
    %get3A_1312 = arith.constant 79 : i32
    %get3A_1313 = arith.index_cast %get3A_1312 : i32 to index
    %get3A_1314 = memref.load %arg9[%get3A_1313] : memref<272xi32, #tpu.memory_space<smem>>
    %broadcast_in_dim3A_1315 = vector.broadcast %get3A_1314 : i32 to vector<16xi32>
    %mul3A_1316 = arith.muli %broadcast_in_dim3A_1315, %sub3A_307 : vector<16xi32>
    %add3A_1317 = arith.addi %add3A_1305, %mul3A_1316 : vector<16xi32>
    %swap3A_1318 = arith.constant 64 : index
    %swap3A_1319 = tpu.vector_load %arg6[%swap3A_1318] {strides = array<i32>} : memref<256xi32, #tpu.memory_space<vmem>>, vector<16xi32>,
    %swap3A_1320 = vector.shape_cast %swap3A_1319 : vector<16xi32> to vector<16xi32>
    %swap3A_1321 = vector.shape_cast %add3A_1311 : vector<16xi32> to vector<16xi32>
    tpu.vector_store %arg6[%swap3A_1318], %swap3A_1321 {strides = array<i32>} : memref<256xi32, #tpu.memory_space<vmem>>, vector<16xi32>,
    %swap3A_1322 = arith.constant 64 : index
    %swap3A_1323 = tpu.vector_load %arg7[%swap3A_1322] {strides = array<i32>} : memref<256xi32, #tpu.memory_space<vmem>>, vector<16xi32>,
    %swap3A_1324 = vector.shape_cast %swap3A_1323 : vector<16xi32> to vector<16xi32>
    %swap3A_1325 = vector.shape_cast %add3A_1317 : vector<16xi32> to vector<16xi32>
    tpu.vector_store %arg7[%swap3A_1322], %swap3A_1325 {strides = array<i32>} : memref<256xi32, #tpu.memory_space<vmem>>, vector<16xi32>,
    %broadcast_in_dim3A_1326 = arith.constant 0 : i32
    %broadcast_in_dim3A_1327 = vector.broadcast %broadcast_in_dim3A_1326 : i32 to vector<16xi32>
    %broadcast_in_dim3A_1328 = arith.constant 0 : i32
    %broadcast_in_dim3A_1329 = vector.broadcast %broadcast_in_dim3A_1328 : i32 to vector<16xi32>
    %get3A_1330 = arith.constant 80 : i32
    %get3A_1331 = arith.index_cast %get3A_1330 : i32 to index
    %get3A_1332 = memref.load %arg8[%get3A_1331] : memref<272xi32, #tpu.memory_space<smem>>
    %broadcast_in_dim3A_1333 = vector.broadcast %get3A_1332 : i32 to vector<16xi32>
    %mul3A_1334 = arith.muli %broadcast_in_dim3A_1333, %sub3A_112 : vector<16xi32>
    %add3A_1335 = arith.addi %broadcast_in_dim3A_1327, %mul3A_1334 : vector<16xi32>
    %get3A_1336 = arith.constant 80 : i32
    %get3A_1337 = arith.index_cast %get3A_1336 : i32 to index
    %get3A_1338 = memref.load %arg9[%get3A_1337] : memref<272xi32, #tpu.memory_space<smem>>
    %broadcast_in_dim3A_1339 = vector.broadcast %get3A_1338 : i32 to vector<16xi32>
    %mul3A_1340 = arith.muli %broadcast_in_dim3A_1339, %sub3A_112 : vector<16xi32>
    %add3A_1341 = arith.addi %broadcast_in_dim3A_1329, %mul3A_1340 : vector<16xi32>
    %get3A_1342 = arith.constant 81 : i32
    %get3A_1343 = arith.index_cast %get3A_1342 : i32 to index
    %get3A_1344 = memref.load %arg8[%get3A_1343] : memref<272xi32, #tpu.memory_space<smem>>
    %broadcast_in_dim3A_1345 = vector.broadcast %get3A_1344 : i32 to vector<16xi32>
    %mul3A_1346 = arith.muli %broadcast_in_dim3A_1345, %sub3A_125 : vector<16xi32>
    %add3A_1347 = arith.addi %add3A_1335, %mul3A_1346 : vector<16xi32>
    %get3A_1348 = arith.constant 81 : i32
    %get3A_1349 = arith.index_cast %get3A_1348 : i32 to index
    %get3A_1350 = memref.load %arg9[%get3A_1349] : memref<272xi32, #tpu.memory_space<smem>>
    %broadcast_in_dim3A_1351 = vector.broadcast %get3A_1350 : i32 to vector<16xi32>
    %mul3A_1352 = arith.muli %broadcast_in_dim3A_1351, %sub3A_125 : vector<16xi32>
    %add3A_1353 = arith.addi %add3A_1341, %mul3A_1352 : vector<16xi32>
    %get3A_1354 = arith.constant 82 : i32
    %get3A_1355 = arith.index_cast %get3A_1354 : i32 to index
    %get3A_1356 = memref.load %arg8[%get3A_1355] : memref<272xi32, #tpu.memory_space<smem>>
    %broadcast_in_dim3A_1357 = vector.broadcast %get3A_1356 : i32 to vector<16xi32>
    %mul3A_1358 = arith.muli %broadcast_in_dim3A_1357, %sub3A_138 : vector<16xi32>
    %add3A_1359 = arith.addi %add3A_1347, %mul3A_1358 : vector<16xi32>
    %get3A_1360 = arith.constant 82 : i32
    %get3A_1361 = arith.index_cast %get3A_1360 : i32 to index
    %get3A_1362 = memref.load %arg9[%get3A_1361] : memref<272xi32, #tpu.memory_space<smem>>
    %broadcast_in_dim3A_1363 = vector.broadcast %get3A_1362 : i32 to vector<16xi32>
    %mul3A_1364 = arith.muli %broadcast_in_dim3A_1363, %sub3A_138 : vector<16xi32>
    %add3A_1365 = arith.addi %add3A_1353, %mul3A_1364 : vector<16xi32>
    %get3A_1366 = arith.constant 83 : i32
    %get3A_1367 = arith.index_cast %get3A_1366 : i32 to index
    %get3A_1368 = memref.load %arg8[%get3A_1367] : memref<272xi32, #tpu.memory_space<smem>>
    %broadcast_in_dim3A_1369 = vector.broadcast %get3A_1368 : i32 to vector<16xi32>
    %mul3A_1370 = arith.muli %broadcast_in_dim3A_1369, %sub3A_151 : vector<16xi32>
    %add3A_1371 = arith.addi %add3A_1359, %mul3A_1370 : vector<16xi32>
    %get3A_1372 = arith.constant 83 : i32
    %get3A_1373 = arith.index_cast %get3A_1372 : i32 to index
    %get3A_1374 = memref.load %arg9[%get3A_1373] : memref<272xi32, #tpu.memory_space<smem>>
    %broadcast_in_dim3A_1375 = vector.broadcast %get3A_1374 : i32 to vector<16xi32>
    %mul3A_1376 = arith.muli %broadcast_in_dim3A_1375, %sub3A_151 : vector<16xi32>
    %add3A_1377 = arith.addi %add3A_1365, %mul3A_1376 : vector<16xi32>
    %get3A_1378 = arith.constant 84 : i32
    %get3A_1379 = arith.index_cast %get3A_1378 : i32 to index
    %get3A_1380 = memref.load %arg8[%get3A_1379] : memref<272xi32, #tpu.memory_space<smem>>
    %broadcast_in_dim3A_1381 = vector.broadcast %get3A_1380 : i32 to vector<16xi32>
    %mul3A_1382 = arith.muli %broadcast_in_dim3A_1381, %sub3A_164 : vector<16xi32>
    %add3A_1383 = arith.addi %add3A_1371, %mul3A_1382 : vector<16xi32>
    %get3A_1384 = arith.constant 84 : i32
    %get3A_1385 = arith.index_cast %get3A_1384 : i32 to index
    %get3A_1386 = memref.load %arg9[%get3A_1385] : memref<272xi32, #tpu.memory_space<smem>>
    %broadcast_in_dim3A_1387 = vector.broadcast %get3A_1386 : i32 to vector<16xi32>
    %mul3A_1388 = arith.muli %broadcast_in_dim3A_1387, %sub3A_164 : vector<16xi32>
    %add3A_1389 = arith.addi %add3A_1377, %mul3A_1388 : vector<16xi32>
    %get3A_1390 = arith.constant 85 : i32
    %get3A_1391 = arith.index_cast %get3A_1390 : i32 to index
    %get3A_1392 = memref.load %arg8[%get3A_1391] : memref<272xi32, #tpu.memory_space<smem>>
    %broadcast_in_dim3A_1393 = vector.broadcast %get3A_1392 : i32 to vector<16xi32>
    %mul3A_1394 = arith.muli %broadcast_in_dim3A_1393, %sub3A_177 : vector<16xi32>
    %add3A_1395 = arith.addi %add3A_1383, %mul3A_1394 : vector<16xi32>
    %get3A_1396 = arith.constant 85 : i32
    %get3A_1397 = arith.index_cast %get3A_1396 : i32 to index
    %get3A_1398 = memref.load %arg9[%get3A_1397] : memref<272xi32, #tpu.memory_space<smem>>
    %broadcast_in_dim3A_1399 = vector.broadcast %get3A_1398 : i32 to vector<16xi32>
    %mul3A_1400 = arith.muli %broadcast_in_dim3A_1399, %sub3A_177 : vector<16xi32>
    %add3A_1401 = arith.addi %add3A_1389, %mul3A_1400 : vector<16xi32>
    %get3A_1402 = arith.constant 86 : i32
    %get3A_1403 = arith.index_cast %get3A_1402 : i32 to index
    %get3A_1404 = memref.load %arg8[%get3A_1403] : memref<272xi32, #tpu.memory_space<smem>>
    %broadcast_in_dim3A_1405 = vector.broadcast %get3A_1404 : i32 to vector<16xi32>
    %mul3A_1406 = arith.muli %broadcast_in_dim3A_1405, %sub3A_190 : vector<16xi32>
    %add3A_1407 = arith.addi %add3A_1395, %mul3A_1406 : vector<16xi32>
    %get3A_1408 = arith.constant 86 : i32
    %get3A_1409 = arith.index_cast %get3A_1408 : i32 to index
    %get3A_1410 = memref.load %arg9[%get3A_1409] : memref<272xi32, #tpu.memory_space<smem>>
    %broadcast_in_dim3A_1411 = vector.broadcast %get3A_1410 : i32 to vector<16xi32>
    %mul3A_1412 = arith.muli %broadcast_in_dim3A_1411, %sub3A_190 : vector<16xi32>
    %add3A_1413 = arith.addi %add3A_1401, %mul3A_1412 : vector<16xi32>
    %get3A_1414 = arith.constant 87 : i32
    %get3A_1415 = arith.index_cast %get3A_1414 : i32 to index
    %get3A_1416 = memref.load %arg8[%get3A_1415] : memref<272xi32, #tpu.memory_space<smem>>
    %broadcast_in_dim3A_1417 = vector.broadcast %get3A_1416 : i32 to vector<16xi32>
    %mul3A_1418 = arith.muli %broadcast_in_dim3A_1417, %sub3A_203 : vector<16xi32>
    %add3A_1419 = arith.addi %add3A_1407, %mul3A_1418 : vector<16xi32>
    %get3A_1420 = arith.constant 87 : i32
    %get3A_1421 = arith.index_cast %get3A_1420 : i32 to index
    %get3A_1422 = memref.load %arg9[%get3A_1421] : memref<272xi32, #tpu.memory_space<smem>>
    %broadcast_in_dim3A_1423 = vector.broadcast %get3A_1422 : i32 to vector<16xi32>
    %mul3A_1424 = arith.muli %broadcast_in_dim3A_1423, %sub3A_203 : vector<16xi32>
    %add3A_1425 = arith.addi %add3A_1413, %mul3A_1424 : vector<16xi32>
    %get3A_1426 = arith.constant 88 : i32
    %get3A_1427 = arith.index_cast %get3A_1426 : i32 to index
    %get3A_1428 = memref.load %arg8[%get3A_1427] : memref<272xi32, #tpu.memory_space<smem>>
    %broadcast_in_dim3A_1429 = vector.broadcast %get3A_1428 : i32 to vector<16xi32>
    %mul3A_1430 = arith.muli %broadcast_in_dim3A_1429, %sub3A_216 : vector<16xi32>
    %add3A_1431 = arith.addi %add3A_1419, %mul3A_1430 : vector<16xi32>
    %get3A_1432 = arith.constant 88 : i32
    %get3A_1433 = arith.index_cast %get3A_1432 : i32 to index
    %get3A_1434 = memref.load %arg9[%get3A_1433] : memref<272xi32, #tpu.memory_space<smem>>
    %broadcast_in_dim3A_1435 = vector.broadcast %get3A_1434 : i32 to vector<16xi32>
    %mul3A_1436 = arith.muli %broadcast_in_dim3A_1435, %sub3A_216 : vector<16xi32>
    %add3A_1437 = arith.addi %add3A_1425, %mul3A_1436 : vector<16xi32>
    %get3A_1438 = arith.constant 89 : i32
    %get3A_1439 = arith.index_cast %get3A_1438 : i32 to index
    %get3A_1440 = memref.load %arg8[%get3A_1439] : memref<272xi32, #tpu.memory_space<smem>>
    %broadcast_in_dim3A_1441 = vector.broadcast %get3A_1440 : i32 to vector<16xi32>
    %mul3A_1442 = arith.muli %broadcast_in_dim3A_1441, %sub3A_229 : vector<16xi32>
    %add3A_1443 = arith.addi %add3A_1431, %mul3A_1442 : vector<16xi32>
    %get3A_1444 = arith.constant 89 : i32
    %get3A_1445 = arith.index_cast %get3A_1444 : i32 to index
    %get3A_1446 = memref.load %arg9[%get3A_1445] : memref<272xi32, #tpu.memory_space<smem>>
    %broadcast_in_dim3A_1447 = vector.broadcast %get3A_1446 : i32 to vector<16xi32>
    %mul3A_1448 = arith.muli %broadcast_in_dim3A_1447, %sub3A_229 : vector<16xi32>
    %add3A_1449 = arith.addi %add3A_1437, %mul3A_1448 : vector<16xi32>
    %get3A_1450 = arith.constant 90 : i32
    %get3A_1451 = arith.index_cast %get3A_1450 : i32 to index
    %get3A_1452 = memref.load %arg8[%get3A_1451] : memref<272xi32, #tpu.memory_space<smem>>
    %broadcast_in_dim3A_1453 = vector.broadcast %get3A_1452 : i32 to vector<16xi32>
    %mul3A_1454 = arith.muli %broadcast_in_dim3A_1453, %sub3A_242 : vector<16xi32>
    %add3A_1455 = arith.addi %add3A_1443, %mul3A_1454 : vector<16xi32>
    %get3A_1456 = arith.constant 90 : i32
    %get3A_1457 = arith.index_cast %get3A_1456 : i32 to index
    %get3A_1458 = memref.load %arg9[%get3A_1457] : memref<272xi32, #tpu.memory_space<smem>>
    %broadcast_in_dim3A_1459 = vector.broadcast %get3A_1458 : i32 to vector<16xi32>
    %mul3A_1460 = arith.muli %broadcast_in_dim3A_1459, %sub3A_242 : vector<16xi32>
    %add3A_1461 = arith.addi %add3A_1449, %mul3A_1460 : vector<16xi32>
    %get3A_1462 = arith.constant 91 : i32
    %get3A_1463 = arith.index_cast %get3A_1462 : i32 to index
    %get3A_1464 = memref.load %arg8[%get3A_1463] : memref<272xi32, #tpu.memory_space<smem>>
    %broadcast_in_dim3A_1465 = vector.broadcast %get3A_1464 : i32 to vector<16xi32>
    %mul3A_1466 = arith.muli %broadcast_in_dim3A_1465, %sub3A_255 : vector<16xi32>
    %add3A_1467 = arith.addi %add3A_1455, %mul3A_1466 : vector<16xi32>
    %get3A_1468 = arith.constant 91 : i32
    %get3A_1469 = arith.index_cast %get3A_1468 : i32 to index
    %get3A_1470 = memref.load %arg9[%get3A_1469] : memref<272xi32, #tpu.memory_space<smem>>
    %broadcast_in_dim3A_1471 = vector.broadcast %get3A_1470 : i32 to vector<16xi32>
    %mul3A_1472 = arith.muli %broadcast_in_dim3A_1471, %sub3A_255 : vector<16xi32>
    %add3A_1473 = arith.addi %add3A_1461, %mul3A_1472 : vector<16xi32>
    %get3A_1474 = arith.constant 92 : i32
    %get3A_1475 = arith.index_cast %get3A_1474 : i32 to index
    %get3A_1476 = memref.load %arg8[%get3A_1475] : memref<272xi32, #tpu.memory_space<smem>>
    %broadcast_in_dim3A_1477 = vector.broadcast %get3A_1476 : i32 to vector<16xi32>
    %mul3A_1478 = arith.muli %broadcast_in_dim3A_1477, %sub3A_268 : vector<16xi32>
    %add3A_1479 = arith.addi %add3A_1467, %mul3A_1478 : vector<16xi32>
    %get3A_1480 = arith.constant 92 : i32
    %get3A_1481 = arith.index_cast %get3A_1480 : i32 to index
    %get3A_1482 = memref.load %arg9[%get3A_1481] : memref<272xi32, #tpu.memory_space<smem>>
    %broadcast_in_dim3A_1483 = vector.broadcast %get3A_1482 : i32 to vector<16xi32>
    %mul3A_1484 = arith.muli %broadcast_in_dim3A_1483, %sub3A_268 : vector<16xi32>
    %add3A_1485 = arith.addi %add3A_1473, %mul3A_1484 : vector<16xi32>
    %get3A_1486 = arith.constant 93 : i32
    %get3A_1487 = arith.index_cast %get3A_1486 : i32 to index
    %get3A_1488 = memref.load %arg8[%get3A_1487] : memref<272xi32, #tpu.memory_space<smem>>
    %broadcast_in_dim3A_1489 = vector.broadcast %get3A_1488 : i32 to vector<16xi32>
    %mul3A_1490 = arith.muli %broadcast_in_dim3A_1489, %sub3A_281 : vector<16xi32>
    %add3A_1491 = arith.addi %add3A_1479, %mul3A_1490 : vector<16xi32>
    %get3A_1492 = arith.constant 93 : i32
    %get3A_1493 = arith.index_cast %get3A_1492 : i32 to index
    %get3A_1494 = memref.load %arg9[%get3A_1493] : memref<272xi32, #tpu.memory_space<smem>>
    %broadcast_in_dim3A_1495 = vector.broadcast %get3A_1494 : i32 to vector<16xi32>
    %mul3A_1496 = arith.muli %broadcast_in_dim3A_1495, %sub3A_281 : vector<16xi32>
    %add3A_1497 = arith.addi %add3A_1485, %mul3A_1496 : vector<16xi32>
    %get3A_1498 = arith.constant 94 : i32
    %get3A_1499 = arith.index_cast %get3A_1498 : i32 to index
    %get3A_1500 = memref.load %arg8[%get3A_1499] : memref<272xi32, #tpu.memory_space<smem>>
    %broadcast_in_dim3A_1501 = vector.broadcast %get3A_1500 : i32 to vector<16xi32>
    %mul3A_1502 = arith.muli %broadcast_in_dim3A_1501, %sub3A_294 : vector<16xi32>
    %add3A_1503 = arith.addi %add3A_1491, %mul3A_1502 : vector<16xi32>
    %get3A_1504 = arith.constant 94 : i32
    %get3A_1505 = arith.index_cast %get3A_1504 : i32 to index
    %get3A_1506 = memref.load %arg9[%get3A_1505] : memref<272xi32, #tpu.memory_space<smem>>
    %broadcast_in_dim3A_1507 = vector.broadcast %get3A_1506 : i32 to vector<16xi32>
    %mul3A_1508 = arith.muli %broadcast_in_dim3A_1507, %sub3A_294 : vector<16xi32>
    %add3A_1509 = arith.addi %add3A_1497, %mul3A_1508 : vector<16xi32>
    %get3A_1510 = arith.constant 95 : i32
    %get3A_1511 = arith.index_cast %get3A_1510 : i32 to index
    %get3A_1512 = memref.load %arg8[%get3A_1511] : memref<272xi32, #tpu.memory_space<smem>>
    %broadcast_in_dim3A_1513 = vector.broadcast %get3A_1512 : i32 to vector<16xi32>
    %mul3A_1514 = arith.muli %broadcast_in_dim3A_1513, %sub3A_307 : vector<16xi32>
    %add3A_1515 = arith.addi %add3A_1503, %mul3A_1514 : vector<16xi32>
    %get3A_1516 = arith.constant 95 : i32
    %get3A_1517 = arith.index_cast %get3A_1516 : i32 to index
    %get3A_1518 = memref.load %arg9[%get3A_1517] : memref<272xi32, #tpu.memory_space<smem>>
    %broadcast_in_dim3A_1519 = vector.broadcast %get3A_1518 : i32 to vector<16xi32>
    %mul3A_1520 = arith.muli %broadcast_in_dim3A_1519, %sub3A_307 : vector<16xi32>
    %add3A_1521 = arith.addi %add3A_1509, %mul3A_1520 : vector<16xi32>
    %swap3A_1522 = arith.constant 80 : index
    %swap3A_1523 = tpu.vector_load %arg6[%swap3A_1522] {strides = array<i32>} : memref<256xi32, #tpu.memory_space<vmem>>, vector<16xi32>,
    %swap3A_1524 = vector.shape_cast %swap3A_1523 : vector<16xi32> to vector<16xi32>
    %swap3A_1525 = vector.shape_cast %add3A_1515 : vector<16xi32> to vector<16xi32>
    tpu.vector_store %arg6[%swap3A_1522], %swap3A_1525 {strides = array<i32>} : memref<256xi32, #tpu.memory_space<vmem>>, vector<16xi32>,
    %swap3A_1526 = arith.constant 80 : index
    %swap3A_1527 = tpu.vector_load %arg7[%swap3A_1526] {strides = array<i32>} : memref<256xi32, #tpu.memory_space<vmem>>, vector<16xi32>,
    %swap3A_1528 = vector.shape_cast %swap3A_1527 : vector<16xi32> to vector<16xi32>
    %swap3A_1529 = vector.shape_cast %add3A_1521 : vector<16xi32> to vector<16xi32>
    tpu.vector_store %arg7[%swap3A_1526], %swap3A_1529 {strides = array<i32>} : memref<256xi32, #tpu.memory_space<vmem>>, vector<16xi32>,
    %broadcast_in_dim3A_1530 = arith.constant 0 : i32
    %broadcast_in_dim3A_1531 = vector.broadcast %broadcast_in_dim3A_1530 : i32 to vector<16xi32>
    %broadcast_in_dim3A_1532 = arith.constant 0 : i32
    %broadcast_in_dim3A_1533 = vector.broadcast %broadcast_in_dim3A_1532 : i32 to vector<16xi32>
    %get3A_1534 = arith.constant 96 : i32
    %get3A_1535 = arith.index_cast %get3A_1534 : i32 to index
    %get3A_1536 = memref.load %arg8[%get3A_1535] : memref<272xi32, #tpu.memory_space<smem>>
    %broadcast_in_dim3A_1537 = vector.broadcast %get3A_1536 : i32 to vector<16xi32>
    %mul3A_1538 = arith.muli %broadcast_in_dim3A_1537, %sub3A_112 : vector<16xi32>
    %add3A_1539 = arith.addi %broadcast_in_dim3A_1531, %mul3A_1538 : vector<16xi32>
    %get3A_1540 = arith.constant 96 : i32
    %get3A_1541 = arith.index_cast %get3A_1540 : i32 to index
    %get3A_1542 = memref.load %arg9[%get3A_1541] : memref<272xi32, #tpu.memory_space<smem>>
    %broadcast_in_dim3A_1543 = vector.broadcast %get3A_1542 : i32 to vector<16xi32>
    %mul3A_1544 = arith.muli %broadcast_in_dim3A_1543, %sub3A_112 : vector<16xi32>
    %add3A_1545 = arith.addi %broadcast_in_dim3A_1533, %mul3A_1544 : vector<16xi32>
    %get3A_1546 = arith.constant 97 : i32
    %get3A_1547 = arith.index_cast %get3A_1546 : i32 to index
    %get3A_1548 = memref.load %arg8[%get3A_1547] : memref<272xi32, #tpu.memory_space<smem>>
    %broadcast_in_dim3A_1549 = vector.broadcast %get3A_1548 : i32 to vector<16xi32>
    %mul3A_1550 = arith.muli %broadcast_in_dim3A_1549, %sub3A_125 : vector<16xi32>
    %add3A_1551 = arith.addi %add3A_1539, %mul3A_1550 : vector<16xi32>
    %get3A_1552 = arith.constant 97 : i32
    %get3A_1553 = arith.index_cast %get3A_1552 : i32 to index
    %get3A_1554 = memref.load %arg9[%get3A_1553] : memref<272xi32, #tpu.memory_space<smem>>
    %broadcast_in_dim3A_1555 = vector.broadcast %get3A_1554 : i32 to vector<16xi32>
    %mul3A_1556 = arith.muli %broadcast_in_dim3A_1555, %sub3A_125 : vector<16xi32>
    %add3A_1557 = arith.addi %add3A_1545, %mul3A_1556 : vector<16xi32>
    %get3A_1558 = arith.constant 98 : i32
    %get3A_1559 = arith.index_cast %get3A_1558 : i32 to index
    %get3A_1560 = memref.load %arg8[%get3A_1559] : memref<272xi32, #tpu.memory_space<smem>>
    %broadcast_in_dim3A_1561 = vector.broadcast %get3A_1560 : i32 to vector<16xi32>
    %mul3A_1562 = arith.muli %broadcast_in_dim3A_1561, %sub3A_138 : vector<16xi32>
    %add3A_1563 = arith.addi %add3A_1551, %mul3A_1562 : vector<16xi32>
    %get3A_1564 = arith.constant 98 : i32
    %get3A_1565 = arith.index_cast %get3A_1564 : i32 to index
    %get3A_1566 = memref.load %arg9[%get3A_1565] : memref<272xi32, #tpu.memory_space<smem>>
    %broadcast_in_dim3A_1567 = vector.broadcast %get3A_1566 : i32 to vector<16xi32>
    %mul3A_1568 = arith.muli %broadcast_in_dim3A_1567, %sub3A_138 : vector<16xi32>
    %add3A_1569 = arith.addi %add3A_1557, %mul3A_1568 : vector<16xi32>
    %get3A_1570 = arith.constant 99 : i32
    %get3A_1571 = arith.index_cast %get3A_1570 : i32 to index
    %get3A_1572 = memref.load %arg8[%get3A_1571] : memref<272xi32, #tpu.memory_space<smem>>
    %broadcast_in_dim3A_1573 = vector.broadcast %get3A_1572 : i32 to vector<16xi32>
    %mul3A_1574 = arith.muli %broadcast_in_dim3A_1573, %sub3A_151 : vector<16xi32>
    %add3A_1575 = arith.addi %add3A_1563, %mul3A_1574 : vector<16xi32>
    %get3A_1576 = arith.constant 99 : i32
    %get3A_1577 = arith.index_cast %get3A_1576 : i32 to index
    %get3A_1578 = memref.load %arg9[%get3A_1577] : memref<272xi32, #tpu.memory_space<smem>>
    %broadcast_in_dim3A_1579 = vector.broadcast %get3A_1578 : i32 to vector<16xi32>
    %mul3A_1580 = arith.muli %broadcast_in_dim3A_1579, %sub3A_151 : vector<16xi32>
    %add3A_1581 = arith.addi %add3A_1569, %mul3A_1580 : vector<16xi32>
    %get3A_1582 = arith.constant 100 : i32
    %get3A_1583 = arith.index_cast %get3A_1582 : i32 to index
    %get3A_1584 = memref.load %arg8[%get3A_1583] : memref<272xi32, #tpu.memory_space<smem>>
    %broadcast_in_dim3A_1585 = vector.broadcast %get3A_1584 : i32 to vector<16xi32>
    %mul3A_1586 = arith.muli %broadcast_in_dim3A_1585, %sub3A_164 : vector<16xi32>
    %add3A_1587 = arith.addi %add3A_1575, %mul3A_1586 : vector<16xi32>
    %get3A_1588 = arith.constant 100 : i32
    %get3A_1589 = arith.index_cast %get3A_1588 : i32 to index
    %get3A_1590 = memref.load %arg9[%get3A_1589] : memref<272xi32, #tpu.memory_space<smem>>
    %broadcast_in_dim3A_1591 = vector.broadcast %get3A_1590 : i32 to vector<16xi32>
    %mul3A_1592 = arith.muli %broadcast_in_dim3A_1591, %sub3A_164 : vector<16xi32>
    %add3A_1593 = arith.addi %add3A_1581, %mul3A_1592 : vector<16xi32>
    %get3A_1594 = arith.constant 101 : i32
    %get3A_1595 = arith.index_cast %get3A_1594 : i32 to index
    %get3A_1596 = memref.load %arg8[%get3A_1595] : memref<272xi32, #tpu.memory_space<smem>>
    %broadcast_in_dim3A_1597 = vector.broadcast %get3A_1596 : i32 to vector<16xi32>
    %mul3A_1598 = arith.muli %broadcast_in_dim3A_1597, %sub3A_177 : vector<16xi32>
    %add3A_1599 = arith.addi %add3A_1587, %mul3A_1598 : vector<16xi32>
    %get3A_1600 = arith.constant 101 : i32
    %get3A_1601 = arith.index_cast %get3A_1600 : i32 to index
    %get3A_1602 = memref.load %arg9[%get3A_1601] : memref<272xi32, #tpu.memory_space<smem>>
    %broadcast_in_dim3A_1603 = vector.broadcast %get3A_1602 : i32 to vector<16xi32>
    %mul3A_1604 = arith.muli %broadcast_in_dim3A_1603, %sub3A_177 : vector<16xi32>
    %add3A_1605 = arith.addi %add3A_1593, %mul3A_1604 : vector<16xi32>
    %get3A_1606 = arith.constant 102 : i32
    %get3A_1607 = arith.index_cast %get3A_1606 : i32 to index
    %get3A_1608 = memref.load %arg8[%get3A_1607] : memref<272xi32, #tpu.memory_space<smem>>
    %broadcast_in_dim3A_1609 = vector.broadcast %get3A_1608 : i32 to vector<16xi32>
    %mul3A_1610 = arith.muli %broadcast_in_dim3A_1609, %sub3A_190 : vector<16xi32>
    %add3A_1611 = arith.addi %add3A_1599, %mul3A_1610 : vector<16xi32>
    %get3A_1612 = arith.constant 102 : i32
    %get3A_1613 = arith.index_cast %get3A_1612 : i32 to index
    %get3A_1614 = memref.load %arg9[%get3A_1613] : memref<272xi32, #tpu.memory_space<smem>>
    %broadcast_in_dim3A_1615 = vector.broadcast %get3A_1614 : i32 to vector<16xi32>
    %mul3A_1616 = arith.muli %broadcast_in_dim3A_1615, %sub3A_190 : vector<16xi32>
    %add3A_1617 = arith.addi %add3A_1605, %mul3A_1616 : vector<16xi32>
    %get3A_1618 = arith.constant 103 : i32
    %get3A_1619 = arith.index_cast %get3A_1618 : i32 to index
    %get3A_1620 = memref.load %arg8[%get3A_1619] : memref<272xi32, #tpu.memory_space<smem>>
    %broadcast_in_dim3A_1621 = vector.broadcast %get3A_1620 : i32 to vector<16xi32>
    %mul3A_1622 = arith.muli %broadcast_in_dim3A_1621, %sub3A_203 : vector<16xi32>
    %add3A_1623 = arith.addi %add3A_1611, %mul3A_1622 : vector<16xi32>
    %get3A_1624 = arith.constant 103 : i32
    %get3A_1625 = arith.index_cast %get3A_1624 : i32 to index
    %get3A_1626 = memref.load %arg9[%get3A_1625] : memref<272xi32, #tpu.memory_space<smem>>
    %broadcast_in_dim3A_1627 = vector.broadcast %get3A_1626 : i32 to vector<16xi32>
    %mul3A_1628 = arith.muli %broadcast_in_dim3A_1627, %sub3A_203 : vector<16xi32>
    %add3A_1629 = arith.addi %add3A_1617, %mul3A_1628 : vector<16xi32>
    %get3A_1630 = arith.constant 104 : i32
    %get3A_1631 = arith.index_cast %get3A_1630 : i32 to index
    %get3A_1632 = memref.load %arg8[%get3A_1631] : memref<272xi32, #tpu.memory_space<smem>>
    %broadcast_in_dim3A_1633 = vector.broadcast %get3A_1632 : i32 to vector<16xi32>
    %mul3A_1634 = arith.muli %broadcast_in_dim3A_1633, %sub3A_216 : vector<16xi32>
    %add3A_1635 = arith.addi %add3A_1623, %mul3A_1634 : vector<16xi32>
    %get3A_1636 = arith.constant 104 : i32
    %get3A_1637 = arith.index_cast %get3A_1636 : i32 to index
    %get3A_1638 = memref.load %arg9[%get3A_1637] : memref<272xi32, #tpu.memory_space<smem>>
    %broadcast_in_dim3A_1639 = vector.broadcast %get3A_1638 : i32 to vector<16xi32>
    %mul3A_1640 = arith.muli %broadcast_in_dim3A_1639, %sub3A_216 : vector<16xi32>
    %add3A_1641 = arith.addi %add3A_1629, %mul3A_1640 : vector<16xi32>
    %get3A_1642 = arith.constant 105 : i32
    %get3A_1643 = arith.index_cast %get3A_1642 : i32 to index
    %get3A_1644 = memref.load %arg8[%get3A_1643] : memref<272xi32, #tpu.memory_space<smem>>
    %broadcast_in_dim3A_1645 = vector.broadcast %get3A_1644 : i32 to vector<16xi32>
    %mul3A_1646 = arith.muli %broadcast_in_dim3A_1645, %sub3A_229 : vector<16xi32>
    %add3A_1647 = arith.addi %add3A_1635, %mul3A_1646 : vector<16xi32>
    %get3A_1648 = arith.constant 105 : i32
    %get3A_1649 = arith.index_cast %get3A_1648 : i32 to index
    %get3A_1650 = memref.load %arg9[%get3A_1649] : memref<272xi32, #tpu.memory_space<smem>>
    %broadcast_in_dim3A_1651 = vector.broadcast %get3A_1650 : i32 to vector<16xi32>
    %mul3A_1652 = arith.muli %broadcast_in_dim3A_1651, %sub3A_229 : vector<16xi32>
    %add3A_1653 = arith.addi %add3A_1641, %mul3A_1652 : vector<16xi32>
    %get3A_1654 = arith.constant 106 : i32
    %get3A_1655 = arith.index_cast %get3A_1654 : i32 to index
    %get3A_1656 = memref.load %arg8[%get3A_1655] : memref<272xi32, #tpu.memory_space<smem>>
    %broadcast_in_dim3A_1657 = vector.broadcast %get3A_1656 : i32 to vector<16xi32>
    %mul3A_1658 = arith.muli %broadcast_in_dim3A_1657, %sub3A_242 : vector<16xi32>
    %add3A_1659 = arith.addi %add3A_1647, %mul3A_1658 : vector<16xi32>
    %get3A_1660 = arith.constant 106 : i32
    %get3A_1661 = arith.index_cast %get3A_1660 : i32 to index
    %get3A_1662 = memref.load %arg9[%get3A_1661] : memref<272xi32, #tpu.memory_space<smem>>
    %broadcast_in_dim3A_1663 = vector.broadcast %get3A_1662 : i32 to vector<16xi32>
    %mul3A_1664 = arith.muli %broadcast_in_dim3A_1663, %sub3A_242 : vector<16xi32>
    %add3A_1665 = arith.addi %add3A_1653, %mul3A_1664 : vector<16xi32>
    %get3A_1666 = arith.constant 107 : i32
    %get3A_1667 = arith.index_cast %get3A_1666 : i32 to index
    %get3A_1668 = memref.load %arg8[%get3A_1667] : memref<272xi32, #tpu.memory_space<smem>>
    %broadcast_in_dim3A_1669 = vector.broadcast %get3A_1668 : i32 to vector<16xi32>
    %mul3A_1670 = arith.muli %broadcast_in_dim3A_1669, %sub3A_255 : vector<16xi32>
    %add3A_1671 = arith.addi %add3A_1659, %mul3A_1670 : vector<16xi32>
    %get3A_1672 = arith.constant 107 : i32
    %get3A_1673 = arith.index_cast %get3A_1672 : i32 to index
    %get3A_1674 = memref.load %arg9[%get3A_1673] : memref<272xi32, #tpu.memory_space<smem>>
    %broadcast_in_dim3A_1675 = vector.broadcast %get3A_1674 : i32 to vector<16xi32>
    %mul3A_1676 = arith.muli %broadcast_in_dim3A_1675, %sub3A_255 : vector<16xi32>
    %add3A_1677 = arith.addi %add3A_1665, %mul3A_1676 : vector<16xi32>
    %get3A_1678 = arith.constant 108 : i32
    %get3A_1679 = arith.index_cast %get3A_1678 : i32 to index
    %get3A_1680 = memref.load %arg8[%get3A_1679] : memref<272xi32, #tpu.memory_space<smem>>
    %broadcast_in_dim3A_1681 = vector.broadcast %get3A_1680 : i32 to vector<16xi32>
    %mul3A_1682 = arith.muli %broadcast_in_dim3A_1681, %sub3A_268 : vector<16xi32>
    %add3A_1683 = arith.addi %add3A_1671, %mul3A_1682 : vector<16xi32>
    %get3A_1684 = arith.constant 108 : i32
    %get3A_1685 = arith.index_cast %get3A_1684 : i32 to index
    %get3A_1686 = memref.load %arg9[%get3A_1685] : memref<272xi32, #tpu.memory_space<smem>>
    %broadcast_in_dim3A_1687 = vector.broadcast %get3A_1686 : i32 to vector<16xi32>
    %mul3A_1688 = arith.muli %broadcast_in_dim3A_1687, %sub3A_268 : vector<16xi32>
    %add3A_1689 = arith.addi %add3A_1677, %mul3A_1688 : vector<16xi32>
    %get3A_1690 = arith.constant 109 : i32
    %get3A_1691 = arith.index_cast %get3A_1690 : i32 to index
    %get3A_1692 = memref.load %arg8[%get3A_1691] : memref<272xi32, #tpu.memory_space<smem>>
    %broadcast_in_dim3A_1693 = vector.broadcast %get3A_1692 : i32 to vector<16xi32>
    %mul3A_1694 = arith.muli %broadcast_in_dim3A_1693, %sub3A_281 : vector<16xi32>
    %add3A_1695 = arith.addi %add3A_1683, %mul3A_1694 : vector<16xi32>
    %get3A_1696 = arith.constant 109 : i32
    %get3A_1697 = arith.index_cast %get3A_1696 : i32 to index
    %get3A_1698 = memref.load %arg9[%get3A_1697] : memref<272xi32, #tpu.memory_space<smem>>
    %broadcast_in_dim3A_1699 = vector.broadcast %get3A_1698 : i32 to vector<16xi32>
    %mul3A_1700 = arith.muli %broadcast_in_dim3A_1699, %sub3A_281 : vector<16xi32>
    %add3A_1701 = arith.addi %add3A_1689, %mul3A_1700 : vector<16xi32>
    %get3A_1702 = arith.constant 110 : i32
    %get3A_1703 = arith.index_cast %get3A_1702 : i32 to index
    %get3A_1704 = memref.load %arg8[%get3A_1703] : memref<272xi32, #tpu.memory_space<smem>>
    %broadcast_in_dim3A_1705 = vector.broadcast %get3A_1704 : i32 to vector<16xi32>
    %mul3A_1706 = arith.muli %broadcast_in_dim3A_1705, %sub3A_294 : vector<16xi32>
    %add3A_1707 = arith.addi %add3A_1695, %mul3A_1706 : vector<16xi32>
    %get3A_1708 = arith.constant 110 : i32
    %get3A_1709 = arith.index_cast %get3A_1708 : i32 to index
    %get3A_1710 = memref.load %arg9[%get3A_1709] : memref<272xi32, #tpu.memory_space<smem>>
    %broadcast_in_dim3A_1711 = vector.broadcast %get3A_1710 : i32 to vector<16xi32>
    %mul3A_1712 = arith.muli %broadcast_in_dim3A_1711, %sub3A_294 : vector<16xi32>
    %add3A_1713 = arith.addi %add3A_1701, %mul3A_1712 : vector<16xi32>
    %get3A_1714 = arith.constant 111 : i32
    %get3A_1715 = arith.index_cast %get3A_1714 : i32 to index
    %get3A_1716 = memref.load %arg8[%get3A_1715] : memref<272xi32, #tpu.memory_space<smem>>
    %broadcast_in_dim3A_1717 = vector.broadcast %get3A_1716 : i32 to vector<16xi32>
    %mul3A_1718 = arith.muli %broadcast_in_dim3A_1717, %sub3A_307 : vector<16xi32>
    %add3A_1719 = arith.addi %add3A_1707, %mul3A_1718 : vector<16xi32>
    %get3A_1720 = arith.constant 111 : i32
    %get3A_1721 = arith.index_cast %get3A_1720 : i32 to index
    %get3A_1722 = memref.load %arg9[%get3A_1721] : memref<272xi32, #tpu.memory_space<smem>>
    %broadcast_in_dim3A_1723 = vector.broadcast %get3A_1722 : i32 to vector<16xi32>
    %mul3A_1724 = arith.muli %broadcast_in_dim3A_1723, %sub3A_307 : vector<16xi32>
    %add3A_1725 = arith.addi %add3A_1713, %mul3A_1724 : vector<16xi32>
    %swap3A_1726 = arith.constant 96 : index
    %swap3A_1727 = tpu.vector_load %arg6[%swap3A_1726] {strides = array<i32>} : memref<256xi32, #tpu.memory_space<vmem>>, vector<16xi32>,
    %swap3A_1728 = vector.shape_cast %swap3A_1727 : vector<16xi32> to vector<16xi32>
    %swap3A_1729 = vector.shape_cast %add3A_1719 : vector<16xi32> to vector<16xi32>
    tpu.vector_store %arg6[%swap3A_1726], %swap3A_1729 {strides = array<i32>} : memref<256xi32, #tpu.memory_space<vmem>>, vector<16xi32>,
    %swap3A_1730 = arith.constant 96 : index
    %swap3A_1731 = tpu.vector_load %arg7[%swap3A_1730] {strides = array<i32>} : memref<256xi32, #tpu.memory_space<vmem>>, vector<16xi32>,
    %swap3A_1732 = vector.shape_cast %swap3A_1731 : vector<16xi32> to vector<16xi32>
    %swap3A_1733 = vector.shape_cast %add3A_1725 : vector<16xi32> to vector<16xi32>
    tpu.vector_store %arg7[%swap3A_1730], %swap3A_1733 {strides = array<i32>} : memref<256xi32, #tpu.memory_space<vmem>>, vector<16xi32>,
    %broadcast_in_dim3A_1734 = arith.constant 0 : i32
    %broadcast_in_dim3A_1735 = vector.broadcast %broadcast_in_dim3A_1734 : i32 to vector<16xi32>
    %broadcast_in_dim3A_1736 = arith.constant 0 : i32
    %broadcast_in_dim3A_1737 = vector.broadcast %broadcast_in_dim3A_1736 : i32 to vector<16xi32>
    %get3A_1738 = arith.constant 112 : i32
    %get3A_1739 = arith.index_cast %get3A_1738 : i32 to index
    %get3A_1740 = memref.load %arg8[%get3A_1739] : memref<272xi32, #tpu.memory_space<smem>>
    %broadcast_in_dim3A_1741 = vector.broadcast %get3A_1740 : i32 to vector<16xi32>
    %mul3A_1742 = arith.muli %broadcast_in_dim3A_1741, %sub3A_112 : vector<16xi32>
    %add3A_1743 = arith.addi %broadcast_in_dim3A_1735, %mul3A_1742 : vector<16xi32>
    %get3A_1744 = arith.constant 112 : i32
    %get3A_1745 = arith.index_cast %get3A_1744 : i32 to index
    %get3A_1746 = memref.load %arg9[%get3A_1745] : memref<272xi32, #tpu.memory_space<smem>>
    %broadcast_in_dim3A_1747 = vector.broadcast %get3A_1746 : i32 to vector<16xi32>
    %mul3A_1748 = arith.muli %broadcast_in_dim3A_1747, %sub3A_112 : vector<16xi32>
    %add3A_1749 = arith.addi %broadcast_in_dim3A_1737, %mul3A_1748 : vector<16xi32>
    %get3A_1750 = arith.constant 113 : i32
    %get3A_1751 = arith.index_cast %get3A_1750 : i32 to index
    %get3A_1752 = memref.load %arg8[%get3A_1751] : memref<272xi32, #tpu.memory_space<smem>>
    %broadcast_in_dim3A_1753 = vector.broadcast %get3A_1752 : i32 to vector<16xi32>
    %mul3A_1754 = arith.muli %broadcast_in_dim3A_1753, %sub3A_125 : vector<16xi32>
    %add3A_1755 = arith.addi %add3A_1743, %mul3A_1754 : vector<16xi32>
    %get3A_1756 = arith.constant 113 : i32
    %get3A_1757 = arith.index_cast %get3A_1756 : i32 to index
    %get3A_1758 = memref.load %arg9[%get3A_1757] : memref<272xi32, #tpu.memory_space<smem>>
    %broadcast_in_dim3A_1759 = vector.broadcast %get3A_1758 : i32 to vector<16xi32>
    %mul3A_1760 = arith.muli %broadcast_in_dim3A_1759, %sub3A_125 : vector<16xi32>
    %add3A_1761 = arith.addi %add3A_1749, %mul3A_1760 : vector<16xi32>
    %get3A_1762 = arith.constant 114 : i32
    %get3A_1763 = arith.index_cast %get3A_1762 : i32 to index
    %get3A_1764 = memref.load %arg8[%get3A_1763] : memref<272xi32, #tpu.memory_space<smem>>
    %broadcast_in_dim3A_1765 = vector.broadcast %get3A_1764 : i32 to vector<16xi32>
    %mul3A_1766 = arith.muli %broadcast_in_dim3A_1765, %sub3A_138 : vector<16xi32>
    %add3A_1767 = arith.addi %add3A_1755, %mul3A_1766 : vector<16xi32>
    %get3A_1768 = arith.constant 114 : i32
    %get3A_1769 = arith.index_cast %get3A_1768 : i32 to index
    %get3A_1770 = memref.load %arg9[%get3A_1769] : memref<272xi32, #tpu.memory_space<smem>>
    %broadcast_in_dim3A_1771 = vector.broadcast %get3A_1770 : i32 to vector<16xi32>
    %mul3A_1772 = arith.muli %broadcast_in_dim3A_1771, %sub3A_138 : vector<16xi32>
    %add3A_1773 = arith.addi %add3A_1761, %mul3A_1772 : vector<16xi32>
    %get3A_1774 = arith.constant 115 : i32
    %get3A_1775 = arith.index_cast %get3A_1774 : i32 to index
    %get3A_1776 = memref.load %arg8[%get3A_1775] : memref<272xi32, #tpu.memory_space<smem>>
    %broadcast_in_dim3A_1777 = vector.broadcast %get3A_1776 : i32 to vector<16xi32>
    %mul3A_1778 = arith.muli %broadcast_in_dim3A_1777, %sub3A_151 : vector<16xi32>
    %add3A_1779 = arith.addi %add3A_1767, %mul3A_1778 : vector<16xi32>
    %get3A_1780 = arith.constant 115 : i32
    %get3A_1781 = arith.index_cast %get3A_1780 : i32 to index
    %get3A_1782 = memref.load %arg9[%get3A_1781] : memref<272xi32, #tpu.memory_space<smem>>
    %broadcast_in_dim3A_1783 = vector.broadcast %get3A_1782 : i32 to vector<16xi32>
    %mul3A_1784 = arith.muli %broadcast_in_dim3A_1783, %sub3A_151 : vector<16xi32>
    %add3A_1785 = arith.addi %add3A_1773, %mul3A_1784 : vector<16xi32>
    %get3A_1786 = arith.constant 116 : i32
    %get3A_1787 = arith.index_cast %get3A_1786 : i32 to index
    %get3A_1788 = memref.load %arg8[%get3A_1787] : memref<272xi32, #tpu.memory_space<smem>>
    %broadcast_in_dim3A_1789 = vector.broadcast %get3A_1788 : i32 to vector<16xi32>
    %mul3A_1790 = arith.muli %broadcast_in_dim3A_1789, %sub3A_164 : vector<16xi32>
    %add3A_1791 = arith.addi %add3A_1779, %mul3A_1790 : vector<16xi32>
    %get3A_1792 = arith.constant 116 : i32
    %get3A_1793 = arith.index_cast %get3A_1792 : i32 to index
    %get3A_1794 = memref.load %arg9[%get3A_1793] : memref<272xi32, #tpu.memory_space<smem>>
    %broadcast_in_dim3A_1795 = vector.broadcast %get3A_1794 : i32 to vector<16xi32>
    %mul3A_1796 = arith.muli %broadcast_in_dim3A_1795, %sub3A_164 : vector<16xi32>
    %add3A_1797 = arith.addi %add3A_1785, %mul3A_1796 : vector<16xi32>
    %get3A_1798 = arith.constant 117 : i32
    %get3A_1799 = arith.index_cast %get3A_1798 : i32 to index
    %get3A_1800 = memref.load %arg8[%get3A_1799] : memref<272xi32, #tpu.memory_space<smem>>
    %broadcast_in_dim3A_1801 = vector.broadcast %get3A_1800 : i32 to vector<16xi32>
    %mul3A_1802 = arith.muli %broadcast_in_dim3A_1801, %sub3A_177 : vector<16xi32>
    %add3A_1803 = arith.addi %add3A_1791, %mul3A_1802 : vector<16xi32>
    %get3A_1804 = arith.constant 117 : i32
    %get3A_1805 = arith.index_cast %get3A_1804 : i32 to index
    %get3A_1806 = memref.load %arg9[%get3A_1805] : memref<272xi32, #tpu.memory_space<smem>>
    %broadcast_in_dim3A_1807 = vector.broadcast %get3A_1806 : i32 to vector<16xi32>
    %mul3A_1808 = arith.muli %broadcast_in_dim3A_1807, %sub3A_177 : vector<16xi32>
    %add3A_1809 = arith.addi %add3A_1797, %mul3A_1808 : vector<16xi32>
    %get3A_1810 = arith.constant 118 : i32
    %get3A_1811 = arith.index_cast %get3A_1810 : i32 to index
    %get3A_1812 = memref.load %arg8[%get3A_1811] : memref<272xi32, #tpu.memory_space<smem>>
    %broadcast_in_dim3A_1813 = vector.broadcast %get3A_1812 : i32 to vector<16xi32>
    %mul3A_1814 = arith.muli %broadcast_in_dim3A_1813, %sub3A_190 : vector<16xi32>
    %add3A_1815 = arith.addi %add3A_1803, %mul3A_1814 : vector<16xi32>
    %get3A_1816 = arith.constant 118 : i32
    %get3A_1817 = arith.index_cast %get3A_1816 : i32 to index
    %get3A_1818 = memref.load %arg9[%get3A_1817] : memref<272xi32, #tpu.memory_space<smem>>
    %broadcast_in_dim3A_1819 = vector.broadcast %get3A_1818 : i32 to vector<16xi32>
    %mul3A_1820 = arith.muli %broadcast_in_dim3A_1819, %sub3A_190 : vector<16xi32>
    %add3A_1821 = arith.addi %add3A_1809, %mul3A_1820 : vector<16xi32>
    %get3A_1822 = arith.constant 119 : i32
    %get3A_1823 = arith.index_cast %get3A_1822 : i32 to index
    %get3A_1824 = memref.load %arg8[%get3A_1823] : memref<272xi32, #tpu.memory_space<smem>>
    %broadcast_in_dim3A_1825 = vector.broadcast %get3A_1824 : i32 to vector<16xi32>
    %mul3A_1826 = arith.muli %broadcast_in_dim3A_1825, %sub3A_203 : vector<16xi32>
    %add3A_1827 = arith.addi %add3A_1815, %mul3A_1826 : vector<16xi32>
    %get3A_1828 = arith.constant 119 : i32
    %get3A_1829 = arith.index_cast %get3A_1828 : i32 to index
    %get3A_1830 = memref.load %arg9[%get3A_1829] : memref<272xi32, #tpu.memory_space<smem>>
    %broadcast_in_dim3A_1831 = vector.broadcast %get3A_1830 : i32 to vector<16xi32>
    %mul3A_1832 = arith.muli %broadcast_in_dim3A_1831, %sub3A_203 : vector<16xi32>
    %add3A_1833 = arith.addi %add3A_1821, %mul3A_1832 : vector<16xi32>
    %get3A_1834 = arith.constant 120 : i32
    %get3A_1835 = arith.index_cast %get3A_1834 : i32 to index
    %get3A_1836 = memref.load %arg8[%get3A_1835] : memref<272xi32, #tpu.memory_space<smem>>
    %broadcast_in_dim3A_1837 = vector.broadcast %get3A_1836 : i32 to vector<16xi32>
    %mul3A_1838 = arith.muli %broadcast_in_dim3A_1837, %sub3A_216 : vector<16xi32>
    %add3A_1839 = arith.addi %add3A_1827, %mul3A_1838 : vector<16xi32>
    %get3A_1840 = arith.constant 120 : i32
    %get3A_1841 = arith.index_cast %get3A_1840 : i32 to index
    %get3A_1842 = memref.load %arg9[%get3A_1841] : memref<272xi32, #tpu.memory_space<smem>>
    %broadcast_in_dim3A_1843 = vector.broadcast %get3A_1842 : i32 to vector<16xi32>
    %mul3A_1844 = arith.muli %broadcast_in_dim3A_1843, %sub3A_216 : vector<16xi32>
    %add3A_1845 = arith.addi %add3A_1833, %mul3A_1844 : vector<16xi32>
    %get3A_1846 = arith.constant 121 : i32
    %get3A_1847 = arith.index_cast %get3A_1846 : i32 to index
    %get3A_1848 = memref.load %arg8[%get3A_1847] : memref<272xi32, #tpu.memory_space<smem>>
    %broadcast_in_dim3A_1849 = vector.broadcast %get3A_1848 : i32 to vector<16xi32>
    %mul3A_1850 = arith.muli %broadcast_in_dim3A_1849, %sub3A_229 : vector<16xi32>
    %add3A_1851 = arith.addi %add3A_1839, %mul3A_1850 : vector<16xi32>
    %get3A_1852 = arith.constant 121 : i32
    %get3A_1853 = arith.index_cast %get3A_1852 : i32 to index
    %get3A_1854 = memref.load %arg9[%get3A_1853] : memref<272xi32, #tpu.memory_space<smem>>
    %broadcast_in_dim3A_1855 = vector.broadcast %get3A_1854 : i32 to vector<16xi32>
    %mul3A_1856 = arith.muli %broadcast_in_dim3A_1855, %sub3A_229 : vector<16xi32>
    %add3A_1857 = arith.addi %add3A_1845, %mul3A_1856 : vector<16xi32>
    %get3A_1858 = arith.constant 122 : i32
    %get3A_1859 = arith.index_cast %get3A_1858 : i32 to index
    %get3A_1860 = memref.load %arg8[%get3A_1859] : memref<272xi32, #tpu.memory_space<smem>>
    %broadcast_in_dim3A_1861 = vector.broadcast %get3A_1860 : i32 to vector<16xi32>
    %mul3A_1862 = arith.muli %broadcast_in_dim3A_1861, %sub3A_242 : vector<16xi32>
    %add3A_1863 = arith.addi %add3A_1851, %mul3A_1862 : vector<16xi32>
    %get3A_1864 = arith.constant 122 : i32
    %get3A_1865 = arith.index_cast %get3A_1864 : i32 to index
    %get3A_1866 = memref.load %arg9[%get3A_1865] : memref<272xi32, #tpu.memory_space<smem>>
    %broadcast_in_dim3A_1867 = vector.broadcast %get3A_1866 : i32 to vector<16xi32>
    %mul3A_1868 = arith.muli %broadcast_in_dim3A_1867, %sub3A_242 : vector<16xi32>
    %add3A_1869 = arith.addi %add3A_1857, %mul3A_1868 : vector<16xi32>
    %get3A_1870 = arith.constant 123 : i32
    %get3A_1871 = arith.index_cast %get3A_1870 : i32 to index
    %get3A_1872 = memref.load %arg8[%get3A_1871] : memref<272xi32, #tpu.memory_space<smem>>
    %broadcast_in_dim3A_1873 = vector.broadcast %get3A_1872 : i32 to vector<16xi32>
    %mul3A_1874 = arith.muli %broadcast_in_dim3A_1873, %sub3A_255 : vector<16xi32>
    %add3A_1875 = arith.addi %add3A_1863, %mul3A_1874 : vector<16xi32>
    %get3A_1876 = arith.constant 123 : i32
    %get3A_1877 = arith.index_cast %get3A_1876 : i32 to index
    %get3A_1878 = memref.load %arg9[%get3A_1877] : memref<272xi32, #tpu.memory_space<smem>>
    %broadcast_in_dim3A_1879 = vector.broadcast %get3A_1878 : i32 to vector<16xi32>
    %mul3A_1880 = arith.muli %broadcast_in_dim3A_1879, %sub3A_255 : vector<16xi32>
    %add3A_1881 = arith.addi %add3A_1869, %mul3A_1880 : vector<16xi32>
    %get3A_1882 = arith.constant 124 : i32
    %get3A_1883 = arith.index_cast %get3A_1882 : i32 to index
    %get3A_1884 = memref.load %arg8[%get3A_1883] : memref<272xi32, #tpu.memory_space<smem>>
    %broadcast_in_dim3A_1885 = vector.broadcast %get3A_1884 : i32 to vector<16xi32>
    %mul3A_1886 = arith.muli %broadcast_in_dim3A_1885, %sub3A_268 : vector<16xi32>
    %add3A_1887 = arith.addi %add3A_1875, %mul3A_1886 : vector<16xi32>
    %get3A_1888 = arith.constant 124 : i32
    %get3A_1889 = arith.index_cast %get3A_1888 : i32 to index
    %get3A_1890 = memref.load %arg9[%get3A_1889] : memref<272xi32, #tpu.memory_space<smem>>
    %broadcast_in_dim3A_1891 = vector.broadcast %get3A_1890 : i32 to vector<16xi32>
    %mul3A_1892 = arith.muli %broadcast_in_dim3A_1891, %sub3A_268 : vector<16xi32>
    %add3A_1893 = arith.addi %add3A_1881, %mul3A_1892 : vector<16xi32>
    %get3A_1894 = arith.constant 125 : i32
    %get3A_1895 = arith.index_cast %get3A_1894 : i32 to index
    %get3A_1896 = memref.load %arg8[%get3A_1895] : memref<272xi32, #tpu.memory_space<smem>>
    %broadcast_in_dim3A_1897 = vector.broadcast %get3A_1896 : i32 to vector<16xi32>
    %mul3A_1898 = arith.muli %broadcast_in_dim3A_1897, %sub3A_281 : vector<16xi32>
    %add3A_1899 = arith.addi %add3A_1887, %mul3A_1898 : vector<16xi32>
    %get3A_1900 = arith.constant 125 : i32
    %get3A_1901 = arith.index_cast %get3A_1900 : i32 to index
    %get3A_1902 = memref.load %arg9[%get3A_1901] : memref<272xi32, #tpu.memory_space<smem>>
    %broadcast_in_dim3A_1903 = vector.broadcast %get3A_1902 : i32 to vector<16xi32>
    %mul3A_1904 = arith.muli %broadcast_in_dim3A_1903, %sub3A_281 : vector<16xi32>
    %add3A_1905 = arith.addi %add3A_1893, %mul3A_1904 : vector<16xi32>
    %get3A_1906 = arith.constant 126 : i32
    %get3A_1907 = arith.index_cast %get3A_1906 : i32 to index
    %get3A_1908 = memref.load %arg8[%get3A_1907] : memref<272xi32, #tpu.memory_space<smem>>
    %broadcast_in_dim3A_1909 = vector.broadcast %get3A_1908 : i32 to vector<16xi32>
    %mul3A_1910 = arith.muli %broadcast_in_dim3A_1909, %sub3A_294 : vector<16xi32>
    %add3A_1911 = arith.addi %add3A_1899, %mul3A_1910 : vector<16xi32>
    %get3A_1912 = arith.constant 126 : i32
    %get3A_1913 = arith.index_cast %get3A_1912 : i32 to index
    %get3A_1914 = memref.load %arg9[%get3A_1913] : memref<272xi32, #tpu.memory_space<smem>>
    %broadcast_in_dim3A_1915 = vector.broadcast %get3A_1914 : i32 to vector<16xi32>
    %mul3A_1916 = arith.muli %broadcast_in_dim3A_1915, %sub3A_294 : vector<16xi32>
    %add3A_1917 = arith.addi %add3A_1905, %mul3A_1916 : vector<16xi32>
    %get3A_1918 = arith.constant 127 : i32
    %get3A_1919 = arith.index_cast %get3A_1918 : i32 to index
    %get3A_1920 = memref.load %arg8[%get3A_1919] : memref<272xi32, #tpu.memory_space<smem>>
    %broadcast_in_dim3A_1921 = vector.broadcast %get3A_1920 : i32 to vector<16xi32>
    %mul3A_1922 = arith.muli %broadcast_in_dim3A_1921, %sub3A_307 : vector<16xi32>
    %add3A_1923 = arith.addi %add3A_1911, %mul3A_1922 : vector<16xi32>
    %get3A_1924 = arith.constant 127 : i32
    %get3A_1925 = arith.index_cast %get3A_1924 : i32 to index
    %get3A_1926 = memref.load %arg9[%get3A_1925] : memref<272xi32, #tpu.memory_space<smem>>
    %broadcast_in_dim3A_1927 = vector.broadcast %get3A_1926 : i32 to vector<16xi32>
    %mul3A_1928 = arith.muli %broadcast_in_dim3A_1927, %sub3A_307 : vector<16xi32>
    %add3A_1929 = arith.addi %add3A_1917, %mul3A_1928 : vector<16xi32>
    %swap3A_1930 = arith.constant 112 : index
    %swap3A_1931 = tpu.vector_load %arg6[%swap3A_1930] {strides = array<i32>} : memref<256xi32, #tpu.memory_space<vmem>>, vector<16xi32>,
    %swap3A_1932 = vector.shape_cast %swap3A_1931 : vector<16xi32> to vector<16xi32>
    %swap3A_1933 = vector.shape_cast %add3A_1923 : vector<16xi32> to vector<16xi32>
    tpu.vector_store %arg6[%swap3A_1930], %swap3A_1933 {strides = array<i32>} : memref<256xi32, #tpu.memory_space<vmem>>, vector<16xi32>,
    %swap3A_1934 = arith.constant 112 : index
    %swap3A_1935 = tpu.vector_load %arg7[%swap3A_1934] {strides = array<i32>} : memref<256xi32, #tpu.memory_space<vmem>>, vector<16xi32>,
    %swap3A_1936 = vector.shape_cast %swap3A_1935 : vector<16xi32> to vector<16xi32>
    %swap3A_1937 = vector.shape_cast %add3A_1929 : vector<16xi32> to vector<16xi32>
    tpu.vector_store %arg7[%swap3A_1934], %swap3A_1937 {strides = array<i32>} : memref<256xi32, #tpu.memory_space<vmem>>, vector<16xi32>,
    %broadcast_in_dim3A_1938 = arith.constant 0 : i32
    %broadcast_in_dim3A_1939 = vector.broadcast %broadcast_in_dim3A_1938 : i32 to vector<16xi32>
    %broadcast_in_dim3A_1940 = arith.constant 0 : i32
    %broadcast_in_dim3A_1941 = vector.broadcast %broadcast_in_dim3A_1940 : i32 to vector<16xi32>
    %get3A_1942 = arith.constant 128 : i32
    %get3A_1943 = arith.index_cast %get3A_1942 : i32 to index
    %get3A_1944 = memref.load %arg8[%get3A_1943] : memref<272xi32, #tpu.memory_space<smem>>
    %broadcast_in_dim3A_1945 = vector.broadcast %get3A_1944 : i32 to vector<16xi32>
    %mul3A_1946 = arith.muli %broadcast_in_dim3A_1945, %sub3A_112 : vector<16xi32>
    %add3A_1947 = arith.addi %broadcast_in_dim3A_1939, %mul3A_1946 : vector<16xi32>
    %get3A_1948 = arith.constant 128 : i32
    %get3A_1949 = arith.index_cast %get3A_1948 : i32 to index
    %get3A_1950 = memref.load %arg9[%get3A_1949] : memref<272xi32, #tpu.memory_space<smem>>
    %broadcast_in_dim3A_1951 = vector.broadcast %get3A_1950 : i32 to vector<16xi32>
    %mul3A_1952 = arith.muli %broadcast_in_dim3A_1951, %sub3A_112 : vector<16xi32>
    %add3A_1953 = arith.addi %broadcast_in_dim3A_1941, %mul3A_1952 : vector<16xi32>
    %get3A_1954 = arith.constant 129 : i32
    %get3A_1955 = arith.index_cast %get3A_1954 : i32 to index
    %get3A_1956 = memref.load %arg8[%get3A_1955] : memref<272xi32, #tpu.memory_space<smem>>
    %broadcast_in_dim3A_1957 = vector.broadcast %get3A_1956 : i32 to vector<16xi32>
    %mul3A_1958 = arith.muli %broadcast_in_dim3A_1957, %sub3A_125 : vector<16xi32>
    %add3A_1959 = arith.addi %add3A_1947, %mul3A_1958 : vector<16xi32>
    %get3A_1960 = arith.constant 129 : i32
    %get3A_1961 = arith.index_cast %get3A_1960 : i32 to index
    %get3A_1962 = memref.load %arg9[%get3A_1961] : memref<272xi32, #tpu.memory_space<smem>>
    %broadcast_in_dim3A_1963 = vector.broadcast %get3A_1962 : i32 to vector<16xi32>
    %mul3A_1964 = arith.muli %broadcast_in_dim3A_1963, %sub3A_125 : vector<16xi32>
    %add3A_1965 = arith.addi %add3A_1953, %mul3A_1964 : vector<16xi32>
    %get3A_1966 = arith.constant 130 : i32
    %get3A_1967 = arith.index_cast %get3A_1966 : i32 to index
    %get3A_1968 = memref.load %arg8[%get3A_1967] : memref<272xi32, #tpu.memory_space<smem>>
    %broadcast_in_dim3A_1969 = vector.broadcast %get3A_1968 : i32 to vector<16xi32>
    %mul3A_1970 = arith.muli %broadcast_in_dim3A_1969, %sub3A_138 : vector<16xi32>
    %add3A_1971 = arith.addi %add3A_1959, %mul3A_1970 : vector<16xi32>
    %get3A_1972 = arith.constant 130 : i32
    %get3A_1973 = arith.index_cast %get3A_1972 : i32 to index
    %get3A_1974 = memref.load %arg9[%get3A_1973] : memref<272xi32, #tpu.memory_space<smem>>
    %broadcast_in_dim3A_1975 = vector.broadcast %get3A_1974 : i32 to vector<16xi32>
    %mul3A_1976 = arith.muli %broadcast_in_dim3A_1975, %sub3A_138 : vector<16xi32>
    %add3A_1977 = arith.addi %add3A_1965, %mul3A_1976 : vector<16xi32>
    %get3A_1978 = arith.constant 131 : i32
    %get3A_1979 = arith.index_cast %get3A_1978 : i32 to index
    %get3A_1980 = memref.load %arg8[%get3A_1979] : memref<272xi32, #tpu.memory_space<smem>>
    %broadcast_in_dim3A_1981 = vector.broadcast %get3A_1980 : i32 to vector<16xi32>
    %mul3A_1982 = arith.muli %broadcast_in_dim3A_1981, %sub3A_151 : vector<16xi32>
    %add3A_1983 = arith.addi %add3A_1971, %mul3A_1982 : vector<16xi32>
    %get3A_1984 = arith.constant 131 : i32
    %get3A_1985 = arith.index_cast %get3A_1984 : i32 to index
    %get3A_1986 = memref.load %arg9[%get3A_1985] : memref<272xi32, #tpu.memory_space<smem>>
    %broadcast_in_dim3A_1987 = vector.broadcast %get3A_1986 : i32 to vector<16xi32>
    %mul3A_1988 = arith.muli %broadcast_in_dim3A_1987, %sub3A_151 : vector<16xi32>
    %add3A_1989 = arith.addi %add3A_1977, %mul3A_1988 : vector<16xi32>
    %get3A_1990 = arith.constant 132 : i32
    %get3A_1991 = arith.index_cast %get3A_1990 : i32 to index
    %get3A_1992 = memref.load %arg8[%get3A_1991] : memref<272xi32, #tpu.memory_space<smem>>
    %broadcast_in_dim3A_1993 = vector.broadcast %get3A_1992 : i32 to vector<16xi32>
    %mul3A_1994 = arith.muli %broadcast_in_dim3A_1993, %sub3A_164 : vector<16xi32>
    %add3A_1995 = arith.addi %add3A_1983, %mul3A_1994 : vector<16xi32>
    %get3A_1996 = arith.constant 132 : i32
    %get3A_1997 = arith.index_cast %get3A_1996 : i32 to index
    %get3A_1998 = memref.load %arg9[%get3A_1997] : memref<272xi32, #tpu.memory_space<smem>>
    %broadcast_in_dim3A_1999 = vector.broadcast %get3A_1998 : i32 to vector<16xi32>
    %mul3A_2000 = arith.muli %broadcast_in_dim3A_1999, %sub3A_164 : vector<16xi32>
    %add3A_2001 = arith.addi %add3A_1989, %mul3A_2000 : vector<16xi32>
    %get3A_2002 = arith.constant 133 : i32
    %get3A_2003 = arith.index_cast %get3A_2002 : i32 to index
    %get3A_2004 = memref.load %arg8[%get3A_2003] : memref<272xi32, #tpu.memory_space<smem>>
    %broadcast_in_dim3A_2005 = vector.broadcast %get3A_2004 : i32 to vector<16xi32>
    %mul3A_2006 = arith.muli %broadcast_in_dim3A_2005, %sub3A_177 : vector<16xi32>
    %add3A_2007 = arith.addi %add3A_1995, %mul3A_2006 : vector<16xi32>
    %get3A_2008 = arith.constant 133 : i32
    %get3A_2009 = arith.index_cast %get3A_2008 : i32 to index
    %get3A_2010 = memref.load %arg9[%get3A_2009] : memref<272xi32, #tpu.memory_space<smem>>
    %broadcast_in_dim3A_2011 = vector.broadcast %get3A_2010 : i32 to vector<16xi32>
    %mul3A_2012 = arith.muli %broadcast_in_dim3A_2011, %sub3A_177 : vector<16xi32>
    %add3A_2013 = arith.addi %add3A_2001, %mul3A_2012 : vector<16xi32>
    %get3A_2014 = arith.constant 134 : i32
    %get3A_2015 = arith.index_cast %get3A_2014 : i32 to index
    %get3A_2016 = memref.load %arg8[%get3A_2015] : memref<272xi32, #tpu.memory_space<smem>>
    %broadcast_in_dim3A_2017 = vector.broadcast %get3A_2016 : i32 to vector<16xi32>
    %mul3A_2018 = arith.muli %broadcast_in_dim3A_2017, %sub3A_190 : vector<16xi32>
    %add3A_2019 = arith.addi %add3A_2007, %mul3A_2018 : vector<16xi32>
    %get3A_2020 = arith.constant 134 : i32
    %get3A_2021 = arith.index_cast %get3A_2020 : i32 to index
    %get3A_2022 = memref.load %arg9[%get3A_2021] : memref<272xi32, #tpu.memory_space<smem>>
    %broadcast_in_dim3A_2023 = vector.broadcast %get3A_2022 : i32 to vector<16xi32>
    %mul3A_2024 = arith.muli %broadcast_in_dim3A_2023, %sub3A_190 : vector<16xi32>
    %add3A_2025 = arith.addi %add3A_2013, %mul3A_2024 : vector<16xi32>
    %get3A_2026 = arith.constant 135 : i32
    %get3A_2027 = arith.index_cast %get3A_2026 : i32 to index
    %get3A_2028 = memref.load %arg8[%get3A_2027] : memref<272xi32, #tpu.memory_space<smem>>
    %broadcast_in_dim3A_2029 = vector.broadcast %get3A_2028 : i32 to vector<16xi32>
    %mul3A_2030 = arith.muli %broadcast_in_dim3A_2029, %sub3A_203 : vector<16xi32>
    %add3A_2031 = arith.addi %add3A_2019, %mul3A_2030 : vector<16xi32>
    %get3A_2032 = arith.constant 135 : i32
    %get3A_2033 = arith.index_cast %get3A_2032 : i32 to index
    %get3A_2034 = memref.load %arg9[%get3A_2033] : memref<272xi32, #tpu.memory_space<smem>>
    %broadcast_in_dim3A_2035 = vector.broadcast %get3A_2034 : i32 to vector<16xi32>
    %mul3A_2036 = arith.muli %broadcast_in_dim3A_2035, %sub3A_203 : vector<16xi32>
    %add3A_2037 = arith.addi %add3A_2025, %mul3A_2036 : vector<16xi32>
    %get3A_2038 = arith.constant 136 : i32
    %get3A_2039 = arith.index_cast %get3A_2038 : i32 to index
    %get3A_2040 = memref.load %arg8[%get3A_2039] : memref<272xi32, #tpu.memory_space<smem>>
    %broadcast_in_dim3A_2041 = vector.broadcast %get3A_2040 : i32 to vector<16xi32>
    %mul3A_2042 = arith.muli %broadcast_in_dim3A_2041, %sub3A_216 : vector<16xi32>
    %add3A_2043 = arith.addi %add3A_2031, %mul3A_2042 : vector<16xi32>
    %get3A_2044 = arith.constant 136 : i32
    %get3A_2045 = arith.index_cast %get3A_2044 : i32 to index
    %get3A_2046 = memref.load %arg9[%get3A_2045] : memref<272xi32, #tpu.memory_space<smem>>
    %broadcast_in_dim3A_2047 = vector.broadcast %get3A_2046 : i32 to vector<16xi32>
    %mul3A_2048 = arith.muli %broadcast_in_dim3A_2047, %sub3A_216 : vector<16xi32>
    %add3A_2049 = arith.addi %add3A_2037, %mul3A_2048 : vector<16xi32>
    %get3A_2050 = arith.constant 137 : i32
    %get3A_2051 = arith.index_cast %get3A_2050 : i32 to index
    %get3A_2052 = memref.load %arg8[%get3A_2051] : memref<272xi32, #tpu.memory_space<smem>>
    %broadcast_in_dim3A_2053 = vector.broadcast %get3A_2052 : i32 to vector<16xi32>
    %mul3A_2054 = arith.muli %broadcast_in_dim3A_2053, %sub3A_229 : vector<16xi32>
    %add3A_2055 = arith.addi %add3A_2043, %mul3A_2054 : vector<16xi32>
    %get3A_2056 = arith.constant 137 : i32
    %get3A_2057 = arith.index_cast %get3A_2056 : i32 to index
    %get3A_2058 = memref.load %arg9[%get3A_2057] : memref<272xi32, #tpu.memory_space<smem>>
    %broadcast_in_dim3A_2059 = vector.broadcast %get3A_2058 : i32 to vector<16xi32>
    %mul3A_2060 = arith.muli %broadcast_in_dim3A_2059, %sub3A_229 : vector<16xi32>
    %add3A_2061 = arith.addi %add3A_2049, %mul3A_2060 : vector<16xi32>
    %get3A_2062 = arith.constant 138 : i32
    %get3A_2063 = arith.index_cast %get3A_2062 : i32 to index
    %get3A_2064 = memref.load %arg8[%get3A_2063] : memref<272xi32, #tpu.memory_space<smem>>
    %broadcast_in_dim3A_2065 = vector.broadcast %get3A_2064 : i32 to vector<16xi32>
    %mul3A_2066 = arith.muli %broadcast_in_dim3A_2065, %sub3A_242 : vector<16xi32>
    %add3A_2067 = arith.addi %add3A_2055, %mul3A_2066 : vector<16xi32>
    %get3A_2068 = arith.constant 138 : i32
    %get3A_2069 = arith.index_cast %get3A_2068 : i32 to index
    %get3A_2070 = memref.load %arg9[%get3A_2069] : memref<272xi32, #tpu.memory_space<smem>>
    %broadcast_in_dim3A_2071 = vector.broadcast %get3A_2070 : i32 to vector<16xi32>
    %mul3A_2072 = arith.muli %broadcast_in_dim3A_2071, %sub3A_242 : vector<16xi32>
    %add3A_2073 = arith.addi %add3A_2061, %mul3A_2072 : vector<16xi32>
    %get3A_2074 = arith.constant 139 : i32
    %get3A_2075 = arith.index_cast %get3A_2074 : i32 to index
    %get3A_2076 = memref.load %arg8[%get3A_2075] : memref<272xi32, #tpu.memory_space<smem>>
    %broadcast_in_dim3A_2077 = vector.broadcast %get3A_2076 : i32 to vector<16xi32>
    %mul3A_2078 = arith.muli %broadcast_in_dim3A_2077, %sub3A_255 : vector<16xi32>
    %add3A_2079 = arith.addi %add3A_2067, %mul3A_2078 : vector<16xi32>
    %get3A_2080 = arith.constant 139 : i32
    %get3A_2081 = arith.index_cast %get3A_2080 : i32 to index
    %get3A_2082 = memref.load %arg9[%get3A_2081] : memref<272xi32, #tpu.memory_space<smem>>
    %broadcast_in_dim3A_2083 = vector.broadcast %get3A_2082 : i32 to vector<16xi32>
    %mul3A_2084 = arith.muli %broadcast_in_dim3A_2083, %sub3A_255 : vector<16xi32>
    %add3A_2085 = arith.addi %add3A_2073, %mul3A_2084 : vector<16xi32>
    %get3A_2086 = arith.constant 140 : i32
    %get3A_2087 = arith.index_cast %get3A_2086 : i32 to index
    %get3A_2088 = memref.load %arg8[%get3A_2087] : memref<272xi32, #tpu.memory_space<smem>>
    %broadcast_in_dim3A_2089 = vector.broadcast %get3A_2088 : i32 to vector<16xi32>
    %mul3A_2090 = arith.muli %broadcast_in_dim3A_2089, %sub3A_268 : vector<16xi32>
    %add3A_2091 = arith.addi %add3A_2079, %mul3A_2090 : vector<16xi32>
    %get3A_2092 = arith.constant 140 : i32
    %get3A_2093 = arith.index_cast %get3A_2092 : i32 to index
    %get3A_2094 = memref.load %arg9[%get3A_2093] : memref<272xi32, #tpu.memory_space<smem>>
    %broadcast_in_dim3A_2095 = vector.broadcast %get3A_2094 : i32 to vector<16xi32>
    %mul3A_2096 = arith.muli %broadcast_in_dim3A_2095, %sub3A_268 : vector<16xi32>
    %add3A_2097 = arith.addi %add3A_2085, %mul3A_2096 : vector<16xi32>
    %get3A_2098 = arith.constant 141 : i32
    %get3A_2099 = arith.index_cast %get3A_2098 : i32 to index
    %get3A_2100 = memref.load %arg8[%get3A_2099] : memref<272xi32, #tpu.memory_space<smem>>
    %broadcast_in_dim3A_2101 = vector.broadcast %get3A_2100 : i32 to vector<16xi32>
    %mul3A_2102 = arith.muli %broadcast_in_dim3A_2101, %sub3A_281 : vector<16xi32>
    %add3A_2103 = arith.addi %add3A_2091, %mul3A_2102 : vector<16xi32>
    %get3A_2104 = arith.constant 141 : i32
    %get3A_2105 = arith.index_cast %get3A_2104 : i32 to index
    %get3A_2106 = memref.load %arg9[%get3A_2105] : memref<272xi32, #tpu.memory_space<smem>>
    %broadcast_in_dim3A_2107 = vector.broadcast %get3A_2106 : i32 to vector<16xi32>
    %mul3A_2108 = arith.muli %broadcast_in_dim3A_2107, %sub3A_281 : vector<16xi32>
    %add3A_2109 = arith.addi %add3A_2097, %mul3A_2108 : vector<16xi32>
    %get3A_2110 = arith.constant 142 : i32
    %get3A_2111 = arith.index_cast %get3A_2110 : i32 to index
    %get3A_2112 = memref.load %arg8[%get3A_2111] : memref<272xi32, #tpu.memory_space<smem>>
    %broadcast_in_dim3A_2113 = vector.broadcast %get3A_2112 : i32 to vector<16xi32>
    %mul3A_2114 = arith.muli %broadcast_in_dim3A_2113, %sub3A_294 : vector<16xi32>
    %add3A_2115 = arith.addi %add3A_2103, %mul3A_2114 : vector<16xi32>
    %get3A_2116 = arith.constant 142 : i32
    %get3A_2117 = arith.index_cast %get3A_2116 : i32 to index
    %get3A_2118 = memref.load %arg9[%get3A_2117] : memref<272xi32, #tpu.memory_space<smem>>
    %broadcast_in_dim3A_2119 = vector.broadcast %get3A_2118 : i32 to vector<16xi32>
    %mul3A_2120 = arith.muli %broadcast_in_dim3A_2119, %sub3A_294 : vector<16xi32>
    %add3A_2121 = arith.addi %add3A_2109, %mul3A_2120 : vector<16xi32>
    %get3A_2122 = arith.constant 143 : i32
    %get3A_2123 = arith.index_cast %get3A_2122 : i32 to index
    %get3A_2124 = memref.load %arg8[%get3A_2123] : memref<272xi32, #tpu.memory_space<smem>>
    %broadcast_in_dim3A_2125 = vector.broadcast %get3A_2124 : i32 to vector<16xi32>
    %mul3A_2126 = arith.muli %broadcast_in_dim3A_2125, %sub3A_307 : vector<16xi32>
    %add3A_2127 = arith.addi %add3A_2115, %mul3A_2126 : vector<16xi32>
    %get3A_2128 = arith.constant 143 : i32
    %get3A_2129 = arith.index_cast %get3A_2128 : i32 to index
    %get3A_2130 = memref.load %arg9[%get3A_2129] : memref<272xi32, #tpu.memory_space<smem>>
    %broadcast_in_dim3A_2131 = vector.broadcast %get3A_2130 : i32 to vector<16xi32>
    %mul3A_2132 = arith.muli %broadcast_in_dim3A_2131, %sub3A_307 : vector<16xi32>
    %add3A_2133 = arith.addi %add3A_2121, %mul3A_2132 : vector<16xi32>
    %swap3A_2134 = arith.constant 128 : index
    %swap3A_2135 = tpu.vector_load %arg6[%swap3A_2134] {strides = array<i32>} : memref<256xi32, #tpu.memory_space<vmem>>, vector<16xi32>,
    %swap3A_2136 = vector.shape_cast %swap3A_2135 : vector<16xi32> to vector<16xi32>
    %swap3A_2137 = vector.shape_cast %add3A_2127 : vector<16xi32> to vector<16xi32>
    tpu.vector_store %arg6[%swap3A_2134], %swap3A_2137 {strides = array<i32>} : memref<256xi32, #tpu.memory_space<vmem>>, vector<16xi32>,
    %swap3A_2138 = arith.constant 128 : index
    %swap3A_2139 = tpu.vector_load %arg7[%swap3A_2138] {strides = array<i32>} : memref<256xi32, #tpu.memory_space<vmem>>, vector<16xi32>,
    %swap3A_2140 = vector.shape_cast %swap3A_2139 : vector<16xi32> to vector<16xi32>
    %swap3A_2141 = vector.shape_cast %add3A_2133 : vector<16xi32> to vector<16xi32>
    tpu.vector_store %arg7[%swap3A_2138], %swap3A_2141 {strides = array<i32>} : memref<256xi32, #tpu.memory_space<vmem>>, vector<16xi32>,
    %broadcast_in_dim3A_2142 = arith.constant 0 : i32
    %broadcast_in_dim3A_2143 = vector.broadcast %broadcast_in_dim3A_2142 : i32 to vector<16xi32>
    %broadcast_in_dim3A_2144 = arith.constant 0 : i32
    %broadcast_in_dim3A_2145 = vector.broadcast %broadcast_in_dim3A_2144 : i32 to vector<16xi32>
    %get3A_2146 = arith.constant 144 : i32
    %get3A_2147 = arith.index_cast %get3A_2146 : i32 to index
    %get3A_2148 = memref.load %arg8[%get3A_2147] : memref<272xi32, #tpu.memory_space<smem>>
    %broadcast_in_dim3A_2149 = vector.broadcast %get3A_2148 : i32 to vector<16xi32>
    %mul3A_2150 = arith.muli %broadcast_in_dim3A_2149, %sub3A_112 : vector<16xi32>
    %add3A_2151 = arith.addi %broadcast_in_dim3A_2143, %mul3A_2150 : vector<16xi32>
    %get3A_2152 = arith.constant 144 : i32
    %get3A_2153 = arith.index_cast %get3A_2152 : i32 to index
    %get3A_2154 = memref.load %arg9[%get3A_2153] : memref<272xi32, #tpu.memory_space<smem>>
    %broadcast_in_dim3A_2155 = vector.broadcast %get3A_2154 : i32 to vector<16xi32>
    %mul3A_2156 = arith.muli %broadcast_in_dim3A_2155, %sub3A_112 : vector<16xi32>
    %add3A_2157 = arith.addi %broadcast_in_dim3A_2145, %mul3A_2156 : vector<16xi32>
    %get3A_2158 = arith.constant 145 : i32
    %get3A_2159 = arith.index_cast %get3A_2158 : i32 to index
    %get3A_2160 = memref.load %arg8[%get3A_2159] : memref<272xi32, #tpu.memory_space<smem>>
    %broadcast_in_dim3A_2161 = vector.broadcast %get3A_2160 : i32 to vector<16xi32>
    %mul3A_2162 = arith.muli %broadcast_in_dim3A_2161, %sub3A_125 : vector<16xi32>
    %add3A_2163 = arith.addi %add3A_2151, %mul3A_2162 : vector<16xi32>
    %get3A_2164 = arith.constant 145 : i32
    %get3A_2165 = arith.index_cast %get3A_2164 : i32 to index
    %get3A_2166 = memref.load %arg9[%get3A_2165] : memref<272xi32, #tpu.memory_space<smem>>
    %broadcast_in_dim3A_2167 = vector.broadcast %get3A_2166 : i32 to vector<16xi32>
    %mul3A_2168 = arith.muli %broadcast_in_dim3A_2167, %sub3A_125 : vector<16xi32>
    %add3A_2169 = arith.addi %add3A_2157, %mul3A_2168 : vector<16xi32>
    %get3A_2170 = arith.constant 146 : i32
    %get3A_2171 = arith.index_cast %get3A_2170 : i32 to index
    %get3A_2172 = memref.load %arg8[%get3A_2171] : memref<272xi32, #tpu.memory_space<smem>>
    %broadcast_in_dim3A_2173 = vector.broadcast %get3A_2172 : i32 to vector<16xi32>
    %mul3A_2174 = arith.muli %broadcast_in_dim3A_2173, %sub3A_138 : vector<16xi32>
    %add3A_2175 = arith.addi %add3A_2163, %mul3A_2174 : vector<16xi32>
    %get3A_2176 = arith.constant 146 : i32
    %get3A_2177 = arith.index_cast %get3A_2176 : i32 to index
    %get3A_2178 = memref.load %arg9[%get3A_2177] : memref<272xi32, #tpu.memory_space<smem>>
    %broadcast_in_dim3A_2179 = vector.broadcast %get3A_2178 : i32 to vector<16xi32>
    %mul3A_2180 = arith.muli %broadcast_in_dim3A_2179, %sub3A_138 : vector<16xi32>
    %add3A_2181 = arith.addi %add3A_2169, %mul3A_2180 : vector<16xi32>
    %get3A_2182 = arith.constant 147 : i32
    %get3A_2183 = arith.index_cast %get3A_2182 : i32 to index
    %get3A_2184 = memref.load %arg8[%get3A_2183] : memref<272xi32, #tpu.memory_space<smem>>
    %broadcast_in_dim3A_2185 = vector.broadcast %get3A_2184 : i32 to vector<16xi32>
    %mul3A_2186 = arith.muli %broadcast_in_dim3A_2185, %sub3A_151 : vector<16xi32>
    %add3A_2187 = arith.addi %add3A_2175, %mul3A_2186 : vector<16xi32>
    %get3A_2188 = arith.constant 147 : i32
    %get3A_2189 = arith.index_cast %get3A_2188 : i32 to index
    %get3A_2190 = memref.load %arg9[%get3A_2189] : memref<272xi32, #tpu.memory_space<smem>>
    %broadcast_in_dim3A_2191 = vector.broadcast %get3A_2190 : i32 to vector<16xi32>
    %mul3A_2192 = arith.muli %broadcast_in_dim3A_2191, %sub3A_151 : vector<16xi32>
    %add3A_2193 = arith.addi %add3A_2181, %mul3A_2192 : vector<16xi32>
    %get3A_2194 = arith.constant 148 : i32
    %get3A_2195 = arith.index_cast %get3A_2194 : i32 to index
    %get3A_2196 = memref.load %arg8[%get3A_2195] : memref<272xi32, #tpu.memory_space<smem>>
    %broadcast_in_dim3A_2197 = vector.broadcast %get3A_2196 : i32 to vector<16xi32>
    %mul3A_2198 = arith.muli %broadcast_in_dim3A_2197, %sub3A_164 : vector<16xi32>
    %add3A_2199 = arith.addi %add3A_2187, %mul3A_2198 : vector<16xi32>
    %get3A_2200 = arith.constant 148 : i32
    %get3A_2201 = arith.index_cast %get3A_2200 : i32 to index
    %get3A_2202 = memref.load %arg9[%get3A_2201] : memref<272xi32, #tpu.memory_space<smem>>
    %broadcast_in_dim3A_2203 = vector.broadcast %get3A_2202 : i32 to vector<16xi32>
    %mul3A_2204 = arith.muli %broadcast_in_dim3A_2203, %sub3A_164 : vector<16xi32>
    %add3A_2205 = arith.addi %add3A_2193, %mul3A_2204 : vector<16xi32>
    %get3A_2206 = arith.constant 149 : i32
    %get3A_2207 = arith.index_cast %get3A_2206 : i32 to index
    %get3A_2208 = memref.load %arg8[%get3A_2207] : memref<272xi32, #tpu.memory_space<smem>>
    %broadcast_in_dim3A_2209 = vector.broadcast %get3A_2208 : i32 to vector<16xi32>
    %mul3A_2210 = arith.muli %broadcast_in_dim3A_2209, %sub3A_177 : vector<16xi32>
    %add3A_2211 = arith.addi %add3A_2199, %mul3A_2210 : vector<16xi32>
    %get3A_2212 = arith.constant 149 : i32
    %get3A_2213 = arith.index_cast %get3A_2212 : i32 to index
    %get3A_2214 = memref.load %arg9[%get3A_2213] : memref<272xi32, #tpu.memory_space<smem>>
    %broadcast_in_dim3A_2215 = vector.broadcast %get3A_2214 : i32 to vector<16xi32>
    %mul3A_2216 = arith.muli %broadcast_in_dim3A_2215, %sub3A_177 : vector<16xi32>
    %add3A_2217 = arith.addi %add3A_2205, %mul3A_2216 : vector<16xi32>
    %get3A_2218 = arith.constant 150 : i32
    %get3A_2219 = arith.index_cast %get3A_2218 : i32 to index
    %get3A_2220 = memref.load %arg8[%get3A_2219] : memref<272xi32, #tpu.memory_space<smem>>
    %broadcast_in_dim3A_2221 = vector.broadcast %get3A_2220 : i32 to vector<16xi32>
    %mul3A_2222 = arith.muli %broadcast_in_dim3A_2221, %sub3A_190 : vector<16xi32>
    %add3A_2223 = arith.addi %add3A_2211, %mul3A_2222 : vector<16xi32>
    %get3A_2224 = arith.constant 150 : i32
    %get3A_2225 = arith.index_cast %get3A_2224 : i32 to index
    %get3A_2226 = memref.load %arg9[%get3A_2225] : memref<272xi32, #tpu.memory_space<smem>>
    %broadcast_in_dim3A_2227 = vector.broadcast %get3A_2226 : i32 to vector<16xi32>
    %mul3A_2228 = arith.muli %broadcast_in_dim3A_2227, %sub3A_190 : vector<16xi32>
    %add3A_2229 = arith.addi %add3A_2217, %mul3A_2228 : vector<16xi32>
    %get3A_2230 = arith.constant 151 : i32
    %get3A_2231 = arith.index_cast %get3A_2230 : i32 to index
    %get3A_2232 = memref.load %arg8[%get3A_2231] : memref<272xi32, #tpu.memory_space<smem>>
    %broadcast_in_dim3A_2233 = vector.broadcast %get3A_2232 : i32 to vector<16xi32>
    %mul3A_2234 = arith.muli %broadcast_in_dim3A_2233, %sub3A_203 : vector<16xi32>
    %add3A_2235 = arith.addi %add3A_2223, %mul3A_2234 : vector<16xi32>
    %get3A_2236 = arith.constant 151 : i32
    %get3A_2237 = arith.index_cast %get3A_2236 : i32 to index
    %get3A_2238 = memref.load %arg9[%get3A_2237] : memref<272xi32, #tpu.memory_space<smem>>
    %broadcast_in_dim3A_2239 = vector.broadcast %get3A_2238 : i32 to vector<16xi32>
    %mul3A_2240 = arith.muli %broadcast_in_dim3A_2239, %sub3A_203 : vector<16xi32>
    %add3A_2241 = arith.addi %add3A_2229, %mul3A_2240 : vector<16xi32>
    %get3A_2242 = arith.constant 152 : i32
    %get3A_2243 = arith.index_cast %get3A_2242 : i32 to index
    %get3A_2244 = memref.load %arg8[%get3A_2243] : memref<272xi32, #tpu.memory_space<smem>>
    %broadcast_in_dim3A_2245 = vector.broadcast %get3A_2244 : i32 to vector<16xi32>
    %mul3A_2246 = arith.muli %broadcast_in_dim3A_2245, %sub3A_216 : vector<16xi32>
    %add3A_2247 = arith.addi %add3A_2235, %mul3A_2246 : vector<16xi32>
    %get3A_2248 = arith.constant 152 : i32
    %get3A_2249 = arith.index_cast %get3A_2248 : i32 to index
    %get3A_2250 = memref.load %arg9[%get3A_2249] : memref<272xi32, #tpu.memory_space<smem>>
    %broadcast_in_dim3A_2251 = vector.broadcast %get3A_2250 : i32 to vector<16xi32>
    %mul3A_2252 = arith.muli %broadcast_in_dim3A_2251, %sub3A_216 : vector<16xi32>
    %add3A_2253 = arith.addi %add3A_2241, %mul3A_2252 : vector<16xi32>
    %get3A_2254 = arith.constant 153 : i32
    %get3A_2255 = arith.index_cast %get3A_2254 : i32 to index
    %get3A_2256 = memref.load %arg8[%get3A_2255] : memref<272xi32, #tpu.memory_space<smem>>
    %broadcast_in_dim3A_2257 = vector.broadcast %get3A_2256 : i32 to vector<16xi32>
    %mul3A_2258 = arith.muli %broadcast_in_dim3A_2257, %sub3A_229 : vector<16xi32>
    %add3A_2259 = arith.addi %add3A_2247, %mul3A_2258 : vector<16xi32>
    %get3A_2260 = arith.constant 153 : i32
    %get3A_2261 = arith.index_cast %get3A_2260 : i32 to index
    %get3A_2262 = memref.load %arg9[%get3A_2261] : memref<272xi32, #tpu.memory_space<smem>>
    %broadcast_in_dim3A_2263 = vector.broadcast %get3A_2262 : i32 to vector<16xi32>
    %mul3A_2264 = arith.muli %broadcast_in_dim3A_2263, %sub3A_229 : vector<16xi32>
    %add3A_2265 = arith.addi %add3A_2253, %mul3A_2264 : vector<16xi32>
    %get3A_2266 = arith.constant 154 : i32
    %get3A_2267 = arith.index_cast %get3A_2266 : i32 to index
    %get3A_2268 = memref.load %arg8[%get3A_2267] : memref<272xi32, #tpu.memory_space<smem>>
    %broadcast_in_dim3A_2269 = vector.broadcast %get3A_2268 : i32 to vector<16xi32>
    %mul3A_2270 = arith.muli %broadcast_in_dim3A_2269, %sub3A_242 : vector<16xi32>
    %add3A_2271 = arith.addi %add3A_2259, %mul3A_2270 : vector<16xi32>
    %get3A_2272 = arith.constant 154 : i32
    %get3A_2273 = arith.index_cast %get3A_2272 : i32 to index
    %get3A_2274 = memref.load %arg9[%get3A_2273] : memref<272xi32, #tpu.memory_space<smem>>
    %broadcast_in_dim3A_2275 = vector.broadcast %get3A_2274 : i32 to vector<16xi32>
    %mul3A_2276 = arith.muli %broadcast_in_dim3A_2275, %sub3A_242 : vector<16xi32>
    %add3A_2277 = arith.addi %add3A_2265, %mul3A_2276 : vector<16xi32>
    %get3A_2278 = arith.constant 155 : i32
    %get3A_2279 = arith.index_cast %get3A_2278 : i32 to index
    %get3A_2280 = memref.load %arg8[%get3A_2279] : memref<272xi32, #tpu.memory_space<smem>>
    %broadcast_in_dim3A_2281 = vector.broadcast %get3A_2280 : i32 to vector<16xi32>
    %mul3A_2282 = arith.muli %broadcast_in_dim3A_2281, %sub3A_255 : vector<16xi32>
    %add3A_2283 = arith.addi %add3A_2271, %mul3A_2282 : vector<16xi32>
    %get3A_2284 = arith.constant 155 : i32
    %get3A_2285 = arith.index_cast %get3A_2284 : i32 to index
    %get3A_2286 = memref.load %arg9[%get3A_2285] : memref<272xi32, #tpu.memory_space<smem>>
    %broadcast_in_dim3A_2287 = vector.broadcast %get3A_2286 : i32 to vector<16xi32>
    %mul3A_2288 = arith.muli %broadcast_in_dim3A_2287, %sub3A_255 : vector<16xi32>
    %add3A_2289 = arith.addi %add3A_2277, %mul3A_2288 : vector<16xi32>
    %get3A_2290 = arith.constant 156 : i32
    %get3A_2291 = arith.index_cast %get3A_2290 : i32 to index
    %get3A_2292 = memref.load %arg8[%get3A_2291] : memref<272xi32, #tpu.memory_space<smem>>
    %broadcast_in_dim3A_2293 = vector.broadcast %get3A_2292 : i32 to vector<16xi32>
    %mul3A_2294 = arith.muli %broadcast_in_dim3A_2293, %sub3A_268 : vector<16xi32>
    %add3A_2295 = arith.addi %add3A_2283, %mul3A_2294 : vector<16xi32>
    %get3A_2296 = arith.constant 156 : i32
    %get3A_2297 = arith.index_cast %get3A_2296 : i32 to index
    %get3A_2298 = memref.load %arg9[%get3A_2297] : memref<272xi32, #tpu.memory_space<smem>>
    %broadcast_in_dim3A_2299 = vector.broadcast %get3A_2298 : i32 to vector<16xi32>
    %mul3A_2300 = arith.muli %broadcast_in_dim3A_2299, %sub3A_268 : vector<16xi32>
    %add3A_2301 = arith.addi %add3A_2289, %mul3A_2300 : vector<16xi32>
    %get3A_2302 = arith.constant 157 : i32
    %get3A_2303 = arith.index_cast %get3A_2302 : i32 to index
    %get3A_2304 = memref.load %arg8[%get3A_2303] : memref<272xi32, #tpu.memory_space<smem>>
    %broadcast_in_dim3A_2305 = vector.broadcast %get3A_2304 : i32 to vector<16xi32>
    %mul3A_2306 = arith.muli %broadcast_in_dim3A_2305, %sub3A_281 : vector<16xi32>
    %add3A_2307 = arith.addi %add3A_2295, %mul3A_2306 : vector<16xi32>
    %get3A_2308 = arith.constant 157 : i32
    %get3A_2309 = arith.index_cast %get3A_2308 : i32 to index
    %get3A_2310 = memref.load %arg9[%get3A_2309] : memref<272xi32, #tpu.memory_space<smem>>
    %broadcast_in_dim3A_2311 = vector.broadcast %get3A_2310 : i32 to vector<16xi32>
    %mul3A_2312 = arith.muli %broadcast_in_dim3A_2311, %sub3A_281 : vector<16xi32>
    %add3A_2313 = arith.addi %add3A_2301, %mul3A_2312 : vector<16xi32>
    %get3A_2314 = arith.constant 158 : i32
    %get3A_2315 = arith.index_cast %get3A_2314 : i32 to index
    %get3A_2316 = memref.load %arg8[%get3A_2315] : memref<272xi32, #tpu.memory_space<smem>>
    %broadcast_in_dim3A_2317 = vector.broadcast %get3A_2316 : i32 to vector<16xi32>
    %mul3A_2318 = arith.muli %broadcast_in_dim3A_2317, %sub3A_294 : vector<16xi32>
    %add3A_2319 = arith.addi %add3A_2307, %mul3A_2318 : vector<16xi32>
    %get3A_2320 = arith.constant 158 : i32
    %get3A_2321 = arith.index_cast %get3A_2320 : i32 to index
    %get3A_2322 = memref.load %arg9[%get3A_2321] : memref<272xi32, #tpu.memory_space<smem>>
    %broadcast_in_dim3A_2323 = vector.broadcast %get3A_2322 : i32 to vector<16xi32>
    %mul3A_2324 = arith.muli %broadcast_in_dim3A_2323, %sub3A_294 : vector<16xi32>
    %add3A_2325 = arith.addi %add3A_2313, %mul3A_2324 : vector<16xi32>
    %get3A_2326 = arith.constant 159 : i32
    %get3A_2327 = arith.index_cast %get3A_2326 : i32 to index
    %get3A_2328 = memref.load %arg8[%get3A_2327] : memref<272xi32, #tpu.memory_space<smem>>
    %broadcast_in_dim3A_2329 = vector.broadcast %get3A_2328 : i32 to vector<16xi32>
    %mul3A_2330 = arith.muli %broadcast_in_dim3A_2329, %sub3A_307 : vector<16xi32>
    %add3A_2331 = arith.addi %add3A_2319, %mul3A_2330 : vector<16xi32>
    %get3A_2332 = arith.constant 159 : i32
    %get3A_2333 = arith.index_cast %get3A_2332 : i32 to index
    %get3A_2334 = memref.load %arg9[%get3A_2333] : memref<272xi32, #tpu.memory_space<smem>>
    %broadcast_in_dim3A_2335 = vector.broadcast %get3A_2334 : i32 to vector<16xi32>
    %mul3A_2336 = arith.muli %broadcast_in_dim3A_2335, %sub3A_307 : vector<16xi32>
    %add3A_2337 = arith.addi %add3A_2325, %mul3A_2336 : vector<16xi32>
    %swap3A_2338 = arith.constant 144 : index
    %swap3A_2339 = tpu.vector_load %arg6[%swap3A_2338] {strides = array<i32>} : memref<256xi32, #tpu.memory_space<vmem>>, vector<16xi32>,
    %swap3A_2340 = vector.shape_cast %swap3A_2339 : vector<16xi32> to vector<16xi32>
    %swap3A_2341 = vector.shape_cast %add3A_2331 : vector<16xi32> to vector<16xi32>
    tpu.vector_store %arg6[%swap3A_2338], %swap3A_2341 {strides = array<i32>} : memref<256xi32, #tpu.memory_space<vmem>>, vector<16xi32>,
    %swap3A_2342 = arith.constant 144 : index
    %swap3A_2343 = tpu.vector_load %arg7[%swap3A_2342] {strides = array<i32>} : memref<256xi32, #tpu.memory_space<vmem>>, vector<16xi32>,
    %swap3A_2344 = vector.shape_cast %swap3A_2343 : vector<16xi32> to vector<16xi32>
    %swap3A_2345 = vector.shape_cast %add3A_2337 : vector<16xi32> to vector<16xi32>
    tpu.vector_store %arg7[%swap3A_2342], %swap3A_2345 {strides = array<i32>} : memref<256xi32, #tpu.memory_space<vmem>>, vector<16xi32>,
    %broadcast_in_dim3A_2346 = arith.constant 0 : i32
    %broadcast_in_dim3A_2347 = vector.broadcast %broadcast_in_dim3A_2346 : i32 to vector<16xi32>
    %broadcast_in_dim3A_2348 = arith.constant 0 : i32
    %broadcast_in_dim3A_2349 = vector.broadcast %broadcast_in_dim3A_2348 : i32 to vector<16xi32>
    %get3A_2350 = arith.constant 160 : i32
    %get3A_2351 = arith.index_cast %get3A_2350 : i32 to index
    %get3A_2352 = memref.load %arg8[%get3A_2351] : memref<272xi32, #tpu.memory_space<smem>>
    %broadcast_in_dim3A_2353 = vector.broadcast %get3A_2352 : i32 to vector<16xi32>
    %mul3A_2354 = arith.muli %broadcast_in_dim3A_2353, %sub3A_112 : vector<16xi32>
    %add3A_2355 = arith.addi %broadcast_in_dim3A_2347, %mul3A_2354 : vector<16xi32>
    %get3A_2356 = arith.constant 160 : i32
    %get3A_2357 = arith.index_cast %get3A_2356 : i32 to index
    %get3A_2358 = memref.load %arg9[%get3A_2357] : memref<272xi32, #tpu.memory_space<smem>>
    %broadcast_in_dim3A_2359 = vector.broadcast %get3A_2358 : i32 to vector<16xi32>
    %mul3A_2360 = arith.muli %broadcast_in_dim3A_2359, %sub3A_112 : vector<16xi32>
    %add3A_2361 = arith.addi %broadcast_in_dim3A_2349, %mul3A_2360 : vector<16xi32>
    %get3A_2362 = arith.constant 161 : i32
    %get3A_2363 = arith.index_cast %get3A_2362 : i32 to index
    %get3A_2364 = memref.load %arg8[%get3A_2363] : memref<272xi32, #tpu.memory_space<smem>>
    %broadcast_in_dim3A_2365 = vector.broadcast %get3A_2364 : i32 to vector<16xi32>
    %mul3A_2366 = arith.muli %broadcast_in_dim3A_2365, %sub3A_125 : vector<16xi32>
    %add3A_2367 = arith.addi %add3A_2355, %mul3A_2366 : vector<16xi32>
    %get3A_2368 = arith.constant 161 : i32
    %get3A_2369 = arith.index_cast %get3A_2368 : i32 to index
    %get3A_2370 = memref.load %arg9[%get3A_2369] : memref<272xi32, #tpu.memory_space<smem>>
    %broadcast_in_dim3A_2371 = vector.broadcast %get3A_2370 : i32 to vector<16xi32>
    %mul3A_2372 = arith.muli %broadcast_in_dim3A_2371, %sub3A_125 : vector<16xi32>
    %add3A_2373 = arith.addi %add3A_2361, %mul3A_2372 : vector<16xi32>
    %get3A_2374 = arith.constant 162 : i32
    %get3A_2375 = arith.index_cast %get3A_2374 : i32 to index
    %get3A_2376 = memref.load %arg8[%get3A_2375] : memref<272xi32, #tpu.memory_space<smem>>
    %broadcast_in_dim3A_2377 = vector.broadcast %get3A_2376 : i32 to vector<16xi32>
    %mul3A_2378 = arith.muli %broadcast_in_dim3A_2377, %sub3A_138 : vector<16xi32>
    %add3A_2379 = arith.addi %add3A_2367, %mul3A_2378 : vector<16xi32>
    %get3A_2380 = arith.constant 162 : i32
    %get3A_2381 = arith.index_cast %get3A_2380 : i32 to index
    %get3A_2382 = memref.load %arg9[%get3A_2381] : memref<272xi32, #tpu.memory_space<smem>>
    %broadcast_in_dim3A_2383 = vector.broadcast %get3A_2382 : i32 to vector<16xi32>
    %mul3A_2384 = arith.muli %broadcast_in_dim3A_2383, %sub3A_138 : vector<16xi32>
    %add3A_2385 = arith.addi %add3A_2373, %mul3A_2384 : vector<16xi32>
    %get3A_2386 = arith.constant 163 : i32
    %get3A_2387 = arith.index_cast %get3A_2386 : i32 to index
    %get3A_2388 = memref.load %arg8[%get3A_2387] : memref<272xi32, #tpu.memory_space<smem>>
    %broadcast_in_dim3A_2389 = vector.broadcast %get3A_2388 : i32 to vector<16xi32>
    %mul3A_2390 = arith.muli %broadcast_in_dim3A_2389, %sub3A_151 : vector<16xi32>
    %add3A_2391 = arith.addi %add3A_2379, %mul3A_2390 : vector<16xi32>
    %get3A_2392 = arith.constant 163 : i32
    %get3A_2393 = arith.index_cast %get3A_2392 : i32 to index
    %get3A_2394 = memref.load %arg9[%get3A_2393] : memref<272xi32, #tpu.memory_space<smem>>
    %broadcast_in_dim3A_2395 = vector.broadcast %get3A_2394 : i32 to vector<16xi32>
    %mul3A_2396 = arith.muli %broadcast_in_dim3A_2395, %sub3A_151 : vector<16xi32>
    %add3A_2397 = arith.addi %add3A_2385, %mul3A_2396 : vector<16xi32>
    %get3A_2398 = arith.constant 164 : i32
    %get3A_2399 = arith.index_cast %get3A_2398 : i32 to index
    %get3A_2400 = memref.load %arg8[%get3A_2399] : memref<272xi32, #tpu.memory_space<smem>>
    %broadcast_in_dim3A_2401 = vector.broadcast %get3A_2400 : i32 to vector<16xi32>
    %mul3A_2402 = arith.muli %broadcast_in_dim3A_2401, %sub3A_164 : vector<16xi32>
    %add3A_2403 = arith.addi %add3A_2391, %mul3A_2402 : vector<16xi32>
    %get3A_2404 = arith.constant 164 : i32
    %get3A_2405 = arith.index_cast %get3A_2404 : i32 to index
    %get3A_2406 = memref.load %arg9[%get3A_2405] : memref<272xi32, #tpu.memory_space<smem>>
    %broadcast_in_dim3A_2407 = vector.broadcast %get3A_2406 : i32 to vector<16xi32>
    %mul3A_2408 = arith.muli %broadcast_in_dim3A_2407, %sub3A_164 : vector<16xi32>
    %add3A_2409 = arith.addi %add3A_2397, %mul3A_2408 : vector<16xi32>
    %get3A_2410 = arith.constant 165 : i32
    %get3A_2411 = arith.index_cast %get3A_2410 : i32 to index
    %get3A_2412 = memref.load %arg8[%get3A_2411] : memref<272xi32, #tpu.memory_space<smem>>
    %broadcast_in_dim3A_2413 = vector.broadcast %get3A_2412 : i32 to vector<16xi32>
    %mul3A_2414 = arith.muli %broadcast_in_dim3A_2413, %sub3A_177 : vector<16xi32>
    %add3A_2415 = arith.addi %add3A_2403, %mul3A_2414 : vector<16xi32>
    %get3A_2416 = arith.constant 165 : i32
    %get3A_2417 = arith.index_cast %get3A_2416 : i32 to index
    %get3A_2418 = memref.load %arg9[%get3A_2417] : memref<272xi32, #tpu.memory_space<smem>>
    %broadcast_in_dim3A_2419 = vector.broadcast %get3A_2418 : i32 to vector<16xi32>
    %mul3A_2420 = arith.muli %broadcast_in_dim3A_2419, %sub3A_177 : vector<16xi32>
    %add3A_2421 = arith.addi %add3A_2409, %mul3A_2420 : vector<16xi32>
    %get3A_2422 = arith.constant 166 : i32
    %get3A_2423 = arith.index_cast %get3A_2422 : i32 to index
    %get3A_2424 = memref.load %arg8[%get3A_2423] : memref<272xi32, #tpu.memory_space<smem>>
    %broadcast_in_dim3A_2425 = vector.broadcast %get3A_2424 : i32 to vector<16xi32>
    %mul3A_2426 = arith.muli %broadcast_in_dim3A_2425, %sub3A_190 : vector<16xi32>
    %add3A_2427 = arith.addi %add3A_2415, %mul3A_2426 : vector<16xi32>
    %get3A_2428 = arith.constant 166 : i32
    %get3A_2429 = arith.index_cast %get3A_2428 : i32 to index
    %get3A_2430 = memref.load %arg9[%get3A_2429] : memref<272xi32, #tpu.memory_space<smem>>
    %broadcast_in_dim3A_2431 = vector.broadcast %get3A_2430 : i32 to vector<16xi32>
    %mul3A_2432 = arith.muli %broadcast_in_dim3A_2431, %sub3A_190 : vector<16xi32>
    %add3A_2433 = arith.addi %add3A_2421, %mul3A_2432 : vector<16xi32>
    %get3A_2434 = arith.constant 167 : i32
    %get3A_2435 = arith.index_cast %get3A_2434 : i32 to index
    %get3A_2436 = memref.load %arg8[%get3A_2435] : memref<272xi32, #tpu.memory_space<smem>>
    %broadcast_in_dim3A_2437 = vector.broadcast %get3A_2436 : i32 to vector<16xi32>
    %mul3A_2438 = arith.muli %broadcast_in_dim3A_2437, %sub3A_203 : vector<16xi32>
    %add3A_2439 = arith.addi %add3A_2427, %mul3A_2438 : vector<16xi32>
    %get3A_2440 = arith.constant 167 : i32
    %get3A_2441 = arith.index_cast %get3A_2440 : i32 to index
    %get3A_2442 = memref.load %arg9[%get3A_2441] : memref<272xi32, #tpu.memory_space<smem>>
    %broadcast_in_dim3A_2443 = vector.broadcast %get3A_2442 : i32 to vector<16xi32>
    %mul3A_2444 = arith.muli %broadcast_in_dim3A_2443, %sub3A_203 : vector<16xi32>
    %add3A_2445 = arith.addi %add3A_2433, %mul3A_2444 : vector<16xi32>
    %get3A_2446 = arith.constant 168 : i32
    %get3A_2447 = arith.index_cast %get3A_2446 : i32 to index
    %get3A_2448 = memref.load %arg8[%get3A_2447] : memref<272xi32, #tpu.memory_space<smem>>
    %broadcast_in_dim3A_2449 = vector.broadcast %get3A_2448 : i32 to vector<16xi32>
    %mul3A_2450 = arith.muli %broadcast_in_dim3A_2449, %sub3A_216 : vector<16xi32>
    %add3A_2451 = arith.addi %add3A_2439, %mul3A_2450 : vector<16xi32>
    %get3A_2452 = arith.constant 168 : i32
    %get3A_2453 = arith.index_cast %get3A_2452 : i32 to index
    %get3A_2454 = memref.load %arg9[%get3A_2453] : memref<272xi32, #tpu.memory_space<smem>>
    %broadcast_in_dim3A_2455 = vector.broadcast %get3A_2454 : i32 to vector<16xi32>
    %mul3A_2456 = arith.muli %broadcast_in_dim3A_2455, %sub3A_216 : vector<16xi32>
    %add3A_2457 = arith.addi %add3A_2445, %mul3A_2456 : vector<16xi32>
    %get3A_2458 = arith.constant 169 : i32
    %get3A_2459 = arith.index_cast %get3A_2458 : i32 to index
    %get3A_2460 = memref.load %arg8[%get3A_2459] : memref<272xi32, #tpu.memory_space<smem>>
    %broadcast_in_dim3A_2461 = vector.broadcast %get3A_2460 : i32 to vector<16xi32>
    %mul3A_2462 = arith.muli %broadcast_in_dim3A_2461, %sub3A_229 : vector<16xi32>
    %add3A_2463 = arith.addi %add3A_2451, %mul3A_2462 : vector<16xi32>
    %get3A_2464 = arith.constant 169 : i32
    %get3A_2465 = arith.index_cast %get3A_2464 : i32 to index
    %get3A_2466 = memref.load %arg9[%get3A_2465] : memref<272xi32, #tpu.memory_space<smem>>
    %broadcast_in_dim3A_2467 = vector.broadcast %get3A_2466 : i32 to vector<16xi32>
    %mul3A_2468 = arith.muli %broadcast_in_dim3A_2467, %sub3A_229 : vector<16xi32>
    %add3A_2469 = arith.addi %add3A_2457, %mul3A_2468 : vector<16xi32>
    %get3A_2470 = arith.constant 170 : i32
    %get3A_2471 = arith.index_cast %get3A_2470 : i32 to index
    %get3A_2472 = memref.load %arg8[%get3A_2471] : memref<272xi32, #tpu.memory_space<smem>>
    %broadcast_in_dim3A_2473 = vector.broadcast %get3A_2472 : i32 to vector<16xi32>
    %mul3A_2474 = arith.muli %broadcast_in_dim3A_2473, %sub3A_242 : vector<16xi32>
    %add3A_2475 = arith.addi %add3A_2463, %mul3A_2474 : vector<16xi32>
    %get3A_2476 = arith.constant 170 : i32
    %get3A_2477 = arith.index_cast %get3A_2476 : i32 to index
    %get3A_2478 = memref.load %arg9[%get3A_2477] : memref<272xi32, #tpu.memory_space<smem>>
    %broadcast_in_dim3A_2479 = vector.broadcast %get3A_2478 : i32 to vector<16xi32>
    %mul3A_2480 = arith.muli %broadcast_in_dim3A_2479, %sub3A_242 : vector<16xi32>
    %add3A_2481 = arith.addi %add3A_2469, %mul3A_2480 : vector<16xi32>
    %get3A_2482 = arith.constant 171 : i32
    %get3A_2483 = arith.index_cast %get3A_2482 : i32 to index
    %get3A_2484 = memref.load %arg8[%get3A_2483] : memref<272xi32, #tpu.memory_space<smem>>
    %broadcast_in_dim3A_2485 = vector.broadcast %get3A_2484 : i32 to vector<16xi32>
    %mul3A_2486 = arith.muli %broadcast_in_dim3A_2485, %sub3A_255 : vector<16xi32>
    %add3A_2487 = arith.addi %add3A_2475, %mul3A_2486 : vector<16xi32>
    %get3A_2488 = arith.constant 171 : i32
    %get3A_2489 = arith.index_cast %get3A_2488 : i32 to index
    %get3A_2490 = memref.load %arg9[%get3A_2489] : memref<272xi32, #tpu.memory_space<smem>>
    %broadcast_in_dim3A_2491 = vector.broadcast %get3A_2490 : i32 to vector<16xi32>
    %mul3A_2492 = arith.muli %broadcast_in_dim3A_2491, %sub3A_255 : vector<16xi32>
    %add3A_2493 = arith.addi %add3A_2481, %mul3A_2492 : vector<16xi32>
    %get3A_2494 = arith.constant 172 : i32
    %get3A_2495 = arith.index_cast %get3A_2494 : i32 to index
    %get3A_2496 = memref.load %arg8[%get3A_2495] : memref<272xi32, #tpu.memory_space<smem>>
    %broadcast_in_dim3A_2497 = vector.broadcast %get3A_2496 : i32 to vector<16xi32>
    %mul3A_2498 = arith.muli %broadcast_in_dim3A_2497, %sub3A_268 : vector<16xi32>
    %add3A_2499 = arith.addi %add3A_2487, %mul3A_2498 : vector<16xi32>
    %get3A_2500 = arith.constant 172 : i32
    %get3A_2501 = arith.index_cast %get3A_2500 : i32 to index
    %get3A_2502 = memref.load %arg9[%get3A_2501] : memref<272xi32, #tpu.memory_space<smem>>
    %broadcast_in_dim3A_2503 = vector.broadcast %get3A_2502 : i32 to vector<16xi32>
    %mul3A_2504 = arith.muli %broadcast_in_dim3A_2503, %sub3A_268 : vector<16xi32>
    %add3A_2505 = arith.addi %add3A_2493, %mul3A_2504 : vector<16xi32>
    %get3A_2506 = arith.constant 173 : i32
    %get3A_2507 = arith.index_cast %get3A_2506 : i32 to index
    %get3A_2508 = memref.load %arg8[%get3A_2507] : memref<272xi32, #tpu.memory_space<smem>>
    %broadcast_in_dim3A_2509 = vector.broadcast %get3A_2508 : i32 to vector<16xi32>
    %mul3A_2510 = arith.muli %broadcast_in_dim3A_2509, %sub3A_281 : vector<16xi32>
    %add3A_2511 = arith.addi %add3A_2499, %mul3A_2510 : vector<16xi32>
    %get3A_2512 = arith.constant 173 : i32
    %get3A_2513 = arith.index_cast %get3A_2512 : i32 to index
    %get3A_2514 = memref.load %arg9[%get3A_2513] : memref<272xi32, #tpu.memory_space<smem>>
    %broadcast_in_dim3A_2515 = vector.broadcast %get3A_2514 : i32 to vector<16xi32>
    %mul3A_2516 = arith.muli %broadcast_in_dim3A_2515, %sub3A_281 : vector<16xi32>
    %add3A_2517 = arith.addi %add3A_2505, %mul3A_2516 : vector<16xi32>
    %get3A_2518 = arith.constant 174 : i32
    %get3A_2519 = arith.index_cast %get3A_2518 : i32 to index
    %get3A_2520 = memref.load %arg8[%get3A_2519] : memref<272xi32, #tpu.memory_space<smem>>
    %broadcast_in_dim3A_2521 = vector.broadcast %get3A_2520 : i32 to vector<16xi32>
    %mul3A_2522 = arith.muli %broadcast_in_dim3A_2521, %sub3A_294 : vector<16xi32>
    %add3A_2523 = arith.addi %add3A_2511, %mul3A_2522 : vector<16xi32>
    %get3A_2524 = arith.constant 174 : i32
    %get3A_2525 = arith.index_cast %get3A_2524 : i32 to index
    %get3A_2526 = memref.load %arg9[%get3A_2525] : memref<272xi32, #tpu.memory_space<smem>>
    %broadcast_in_dim3A_2527 = vector.broadcast %get3A_2526 : i32 to vector<16xi32>
    %mul3A_2528 = arith.muli %broadcast_in_dim3A_2527, %sub3A_294 : vector<16xi32>
    %add3A_2529 = arith.addi %add3A_2517, %mul3A_2528 : vector<16xi32>
    %get3A_2530 = arith.constant 175 : i32
    %get3A_2531 = arith.index_cast %get3A_2530 : i32 to index
    %get3A_2532 = memref.load %arg8[%get3A_2531] : memref<272xi32, #tpu.memory_space<smem>>
    %broadcast_in_dim3A_2533 = vector.broadcast %get3A_2532 : i32 to vector<16xi32>
    %mul3A_2534 = arith.muli %broadcast_in_dim3A_2533, %sub3A_307 : vector<16xi32>
    %add3A_2535 = arith.addi %add3A_2523, %mul3A_2534 : vector<16xi32>
    %get3A_2536 = arith.constant 175 : i32
    %get3A_2537 = arith.index_cast %get3A_2536 : i32 to index
    %get3A_2538 = memref.load %arg9[%get3A_2537] : memref<272xi32, #tpu.memory_space<smem>>
    %broadcast_in_dim3A_2539 = vector.broadcast %get3A_2538 : i32 to vector<16xi32>
    %mul3A_2540 = arith.muli %broadcast_in_dim3A_2539, %sub3A_307 : vector<16xi32>
    %add3A_2541 = arith.addi %add3A_2529, %mul3A_2540 : vector<16xi32>
    %swap3A_2542 = arith.constant 160 : index
    %swap3A_2543 = tpu.vector_load %arg6[%swap3A_2542] {strides = array<i32>} : memref<256xi32, #tpu.memory_space<vmem>>, vector<16xi32>,
    %swap3A_2544 = vector.shape_cast %swap3A_2543 : vector<16xi32> to vector<16xi32>
    %swap3A_2545 = vector.shape_cast %add3A_2535 : vector<16xi32> to vector<16xi32>
    tpu.vector_store %arg6[%swap3A_2542], %swap3A_2545 {strides = array<i32>} : memref<256xi32, #tpu.memory_space<vmem>>, vector<16xi32>,
    %swap3A_2546 = arith.constant 160 : index
    %swap3A_2547 = tpu.vector_load %arg7[%swap3A_2546] {strides = array<i32>} : memref<256xi32, #tpu.memory_space<vmem>>, vector<16xi32>,
    %swap3A_2548 = vector.shape_cast %swap3A_2547 : vector<16xi32> to vector<16xi32>
    %swap3A_2549 = vector.shape_cast %add3A_2541 : vector<16xi32> to vector<16xi32>
    tpu.vector_store %arg7[%swap3A_2546], %swap3A_2549 {strides = array<i32>} : memref<256xi32, #tpu.memory_space<vmem>>, vector<16xi32>,
    %broadcast_in_dim3A_2550 = arith.constant 0 : i32
    %broadcast_in_dim3A_2551 = vector.broadcast %broadcast_in_dim3A_2550 : i32 to vector<16xi32>
    %broadcast_in_dim3A_2552 = arith.constant 0 : i32
    %broadcast_in_dim3A_2553 = vector.broadcast %broadcast_in_dim3A_2552 : i32 to vector<16xi32>
    %get3A_2554 = arith.constant 176 : i32
    %get3A_2555 = arith.index_cast %get3A_2554 : i32 to index
    %get3A_2556 = memref.load %arg8[%get3A_2555] : memref<272xi32, #tpu.memory_space<smem>>
    %broadcast_in_dim3A_2557 = vector.broadcast %get3A_2556 : i32 to vector<16xi32>
    %mul3A_2558 = arith.muli %broadcast_in_dim3A_2557, %sub3A_112 : vector<16xi32>
    %add3A_2559 = arith.addi %broadcast_in_dim3A_2551, %mul3A_2558 : vector<16xi32>
    %get3A_2560 = arith.constant 176 : i32
    %get3A_2561 = arith.index_cast %get3A_2560 : i32 to index
    %get3A_2562 = memref.load %arg9[%get3A_2561] : memref<272xi32, #tpu.memory_space<smem>>
    %broadcast_in_dim3A_2563 = vector.broadcast %get3A_2562 : i32 to vector<16xi32>
    %mul3A_2564 = arith.muli %broadcast_in_dim3A_2563, %sub3A_112 : vector<16xi32>
    %add3A_2565 = arith.addi %broadcast_in_dim3A_2553, %mul3A_2564 : vector<16xi32>
    %get3A_2566 = arith.constant 177 : i32
    %get3A_2567 = arith.index_cast %get3A_2566 : i32 to index
    %get3A_2568 = memref.load %arg8[%get3A_2567] : memref<272xi32, #tpu.memory_space<smem>>
    %broadcast_in_dim3A_2569 = vector.broadcast %get3A_2568 : i32 to vector<16xi32>
    %mul3A_2570 = arith.muli %broadcast_in_dim3A_2569, %sub3A_125 : vector<16xi32>
    %add3A_2571 = arith.addi %add3A_2559, %mul3A_2570 : vector<16xi32>
    %get3A_2572 = arith.constant 177 : i32
    %get3A_2573 = arith.index_cast %get3A_2572 : i32 to index
    %get3A_2574 = memref.load %arg9[%get3A_2573] : memref<272xi32, #tpu.memory_space<smem>>
    %broadcast_in_dim3A_2575 = vector.broadcast %get3A_2574 : i32 to vector<16xi32>
    %mul3A_2576 = arith.muli %broadcast_in_dim3A_2575, %sub3A_125 : vector<16xi32>
    %add3A_2577 = arith.addi %add3A_2565, %mul3A_2576 : vector<16xi32>
    %get3A_2578 = arith.constant 178 : i32
    %get3A_2579 = arith.index_cast %get3A_2578 : i32 to index
    %get3A_2580 = memref.load %arg8[%get3A_2579] : memref<272xi32, #tpu.memory_space<smem>>
    %broadcast_in_dim3A_2581 = vector.broadcast %get3A_2580 : i32 to vector<16xi32>
    %mul3A_2582 = arith.muli %broadcast_in_dim3A_2581, %sub3A_138 : vector<16xi32>
    %add3A_2583 = arith.addi %add3A_2571, %mul3A_2582 : vector<16xi32>
    %get3A_2584 = arith.constant 178 : i32
    %get3A_2585 = arith.index_cast %get3A_2584 : i32 to index
    %get3A_2586 = memref.load %arg9[%get3A_2585] : memref<272xi32, #tpu.memory_space<smem>>
    %broadcast_in_dim3A_2587 = vector.broadcast %get3A_2586 : i32 to vector<16xi32>
    %mul3A_2588 = arith.muli %broadcast_in_dim3A_2587, %sub3A_138 : vector<16xi32>
    %add3A_2589 = arith.addi %add3A_2577, %mul3A_2588 : vector<16xi32>
    %get3A_2590 = arith.constant 179 : i32
    %get3A_2591 = arith.index_cast %get3A_2590 : i32 to index
    %get3A_2592 = memref.load %arg8[%get3A_2591] : memref<272xi32, #tpu.memory_space<smem>>
    %broadcast_in_dim3A_2593 = vector.broadcast %get3A_2592 : i32 to vector<16xi32>
    %mul3A_2594 = arith.muli %broadcast_in_dim3A_2593, %sub3A_151 : vector<16xi32>
    %add3A_2595 = arith.addi %add3A_2583, %mul3A_2594 : vector<16xi32>
    %get3A_2596 = arith.constant 179 : i32
    %get3A_2597 = arith.index_cast %get3A_2596 : i32 to index
    %get3A_2598 = memref.load %arg9[%get3A_2597] : memref<272xi32, #tpu.memory_space<smem>>
    %broadcast_in_dim3A_2599 = vector.broadcast %get3A_2598 : i32 to vector<16xi32>
    %mul3A_2600 = arith.muli %broadcast_in_dim3A_2599, %sub3A_151 : vector<16xi32>
    %add3A_2601 = arith.addi %add3A_2589, %mul3A_2600 : vector<16xi32>
    %get3A_2602 = arith.constant 180 : i32
    %get3A_2603 = arith.index_cast %get3A_2602 : i32 to index
    %get3A_2604 = memref.load %arg8[%get3A_2603] : memref<272xi32, #tpu.memory_space<smem>>
    %broadcast_in_dim3A_2605 = vector.broadcast %get3A_2604 : i32 to vector<16xi32>
    %mul3A_2606 = arith.muli %broadcast_in_dim3A_2605, %sub3A_164 : vector<16xi32>
    %add3A_2607 = arith.addi %add3A_2595, %mul3A_2606 : vector<16xi32>
    %get3A_2608 = arith.constant 180 : i32
    %get3A_2609 = arith.index_cast %get3A_2608 : i32 to index
    %get3A_2610 = memref.load %arg9[%get3A_2609] : memref<272xi32, #tpu.memory_space<smem>>
    %broadcast_in_dim3A_2611 = vector.broadcast %get3A_2610 : i32 to vector<16xi32>
    %mul3A_2612 = arith.muli %broadcast_in_dim3A_2611, %sub3A_164 : vector<16xi32>
    %add3A_2613 = arith.addi %add3A_2601, %mul3A_2612 : vector<16xi32>
    %get3A_2614 = arith.constant 181 : i32
    %get3A_2615 = arith.index_cast %get3A_2614 : i32 to index
    %get3A_2616 = memref.load %arg8[%get3A_2615] : memref<272xi32, #tpu.memory_space<smem>>
    %broadcast_in_dim3A_2617 = vector.broadcast %get3A_2616 : i32 to vector<16xi32>
    %mul3A_2618 = arith.muli %broadcast_in_dim3A_2617, %sub3A_177 : vector<16xi32>
    %add3A_2619 = arith.addi %add3A_2607, %mul3A_2618 : vector<16xi32>
    %get3A_2620 = arith.constant 181 : i32
    %get3A_2621 = arith.index_cast %get3A_2620 : i32 to index
    %get3A_2622 = memref.load %arg9[%get3A_2621] : memref<272xi32, #tpu.memory_space<smem>>
    %broadcast_in_dim3A_2623 = vector.broadcast %get3A_2622 : i32 to vector<16xi32>
    %mul3A_2624 = arith.muli %broadcast_in_dim3A_2623, %sub3A_177 : vector<16xi32>
    %add3A_2625 = arith.addi %add3A_2613, %mul3A_2624 : vector<16xi32>
    %get3A_2626 = arith.constant 182 : i32
    %get3A_2627 = arith.index_cast %get3A_2626 : i32 to index
    %get3A_2628 = memref.load %arg8[%get3A_2627] : memref<272xi32, #tpu.memory_space<smem>>
    %broadcast_in_dim3A_2629 = vector.broadcast %get3A_2628 : i32 to vector<16xi32>
    %mul3A_2630 = arith.muli %broadcast_in_dim3A_2629, %sub3A_190 : vector<16xi32>
    %add3A_2631 = arith.addi %add3A_2619, %mul3A_2630 : vector<16xi32>
    %get3A_2632 = arith.constant 182 : i32
    %get3A_2633 = arith.index_cast %get3A_2632 : i32 to index
    %get3A_2634 = memref.load %arg9[%get3A_2633] : memref<272xi32, #tpu.memory_space<smem>>
    %broadcast_in_dim3A_2635 = vector.broadcast %get3A_2634 : i32 to vector<16xi32>
    %mul3A_2636 = arith.muli %broadcast_in_dim3A_2635, %sub3A_190 : vector<16xi32>
    %add3A_2637 = arith.addi %add3A_2625, %mul3A_2636 : vector<16xi32>
    %get3A_2638 = arith.constant 183 : i32
    %get3A_2639 = arith.index_cast %get3A_2638 : i32 to index
    %get3A_2640 = memref.load %arg8[%get3A_2639] : memref<272xi32, #tpu.memory_space<smem>>
    %broadcast_in_dim3A_2641 = vector.broadcast %get3A_2640 : i32 to vector<16xi32>
    %mul3A_2642 = arith.muli %broadcast_in_dim3A_2641, %sub3A_203 : vector<16xi32>
    %add3A_2643 = arith.addi %add3A_2631, %mul3A_2642 : vector<16xi32>
    %get3A_2644 = arith.constant 183 : i32
    %get3A_2645 = arith.index_cast %get3A_2644 : i32 to index
    %get3A_2646 = memref.load %arg9[%get3A_2645] : memref<272xi32, #tpu.memory_space<smem>>
    %broadcast_in_dim3A_2647 = vector.broadcast %get3A_2646 : i32 to vector<16xi32>
    %mul3A_2648 = arith.muli %broadcast_in_dim3A_2647, %sub3A_203 : vector<16xi32>
    %add3A_2649 = arith.addi %add3A_2637, %mul3A_2648 : vector<16xi32>
    %get3A_2650 = arith.constant 184 : i32
    %get3A_2651 = arith.index_cast %get3A_2650 : i32 to index
    %get3A_2652 = memref.load %arg8[%get3A_2651] : memref<272xi32, #tpu.memory_space<smem>>
    %broadcast_in_dim3A_2653 = vector.broadcast %get3A_2652 : i32 to vector<16xi32>
    %mul3A_2654 = arith.muli %broadcast_in_dim3A_2653, %sub3A_216 : vector<16xi32>
    %add3A_2655 = arith.addi %add3A_2643, %mul3A_2654 : vector<16xi32>
    %get3A_2656 = arith.constant 184 : i32
    %get3A_2657 = arith.index_cast %get3A_2656 : i32 to index
    %get3A_2658 = memref.load %arg9[%get3A_2657] : memref<272xi32, #tpu.memory_space<smem>>
    %broadcast_in_dim3A_2659 = vector.broadcast %get3A_2658 : i32 to vector<16xi32>
    %mul3A_2660 = arith.muli %broadcast_in_dim3A_2659, %sub3A_216 : vector<16xi32>
    %add3A_2661 = arith.addi %add3A_2649, %mul3A_2660 : vector<16xi32>
    %get3A_2662 = arith.constant 185 : i32
    %get3A_2663 = arith.index_cast %get3A_2662 : i32 to index
    %get3A_2664 = memref.load %arg8[%get3A_2663] : memref<272xi32, #tpu.memory_space<smem>>
    %broadcast_in_dim3A_2665 = vector.broadcast %get3A_2664 : i32 to vector<16xi32>
    %mul3A_2666 = arith.muli %broadcast_in_dim3A_2665, %sub3A_229 : vector<16xi32>
    %add3A_2667 = arith.addi %add3A_2655, %mul3A_2666 : vector<16xi32>
    %get3A_2668 = arith.constant 185 : i32
    %get3A_2669 = arith.index_cast %get3A_2668 : i32 to index
    %get3A_2670 = memref.load %arg9[%get3A_2669] : memref<272xi32, #tpu.memory_space<smem>>
    %broadcast_in_dim3A_2671 = vector.broadcast %get3A_2670 : i32 to vector<16xi32>
    %mul3A_2672 = arith.muli %broadcast_in_dim3A_2671, %sub3A_229 : vector<16xi32>
    %add3A_2673 = arith.addi %add3A_2661, %mul3A_2672 : vector<16xi32>
    %get3A_2674 = arith.constant 186 : i32
    %get3A_2675 = arith.index_cast %get3A_2674 : i32 to index
    %get3A_2676 = memref.load %arg8[%get3A_2675] : memref<272xi32, #tpu.memory_space<smem>>
    %broadcast_in_dim3A_2677 = vector.broadcast %get3A_2676 : i32 to vector<16xi32>
    %mul3A_2678 = arith.muli %broadcast_in_dim3A_2677, %sub3A_242 : vector<16xi32>
    %add3A_2679 = arith.addi %add3A_2667, %mul3A_2678 : vector<16xi32>
    %get3A_2680 = arith.constant 186 : i32
    %get3A_2681 = arith.index_cast %get3A_2680 : i32 to index
    %get3A_2682 = memref.load %arg9[%get3A_2681] : memref<272xi32, #tpu.memory_space<smem>>
    %broadcast_in_dim3A_2683 = vector.broadcast %get3A_2682 : i32 to vector<16xi32>
    %mul3A_2684 = arith.muli %broadcast_in_dim3A_2683, %sub3A_242 : vector<16xi32>
    %add3A_2685 = arith.addi %add3A_2673, %mul3A_2684 : vector<16xi32>
    %get3A_2686 = arith.constant 187 : i32
    %get3A_2687 = arith.index_cast %get3A_2686 : i32 to index
    %get3A_2688 = memref.load %arg8[%get3A_2687] : memref<272xi32, #tpu.memory_space<smem>>
    %broadcast_in_dim3A_2689 = vector.broadcast %get3A_2688 : i32 to vector<16xi32>
    %mul3A_2690 = arith.muli %broadcast_in_dim3A_2689, %sub3A_255 : vector<16xi32>
    %add3A_2691 = arith.addi %add3A_2679, %mul3A_2690 : vector<16xi32>
    %get3A_2692 = arith.constant 187 : i32
    %get3A_2693 = arith.index_cast %get3A_2692 : i32 to index
    %get3A_2694 = memref.load %arg9[%get3A_2693] : memref<272xi32, #tpu.memory_space<smem>>
    %broadcast_in_dim3A_2695 = vector.broadcast %get3A_2694 : i32 to vector<16xi32>
    %mul3A_2696 = arith.muli %broadcast_in_dim3A_2695, %sub3A_255 : vector<16xi32>
    %add3A_2697 = arith.addi %add3A_2685, %mul3A_2696 : vector<16xi32>
    %get3A_2698 = arith.constant 188 : i32
    %get3A_2699 = arith.index_cast %get3A_2698 : i32 to index
    %get3A_2700 = memref.load %arg8[%get3A_2699] : memref<272xi32, #tpu.memory_space<smem>>
    %broadcast_in_dim3A_2701 = vector.broadcast %get3A_2700 : i32 to vector<16xi32>
    %mul3A_2702 = arith.muli %broadcast_in_dim3A_2701, %sub3A_268 : vector<16xi32>
    %add3A_2703 = arith.addi %add3A_2691, %mul3A_2702 : vector<16xi32>
    %get3A_2704 = arith.constant 188 : i32
    %get3A_2705 = arith.index_cast %get3A_2704 : i32 to index
    %get3A_2706 = memref.load %arg9[%get3A_2705] : memref<272xi32, #tpu.memory_space<smem>>
    %broadcast_in_dim3A_2707 = vector.broadcast %get3A_2706 : i32 to vector<16xi32>
    %mul3A_2708 = arith.muli %broadcast_in_dim3A_2707, %sub3A_268 : vector<16xi32>
    %add3A_2709 = arith.addi %add3A_2697, %mul3A_2708 : vector<16xi32>
    %get3A_2710 = arith.constant 189 : i32
    %get3A_2711 = arith.index_cast %get3A_2710 : i32 to index
    %get3A_2712 = memref.load %arg8[%get3A_2711] : memref<272xi32, #tpu.memory_space<smem>>
    %broadcast_in_dim3A_2713 = vector.broadcast %get3A_2712 : i32 to vector<16xi32>
    %mul3A_2714 = arith.muli %broadcast_in_dim3A_2713, %sub3A_281 : vector<16xi32>
    %add3A_2715 = arith.addi %add3A_2703, %mul3A_2714 : vector<16xi32>
    %get3A_2716 = arith.constant 189 : i32
    %get3A_2717 = arith.index_cast %get3A_2716 : i32 to index
    %get3A_2718 = memref.load %arg9[%get3A_2717] : memref<272xi32, #tpu.memory_space<smem>>
    %broadcast_in_dim3A_2719 = vector.broadcast %get3A_2718 : i32 to vector<16xi32>
    %mul3A_2720 = arith.muli %broadcast_in_dim3A_2719, %sub3A_281 : vector<16xi32>
    %add3A_2721 = arith.addi %add3A_2709, %mul3A_2720 : vector<16xi32>
    %get3A_2722 = arith.constant 190 : i32
    %get3A_2723 = arith.index_cast %get3A_2722 : i32 to index
    %get3A_2724 = memref.load %arg8[%get3A_2723] : memref<272xi32, #tpu.memory_space<smem>>
    %broadcast_in_dim3A_2725 = vector.broadcast %get3A_2724 : i32 to vector<16xi32>
    %mul3A_2726 = arith.muli %broadcast_in_dim3A_2725, %sub3A_294 : vector<16xi32>
    %add3A_2727 = arith.addi %add3A_2715, %mul3A_2726 : vector<16xi32>
    %get3A_2728 = arith.constant 190 : i32
    %get3A_2729 = arith.index_cast %get3A_2728 : i32 to index
    %get3A_2730 = memref.load %arg9[%get3A_2729] : memref<272xi32, #tpu.memory_space<smem>>
    %broadcast_in_dim3A_2731 = vector.broadcast %get3A_2730 : i32 to vector<16xi32>
    %mul3A_2732 = arith.muli %broadcast_in_dim3A_2731, %sub3A_294 : vector<16xi32>
    %add3A_2733 = arith.addi %add3A_2721, %mul3A_2732 : vector<16xi32>
    %get3A_2734 = arith.constant 191 : i32
    %get3A_2735 = arith.index_cast %get3A_2734 : i32 to index
    %get3A_2736 = memref.load %arg8[%get3A_2735] : memref<272xi32, #tpu.memory_space<smem>>
    %broadcast_in_dim3A_2737 = vector.broadcast %get3A_2736 : i32 to vector<16xi32>
    %mul3A_2738 = arith.muli %broadcast_in_dim3A_2737, %sub3A_307 : vector<16xi32>
    %add3A_2739 = arith.addi %add3A_2727, %mul3A_2738 : vector<16xi32>
    %get3A_2740 = arith.constant 191 : i32
    %get3A_2741 = arith.index_cast %get3A_2740 : i32 to index
    %get3A_2742 = memref.load %arg9[%get3A_2741] : memref<272xi32, #tpu.memory_space<smem>>
    %broadcast_in_dim3A_2743 = vector.broadcast %get3A_2742 : i32 to vector<16xi32>
    %mul3A_2744 = arith.muli %broadcast_in_dim3A_2743, %sub3A_307 : vector<16xi32>
    %add3A_2745 = arith.addi %add3A_2733, %mul3A_2744 : vector<16xi32>
    %swap3A_2746 = arith.constant 176 : index
    %swap3A_2747 = tpu.vector_load %arg6[%swap3A_2746] {strides = array<i32>} : memref<256xi32, #tpu.memory_space<vmem>>, vector<16xi32>,
    %swap3A_2748 = vector.shape_cast %swap3A_2747 : vector<16xi32> to vector<16xi32>
    %swap3A_2749 = vector.shape_cast %add3A_2739 : vector<16xi32> to vector<16xi32>
    tpu.vector_store %arg6[%swap3A_2746], %swap3A_2749 {strides = array<i32>} : memref<256xi32, #tpu.memory_space<vmem>>, vector<16xi32>,
    %swap3A_2750 = arith.constant 176 : index
    %swap3A_2751 = tpu.vector_load %arg7[%swap3A_2750] {strides = array<i32>} : memref<256xi32, #tpu.memory_space<vmem>>, vector<16xi32>,
    %swap3A_2752 = vector.shape_cast %swap3A_2751 : vector<16xi32> to vector<16xi32>
    %swap3A_2753 = vector.shape_cast %add3A_2745 : vector<16xi32> to vector<16xi32>
    tpu.vector_store %arg7[%swap3A_2750], %swap3A_2753 {strides = array<i32>} : memref<256xi32, #tpu.memory_space<vmem>>, vector<16xi32>,
    %broadcast_in_dim3A_2754 = arith.constant 0 : i32
    %broadcast_in_dim3A_2755 = vector.broadcast %broadcast_in_dim3A_2754 : i32 to vector<16xi32>
    %broadcast_in_dim3A_2756 = arith.constant 0 : i32
    %broadcast_in_dim3A_2757 = vector.broadcast %broadcast_in_dim3A_2756 : i32 to vector<16xi32>
    %get3A_2758 = arith.constant 192 : i32
    %get3A_2759 = arith.index_cast %get3A_2758 : i32 to index
    %get3A_2760 = memref.load %arg8[%get3A_2759] : memref<272xi32, #tpu.memory_space<smem>>
    %broadcast_in_dim3A_2761 = vector.broadcast %get3A_2760 : i32 to vector<16xi32>
    %mul3A_2762 = arith.muli %broadcast_in_dim3A_2761, %sub3A_112 : vector<16xi32>
    %add3A_2763 = arith.addi %broadcast_in_dim3A_2755, %mul3A_2762 : vector<16xi32>
    %get3A_2764 = arith.constant 192 : i32
    %get3A_2765 = arith.index_cast %get3A_2764 : i32 to index
    %get3A_2766 = memref.load %arg9[%get3A_2765] : memref<272xi32, #tpu.memory_space<smem>>
    %broadcast_in_dim3A_2767 = vector.broadcast %get3A_2766 : i32 to vector<16xi32>
    %mul3A_2768 = arith.muli %broadcast_in_dim3A_2767, %sub3A_112 : vector<16xi32>
    %add3A_2769 = arith.addi %broadcast_in_dim3A_2757, %mul3A_2768 : vector<16xi32>
    %get3A_2770 = arith.constant 193 : i32
    %get3A_2771 = arith.index_cast %get3A_2770 : i32 to index
    %get3A_2772 = memref.load %arg8[%get3A_2771] : memref<272xi32, #tpu.memory_space<smem>>
    %broadcast_in_dim3A_2773 = vector.broadcast %get3A_2772 : i32 to vector<16xi32>
    %mul3A_2774 = arith.muli %broadcast_in_dim3A_2773, %sub3A_125 : vector<16xi32>
    %add3A_2775 = arith.addi %add3A_2763, %mul3A_2774 : vector<16xi32>
    %get3A_2776 = arith.constant 193 : i32
    %get3A_2777 = arith.index_cast %get3A_2776 : i32 to index
    %get3A_2778 = memref.load %arg9[%get3A_2777] : memref<272xi32, #tpu.memory_space<smem>>
    %broadcast_in_dim3A_2779 = vector.broadcast %get3A_2778 : i32 to vector<16xi32>
    %mul3A_2780 = arith.muli %broadcast_in_dim3A_2779, %sub3A_125 : vector<16xi32>
    %add3A_2781 = arith.addi %add3A_2769, %mul3A_2780 : vector<16xi32>
    %get3A_2782 = arith.constant 194 : i32
    %get3A_2783 = arith.index_cast %get3A_2782 : i32 to index
    %get3A_2784 = memref.load %arg8[%get3A_2783] : memref<272xi32, #tpu.memory_space<smem>>
    %broadcast_in_dim3A_2785 = vector.broadcast %get3A_2784 : i32 to vector<16xi32>
    %mul3A_2786 = arith.muli %broadcast_in_dim3A_2785, %sub3A_138 : vector<16xi32>
    %add3A_2787 = arith.addi %add3A_2775, %mul3A_2786 : vector<16xi32>
    %get3A_2788 = arith.constant 194 : i32
    %get3A_2789 = arith.index_cast %get3A_2788 : i32 to index
    %get3A_2790 = memref.load %arg9[%get3A_2789] : memref<272xi32, #tpu.memory_space<smem>>
    %broadcast_in_dim3A_2791 = vector.broadcast %get3A_2790 : i32 to vector<16xi32>
    %mul3A_2792 = arith.muli %broadcast_in_dim3A_2791, %sub3A_138 : vector<16xi32>
    %add3A_2793 = arith.addi %add3A_2781, %mul3A_2792 : vector<16xi32>
    %get3A_2794 = arith.constant 195 : i32
    %get3A_2795 = arith.index_cast %get3A_2794 : i32 to index
    %get3A_2796 = memref.load %arg8[%get3A_2795] : memref<272xi32, #tpu.memory_space<smem>>
    %broadcast_in_dim3A_2797 = vector.broadcast %get3A_2796 : i32 to vector<16xi32>
    %mul3A_2798 = arith.muli %broadcast_in_dim3A_2797, %sub3A_151 : vector<16xi32>
    %add3A_2799 = arith.addi %add3A_2787, %mul3A_2798 : vector<16xi32>
    %get3A_2800 = arith.constant 195 : i32
    %get3A_2801 = arith.index_cast %get3A_2800 : i32 to index
    %get3A_2802 = memref.load %arg9[%get3A_2801] : memref<272xi32, #tpu.memory_space<smem>>
    %broadcast_in_dim3A_2803 = vector.broadcast %get3A_2802 : i32 to vector<16xi32>
    %mul3A_2804 = arith.muli %broadcast_in_dim3A_2803, %sub3A_151 : vector<16xi32>
    %add3A_2805 = arith.addi %add3A_2793, %mul3A_2804 : vector<16xi32>
    %get3A_2806 = arith.constant 196 : i32
    %get3A_2807 = arith.index_cast %get3A_2806 : i32 to index
    %get3A_2808 = memref.load %arg8[%get3A_2807] : memref<272xi32, #tpu.memory_space<smem>>
    %broadcast_in_dim3A_2809 = vector.broadcast %get3A_2808 : i32 to vector<16xi32>
    %mul3A_2810 = arith.muli %broadcast_in_dim3A_2809, %sub3A_164 : vector<16xi32>
    %add3A_2811 = arith.addi %add3A_2799, %mul3A_2810 : vector<16xi32>
    %get3A_2812 = arith.constant 196 : i32
    %get3A_2813 = arith.index_cast %get3A_2812 : i32 to index
    %get3A_2814 = memref.load %arg9[%get3A_2813] : memref<272xi32, #tpu.memory_space<smem>>
    %broadcast_in_dim3A_2815 = vector.broadcast %get3A_2814 : i32 to vector<16xi32>
    %mul3A_2816 = arith.muli %broadcast_in_dim3A_2815, %sub3A_164 : vector<16xi32>
    %add3A_2817 = arith.addi %add3A_2805, %mul3A_2816 : vector<16xi32>
    %get3A_2818 = arith.constant 197 : i32
    %get3A_2819 = arith.index_cast %get3A_2818 : i32 to index
    %get3A_2820 = memref.load %arg8[%get3A_2819] : memref<272xi32, #tpu.memory_space<smem>>
    %broadcast_in_dim3A_2821 = vector.broadcast %get3A_2820 : i32 to vector<16xi32>
    %mul3A_2822 = arith.muli %broadcast_in_dim3A_2821, %sub3A_177 : vector<16xi32>
    %add3A_2823 = arith.addi %add3A_2811, %mul3A_2822 : vector<16xi32>
    %get3A_2824 = arith.constant 197 : i32
    %get3A_2825 = arith.index_cast %get3A_2824 : i32 to index
    %get3A_2826 = memref.load %arg9[%get3A_2825] : memref<272xi32, #tpu.memory_space<smem>>
    %broadcast_in_dim3A_2827 = vector.broadcast %get3A_2826 : i32 to vector<16xi32>
    %mul3A_2828 = arith.muli %broadcast_in_dim3A_2827, %sub3A_177 : vector<16xi32>
    %add3A_2829 = arith.addi %add3A_2817, %mul3A_2828 : vector<16xi32>
    %get3A_2830 = arith.constant 198 : i32
    %get3A_2831 = arith.index_cast %get3A_2830 : i32 to index
    %get3A_2832 = memref.load %arg8[%get3A_2831] : memref<272xi32, #tpu.memory_space<smem>>
    %broadcast_in_dim3A_2833 = vector.broadcast %get3A_2832 : i32 to vector<16xi32>
    %mul3A_2834 = arith.muli %broadcast_in_dim3A_2833, %sub3A_190 : vector<16xi32>
    %add3A_2835 = arith.addi %add3A_2823, %mul3A_2834 : vector<16xi32>
    %get3A_2836 = arith.constant 198 : i32
    %get3A_2837 = arith.index_cast %get3A_2836 : i32 to index
    %get3A_2838 = memref.load %arg9[%get3A_2837] : memref<272xi32, #tpu.memory_space<smem>>
    %broadcast_in_dim3A_2839 = vector.broadcast %get3A_2838 : i32 to vector<16xi32>
    %mul3A_2840 = arith.muli %broadcast_in_dim3A_2839, %sub3A_190 : vector<16xi32>
    %add3A_2841 = arith.addi %add3A_2829, %mul3A_2840 : vector<16xi32>
    %get3A_2842 = arith.constant 199 : i32
    %get3A_2843 = arith.index_cast %get3A_2842 : i32 to index
    %get3A_2844 = memref.load %arg8[%get3A_2843] : memref<272xi32, #tpu.memory_space<smem>>
    %broadcast_in_dim3A_2845 = vector.broadcast %get3A_2844 : i32 to vector<16xi32>
    %mul3A_2846 = arith.muli %broadcast_in_dim3A_2845, %sub3A_203 : vector<16xi32>
    %add3A_2847 = arith.addi %add3A_2835, %mul3A_2846 : vector<16xi32>
    %get3A_2848 = arith.constant 199 : i32
    %get3A_2849 = arith.index_cast %get3A_2848 : i32 to index
    %get3A_2850 = memref.load %arg9[%get3A_2849] : memref<272xi32, #tpu.memory_space<smem>>
    %broadcast_in_dim3A_2851 = vector.broadcast %get3A_2850 : i32 to vector<16xi32>
    %mul3A_2852 = arith.muli %broadcast_in_dim3A_2851, %sub3A_203 : vector<16xi32>
    %add3A_2853 = arith.addi %add3A_2841, %mul3A_2852 : vector<16xi32>
    %get3A_2854 = arith.constant 200 : i32
    %get3A_2855 = arith.index_cast %get3A_2854 : i32 to index
    %get3A_2856 = memref.load %arg8[%get3A_2855] : memref<272xi32, #tpu.memory_space<smem>>
    %broadcast_in_dim3A_2857 = vector.broadcast %get3A_2856 : i32 to vector<16xi32>
    %mul3A_2858 = arith.muli %broadcast_in_dim3A_2857, %sub3A_216 : vector<16xi32>
    %add3A_2859 = arith.addi %add3A_2847, %mul3A_2858 : vector<16xi32>
    %get3A_2860 = arith.constant 200 : i32
    %get3A_2861 = arith.index_cast %get3A_2860 : i32 to index
    %get3A_2862 = memref.load %arg9[%get3A_2861] : memref<272xi32, #tpu.memory_space<smem>>
    %broadcast_in_dim3A_2863 = vector.broadcast %get3A_2862 : i32 to vector<16xi32>
    %mul3A_2864 = arith.muli %broadcast_in_dim3A_2863, %sub3A_216 : vector<16xi32>
    %add3A_2865 = arith.addi %add3A_2853, %mul3A_2864 : vector<16xi32>
    %get3A_2866 = arith.constant 201 : i32
    %get3A_2867 = arith.index_cast %get3A_2866 : i32 to index
    %get3A_2868 = memref.load %arg8[%get3A_2867] : memref<272xi32, #tpu.memory_space<smem>>
    %broadcast_in_dim3A_2869 = vector.broadcast %get3A_2868 : i32 to vector<16xi32>
    %mul3A_2870 = arith.muli %broadcast_in_dim3A_2869, %sub3A_229 : vector<16xi32>
    %add3A_2871 = arith.addi %add3A_2859, %mul3A_2870 : vector<16xi32>
    %get3A_2872 = arith.constant 201 : i32
    %get3A_2873 = arith.index_cast %get3A_2872 : i32 to index
    %get3A_2874 = memref.load %arg9[%get3A_2873] : memref<272xi32, #tpu.memory_space<smem>>
    %broadcast_in_dim3A_2875 = vector.broadcast %get3A_2874 : i32 to vector<16xi32>
    %mul3A_2876 = arith.muli %broadcast_in_dim3A_2875, %sub3A_229 : vector<16xi32>
    %add3A_2877 = arith.addi %add3A_2865, %mul3A_2876 : vector<16xi32>
    %get3A_2878 = arith.constant 202 : i32
    %get3A_2879 = arith.index_cast %get3A_2878 : i32 to index
    %get3A_2880 = memref.load %arg8[%get3A_2879] : memref<272xi32, #tpu.memory_space<smem>>
    %broadcast_in_dim3A_2881 = vector.broadcast %get3A_2880 : i32 to vector<16xi32>
    %mul3A_2882 = arith.muli %broadcast_in_dim3A_2881, %sub3A_242 : vector<16xi32>
    %add3A_2883 = arith.addi %add3A_2871, %mul3A_2882 : vector<16xi32>
    %get3A_2884 = arith.constant 202 : i32
    %get3A_2885 = arith.index_cast %get3A_2884 : i32 to index
    %get3A_2886 = memref.load %arg9[%get3A_2885] : memref<272xi32, #tpu.memory_space<smem>>
    %broadcast_in_dim3A_2887 = vector.broadcast %get3A_2886 : i32 to vector<16xi32>
    %mul3A_2888 = arith.muli %broadcast_in_dim3A_2887, %sub3A_242 : vector<16xi32>
    %add3A_2889 = arith.addi %add3A_2877, %mul3A_2888 : vector<16xi32>
    %get3A_2890 = arith.constant 203 : i32
    %get3A_2891 = arith.index_cast %get3A_2890 : i32 to index
    %get3A_2892 = memref.load %arg8[%get3A_2891] : memref<272xi32, #tpu.memory_space<smem>>
    %broadcast_in_dim3A_2893 = vector.broadcast %get3A_2892 : i32 to vector<16xi32>
    %mul3A_2894 = arith.muli %broadcast_in_dim3A_2893, %sub3A_255 : vector<16xi32>
    %add3A_2895 = arith.addi %add3A_2883, %mul3A_2894 : vector<16xi32>
    %get3A_2896 = arith.constant 203 : i32
    %get3A_2897 = arith.index_cast %get3A_2896 : i32 to index
    %get3A_2898 = memref.load %arg9[%get3A_2897] : memref<272xi32, #tpu.memory_space<smem>>
    %broadcast_in_dim3A_2899 = vector.broadcast %get3A_2898 : i32 to vector<16xi32>
    %mul3A_2900 = arith.muli %broadcast_in_dim3A_2899, %sub3A_255 : vector<16xi32>
    %add3A_2901 = arith.addi %add3A_2889, %mul3A_2900 : vector<16xi32>
    %get3A_2902 = arith.constant 204 : i32
    %get3A_2903 = arith.index_cast %get3A_2902 : i32 to index
    %get3A_2904 = memref.load %arg8[%get3A_2903] : memref<272xi32, #tpu.memory_space<smem>>
    %broadcast_in_dim3A_2905 = vector.broadcast %get3A_2904 : i32 to vector<16xi32>
    %mul3A_2906 = arith.muli %broadcast_in_dim3A_2905, %sub3A_268 : vector<16xi32>
    %add3A_2907 = arith.addi %add3A_2895, %mul3A_2906 : vector<16xi32>
    %get3A_2908 = arith.constant 204 : i32
    %get3A_2909 = arith.index_cast %get3A_2908 : i32 to index
    %get3A_2910 = memref.load %arg9[%get3A_2909] : memref<272xi32, #tpu.memory_space<smem>>
    %broadcast_in_dim3A_2911 = vector.broadcast %get3A_2910 : i32 to vector<16xi32>
    %mul3A_2912 = arith.muli %broadcast_in_dim3A_2911, %sub3A_268 : vector<16xi32>
    %add3A_2913 = arith.addi %add3A_2901, %mul3A_2912 : vector<16xi32>
    %get3A_2914 = arith.constant 205 : i32
    %get3A_2915 = arith.index_cast %get3A_2914 : i32 to index
    %get3A_2916 = memref.load %arg8[%get3A_2915] : memref<272xi32, #tpu.memory_space<smem>>
    %broadcast_in_dim3A_2917 = vector.broadcast %get3A_2916 : i32 to vector<16xi32>
    %mul3A_2918 = arith.muli %broadcast_in_dim3A_2917, %sub3A_281 : vector<16xi32>
    %add3A_2919 = arith.addi %add3A_2907, %mul3A_2918 : vector<16xi32>
    %get3A_2920 = arith.constant 205 : i32
    %get3A_2921 = arith.index_cast %get3A_2920 : i32 to index
    %get3A_2922 = memref.load %arg9[%get3A_2921] : memref<272xi32, #tpu.memory_space<smem>>
    %broadcast_in_dim3A_2923 = vector.broadcast %get3A_2922 : i32 to vector<16xi32>
    %mul3A_2924 = arith.muli %broadcast_in_dim3A_2923, %sub3A_281 : vector<16xi32>
    %add3A_2925 = arith.addi %add3A_2913, %mul3A_2924 : vector<16xi32>
    %get3A_2926 = arith.constant 206 : i32
    %get3A_2927 = arith.index_cast %get3A_2926 : i32 to index
    %get3A_2928 = memref.load %arg8[%get3A_2927] : memref<272xi32, #tpu.memory_space<smem>>
    %broadcast_in_dim3A_2929 = vector.broadcast %get3A_2928 : i32 to vector<16xi32>
    %mul3A_2930 = arith.muli %broadcast_in_dim3A_2929, %sub3A_294 : vector<16xi32>
    %add3A_2931 = arith.addi %add3A_2919, %mul3A_2930 : vector<16xi32>
    %get3A_2932 = arith.constant 206 : i32
    %get3A_2933 = arith.index_cast %get3A_2932 : i32 to index
    %get3A_2934 = memref.load %arg9[%get3A_2933] : memref<272xi32, #tpu.memory_space<smem>>
    %broadcast_in_dim3A_2935 = vector.broadcast %get3A_2934 : i32 to vector<16xi32>
    %mul3A_2936 = arith.muli %broadcast_in_dim3A_2935, %sub3A_294 : vector<16xi32>
    %add3A_2937 = arith.addi %add3A_2925, %mul3A_2936 : vector<16xi32>
    %get3A_2938 = arith.constant 207 : i32
    %get3A_2939 = arith.index_cast %get3A_2938 : i32 to index
    %get3A_2940 = memref.load %arg8[%get3A_2939] : memref<272xi32, #tpu.memory_space<smem>>
    %broadcast_in_dim3A_2941 = vector.broadcast %get3A_2940 : i32 to vector<16xi32>
    %mul3A_2942 = arith.muli %broadcast_in_dim3A_2941, %sub3A_307 : vector<16xi32>
    %add3A_2943 = arith.addi %add3A_2931, %mul3A_2942 : vector<16xi32>
    %get3A_2944 = arith.constant 207 : i32
    %get3A_2945 = arith.index_cast %get3A_2944 : i32 to index
    %get3A_2946 = memref.load %arg9[%get3A_2945] : memref<272xi32, #tpu.memory_space<smem>>
    %broadcast_in_dim3A_2947 = vector.broadcast %get3A_2946 : i32 to vector<16xi32>
    %mul3A_2948 = arith.muli %broadcast_in_dim3A_2947, %sub3A_307 : vector<16xi32>
    %add3A_2949 = arith.addi %add3A_2937, %mul3A_2948 : vector<16xi32>
    %swap3A_2950 = arith.constant 192 : index
    %swap3A_2951 = tpu.vector_load %arg6[%swap3A_2950] {strides = array<i32>} : memref<256xi32, #tpu.memory_space<vmem>>, vector<16xi32>,
    %swap3A_2952 = vector.shape_cast %swap3A_2951 : vector<16xi32> to vector<16xi32>
    %swap3A_2953 = vector.shape_cast %add3A_2943 : vector<16xi32> to vector<16xi32>
    tpu.vector_store %arg6[%swap3A_2950], %swap3A_2953 {strides = array<i32>} : memref<256xi32, #tpu.memory_space<vmem>>, vector<16xi32>,
    %swap3A_2954 = arith.constant 192 : index
    %swap3A_2955 = tpu.vector_load %arg7[%swap3A_2954] {strides = array<i32>} : memref<256xi32, #tpu.memory_space<vmem>>, vector<16xi32>,
    %swap3A_2956 = vector.shape_cast %swap3A_2955 : vector<16xi32> to vector<16xi32>
    %swap3A_2957 = vector.shape_cast %add3A_2949 : vector<16xi32> to vector<16xi32>
    tpu.vector_store %arg7[%swap3A_2954], %swap3A_2957 {strides = array<i32>} : memref<256xi32, #tpu.memory_space<vmem>>, vector<16xi32>,
    %broadcast_in_dim3A_2958 = arith.constant 0 : i32
    %broadcast_in_dim3A_2959 = vector.broadcast %broadcast_in_dim3A_2958 : i32 to vector<16xi32>
    %broadcast_in_dim3A_2960 = arith.constant 0 : i32
    %broadcast_in_dim3A_2961 = vector.broadcast %broadcast_in_dim3A_2960 : i32 to vector<16xi32>
    %get3A_2962 = arith.constant 208 : i32
    %get3A_2963 = arith.index_cast %get3A_2962 : i32 to index
    %get3A_2964 = memref.load %arg8[%get3A_2963] : memref<272xi32, #tpu.memory_space<smem>>
    %broadcast_in_dim3A_2965 = vector.broadcast %get3A_2964 : i32 to vector<16xi32>
    %mul3A_2966 = arith.muli %broadcast_in_dim3A_2965, %sub3A_112 : vector<16xi32>
    %add3A_2967 = arith.addi %broadcast_in_dim3A_2959, %mul3A_2966 : vector<16xi32>
    %get3A_2968 = arith.constant 208 : i32
    %get3A_2969 = arith.index_cast %get3A_2968 : i32 to index
    %get3A_2970 = memref.load %arg9[%get3A_2969] : memref<272xi32, #tpu.memory_space<smem>>
    %broadcast_in_dim3A_2971 = vector.broadcast %get3A_2970 : i32 to vector<16xi32>
    %mul3A_2972 = arith.muli %broadcast_in_dim3A_2971, %sub3A_112 : vector<16xi32>
    %add3A_2973 = arith.addi %broadcast_in_dim3A_2961, %mul3A_2972 : vector<16xi32>
    %get3A_2974 = arith.constant 209 : i32
    %get3A_2975 = arith.index_cast %get3A_2974 : i32 to index
    %get3A_2976 = memref.load %arg8[%get3A_2975] : memref<272xi32, #tpu.memory_space<smem>>
    %broadcast_in_dim3A_2977 = vector.broadcast %get3A_2976 : i32 to vector<16xi32>
    %mul3A_2978 = arith.muli %broadcast_in_dim3A_2977, %sub3A_125 : vector<16xi32>
    %add3A_2979 = arith.addi %add3A_2967, %mul3A_2978 : vector<16xi32>
    %get3A_2980 = arith.constant 209 : i32
    %get3A_2981 = arith.index_cast %get3A_2980 : i32 to index
    %get3A_2982 = memref.load %arg9[%get3A_2981] : memref<272xi32, #tpu.memory_space<smem>>
    %broadcast_in_dim3A_2983 = vector.broadcast %get3A_2982 : i32 to vector<16xi32>
    %mul3A_2984 = arith.muli %broadcast_in_dim3A_2983, %sub3A_125 : vector<16xi32>
    %add3A_2985 = arith.addi %add3A_2973, %mul3A_2984 : vector<16xi32>
    %get3A_2986 = arith.constant 210 : i32
    %get3A_2987 = arith.index_cast %get3A_2986 : i32 to index
    %get3A_2988 = memref.load %arg8[%get3A_2987] : memref<272xi32, #tpu.memory_space<smem>>
    %broadcast_in_dim3A_2989 = vector.broadcast %get3A_2988 : i32 to vector<16xi32>
    %mul3A_2990 = arith.muli %broadcast_in_dim3A_2989, %sub3A_138 : vector<16xi32>
    %add3A_2991 = arith.addi %add3A_2979, %mul3A_2990 : vector<16xi32>
    %get3A_2992 = arith.constant 210 : i32
    %get3A_2993 = arith.index_cast %get3A_2992 : i32 to index
    %get3A_2994 = memref.load %arg9[%get3A_2993] : memref<272xi32, #tpu.memory_space<smem>>
    %broadcast_in_dim3A_2995 = vector.broadcast %get3A_2994 : i32 to vector<16xi32>
    %mul3A_2996 = arith.muli %broadcast_in_dim3A_2995, %sub3A_138 : vector<16xi32>
    %add3A_2997 = arith.addi %add3A_2985, %mul3A_2996 : vector<16xi32>
    %get3A_2998 = arith.constant 211 : i32
    %get3A_2999 = arith.index_cast %get3A_2998 : i32 to index
    %get3A_3000 = memref.load %arg8[%get3A_2999] : memref<272xi32, #tpu.memory_space<smem>>
    %broadcast_in_dim3A_3001 = vector.broadcast %get3A_3000 : i32 to vector<16xi32>
    %mul3A_3002 = arith.muli %broadcast_in_dim3A_3001, %sub3A_151 : vector<16xi32>
    %add3A_3003 = arith.addi %add3A_2991, %mul3A_3002 : vector<16xi32>
    %get3A_3004 = arith.constant 211 : i32
    %get3A_3005 = arith.index_cast %get3A_3004 : i32 to index
    %get3A_3006 = memref.load %arg9[%get3A_3005] : memref<272xi32, #tpu.memory_space<smem>>
    %broadcast_in_dim3A_3007 = vector.broadcast %get3A_3006 : i32 to vector<16xi32>
    %mul3A_3008 = arith.muli %broadcast_in_dim3A_3007, %sub3A_151 : vector<16xi32>
    %add3A_3009 = arith.addi %add3A_2997, %mul3A_3008 : vector<16xi32>
    %get3A_3010 = arith.constant 212 : i32
    %get3A_3011 = arith.index_cast %get3A_3010 : i32 to index
    %get3A_3012 = memref.load %arg8[%get3A_3011] : memref<272xi32, #tpu.memory_space<smem>>
    %broadcast_in_dim3A_3013 = vector.broadcast %get3A_3012 : i32 to vector<16xi32>
    %mul3A_3014 = arith.muli %broadcast_in_dim3A_3013, %sub3A_164 : vector<16xi32>
    %add3A_3015 = arith.addi %add3A_3003, %mul3A_3014 : vector<16xi32>
    %get3A_3016 = arith.constant 212 : i32
    %get3A_3017 = arith.index_cast %get3A_3016 : i32 to index
    %get3A_3018 = memref.load %arg9[%get3A_3017] : memref<272xi32, #tpu.memory_space<smem>>
    %broadcast_in_dim3A_3019 = vector.broadcast %get3A_3018 : i32 to vector<16xi32>
    %mul3A_3020 = arith.muli %broadcast_in_dim3A_3019, %sub3A_164 : vector<16xi32>
    %add3A_3021 = arith.addi %add3A_3009, %mul3A_3020 : vector<16xi32>
    %get3A_3022 = arith.constant 213 : i32
    %get3A_3023 = arith.index_cast %get3A_3022 : i32 to index
    %get3A_3024 = memref.load %arg8[%get3A_3023] : memref<272xi32, #tpu.memory_space<smem>>
    %broadcast_in_dim3A_3025 = vector.broadcast %get3A_3024 : i32 to vector<16xi32>
    %mul3A_3026 = arith.muli %broadcast_in_dim3A_3025, %sub3A_177 : vector<16xi32>
    %add3A_3027 = arith.addi %add3A_3015, %mul3A_3026 : vector<16xi32>
    %get3A_3028 = arith.constant 213 : i32
    %get3A_3029 = arith.index_cast %get3A_3028 : i32 to index
    %get3A_3030 = memref.load %arg9[%get3A_3029] : memref<272xi32, #tpu.memory_space<smem>>
    %broadcast_in_dim3A_3031 = vector.broadcast %get3A_3030 : i32 to vector<16xi32>
    %mul3A_3032 = arith.muli %broadcast_in_dim3A_3031, %sub3A_177 : vector<16xi32>
    %add3A_3033 = arith.addi %add3A_3021, %mul3A_3032 : vector<16xi32>
    %get3A_3034 = arith.constant 214 : i32
    %get3A_3035 = arith.index_cast %get3A_3034 : i32 to index
    %get3A_3036 = memref.load %arg8[%get3A_3035] : memref<272xi32, #tpu.memory_space<smem>>
    %broadcast_in_dim3A_3037 = vector.broadcast %get3A_3036 : i32 to vector<16xi32>
    %mul3A_3038 = arith.muli %broadcast_in_dim3A_3037, %sub3A_190 : vector<16xi32>
    %add3A_3039 = arith.addi %add3A_3027, %mul3A_3038 : vector<16xi32>
    %get3A_3040 = arith.constant 214 : i32
    %get3A_3041 = arith.index_cast %get3A_3040 : i32 to index
    %get3A_3042 = memref.load %arg9[%get3A_3041] : memref<272xi32, #tpu.memory_space<smem>>
    %broadcast_in_dim3A_3043 = vector.broadcast %get3A_3042 : i32 to vector<16xi32>
    %mul3A_3044 = arith.muli %broadcast_in_dim3A_3043, %sub3A_190 : vector<16xi32>
    %add3A_3045 = arith.addi %add3A_3033, %mul3A_3044 : vector<16xi32>
    %get3A_3046 = arith.constant 215 : i32
    %get3A_3047 = arith.index_cast %get3A_3046 : i32 to index
    %get3A_3048 = memref.load %arg8[%get3A_3047] : memref<272xi32, #tpu.memory_space<smem>>
    %broadcast_in_dim3A_3049 = vector.broadcast %get3A_3048 : i32 to vector<16xi32>
    %mul3A_3050 = arith.muli %broadcast_in_dim3A_3049, %sub3A_203 : vector<16xi32>
    %add3A_3051 = arith.addi %add3A_3039, %mul3A_3050 : vector<16xi32>
    %get3A_3052 = arith.constant 215 : i32
    %get3A_3053 = arith.index_cast %get3A_3052 : i32 to index
    %get3A_3054 = memref.load %arg9[%get3A_3053] : memref<272xi32, #tpu.memory_space<smem>>
    %broadcast_in_dim3A_3055 = vector.broadcast %get3A_3054 : i32 to vector<16xi32>
    %mul3A_3056 = arith.muli %broadcast_in_dim3A_3055, %sub3A_203 : vector<16xi32>
    %add3A_3057 = arith.addi %add3A_3045, %mul3A_3056 : vector<16xi32>
    %get3A_3058 = arith.constant 216 : i32
    %get3A_3059 = arith.index_cast %get3A_3058 : i32 to index
    %get3A_3060 = memref.load %arg8[%get3A_3059] : memref<272xi32, #tpu.memory_space<smem>>
    %broadcast_in_dim3A_3061 = vector.broadcast %get3A_3060 : i32 to vector<16xi32>
    %mul3A_3062 = arith.muli %broadcast_in_dim3A_3061, %sub3A_216 : vector<16xi32>
    %add3A_3063 = arith.addi %add3A_3051, %mul3A_3062 : vector<16xi32>
    %get3A_3064 = arith.constant 216 : i32
    %get3A_3065 = arith.index_cast %get3A_3064 : i32 to index
    %get3A_3066 = memref.load %arg9[%get3A_3065] : memref<272xi32, #tpu.memory_space<smem>>
    %broadcast_in_dim3A_3067 = vector.broadcast %get3A_3066 : i32 to vector<16xi32>
    %mul3A_3068 = arith.muli %broadcast_in_dim3A_3067, %sub3A_216 : vector<16xi32>
    %add3A_3069 = arith.addi %add3A_3057, %mul3A_3068 : vector<16xi32>
    %get3A_3070 = arith.constant 217 : i32
    %get3A_3071 = arith.index_cast %get3A_3070 : i32 to index
    %get3A_3072 = memref.load %arg8[%get3A_3071] : memref<272xi32, #tpu.memory_space<smem>>
    %broadcast_in_dim3A_3073 = vector.broadcast %get3A_3072 : i32 to vector<16xi32>
    %mul3A_3074 = arith.muli %broadcast_in_dim3A_3073, %sub3A_229 : vector<16xi32>
    %add3A_3075 = arith.addi %add3A_3063, %mul3A_3074 : vector<16xi32>
    %get3A_3076 = arith.constant 217 : i32
    %get3A_3077 = arith.index_cast %get3A_3076 : i32 to index
    %get3A_3078 = memref.load %arg9[%get3A_3077] : memref<272xi32, #tpu.memory_space<smem>>
    %broadcast_in_dim3A_3079 = vector.broadcast %get3A_3078 : i32 to vector<16xi32>
    %mul3A_3080 = arith.muli %broadcast_in_dim3A_3079, %sub3A_229 : vector<16xi32>
    %add3A_3081 = arith.addi %add3A_3069, %mul3A_3080 : vector<16xi32>
    %get3A_3082 = arith.constant 218 : i32
    %get3A_3083 = arith.index_cast %get3A_3082 : i32 to index
    %get3A_3084 = memref.load %arg8[%get3A_3083] : memref<272xi32, #tpu.memory_space<smem>>
    %broadcast_in_dim3A_3085 = vector.broadcast %get3A_3084 : i32 to vector<16xi32>
    %mul3A_3086 = arith.muli %broadcast_in_dim3A_3085, %sub3A_242 : vector<16xi32>
    %add3A_3087 = arith.addi %add3A_3075, %mul3A_3086 : vector<16xi32>
    %get3A_3088 = arith.constant 218 : i32
    %get3A_3089 = arith.index_cast %get3A_3088 : i32 to index
    %get3A_3090 = memref.load %arg9[%get3A_3089] : memref<272xi32, #tpu.memory_space<smem>>
    %broadcast_in_dim3A_3091 = vector.broadcast %get3A_3090 : i32 to vector<16xi32>
    %mul3A_3092 = arith.muli %broadcast_in_dim3A_3091, %sub3A_242 : vector<16xi32>
    %add3A_3093 = arith.addi %add3A_3081, %mul3A_3092 : vector<16xi32>
    %get3A_3094 = arith.constant 219 : i32
    %get3A_3095 = arith.index_cast %get3A_3094 : i32 to index
    %get3A_3096 = memref.load %arg8[%get3A_3095] : memref<272xi32, #tpu.memory_space<smem>>
    %broadcast_in_dim3A_3097 = vector.broadcast %get3A_3096 : i32 to vector<16xi32>
    %mul3A_3098 = arith.muli %broadcast_in_dim3A_3097, %sub3A_255 : vector<16xi32>
    %add3A_3099 = arith.addi %add3A_3087, %mul3A_3098 : vector<16xi32>
    %get3A_3100 = arith.constant 219 : i32
    %get3A_3101 = arith.index_cast %get3A_3100 : i32 to index
    %get3A_3102 = memref.load %arg9[%get3A_3101] : memref<272xi32, #tpu.memory_space<smem>>
    %broadcast_in_dim3A_3103 = vector.broadcast %get3A_3102 : i32 to vector<16xi32>
    %mul3A_3104 = arith.muli %broadcast_in_dim3A_3103, %sub3A_255 : vector<16xi32>
    %add3A_3105 = arith.addi %add3A_3093, %mul3A_3104 : vector<16xi32>
    %get3A_3106 = arith.constant 220 : i32
    %get3A_3107 = arith.index_cast %get3A_3106 : i32 to index
    %get3A_3108 = memref.load %arg8[%get3A_3107] : memref<272xi32, #tpu.memory_space<smem>>
    %broadcast_in_dim3A_3109 = vector.broadcast %get3A_3108 : i32 to vector<16xi32>
    %mul3A_3110 = arith.muli %broadcast_in_dim3A_3109, %sub3A_268 : vector<16xi32>
    %add3A_3111 = arith.addi %add3A_3099, %mul3A_3110 : vector<16xi32>
    %get3A_3112 = arith.constant 220 : i32
    %get3A_3113 = arith.index_cast %get3A_3112 : i32 to index
    %get3A_3114 = memref.load %arg9[%get3A_3113] : memref<272xi32, #tpu.memory_space<smem>>
    %broadcast_in_dim3A_3115 = vector.broadcast %get3A_3114 : i32 to vector<16xi32>
    %mul3A_3116 = arith.muli %broadcast_in_dim3A_3115, %sub3A_268 : vector<16xi32>
    %add3A_3117 = arith.addi %add3A_3105, %mul3A_3116 : vector<16xi32>
    %get3A_3118 = arith.constant 221 : i32
    %get3A_3119 = arith.index_cast %get3A_3118 : i32 to index
    %get3A_3120 = memref.load %arg8[%get3A_3119] : memref<272xi32, #tpu.memory_space<smem>>
    %broadcast_in_dim3A_3121 = vector.broadcast %get3A_3120 : i32 to vector<16xi32>
    %mul3A_3122 = arith.muli %broadcast_in_dim3A_3121, %sub3A_281 : vector<16xi32>
    %add3A_3123 = arith.addi %add3A_3111, %mul3A_3122 : vector<16xi32>
    %get3A_3124 = arith.constant 221 : i32
    %get3A_3125 = arith.index_cast %get3A_3124 : i32 to index
    %get3A_3126 = memref.load %arg9[%get3A_3125] : memref<272xi32, #tpu.memory_space<smem>>
    %broadcast_in_dim3A_3127 = vector.broadcast %get3A_3126 : i32 to vector<16xi32>
    %mul3A_3128 = arith.muli %broadcast_in_dim3A_3127, %sub3A_281 : vector<16xi32>
    %add3A_3129 = arith.addi %add3A_3117, %mul3A_3128 : vector<16xi32>
    %get3A_3130 = arith.constant 222 : i32
    %get3A_3131 = arith.index_cast %get3A_3130 : i32 to index
    %get3A_3132 = memref.load %arg8[%get3A_3131] : memref<272xi32, #tpu.memory_space<smem>>
    %broadcast_in_dim3A_3133 = vector.broadcast %get3A_3132 : i32 to vector<16xi32>
    %mul3A_3134 = arith.muli %broadcast_in_dim3A_3133, %sub3A_294 : vector<16xi32>
    %add3A_3135 = arith.addi %add3A_3123, %mul3A_3134 : vector<16xi32>
    %get3A_3136 = arith.constant 222 : i32
    %get3A_3137 = arith.index_cast %get3A_3136 : i32 to index
    %get3A_3138 = memref.load %arg9[%get3A_3137] : memref<272xi32, #tpu.memory_space<smem>>
    %broadcast_in_dim3A_3139 = vector.broadcast %get3A_3138 : i32 to vector<16xi32>
    %mul3A_3140 = arith.muli %broadcast_in_dim3A_3139, %sub3A_294 : vector<16xi32>
    %add3A_3141 = arith.addi %add3A_3129, %mul3A_3140 : vector<16xi32>
    %get3A_3142 = arith.constant 223 : i32
    %get3A_3143 = arith.index_cast %get3A_3142 : i32 to index
    %get3A_3144 = memref.load %arg8[%get3A_3143] : memref<272xi32, #tpu.memory_space<smem>>
    %broadcast_in_dim3A_3145 = vector.broadcast %get3A_3144 : i32 to vector<16xi32>
    %mul3A_3146 = arith.muli %broadcast_in_dim3A_3145, %sub3A_307 : vector<16xi32>
    %add3A_3147 = arith.addi %add3A_3135, %mul3A_3146 : vector<16xi32>
    %get3A_3148 = arith.constant 223 : i32
    %get3A_3149 = arith.index_cast %get3A_3148 : i32 to index
    %get3A_3150 = memref.load %arg9[%get3A_3149] : memref<272xi32, #tpu.memory_space<smem>>
    %broadcast_in_dim3A_3151 = vector.broadcast %get3A_3150 : i32 to vector<16xi32>
    %mul3A_3152 = arith.muli %broadcast_in_dim3A_3151, %sub3A_307 : vector<16xi32>
    %add3A_3153 = arith.addi %add3A_3141, %mul3A_3152 : vector<16xi32>
    %swap3A_3154 = arith.constant 208 : index
    %swap3A_3155 = tpu.vector_load %arg6[%swap3A_3154] {strides = array<i32>} : memref<256xi32, #tpu.memory_space<vmem>>, vector<16xi32>,
    %swap3A_3156 = vector.shape_cast %swap3A_3155 : vector<16xi32> to vector<16xi32>
    %swap3A_3157 = vector.shape_cast %add3A_3147 : vector<16xi32> to vector<16xi32>
    tpu.vector_store %arg6[%swap3A_3154], %swap3A_3157 {strides = array<i32>} : memref<256xi32, #tpu.memory_space<vmem>>, vector<16xi32>,
    %swap3A_3158 = arith.constant 208 : index
    %swap3A_3159 = tpu.vector_load %arg7[%swap3A_3158] {strides = array<i32>} : memref<256xi32, #tpu.memory_space<vmem>>, vector<16xi32>,
    %swap3A_3160 = vector.shape_cast %swap3A_3159 : vector<16xi32> to vector<16xi32>
    %swap3A_3161 = vector.shape_cast %add3A_3153 : vector<16xi32> to vector<16xi32>
    tpu.vector_store %arg7[%swap3A_3158], %swap3A_3161 {strides = array<i32>} : memref<256xi32, #tpu.memory_space<vmem>>, vector<16xi32>,
    %broadcast_in_dim3A_3162 = arith.constant 0 : i32
    %broadcast_in_dim3A_3163 = vector.broadcast %broadcast_in_dim3A_3162 : i32 to vector<16xi32>
    %broadcast_in_dim3A_3164 = arith.constant 0 : i32
    %broadcast_in_dim3A_3165 = vector.broadcast %broadcast_in_dim3A_3164 : i32 to vector<16xi32>
    %get3A_3166 = arith.constant 224 : i32
    %get3A_3167 = arith.index_cast %get3A_3166 : i32 to index
    %get3A_3168 = memref.load %arg8[%get3A_3167] : memref<272xi32, #tpu.memory_space<smem>>
    %broadcast_in_dim3A_3169 = vector.broadcast %get3A_3168 : i32 to vector<16xi32>
    %mul3A_3170 = arith.muli %broadcast_in_dim3A_3169, %sub3A_112 : vector<16xi32>
    %add3A_3171 = arith.addi %broadcast_in_dim3A_3163, %mul3A_3170 : vector<16xi32>
    %get3A_3172 = arith.constant 224 : i32
    %get3A_3173 = arith.index_cast %get3A_3172 : i32 to index
    %get3A_3174 = memref.load %arg9[%get3A_3173] : memref<272xi32, #tpu.memory_space<smem>>
    %broadcast_in_dim3A_3175 = vector.broadcast %get3A_3174 : i32 to vector<16xi32>
    %mul3A_3176 = arith.muli %broadcast_in_dim3A_3175, %sub3A_112 : vector<16xi32>
    %add3A_3177 = arith.addi %broadcast_in_dim3A_3165, %mul3A_3176 : vector<16xi32>
    %get3A_3178 = arith.constant 225 : i32
    %get3A_3179 = arith.index_cast %get3A_3178 : i32 to index
    %get3A_3180 = memref.load %arg8[%get3A_3179] : memref<272xi32, #tpu.memory_space<smem>>
    %broadcast_in_dim3A_3181 = vector.broadcast %get3A_3180 : i32 to vector<16xi32>
    %mul3A_3182 = arith.muli %broadcast_in_dim3A_3181, %sub3A_125 : vector<16xi32>
    %add3A_3183 = arith.addi %add3A_3171, %mul3A_3182 : vector<16xi32>
    %get3A_3184 = arith.constant 225 : i32
    %get3A_3185 = arith.index_cast %get3A_3184 : i32 to index
    %get3A_3186 = memref.load %arg9[%get3A_3185] : memref<272xi32, #tpu.memory_space<smem>>
    %broadcast_in_dim3A_3187 = vector.broadcast %get3A_3186 : i32 to vector<16xi32>
    %mul3A_3188 = arith.muli %broadcast_in_dim3A_3187, %sub3A_125 : vector<16xi32>
    %add3A_3189 = arith.addi %add3A_3177, %mul3A_3188 : vector<16xi32>
    %get3A_3190 = arith.constant 226 : i32
    %get3A_3191 = arith.index_cast %get3A_3190 : i32 to index
    %get3A_3192 = memref.load %arg8[%get3A_3191] : memref<272xi32, #tpu.memory_space<smem>>
    %broadcast_in_dim3A_3193 = vector.broadcast %get3A_3192 : i32 to vector<16xi32>
    %mul3A_3194 = arith.muli %broadcast_in_dim3A_3193, %sub3A_138 : vector<16xi32>
    %add3A_3195 = arith.addi %add3A_3183, %mul3A_3194 : vector<16xi32>
    %get3A_3196 = arith.constant 226 : i32
    %get3A_3197 = arith.index_cast %get3A_3196 : i32 to index
    %get3A_3198 = memref.load %arg9[%get3A_3197] : memref<272xi32, #tpu.memory_space<smem>>
    %broadcast_in_dim3A_3199 = vector.broadcast %get3A_3198 : i32 to vector<16xi32>
    %mul3A_3200 = arith.muli %broadcast_in_dim3A_3199, %sub3A_138 : vector<16xi32>
    %add3A_3201 = arith.addi %add3A_3189, %mul3A_3200 : vector<16xi32>
    %get3A_3202 = arith.constant 227 : i32
    %get3A_3203 = arith.index_cast %get3A_3202 : i32 to index
    %get3A_3204 = memref.load %arg8[%get3A_3203] : memref<272xi32, #tpu.memory_space<smem>>
    %broadcast_in_dim3A_3205 = vector.broadcast %get3A_3204 : i32 to vector<16xi32>
    %mul3A_3206 = arith.muli %broadcast_in_dim3A_3205, %sub3A_151 : vector<16xi32>
    %add3A_3207 = arith.addi %add3A_3195, %mul3A_3206 : vector<16xi32>
    %get3A_3208 = arith.constant 227 : i32
    %get3A_3209 = arith.index_cast %get3A_3208 : i32 to index
    %get3A_3210 = memref.load %arg9[%get3A_3209] : memref<272xi32, #tpu.memory_space<smem>>
    %broadcast_in_dim3A_3211 = vector.broadcast %get3A_3210 : i32 to vector<16xi32>
    %mul3A_3212 = arith.muli %broadcast_in_dim3A_3211, %sub3A_151 : vector<16xi32>
    %add3A_3213 = arith.addi %add3A_3201, %mul3A_3212 : vector<16xi32>
    %get3A_3214 = arith.constant 228 : i32
    %get3A_3215 = arith.index_cast %get3A_3214 : i32 to index
    %get3A_3216 = memref.load %arg8[%get3A_3215] : memref<272xi32, #tpu.memory_space<smem>>
    %broadcast_in_dim3A_3217 = vector.broadcast %get3A_3216 : i32 to vector<16xi32>
    %mul3A_3218 = arith.muli %broadcast_in_dim3A_3217, %sub3A_164 : vector<16xi32>
    %add3A_3219 = arith.addi %add3A_3207, %mul3A_3218 : vector<16xi32>
    %get3A_3220 = arith.constant 228 : i32
    %get3A_3221 = arith.index_cast %get3A_3220 : i32 to index
    %get3A_3222 = memref.load %arg9[%get3A_3221] : memref<272xi32, #tpu.memory_space<smem>>
    %broadcast_in_dim3A_3223 = vector.broadcast %get3A_3222 : i32 to vector<16xi32>
    %mul3A_3224 = arith.muli %broadcast_in_dim3A_3223, %sub3A_164 : vector<16xi32>
    %add3A_3225 = arith.addi %add3A_3213, %mul3A_3224 : vector<16xi32>
    %get3A_3226 = arith.constant 229 : i32
    %get3A_3227 = arith.index_cast %get3A_3226 : i32 to index
    %get3A_3228 = memref.load %arg8[%get3A_3227] : memref<272xi32, #tpu.memory_space<smem>>
    %broadcast_in_dim3A_3229 = vector.broadcast %get3A_3228 : i32 to vector<16xi32>
    %mul3A_3230 = arith.muli %broadcast_in_dim3A_3229, %sub3A_177 : vector<16xi32>
    %add3A_3231 = arith.addi %add3A_3219, %mul3A_3230 : vector<16xi32>
    %get3A_3232 = arith.constant 229 : i32
    %get3A_3233 = arith.index_cast %get3A_3232 : i32 to index
    %get3A_3234 = memref.load %arg9[%get3A_3233] : memref<272xi32, #tpu.memory_space<smem>>
    %broadcast_in_dim3A_3235 = vector.broadcast %get3A_3234 : i32 to vector<16xi32>
    %mul3A_3236 = arith.muli %broadcast_in_dim3A_3235, %sub3A_177 : vector<16xi32>
    %add3A_3237 = arith.addi %add3A_3225, %mul3A_3236 : vector<16xi32>
    %get3A_3238 = arith.constant 230 : i32
    %get3A_3239 = arith.index_cast %get3A_3238 : i32 to index
    %get3A_3240 = memref.load %arg8[%get3A_3239] : memref<272xi32, #tpu.memory_space<smem>>
    %broadcast_in_dim3A_3241 = vector.broadcast %get3A_3240 : i32 to vector<16xi32>
    %mul3A_3242 = arith.muli %broadcast_in_dim3A_3241, %sub3A_190 : vector<16xi32>
    %add3A_3243 = arith.addi %add3A_3231, %mul3A_3242 : vector<16xi32>
    %get3A_3244 = arith.constant 230 : i32
    %get3A_3245 = arith.index_cast %get3A_3244 : i32 to index
    %get3A_3246 = memref.load %arg9[%get3A_3245] : memref<272xi32, #tpu.memory_space<smem>>
    %broadcast_in_dim3A_3247 = vector.broadcast %get3A_3246 : i32 to vector<16xi32>
    %mul3A_3248 = arith.muli %broadcast_in_dim3A_3247, %sub3A_190 : vector<16xi32>
    %add3A_3249 = arith.addi %add3A_3237, %mul3A_3248 : vector<16xi32>
    %get3A_3250 = arith.constant 231 : i32
    %get3A_3251 = arith.index_cast %get3A_3250 : i32 to index
    %get3A_3252 = memref.load %arg8[%get3A_3251] : memref<272xi32, #tpu.memory_space<smem>>
    %broadcast_in_dim3A_3253 = vector.broadcast %get3A_3252 : i32 to vector<16xi32>
    %mul3A_3254 = arith.muli %broadcast_in_dim3A_3253, %sub3A_203 : vector<16xi32>
    %add3A_3255 = arith.addi %add3A_3243, %mul3A_3254 : vector<16xi32>
    %get3A_3256 = arith.constant 231 : i32
    %get3A_3257 = arith.index_cast %get3A_3256 : i32 to index
    %get3A_3258 = memref.load %arg9[%get3A_3257] : memref<272xi32, #tpu.memory_space<smem>>
    %broadcast_in_dim3A_3259 = vector.broadcast %get3A_3258 : i32 to vector<16xi32>
    %mul3A_3260 = arith.muli %broadcast_in_dim3A_3259, %sub3A_203 : vector<16xi32>
    %add3A_3261 = arith.addi %add3A_3249, %mul3A_3260 : vector<16xi32>
    %get3A_3262 = arith.constant 232 : i32
    %get3A_3263 = arith.index_cast %get3A_3262 : i32 to index
    %get3A_3264 = memref.load %arg8[%get3A_3263] : memref<272xi32, #tpu.memory_space<smem>>
    %broadcast_in_dim3A_3265 = vector.broadcast %get3A_3264 : i32 to vector<16xi32>
    %mul3A_3266 = arith.muli %broadcast_in_dim3A_3265, %sub3A_216 : vector<16xi32>
    %add3A_3267 = arith.addi %add3A_3255, %mul3A_3266 : vector<16xi32>
    %get3A_3268 = arith.constant 232 : i32
    %get3A_3269 = arith.index_cast %get3A_3268 : i32 to index
    %get3A_3270 = memref.load %arg9[%get3A_3269] : memref<272xi32, #tpu.memory_space<smem>>
    %broadcast_in_dim3A_3271 = vector.broadcast %get3A_3270 : i32 to vector<16xi32>
    %mul3A_3272 = arith.muli %broadcast_in_dim3A_3271, %sub3A_216 : vector<16xi32>
    %add3A_3273 = arith.addi %add3A_3261, %mul3A_3272 : vector<16xi32>
    %get3A_3274 = arith.constant 233 : i32
    %get3A_3275 = arith.index_cast %get3A_3274 : i32 to index
    %get3A_3276 = memref.load %arg8[%get3A_3275] : memref<272xi32, #tpu.memory_space<smem>>
    %broadcast_in_dim3A_3277 = vector.broadcast %get3A_3276 : i32 to vector<16xi32>
    %mul3A_3278 = arith.muli %broadcast_in_dim3A_3277, %sub3A_229 : vector<16xi32>
    %add3A_3279 = arith.addi %add3A_3267, %mul3A_3278 : vector<16xi32>
    %get3A_3280 = arith.constant 233 : i32
    %get3A_3281 = arith.index_cast %get3A_3280 : i32 to index
    %get3A_3282 = memref.load %arg9[%get3A_3281] : memref<272xi32, #tpu.memory_space<smem>>
    %broadcast_in_dim3A_3283 = vector.broadcast %get3A_3282 : i32 to vector<16xi32>
    %mul3A_3284 = arith.muli %broadcast_in_dim3A_3283, %sub3A_229 : vector<16xi32>
    %add3A_3285 = arith.addi %add3A_3273, %mul3A_3284 : vector<16xi32>
    %get3A_3286 = arith.constant 234 : i32
    %get3A_3287 = arith.index_cast %get3A_3286 : i32 to index
    %get3A_3288 = memref.load %arg8[%get3A_3287] : memref<272xi32, #tpu.memory_space<smem>>
    %broadcast_in_dim3A_3289 = vector.broadcast %get3A_3288 : i32 to vector<16xi32>
    %mul3A_3290 = arith.muli %broadcast_in_dim3A_3289, %sub3A_242 : vector<16xi32>
    %add3A_3291 = arith.addi %add3A_3279, %mul3A_3290 : vector<16xi32>
    %get3A_3292 = arith.constant 234 : i32
    %get3A_3293 = arith.index_cast %get3A_3292 : i32 to index
    %get3A_3294 = memref.load %arg9[%get3A_3293] : memref<272xi32, #tpu.memory_space<smem>>
    %broadcast_in_dim3A_3295 = vector.broadcast %get3A_3294 : i32 to vector<16xi32>
    %mul3A_3296 = arith.muli %broadcast_in_dim3A_3295, %sub3A_242 : vector<16xi32>
    %add3A_3297 = arith.addi %add3A_3285, %mul3A_3296 : vector<16xi32>
    %get3A_3298 = arith.constant 235 : i32
    %get3A_3299 = arith.index_cast %get3A_3298 : i32 to index
    %get3A_3300 = memref.load %arg8[%get3A_3299] : memref<272xi32, #tpu.memory_space<smem>>
    %broadcast_in_dim3A_3301 = vector.broadcast %get3A_3300 : i32 to vector<16xi32>
    %mul3A_3302 = arith.muli %broadcast_in_dim3A_3301, %sub3A_255 : vector<16xi32>
    %add3A_3303 = arith.addi %add3A_3291, %mul3A_3302 : vector<16xi32>
    %get3A_3304 = arith.constant 235 : i32
    %get3A_3305 = arith.index_cast %get3A_3304 : i32 to index
    %get3A_3306 = memref.load %arg9[%get3A_3305] : memref<272xi32, #tpu.memory_space<smem>>
    %broadcast_in_dim3A_3307 = vector.broadcast %get3A_3306 : i32 to vector<16xi32>
    %mul3A_3308 = arith.muli %broadcast_in_dim3A_3307, %sub3A_255 : vector<16xi32>
    %add3A_3309 = arith.addi %add3A_3297, %mul3A_3308 : vector<16xi32>
    %get3A_3310 = arith.constant 236 : i32
    %get3A_3311 = arith.index_cast %get3A_3310 : i32 to index
    %get3A_3312 = memref.load %arg8[%get3A_3311] : memref<272xi32, #tpu.memory_space<smem>>
    %broadcast_in_dim3A_3313 = vector.broadcast %get3A_3312 : i32 to vector<16xi32>
    %mul3A_3314 = arith.muli %broadcast_in_dim3A_3313, %sub3A_268 : vector<16xi32>
    %add3A_3315 = arith.addi %add3A_3303, %mul3A_3314 : vector<16xi32>
    %get3A_3316 = arith.constant 236 : i32
    %get3A_3317 = arith.index_cast %get3A_3316 : i32 to index
    %get3A_3318 = memref.load %arg9[%get3A_3317] : memref<272xi32, #tpu.memory_space<smem>>
    %broadcast_in_dim3A_3319 = vector.broadcast %get3A_3318 : i32 to vector<16xi32>
    %mul3A_3320 = arith.muli %broadcast_in_dim3A_3319, %sub3A_268 : vector<16xi32>
    %add3A_3321 = arith.addi %add3A_3309, %mul3A_3320 : vector<16xi32>
    %get3A_3322 = arith.constant 237 : i32
    %get3A_3323 = arith.index_cast %get3A_3322 : i32 to index
    %get3A_3324 = memref.load %arg8[%get3A_3323] : memref<272xi32, #tpu.memory_space<smem>>
    %broadcast_in_dim3A_3325 = vector.broadcast %get3A_3324 : i32 to vector<16xi32>
    %mul3A_3326 = arith.muli %broadcast_in_dim3A_3325, %sub3A_281 : vector<16xi32>
    %add3A_3327 = arith.addi %add3A_3315, %mul3A_3326 : vector<16xi32>
    %get3A_3328 = arith.constant 237 : i32
    %get3A_3329 = arith.index_cast %get3A_3328 : i32 to index
    %get3A_3330 = memref.load %arg9[%get3A_3329] : memref<272xi32, #tpu.memory_space<smem>>
    %broadcast_in_dim3A_3331 = vector.broadcast %get3A_3330 : i32 to vector<16xi32>
    %mul3A_3332 = arith.muli %broadcast_in_dim3A_3331, %sub3A_281 : vector<16xi32>
    %add3A_3333 = arith.addi %add3A_3321, %mul3A_3332 : vector<16xi32>
    %get3A_3334 = arith.constant 238 : i32
    %get3A_3335 = arith.index_cast %get3A_3334 : i32 to index
    %get3A_3336 = memref.load %arg8[%get3A_3335] : memref<272xi32, #tpu.memory_space<smem>>
    %broadcast_in_dim3A_3337 = vector.broadcast %get3A_3336 : i32 to vector<16xi32>
    %mul3A_3338 = arith.muli %broadcast_in_dim3A_3337, %sub3A_294 : vector<16xi32>
    %add3A_3339 = arith.addi %add3A_3327, %mul3A_3338 : vector<16xi32>
    %get3A_3340 = arith.constant 238 : i32
    %get3A_3341 = arith.index_cast %get3A_3340 : i32 to index
    %get3A_3342 = memref.load %arg9[%get3A_3341] : memref<272xi32, #tpu.memory_space<smem>>
    %broadcast_in_dim3A_3343 = vector.broadcast %get3A_3342 : i32 to vector<16xi32>
    %mul3A_3344 = arith.muli %broadcast_in_dim3A_3343, %sub3A_294 : vector<16xi32>
    %add3A_3345 = arith.addi %add3A_3333, %mul3A_3344 : vector<16xi32>
    %get3A_3346 = arith.constant 239 : i32
    %get3A_3347 = arith.index_cast %get3A_3346 : i32 to index
    %get3A_3348 = memref.load %arg8[%get3A_3347] : memref<272xi32, #tpu.memory_space<smem>>
    %broadcast_in_dim3A_3349 = vector.broadcast %get3A_3348 : i32 to vector<16xi32>
    %mul3A_3350 = arith.muli %broadcast_in_dim3A_3349, %sub3A_307 : vector<16xi32>
    %add3A_3351 = arith.addi %add3A_3339, %mul3A_3350 : vector<16xi32>
    %get3A_3352 = arith.constant 239 : i32
    %get3A_3353 = arith.index_cast %get3A_3352 : i32 to index
    %get3A_3354 = memref.load %arg9[%get3A_3353] : memref<272xi32, #tpu.memory_space<smem>>
    %broadcast_in_dim3A_3355 = vector.broadcast %get3A_3354 : i32 to vector<16xi32>
    %mul3A_3356 = arith.muli %broadcast_in_dim3A_3355, %sub3A_307 : vector<16xi32>
    %add3A_3357 = arith.addi %add3A_3345, %mul3A_3356 : vector<16xi32>
    %swap3A_3358 = arith.constant 224 : index
    %swap3A_3359 = tpu.vector_load %arg6[%swap3A_3358] {strides = array<i32>} : memref<256xi32, #tpu.memory_space<vmem>>, vector<16xi32>,
    %swap3A_3360 = vector.shape_cast %swap3A_3359 : vector<16xi32> to vector<16xi32>
    %swap3A_3361 = vector.shape_cast %add3A_3351 : vector<16xi32> to vector<16xi32>
    tpu.vector_store %arg6[%swap3A_3358], %swap3A_3361 {strides = array<i32>} : memref<256xi32, #tpu.memory_space<vmem>>, vector<16xi32>,
    %swap3A_3362 = arith.constant 224 : index
    %swap3A_3363 = tpu.vector_load %arg7[%swap3A_3362] {strides = array<i32>} : memref<256xi32, #tpu.memory_space<vmem>>, vector<16xi32>,
    %swap3A_3364 = vector.shape_cast %swap3A_3363 : vector<16xi32> to vector<16xi32>
    %swap3A_3365 = vector.shape_cast %add3A_3357 : vector<16xi32> to vector<16xi32>
    tpu.vector_store %arg7[%swap3A_3362], %swap3A_3365 {strides = array<i32>} : memref<256xi32, #tpu.memory_space<vmem>>, vector<16xi32>,
    %broadcast_in_dim3A_3366 = arith.constant 0 : i32
    %broadcast_in_dim3A_3367 = vector.broadcast %broadcast_in_dim3A_3366 : i32 to vector<16xi32>
    %broadcast_in_dim3A_3368 = arith.constant 0 : i32
    %broadcast_in_dim3A_3369 = vector.broadcast %broadcast_in_dim3A_3368 : i32 to vector<16xi32>
    %get3A_3370 = arith.constant 240 : i32
    %get3A_3371 = arith.index_cast %get3A_3370 : i32 to index
    %get3A_3372 = memref.load %arg8[%get3A_3371] : memref<272xi32, #tpu.memory_space<smem>>
    %broadcast_in_dim3A_3373 = vector.broadcast %get3A_3372 : i32 to vector<16xi32>
    %mul3A_3374 = arith.muli %broadcast_in_dim3A_3373, %sub3A_112 : vector<16xi32>
    %add3A_3375 = arith.addi %broadcast_in_dim3A_3367, %mul3A_3374 : vector<16xi32>
    %get3A_3376 = arith.constant 240 : i32
    %get3A_3377 = arith.index_cast %get3A_3376 : i32 to index
    %get3A_3378 = memref.load %arg9[%get3A_3377] : memref<272xi32, #tpu.memory_space<smem>>
    %broadcast_in_dim3A_3379 = vector.broadcast %get3A_3378 : i32 to vector<16xi32>
    %mul3A_3380 = arith.muli %broadcast_in_dim3A_3379, %sub3A_112 : vector<16xi32>
    %add3A_3381 = arith.addi %broadcast_in_dim3A_3369, %mul3A_3380 : vector<16xi32>
    %get3A_3382 = arith.constant 241 : i32
    %get3A_3383 = arith.index_cast %get3A_3382 : i32 to index
    %get3A_3384 = memref.load %arg8[%get3A_3383] : memref<272xi32, #tpu.memory_space<smem>>
    %broadcast_in_dim3A_3385 = vector.broadcast %get3A_3384 : i32 to vector<16xi32>
    %mul3A_3386 = arith.muli %broadcast_in_dim3A_3385, %sub3A_125 : vector<16xi32>
    %add3A_3387 = arith.addi %add3A_3375, %mul3A_3386 : vector<16xi32>
    %get3A_3388 = arith.constant 241 : i32
    %get3A_3389 = arith.index_cast %get3A_3388 : i32 to index
    %get3A_3390 = memref.load %arg9[%get3A_3389] : memref<272xi32, #tpu.memory_space<smem>>
    %broadcast_in_dim3A_3391 = vector.broadcast %get3A_3390 : i32 to vector<16xi32>
    %mul3A_3392 = arith.muli %broadcast_in_dim3A_3391, %sub3A_125 : vector<16xi32>
    %add3A_3393 = arith.addi %add3A_3381, %mul3A_3392 : vector<16xi32>
    %get3A_3394 = arith.constant 242 : i32
    %get3A_3395 = arith.index_cast %get3A_3394 : i32 to index
    %get3A_3396 = memref.load %arg8[%get3A_3395] : memref<272xi32, #tpu.memory_space<smem>>
    %broadcast_in_dim3A_3397 = vector.broadcast %get3A_3396 : i32 to vector<16xi32>
    %mul3A_3398 = arith.muli %broadcast_in_dim3A_3397, %sub3A_138 : vector<16xi32>
    %add3A_3399 = arith.addi %add3A_3387, %mul3A_3398 : vector<16xi32>
    %get3A_3400 = arith.constant 242 : i32
    %get3A_3401 = arith.index_cast %get3A_3400 : i32 to index
    %get3A_3402 = memref.load %arg9[%get3A_3401] : memref<272xi32, #tpu.memory_space<smem>>
    %broadcast_in_dim3A_3403 = vector.broadcast %get3A_3402 : i32 to vector<16xi32>
    %mul3A_3404 = arith.muli %broadcast_in_dim3A_3403, %sub3A_138 : vector<16xi32>
    %add3A_3405 = arith.addi %add3A_3393, %mul3A_3404 : vector<16xi32>
    %get3A_3406 = arith.constant 243 : i32
    %get3A_3407 = arith.index_cast %get3A_3406 : i32 to index
    %get3A_3408 = memref.load %arg8[%get3A_3407] : memref<272xi32, #tpu.memory_space<smem>>
    %broadcast_in_dim3A_3409 = vector.broadcast %get3A_3408 : i32 to vector<16xi32>
    %mul3A_3410 = arith.muli %broadcast_in_dim3A_3409, %sub3A_151 : vector<16xi32>
    %add3A_3411 = arith.addi %add3A_3399, %mul3A_3410 : vector<16xi32>
    %get3A_3412 = arith.constant 243 : i32
    %get3A_3413 = arith.index_cast %get3A_3412 : i32 to index
    %get3A_3414 = memref.load %arg9[%get3A_3413] : memref<272xi32, #tpu.memory_space<smem>>
    %broadcast_in_dim3A_3415 = vector.broadcast %get3A_3414 : i32 to vector<16xi32>
    %mul3A_3416 = arith.muli %broadcast_in_dim3A_3415, %sub3A_151 : vector<16xi32>
    %add3A_3417 = arith.addi %add3A_3405, %mul3A_3416 : vector<16xi32>
    %get3A_3418 = arith.constant 244 : i32
    %get3A_3419 = arith.index_cast %get3A_3418 : i32 to index
    %get3A_3420 = memref.load %arg8[%get3A_3419] : memref<272xi32, #tpu.memory_space<smem>>
    %broadcast_in_dim3A_3421 = vector.broadcast %get3A_3420 : i32 to vector<16xi32>
    %mul3A_3422 = arith.muli %broadcast_in_dim3A_3421, %sub3A_164 : vector<16xi32>
    %add3A_3423 = arith.addi %add3A_3411, %mul3A_3422 : vector<16xi32>
    %get3A_3424 = arith.constant 244 : i32
    %get3A_3425 = arith.index_cast %get3A_3424 : i32 to index
    %get3A_3426 = memref.load %arg9[%get3A_3425] : memref<272xi32, #tpu.memory_space<smem>>
    %broadcast_in_dim3A_3427 = vector.broadcast %get3A_3426 : i32 to vector<16xi32>
    %mul3A_3428 = arith.muli %broadcast_in_dim3A_3427, %sub3A_164 : vector<16xi32>
    %add3A_3429 = arith.addi %add3A_3417, %mul3A_3428 : vector<16xi32>
    %get3A_3430 = arith.constant 245 : i32
    %get3A_3431 = arith.index_cast %get3A_3430 : i32 to index
    %get3A_3432 = memref.load %arg8[%get3A_3431] : memref<272xi32, #tpu.memory_space<smem>>
    %broadcast_in_dim3A_3433 = vector.broadcast %get3A_3432 : i32 to vector<16xi32>
    %mul3A_3434 = arith.muli %broadcast_in_dim3A_3433, %sub3A_177 : vector<16xi32>
    %add3A_3435 = arith.addi %add3A_3423, %mul3A_3434 : vector<16xi32>
    %get3A_3436 = arith.constant 245 : i32
    %get3A_3437 = arith.index_cast %get3A_3436 : i32 to index
    %get3A_3438 = memref.load %arg9[%get3A_3437] : memref<272xi32, #tpu.memory_space<smem>>
    %broadcast_in_dim3A_3439 = vector.broadcast %get3A_3438 : i32 to vector<16xi32>
    %mul3A_3440 = arith.muli %broadcast_in_dim3A_3439, %sub3A_177 : vector<16xi32>
    %add3A_3441 = arith.addi %add3A_3429, %mul3A_3440 : vector<16xi32>
    %get3A_3442 = arith.constant 246 : i32
    %get3A_3443 = arith.index_cast %get3A_3442 : i32 to index
    %get3A_3444 = memref.load %arg8[%get3A_3443] : memref<272xi32, #tpu.memory_space<smem>>
    %broadcast_in_dim3A_3445 = vector.broadcast %get3A_3444 : i32 to vector<16xi32>
    %mul3A_3446 = arith.muli %broadcast_in_dim3A_3445, %sub3A_190 : vector<16xi32>
    %add3A_3447 = arith.addi %add3A_3435, %mul3A_3446 : vector<16xi32>
    %get3A_3448 = arith.constant 246 : i32
    %get3A_3449 = arith.index_cast %get3A_3448 : i32 to index
    %get3A_3450 = memref.load %arg9[%get3A_3449] : memref<272xi32, #tpu.memory_space<smem>>
    %broadcast_in_dim3A_3451 = vector.broadcast %get3A_3450 : i32 to vector<16xi32>
    %mul3A_3452 = arith.muli %broadcast_in_dim3A_3451, %sub3A_190 : vector<16xi32>
    %add3A_3453 = arith.addi %add3A_3441, %mul3A_3452 : vector<16xi32>
    %get3A_3454 = arith.constant 247 : i32
    %get3A_3455 = arith.index_cast %get3A_3454 : i32 to index
    %get3A_3456 = memref.load %arg8[%get3A_3455] : memref<272xi32, #tpu.memory_space<smem>>
    %broadcast_in_dim3A_3457 = vector.broadcast %get3A_3456 : i32 to vector<16xi32>
    %mul3A_3458 = arith.muli %broadcast_in_dim3A_3457, %sub3A_203 : vector<16xi32>
    %add3A_3459 = arith.addi %add3A_3447, %mul3A_3458 : vector<16xi32>
    %get3A_3460 = arith.constant 247 : i32
    %get3A_3461 = arith.index_cast %get3A_3460 : i32 to index
    %get3A_3462 = memref.load %arg9[%get3A_3461] : memref<272xi32, #tpu.memory_space<smem>>
    %broadcast_in_dim3A_3463 = vector.broadcast %get3A_3462 : i32 to vector<16xi32>
    %mul3A_3464 = arith.muli %broadcast_in_dim3A_3463, %sub3A_203 : vector<16xi32>
    %add3A_3465 = arith.addi %add3A_3453, %mul3A_3464 : vector<16xi32>
    %get3A_3466 = arith.constant 248 : i32
    %get3A_3467 = arith.index_cast %get3A_3466 : i32 to index
    %get3A_3468 = memref.load %arg8[%get3A_3467] : memref<272xi32, #tpu.memory_space<smem>>
    %broadcast_in_dim3A_3469 = vector.broadcast %get3A_3468 : i32 to vector<16xi32>
    %mul3A_3470 = arith.muli %broadcast_in_dim3A_3469, %sub3A_216 : vector<16xi32>
    %add3A_3471 = arith.addi %add3A_3459, %mul3A_3470 : vector<16xi32>
    %get3A_3472 = arith.constant 248 : i32
    %get3A_3473 = arith.index_cast %get3A_3472 : i32 to index
    %get3A_3474 = memref.load %arg9[%get3A_3473] : memref<272xi32, #tpu.memory_space<smem>>
    %broadcast_in_dim3A_3475 = vector.broadcast %get3A_3474 : i32 to vector<16xi32>
    %mul3A_3476 = arith.muli %broadcast_in_dim3A_3475, %sub3A_216 : vector<16xi32>
    %add3A_3477 = arith.addi %add3A_3465, %mul3A_3476 : vector<16xi32>
    %get3A_3478 = arith.constant 249 : i32
    %get3A_3479 = arith.index_cast %get3A_3478 : i32 to index
    %get3A_3480 = memref.load %arg8[%get3A_3479] : memref<272xi32, #tpu.memory_space<smem>>
    %broadcast_in_dim3A_3481 = vector.broadcast %get3A_3480 : i32 to vector<16xi32>
    %mul3A_3482 = arith.muli %broadcast_in_dim3A_3481, %sub3A_229 : vector<16xi32>
    %add3A_3483 = arith.addi %add3A_3471, %mul3A_3482 : vector<16xi32>
    %get3A_3484 = arith.constant 249 : i32
    %get3A_3485 = arith.index_cast %get3A_3484 : i32 to index
    %get3A_3486 = memref.load %arg9[%get3A_3485] : memref<272xi32, #tpu.memory_space<smem>>
    %broadcast_in_dim3A_3487 = vector.broadcast %get3A_3486 : i32 to vector<16xi32>
    %mul3A_3488 = arith.muli %broadcast_in_dim3A_3487, %sub3A_229 : vector<16xi32>
    %add3A_3489 = arith.addi %add3A_3477, %mul3A_3488 : vector<16xi32>
    %get3A_3490 = arith.constant 250 : i32
    %get3A_3491 = arith.index_cast %get3A_3490 : i32 to index
    %get3A_3492 = memref.load %arg8[%get3A_3491] : memref<272xi32, #tpu.memory_space<smem>>
    %broadcast_in_dim3A_3493 = vector.broadcast %get3A_3492 : i32 to vector<16xi32>
    %mul3A_3494 = arith.muli %broadcast_in_dim3A_3493, %sub3A_242 : vector<16xi32>
    %add3A_3495 = arith.addi %add3A_3483, %mul3A_3494 : vector<16xi32>
    %get3A_3496 = arith.constant 250 : i32
    %get3A_3497 = arith.index_cast %get3A_3496 : i32 to index
    %get3A_3498 = memref.load %arg9[%get3A_3497] : memref<272xi32, #tpu.memory_space<smem>>
    %broadcast_in_dim3A_3499 = vector.broadcast %get3A_3498 : i32 to vector<16xi32>
    %mul3A_3500 = arith.muli %broadcast_in_dim3A_3499, %sub3A_242 : vector<16xi32>
    %add3A_3501 = arith.addi %add3A_3489, %mul3A_3500 : vector<16xi32>
    %get3A_3502 = arith.constant 251 : i32
    %get3A_3503 = arith.index_cast %get3A_3502 : i32 to index
    %get3A_3504 = memref.load %arg8[%get3A_3503] : memref<272xi32, #tpu.memory_space<smem>>
    %broadcast_in_dim3A_3505 = vector.broadcast %get3A_3504 : i32 to vector<16xi32>
    %mul3A_3506 = arith.muli %broadcast_in_dim3A_3505, %sub3A_255 : vector<16xi32>
    %add3A_3507 = arith.addi %add3A_3495, %mul3A_3506 : vector<16xi32>
    %get3A_3508 = arith.constant 251 : i32
    %get3A_3509 = arith.index_cast %get3A_3508 : i32 to index
    %get3A_3510 = memref.load %arg9[%get3A_3509] : memref<272xi32, #tpu.memory_space<smem>>
    %broadcast_in_dim3A_3511 = vector.broadcast %get3A_3510 : i32 to vector<16xi32>
    %mul3A_3512 = arith.muli %broadcast_in_dim3A_3511, %sub3A_255 : vector<16xi32>
    %add3A_3513 = arith.addi %add3A_3501, %mul3A_3512 : vector<16xi32>
    %get3A_3514 = arith.constant 252 : i32
    %get3A_3515 = arith.index_cast %get3A_3514 : i32 to index
    %get3A_3516 = memref.load %arg8[%get3A_3515] : memref<272xi32, #tpu.memory_space<smem>>
    %broadcast_in_dim3A_3517 = vector.broadcast %get3A_3516 : i32 to vector<16xi32>
    %mul3A_3518 = arith.muli %broadcast_in_dim3A_3517, %sub3A_268 : vector<16xi32>
    %add3A_3519 = arith.addi %add3A_3507, %mul3A_3518 : vector<16xi32>
    %get3A_3520 = arith.constant 252 : i32
    %get3A_3521 = arith.index_cast %get3A_3520 : i32 to index
    %get3A_3522 = memref.load %arg9[%get3A_3521] : memref<272xi32, #tpu.memory_space<smem>>
    %broadcast_in_dim3A_3523 = vector.broadcast %get3A_3522 : i32 to vector<16xi32>
    %mul3A_3524 = arith.muli %broadcast_in_dim3A_3523, %sub3A_268 : vector<16xi32>
    %add3A_3525 = arith.addi %add3A_3513, %mul3A_3524 : vector<16xi32>
    %get3A_3526 = arith.constant 253 : i32
    %get3A_3527 = arith.index_cast %get3A_3526 : i32 to index
    %get3A_3528 = memref.load %arg8[%get3A_3527] : memref<272xi32, #tpu.memory_space<smem>>
    %broadcast_in_dim3A_3529 = vector.broadcast %get3A_3528 : i32 to vector<16xi32>
    %mul3A_3530 = arith.muli %broadcast_in_dim3A_3529, %sub3A_281 : vector<16xi32>
    %add3A_3531 = arith.addi %add3A_3519, %mul3A_3530 : vector<16xi32>
    %get3A_3532 = arith.constant 253 : i32
    %get3A_3533 = arith.index_cast %get3A_3532 : i32 to index
    %get3A_3534 = memref.load %arg9[%get3A_3533] : memref<272xi32, #tpu.memory_space<smem>>
    %broadcast_in_dim3A_3535 = vector.broadcast %get3A_3534 : i32 to vector<16xi32>
    %mul3A_3536 = arith.muli %broadcast_in_dim3A_3535, %sub3A_281 : vector<16xi32>
    %add3A_3537 = arith.addi %add3A_3525, %mul3A_3536 : vector<16xi32>
    %get3A_3538 = arith.constant 254 : i32
    %get3A_3539 = arith.index_cast %get3A_3538 : i32 to index
    %get3A_3540 = memref.load %arg8[%get3A_3539] : memref<272xi32, #tpu.memory_space<smem>>
    %broadcast_in_dim3A_3541 = vector.broadcast %get3A_3540 : i32 to vector<16xi32>
    %mul3A_3542 = arith.muli %broadcast_in_dim3A_3541, %sub3A_294 : vector<16xi32>
    %add3A_3543 = arith.addi %add3A_3531, %mul3A_3542 : vector<16xi32>
    %get3A_3544 = arith.constant 254 : i32
    %get3A_3545 = arith.index_cast %get3A_3544 : i32 to index
    %get3A_3546 = memref.load %arg9[%get3A_3545] : memref<272xi32, #tpu.memory_space<smem>>
    %broadcast_in_dim3A_3547 = vector.broadcast %get3A_3546 : i32 to vector<16xi32>
    %mul3A_3548 = arith.muli %broadcast_in_dim3A_3547, %sub3A_294 : vector<16xi32>
    %add3A_3549 = arith.addi %add3A_3537, %mul3A_3548 : vector<16xi32>
    %get3A_3550 = arith.constant 255 : i32
    %get3A_3551 = arith.index_cast %get3A_3550 : i32 to index
    %get3A_3552 = memref.load %arg8[%get3A_3551] : memref<272xi32, #tpu.memory_space<smem>>
    %broadcast_in_dim3A_3553 = vector.broadcast %get3A_3552 : i32 to vector<16xi32>
    %mul3A_3554 = arith.muli %broadcast_in_dim3A_3553, %sub3A_307 : vector<16xi32>
    %add3A_3555 = arith.addi %add3A_3543, %mul3A_3554 : vector<16xi32>
    %get3A_3556 = arith.constant 255 : i32
    %get3A_3557 = arith.index_cast %get3A_3556 : i32 to index
    %get3A_3558 = memref.load %arg9[%get3A_3557] : memref<272xi32, #tpu.memory_space<smem>>
    %broadcast_in_dim3A_3559 = vector.broadcast %get3A_3558 : i32 to vector<16xi32>
    %mul3A_3560 = arith.muli %broadcast_in_dim3A_3559, %sub3A_307 : vector<16xi32>
    %add3A_3561 = arith.addi %add3A_3549, %mul3A_3560 : vector<16xi32>
    %swap3A_3562 = arith.constant 240 : index
    %swap3A_3563 = tpu.vector_load %arg6[%swap3A_3562] {strides = array<i32>} : memref<256xi32, #tpu.memory_space<vmem>>, vector<16xi32>,
    %swap3A_3564 = vector.shape_cast %swap3A_3563 : vector<16xi32> to vector<16xi32>
    %swap3A_3565 = vector.shape_cast %add3A_3555 : vector<16xi32> to vector<16xi32>
    tpu.vector_store %arg6[%swap3A_3562], %swap3A_3565 {strides = array<i32>} : memref<256xi32, #tpu.memory_space<vmem>>, vector<16xi32>,
    %swap3A_3566 = arith.constant 240 : index
    %swap3A_3567 = tpu.vector_load %arg7[%swap3A_3566] {strides = array<i32>} : memref<256xi32, #tpu.memory_space<vmem>>, vector<16xi32>,
    %swap3A_3568 = vector.shape_cast %swap3A_3567 : vector<16xi32> to vector<16xi32>
    %swap3A_3569 = vector.shape_cast %add3A_3561 : vector<16xi32> to vector<16xi32>
    tpu.vector_store %arg7[%swap3A_3566], %swap3A_3569 {strides = array<i32>} : memref<256xi32, #tpu.memory_space<vmem>>, vector<16xi32>,
    %mul3A_3570 = arith.constant 2 : i32
    %mul3A_3571 = arith.muli %select_n3A_30, %mul3A_3570 : i32
    %add3A_3572 = arith.addi %mul3A_3571, %select_n3A : i32
    "tpu.region"() ({
      %run_scoped3A = tpu.sem_alloc : memref<!tpu.dma_semaphore, #tpu.memory_space<semaphore_mem>>
      %dma_start3A = arith.constant 0 : i32
      %dma_start3A_3573 = tpu.memref_slice %arg3[%add3A_3572, %dma_start3A] : memref<32x256xi32, #tpu.memory_space<hbm>> -> memref<1x256xi32, #tpu.memory_space<hbm>>
      %dma_start3A_3574 = tpu.memref_squeeze %dma_start3A_3573 : memref<1x256xi32, #tpu.memory_space<hbm>> -> memref<256xi32, #tpu.memory_space<hbm>>
      %dma_start3A_3575 = arith.constant 0 : i32
      %dma_start3A_3576 = tpu.memref_slice %arg3[%add3A_3572, %dma_start3A_3575] : memref<32x256xi32, #tpu.memory_space<hbm>> -> memref<1x256xi32, #tpu.memory_space<hbm>>
      %dma_start3A_3577 = tpu.memref_squeeze %dma_start3A_3576 : memref<1x256xi32, #tpu.memory_space<hbm>> -> memref<256xi32, #tpu.memory_space<hbm>>
      tpu.enqueue_dma source(%arg6 : memref<256xi32, #tpu.memory_space<vmem>>) target(%dma_start3A_3577 : memref<256xi32, #tpu.memory_space<hbm>>) target_semaphore(%run_scoped3A : memref<!tpu.dma_semaphore, #tpu.memory_space<semaphore_mem>>)
      %dma_wait3A = arith.constant 0 : i32
      %dma_wait3A_3578 = tpu.memref_slice %arg3[%add3A_3572, %dma_wait3A] : memref<32x256xi32, #tpu.memory_space<hbm>> -> memref<1x256xi32, #tpu.memory_space<hbm>>
      %dma_wait3A_3579 = tpu.memref_squeeze %dma_wait3A_3578 : memref<1x256xi32, #tpu.memory_space<hbm>> -> memref<256xi32, #tpu.memory_space<hbm>>
      %dma_wait3A_3580 = arith.constant 0 : i32
      %dma_wait3A_3581 = tpu.memref_slice %arg3[%add3A_3572, %dma_wait3A_3580] : memref<32x256xi32, #tpu.memory_space<hbm>> -> memref<1x256xi32, #tpu.memory_space<hbm>>
      %dma_wait3A_3582 = tpu.memref_squeeze %dma_wait3A_3581 : memref<1x256xi32, #tpu.memory_space<hbm>> -> memref<256xi32, #tpu.memory_space<hbm>>
      tpu.wait_dma2 semaphore(%run_scoped3A : memref<!tpu.dma_semaphore, #tpu.memory_space<semaphore_mem>>) src(%arg6 : memref<256xi32, #tpu.memory_space<vmem>>) dst(%dma_wait3A_3582 : memref<256xi32, #tpu.memory_space<hbm>>)
      tpu.yield
    }) : () -> ()
    "tpu.region"() ({
      %run_scoped3A = tpu.sem_alloc : memref<!tpu.dma_semaphore, #tpu.memory_space<semaphore_mem>>
      %dma_start3A = arith.constant 0 : i32
      %dma_start3A_3573 = tpu.memref_slice %arg4[%add3A_3572, %dma_start3A] : memref<32x256xi32, #tpu.memory_space<hbm>> -> memref<1x256xi32, #tpu.memory_space<hbm>>
      %dma_start3A_3574 = tpu.memref_squeeze %dma_start3A_3573 : memref<1x256xi32, #tpu.memory_space<hbm>> -> memref<256xi32, #tpu.memory_space<hbm>>
      %dma_start3A_3575 = arith.constant 0 : i32
      %dma_start3A_3576 = tpu.memref_slice %arg4[%add3A_3572, %dma_start3A_3575] : memref<32x256xi32, #tpu.memory_space<hbm>> -> memref<1x256xi32, #tpu.memory_space<hbm>>
      %dma_start3A_3577 = tpu.memref_squeeze %dma_start3A_3576 : memref<1x256xi32, #tpu.memory_space<hbm>> -> memref<256xi32, #tpu.memory_space<hbm>>
      tpu.enqueue_dma source(%arg7 : memref<256xi32, #tpu.memory_space<vmem>>) target(%dma_start3A_3577 : memref<256xi32, #tpu.memory_space<hbm>>) target_semaphore(%run_scoped3A : memref<!tpu.dma_semaphore, #tpu.memory_space<semaphore_mem>>)
      %dma_wait3A = arith.constant 0 : i32
      %dma_wait3A_3578 = tpu.memref_slice %arg4[%add3A_3572, %dma_wait3A] : memref<32x256xi32, #tpu.memory_space<hbm>> -> memref<1x256xi32, #tpu.memory_space<hbm>>
      %dma_wait3A_3579 = tpu.memref_squeeze %dma_wait3A_3578 : memref<1x256xi32, #tpu.memory_space<hbm>> -> memref<256xi32, #tpu.memory_space<hbm>>
      %dma_wait3A_3580 = arith.constant 0 : i32
      %dma_wait3A_3581 = tpu.memref_slice %arg4[%add3A_3572, %dma_wait3A_3580] : memref<32x256xi32, #tpu.memory_space<hbm>> -> memref<1x256xi32, #tpu.memory_space<hbm>>
      %dma_wait3A_3582 = tpu.memref_squeeze %dma_wait3A_3581 : memref<1x256xi32, #tpu.memory_space<hbm>> -> memref<256xi32, #tpu.memory_space<hbm>>
      tpu.wait_dma2 semaphore(%run_scoped3A : memref<!tpu.dma_semaphore, #tpu.memory_space<semaphore_mem>>) src(%arg7 : memref<256xi32, #tpu.memory_space<vmem>>) dst(%dma_wait3A_3582 : memref<256xi32, #tpu.memory_space<hbm>>)
      tpu.yield
    }) : () -> ()
    return
  }
}

module attributes {stable_mosaic.version = 14 : i64} {
  func.func @_ffn_body(%arg0: i32, %arg1: memref<2x2048x768xbf16, #tpu.memory_space<vmem>>, %arg2: memref<1x1x512xi32, #tpu.memory_space<vmem>>, %arg3: memref<1x1x512xi32, #tpu.memory_space<vmem>>, %arg4: memref<1x768x1024xf32, #tpu.memory_space<vmem>>, %arg5: memref<1x1024x768xf32, #tpu.memory_space<vmem>>, %arg6: memref<2x2048x768xf32, #tpu.memory_space<vmem>>) attributes {dimension_semantics = [#tpu.dimension_semantics<arbitrary>], iteration_bounds = array<i64: 16>, scalar_prefetch = 0 : i64, scratch_operands = 0 : i64, tpu.core_type = #tpu.core_type<tc>, window_params = [{pipeline_mode = #tpu.pipeline_mode<synchronous>, transform_indices = @transform_0, window_bounds = array<i64: 2, 2048, 768>}, {transform_indices = @transform_1, window_bounds = array<i64: 1, 1, 512>}, {transform_indices = @transform_2, window_bounds = array<i64: 1, 1, 512>}, {transform_indices = @transform_3, window_bounds = array<i64: 1, 768, 1024>}, {transform_indices = @transform_4, window_bounds = array<i64: 1, 1024, 768>}, {pipeline_mode = #tpu.pipeline_mode<synchronous>, transform_indices = @transform_5, window_bounds = array<i64: 2, 2048, 768>}]} {
    %eq3A = arith.constant 0 : i32
    %eq3A_0 = arith.cmpi eq, %arg0, %eq3A : i32
    %convert_element_type3A = arith.extui %eq3A_0 : i1 to i32
    %cond3A = arith.constant 0 : i32
    %cond3A_1 = arith.cmpi ne, %convert_element_type3A, %cond3A : i32
    scf.if %cond3A_1 {
      %broadcast_in_dim3A_100 = arith.constant 0.000000e+00 : f32
      %broadcast_in_dim3A_101 = vector.broadcast %broadcast_in_dim3A_100 : f32 to vector<2x2048x768xf32>
      %swap3A_102 = arith.constant 0 : index
      %swap3A_103 = arith.constant 0 : index
      %swap3A_104 = arith.constant 0 : index
      %swap3A_105 = vector.load %arg6[%swap3A_102, %swap3A_103, %swap3A_104] : memref<2x2048x768xf32, #tpu.memory_space<vmem>>, vector<2x2048x768xf32>
      tpu.vector_store %arg6[%swap3A_102, %swap3A_103, %swap3A_104], %broadcast_in_dim3A_101 {strides = array<i32>} : memref<2x2048x768xf32, #tpu.memory_space<vmem>>, vector<2x2048x768xf32>,
    } else {
    }
    %get3A = arith.constant 0 : index
    %get3A_2 = arith.constant 0 : index
    %get3A_3 = arith.constant 0 : index
    %get3A_4 = vector.load %arg4[%get3A, %get3A_2, %get3A_3] : memref<1x768x1024xf32, #tpu.memory_space<vmem>>, vector<1x768x1024xf32>
    %get3A_5 = vector.shape_cast %get3A_4 : vector<1x768x1024xf32> to vector<768x1024xf32>
    %convert_element_type3A_6 = arith.truncf %get3A_5 : vector<768x1024xf32> to vector<768x1024xbf16>
    %get3A_7 = arith.constant 0 : index
    %get3A_8 = arith.constant 0 : index
    %get3A_9 = arith.constant 0 : index
    %get3A_10 = vector.load %arg5[%get3A_7, %get3A_8, %get3A_9] : memref<1x1024x768xf32, #tpu.memory_space<vmem>>, vector<1x1024x768xf32>
    %get3A_11 = vector.shape_cast %get3A_10 : vector<1x1024x768xf32> to vector<1024x768xf32>
    %convert_element_type3A_12 = arith.truncf %get3A_11 : vector<1024x768xf32> to vector<1024x768xbf16>
    %iota3A = tpu.iota {dimensions = array<i32: 1>} : vector<1x2048xi32>
    %get3A_13 = arith.constant 0 : index
    %get3A_14 = arith.constant 0 : index
    %get3A_15 = arith.constant 0 : index
    %get3A_16 = vector.load %arg2[%get3A_13, %get3A_14, %get3A_15] : memref<1x1x512xi32, #tpu.memory_space<vmem>>, vector<1x1x256xi32>
    %get3A_17 = vector.shape_cast %get3A_16 : vector<1x1x256xi32> to vector<256xi32>
    %broadcast_in_dim3A = vector.shape_cast %get3A_17 : vector<256xi32> to vector<256x1xi32>
    %eq3A_18 = vector.broadcast %iota3A : vector<1x2048xi32> to vector<256x2048xi32>
    %eq3A_19 = vector.broadcast %broadcast_in_dim3A : vector<256x1xi32> to vector<256x2048xi32>
    %eq3A_20 = arith.cmpi eq, %eq3A_18, %eq3A_19 : vector<256x2048xi32>
    %convert_element_type3A_21 = arith.extui %eq3A_20 : vector<256x2048xi1> to vector<256x2048xi32>
    %convert_element_type3A_22 = arith.sitofp %convert_element_type3A_21 : vector<256x2048xi32> to vector<256x2048xf32>
    %convert_element_type3A_23 = arith.truncf %convert_element_type3A_22 : vector<256x2048xf32> to vector<256x2048xbf16>
    %get3A_24 = arith.constant 0 : index
    %get3A_25 = arith.constant 0 : index
    %get3A_26 = arith.constant 0 : index
    %get3A_27 = vector.load %arg1[%get3A_24, %get3A_25, %get3A_26] : memref<2x2048x768xbf16, #tpu.memory_space<vmem>>, vector<1x2048x768xbf16>
    %get3A_28 = vector.shape_cast %get3A_27 : vector<1x2048x768xbf16> to vector<2048x768xbf16>
    %dot_general3A = arith.constant dense<0.000000e+00> : vector<256x768xf32>
    %dot_general3A_29 = tpu.matmul %convert_element_type3A_23, %get3A_28, %dot_general3A {dimension_numbers = #tpu.dot_dimension_numbers<[1], [0], [0], [1], [0, 0, 1, 1], [], []>, transpose_lhs_hint = false} : vector<256x2048xbf16>, vector<2048x768xbf16>, vector<256x768xf32> -> vector<256x768xf32>
    %get3A_30 = arith.constant 0 : index
    %get3A_31 = arith.constant 0 : index
    %get3A_32 = arith.constant 256 : index
    %get3A_33 = vector.load %arg2[%get3A_30, %get3A_31, %get3A_32] : memref<1x1x512xi32, #tpu.memory_space<vmem>>, vector<1x1x256xi32>
    %get3A_34 = vector.shape_cast %get3A_33 : vector<1x1x256xi32> to vector<256xi32>
    %broadcast_in_dim3A_35 = vector.shape_cast %get3A_34 : vector<256xi32> to vector<256x1xi32>
    %eq3A_36 = vector.broadcast %iota3A : vector<1x2048xi32> to vector<256x2048xi32>
    %eq3A_37 = vector.broadcast %broadcast_in_dim3A_35 : vector<256x1xi32> to vector<256x2048xi32>
    %eq3A_38 = arith.cmpi eq, %eq3A_36, %eq3A_37 : vector<256x2048xi32>
    %convert_element_type3A_39 = arith.extui %eq3A_38 : vector<256x2048xi1> to vector<256x2048xi32>
    %convert_element_type3A_40 = arith.sitofp %convert_element_type3A_39 : vector<256x2048xi32> to vector<256x2048xf32>
    %convert_element_type3A_41 = arith.truncf %convert_element_type3A_40 : vector<256x2048xf32> to vector<256x2048xbf16>
    %get3A_42 = arith.constant 1 : index
    %get3A_43 = arith.constant 0 : index
    %get3A_44 = arith.constant 0 : index
    %get3A_45 = vector.load %arg1[%get3A_42, %get3A_43, %get3A_44] : memref<2x2048x768xbf16, #tpu.memory_space<vmem>>, vector<1x2048x768xbf16>
    %get3A_46 = vector.shape_cast %get3A_45 : vector<1x2048x768xbf16> to vector<2048x768xbf16>
    %dot_general3A_47 = arith.constant dense<0.000000e+00> : vector<256x768xf32>
    %dot_general3A_48 = tpu.matmul %convert_element_type3A_41, %get3A_46, %dot_general3A_47 {dimension_numbers = #tpu.dot_dimension_numbers<[1], [0], [0], [1], [0, 0, 1, 1], [], []>, transpose_lhs_hint = false} : vector<256x2048xbf16>, vector<2048x768xbf16>, vector<256x768xf32> -> vector<256x768xf32>
    %concatenate3A = tpu.concatenate %dot_general3A_29, %dot_general3A_48 in 0 : vector<256x768xf32>, vector<256x768xf32> -> vector<512x768xf32>
    %convert_element_type3A_49 = arith.truncf %concatenate3A : vector<512x768xf32> to vector<512x768xbf16>
    %dot_general3A_50 = arith.constant dense<0.000000e+00> : vector<512x1024xf32>
    %dot_general3A_51 = tpu.matmul %convert_element_type3A_49, %convert_element_type3A_6, %dot_general3A_50 {dimension_numbers = #tpu.dot_dimension_numbers<[1], [0], [0], [1], [0, 0, 1, 1], [], []>, transpose_lhs_hint = false} : vector<512x768xbf16>, vector<768x1024xbf16>, vector<512x1024xf32> -> vector<512x1024xf32>
    %mul3A = arith.constant 5.000000e-01 : f32
    %mul3A_52 = vector.broadcast %mul3A : f32 to vector<512x1024xf32>
    %mul3A_53 = arith.mulf %mul3A_52, %dot_general3A_51 : vector<512x1024xf32>
    %mul3A_54 = arith.constant 0.707106769 : f32
    %mul3A_55 = vector.broadcast %mul3A_54 : f32 to vector<512x1024xf32>
    %mul3A_56 = arith.mulf %dot_general3A_51, %mul3A_55 : vector<512x1024xf32>
    %erf3A = math.erf %mul3A_56 : vector<512x1024xf32>
    %add3A = arith.constant 1.000000e+00 : f32
    %add3A_57 = vector.broadcast %add3A : f32 to vector<512x1024xf32>
    %add3A_58 = arith.addf %add3A_57, %erf3A : vector<512x1024xf32>
    %mul3A_59 = arith.mulf %mul3A_53, %add3A_58 : vector<512x1024xf32>
    %convert_element_type3A_60 = arith.truncf %mul3A_59 : vector<512x1024xf32> to vector<512x1024xbf16>
    %dot_general3A_61 = arith.constant dense<0.000000e+00> : vector<512x768xf32>
    %dot_general3A_62 = tpu.matmul %convert_element_type3A_60, %convert_element_type3A_12, %dot_general3A_61 {dimension_numbers = #tpu.dot_dimension_numbers<[1], [0], [0], [1], [0, 0, 1, 1], [], []>, transpose_lhs_hint = false} : vector<512x1024xbf16>, vector<1024x768xbf16>, vector<512x768xf32> -> vector<512x768xf32>
    %get3A_63 = arith.constant 0 : index
    %get3A_64 = arith.constant 0 : index
    %get3A_65 = arith.constant 0 : index
    %get3A_66 = vector.load %arg3[%get3A_63, %get3A_64, %get3A_65] : memref<1x1x512xi32, #tpu.memory_space<vmem>>, vector<1x1x512xi32>
    %get3A_67 = vector.shape_cast %get3A_66 : vector<1x1x512xi32> to vector<512xi32>
    %bitcast_convert_type3A = tpu.bitcast %get3A_67 : vector<512xi32> -> vector<512xf32>
    %broadcast_in_dim3A_68 = vector.shape_cast %bitcast_convert_type3A : vector<512xf32> to vector<512x1xf32>
    %mul3A_69 = vector.broadcast %broadcast_in_dim3A_68 : vector<512x1xf32> to vector<512x768xf32>
    %mul3A_70 = arith.mulf %dot_general3A_62, %mul3A_69 : vector<512x768xf32>
    %convert_element_type3A_71 = arith.truncf %mul3A_70 : vector<512x768xf32> to vector<512x768xbf16>
    %get3A_72 = arith.constant 0 : index
    %get3A_73 = arith.constant 0 : index
    %get3A_74 = arith.constant 0 : index
    %get3A_75 = vector.load %arg6[%get3A_72, %get3A_73, %get3A_74] : memref<2x2048x768xf32, #tpu.memory_space<vmem>>, vector<1x2048x768xf32>
    %get3A_76 = vector.shape_cast %get3A_75 : vector<1x2048x768xf32> to vector<2048x768xf32>
    %slice3A = vector.extract_strided_slice %convert_element_type3A_71 {offsets = [0, 0], sizes = [256, 768], strides = [1, 1]} : vector<512x768xbf16> to vector<256x768xbf16>
    %dot_general3A_77 = arith.constant dense<0.000000e+00> : vector<2048x768xf32>
    %dot_general3A_78 = tpu.matmul %convert_element_type3A_23, %slice3A, %dot_general3A_77 {dimension_numbers = #tpu.dot_dimension_numbers<[0], [0], [1], [1], [0, 1, 1, 1], [], []>, transpose_lhs_hint = false} : vector<256x2048xbf16>, vector<256x768xbf16>, vector<2048x768xf32> -> vector<2048x768xf32>
    %add3A_79 = arith.addf %get3A_76, %dot_general3A_78 : vector<2048x768xf32>
    %swap3A = arith.constant 0 : index
    %swap3A_80 = arith.constant 0 : index
    %swap3A_81 = arith.constant 0 : index
    %swap3A_82 = vector.load %arg6[%swap3A, %swap3A_80, %swap3A_81] : memref<2x2048x768xf32, #tpu.memory_space<vmem>>, vector<1x2048x768xf32>
    %swap3A_83 = vector.shape_cast %swap3A_82 : vector<1x2048x768xf32> to vector<2048x768xf32>
    %swap3A_84 = vector.shape_cast %add3A_79 : vector<2048x768xf32> to vector<1x2048x768xf32>
    tpu.vector_store %arg6[%swap3A, %swap3A_80, %swap3A_81], %swap3A_84 {strides = array<i32>} : memref<2x2048x768xf32, #tpu.memory_space<vmem>>, vector<1x2048x768xf32>,
    %get3A_85 = arith.constant 1 : index
    %get3A_86 = arith.constant 0 : index
    %get3A_87 = arith.constant 0 : index
    %get3A_88 = vector.load %arg6[%get3A_85, %get3A_86, %get3A_87] : memref<2x2048x768xf32, #tpu.memory_space<vmem>>, vector<1x2048x768xf32>
    %get3A_89 = vector.shape_cast %get3A_88 : vector<1x2048x768xf32> to vector<2048x768xf32>
    %slice3A_90 = vector.extract_strided_slice %convert_element_type3A_71 {offsets = [256, 0], sizes = [256, 768], strides = [1, 1]} : vector<512x768xbf16> to vector<256x768xbf16>
    %dot_general3A_91 = arith.constant dense<0.000000e+00> : vector<2048x768xf32>
    %dot_general3A_92 = tpu.matmul %convert_element_type3A_41, %slice3A_90, %dot_general3A_91 {dimension_numbers = #tpu.dot_dimension_numbers<[0], [0], [1], [1], [0, 1, 1, 1], [], []>, transpose_lhs_hint = false} : vector<256x2048xbf16>, vector<256x768xbf16>, vector<2048x768xf32> -> vector<2048x768xf32>
    %add3A_93 = arith.addf %get3A_89, %dot_general3A_92 : vector<2048x768xf32>
    %swap3A_94 = arith.constant 1 : index
    %swap3A_95 = arith.constant 0 : index
    %swap3A_96 = arith.constant 0 : index
    %swap3A_97 = vector.load %arg6[%swap3A_94, %swap3A_95, %swap3A_96] : memref<2x2048x768xf32, #tpu.memory_space<vmem>>, vector<1x2048x768xf32>
    %swap3A_98 = vector.shape_cast %swap3A_97 : vector<1x2048x768xf32> to vector<2048x768xf32>
    %swap3A_99 = vector.shape_cast %add3A_93 : vector<2048x768xf32> to vector<1x2048x768xf32>
    tpu.vector_store %arg6[%swap3A_94, %swap3A_95, %swap3A_96], %swap3A_99 {strides = array<i32>} : memref<2x2048x768xf32, #tpu.memory_space<vmem>>, vector<1x2048x768xf32>,
    return
  }
  func.func @transform_0(%arg0: i32) -> (i32, i32, i32) {
    %c0_i32 = arith.constant 0 : i32
    %c0_i32_0 = arith.constant 0 : i32
    %c0_i32_1 = arith.constant 0 : i32
    %c0_i32_2 = arith.constant 0 : i32
    return %c0_i32, %c0_i32_0, %c0_i32_1 : i32, i32, i32
  }
  func.func @transform_1(%arg0: i32) -> (i32, i32, i32) {
    %c0_i32 = arith.constant 0 : i32
    %c0_i32_0 = arith.constant 0 : i32
    %c0_i32_1 = arith.constant 0 : i32
    return %arg0, %c0_i32, %c0_i32_0 : i32, i32, i32
  }
  func.func @transform_2(%arg0: i32) -> (i32, i32, i32) {
    %c0_i32 = arith.constant 0 : i32
    %c0_i32_0 = arith.constant 0 : i32
    %c0_i32_1 = arith.constant 0 : i32
    return %arg0, %c0_i32, %c0_i32_0 : i32, i32, i32
  }
  func.func @transform_3(%arg0: i32) -> (i32, i32, i32) {
    %c0_i32 = arith.constant 0 : i32
    %c0_i32_0 = arith.constant 0 : i32
    %c0_i32_1 = arith.constant 0 : i32
    return %arg0, %c0_i32, %c0_i32_0 : i32, i32, i32
  }
  func.func @transform_4(%arg0: i32) -> (i32, i32, i32) {
    %c0_i32 = arith.constant 0 : i32
    %c0_i32_0 = arith.constant 0 : i32
    %c0_i32_1 = arith.constant 0 : i32
    return %arg0, %c0_i32, %c0_i32_0 : i32, i32, i32
  }
  func.func @transform_5(%arg0: i32) -> (i32, i32, i32) {
    %c0_i32 = arith.constant 0 : i32
    %c0_i32_0 = arith.constant 0 : i32
    %c0_i32_1 = arith.constant 0 : i32
    %c0_i32_2 = arith.constant 0 : i32
    return %c0_i32, %c0_i32_0, %c0_i32_1 : i32, i32, i32
  }
}

module attributes {stable_mosaic.version = 14 : i64} {
  func.func @_gate_body(%arg0: i32, %arg1: memref<1x2048x768xf32, #tpu.memory_space<vmem>>, %arg2: memref<16x768xf32, #tpu.memory_space<vmem>>, %arg3: memref<1x16x2048xi32, #tpu.memory_space<vmem>>, %arg4: memref<1x2048x768xbf16, #tpu.memory_space<vmem>>) attributes {dimension_semantics = [#tpu.dimension_semantics<arbitrary>], iteration_bounds = array<i64: 2>, scalar_prefetch = 0 : i64, scratch_operands = 0 : i64, tpu.core_type = #tpu.core_type<tc>, window_params = [{transform_indices = @transform_0, window_bounds = array<i64: 1, 2048, 768>}, {pipeline_mode = #tpu.pipeline_mode<synchronous>, transform_indices = @transform_1, window_bounds = array<i64: 16, 768>}, {transform_indices = @transform_2, window_bounds = array<i64: 1, 16, 2048>}, {transform_indices = @transform_3, window_bounds = array<i64: 1, 2048, 768>}]} {
    %get3A = arith.constant 0 : index
    %get3A_0 = arith.constant 0 : index
    %get3A_1 = arith.constant 0 : index
    %get3A_2 = vector.load %arg1[%get3A, %get3A_0, %get3A_1] : memref<1x2048x768xf32, #tpu.memory_space<vmem>>, vector<1x2048x768xf32>
    %get3A_3 = vector.shape_cast %get3A_2 : vector<1x2048x768xf32> to vector<2048x768xf32>
    %get3A_4 = arith.constant 0 : index
    %get3A_5 = arith.constant 0 : index
    %get3A_6 = vector.load %arg2[%get3A_4, %get3A_5] : memref<16x768xf32, #tpu.memory_space<vmem>>, vector<16x768xf32>
    %dot_general3A = arith.constant dense<0.000000e+00> : vector<16x2048xf32>
    %dot_general3A_7 = tpu.matmul %get3A_6, %get3A_3, %dot_general3A {dimension_numbers = #tpu.dot_dimension_numbers<[1], [1], [0], [0], [0, 0, 1, 0], [], []>, transpose_lhs_hint = false} : vector<16x768xf32>, vector<2048x768xf32>, vector<16x2048xf32> -> vector<16x2048xf32>
    %reduce_max3A = arith.constant dense<0xFF800000> : vector<2048xf32>
    %reduce_max3A_8 = vector.multi_reduction <maximumf>, %dot_general3A_7, %reduce_max3A [0] : vector<16x2048xf32> to vector<2048xf32>
    %broadcast_in_dim3A = vector.shape_cast %reduce_max3A_8 : vector<2048xf32> to vector<1x2048xf32>
    %sub3A = vector.broadcast %broadcast_in_dim3A : vector<1x2048xf32> to vector<16x2048xf32>
    %sub3A_9 = arith.subf %dot_general3A_7, %sub3A : vector<16x2048xf32>
    %exp3A = math.exp %sub3A_9 : vector<16x2048xf32>
    %reduce_sum3A = arith.constant dense<0.000000e+00> : vector<2048xf32>
    %reduce_sum3A_10 = vector.multi_reduction <add>, %exp3A, %reduce_sum3A [0] : vector<16x2048xf32> to vector<2048xf32>
    %broadcast_in_dim3A_11 = vector.shape_cast %reduce_sum3A_10 : vector<2048xf32> to vector<1x2048xf32>
    %div3A = vector.broadcast %broadcast_in_dim3A_11 : vector<1x2048xf32> to vector<16x2048xf32>
    %div3A_12 = arith.divf %exp3A, %div3A : vector<16x2048xf32>
    %bitcast_convert_type3A = tpu.bitcast %div3A_12 : vector<16x2048xf32> -> vector<16x2048xi32>
    %swap3A = arith.constant 0 : index
    %swap3A_13 = arith.constant 0 : index
    %swap3A_14 = arith.constant 0 : index
    %swap3A_15 = vector.load %arg3[%swap3A, %swap3A_13, %swap3A_14] : memref<1x16x2048xi32, #tpu.memory_space<vmem>>, vector<1x16x2048xi32>
    %swap3A_16 = vector.shape_cast %swap3A_15 : vector<1x16x2048xi32> to vector<16x2048xi32>
    %swap3A_17 = vector.shape_cast %bitcast_convert_type3A : vector<16x2048xi32> to vector<1x16x2048xi32>
    tpu.vector_store %arg3[%swap3A, %swap3A_13, %swap3A_14], %swap3A_17 {strides = array<i32>} : memref<1x16x2048xi32, #tpu.memory_space<vmem>>, vector<1x16x2048xi32>,
    %convert_element_type3A = arith.truncf %get3A_3 : vector<2048x768xf32> to vector<2048x768xbf16>
    %swap3A_18 = arith.constant 0 : index
    %swap3A_19 = arith.constant 0 : index
    %swap3A_20 = arith.constant 0 : index
    %swap3A_21 = vector.load %arg4[%swap3A_18, %swap3A_19, %swap3A_20] : memref<1x2048x768xbf16, #tpu.memory_space<vmem>>, vector<1x2048x768xbf16>
    %swap3A_22 = vector.shape_cast %swap3A_21 : vector<1x2048x768xbf16> to vector<2048x768xbf16>
    %swap3A_23 = vector.shape_cast %convert_element_type3A : vector<2048x768xbf16> to vector<1x2048x768xbf16>
    tpu.vector_store %arg4[%swap3A_18, %swap3A_19, %swap3A_20], %swap3A_23 {strides = array<i32>} : memref<1x2048x768xbf16, #tpu.memory_space<vmem>>, vector<1x2048x768xbf16>,
    return
  }
  func.func @transform_0(%arg0: i32) -> (i32, i32, i32) {
    %c0_i32 = arith.constant 0 : i32
    %c0_i32_0 = arith.constant 0 : i32
    %c0_i32_1 = arith.constant 0 : i32
    return %arg0, %c0_i32, %c0_i32_0 : i32, i32, i32
  }
  func.func @transform_1(%arg0: i32) -> (i32, i32) {
    %c0_i32 = arith.constant 0 : i32
    %c0_i32_0 = arith.constant 0 : i32
    %c0_i32_1 = arith.constant 0 : i32
    return %c0_i32, %c0_i32_0 : i32, i32
  }
  func.func @transform_2(%arg0: i32) -> (i32, i32, i32) {
    %c0_i32 = arith.constant 0 : i32
    %c0_i32_0 = arith.constant 0 : i32
    %c0_i32_1 = arith.constant 0 : i32
    return %arg0, %c0_i32, %c0_i32_0 : i32, i32, i32
  }
  func.func @transform_3(%arg0: i32) -> (i32, i32, i32) {
    %c0_i32 = arith.constant 0 : i32
    %c0_i32_0 = arith.constant 0 : i32
    %c0_i32_1 = arith.constant 0 : i32
    return %arg0, %c0_i32, %c0_i32_0 : i32, i32, i32
  }
}

</mosaic_0001>

<sc_bundles>
// kernel: kernel.5.cloned.1.call-start
scs
__scs_entry_jumppad:
0x0: {  	(pc) =	sbr.rel $0x88, $3  }
0x1: {  	(tag) =	ssettag $0x0;
	lr =	simm.s32 $0x1  }
0x2: {  	[smem:$0x3F9D] =	sst lr;
	_ =	strace $0xD0000000  }
0x3: {  	_ = 	snop  }
0x4: {  	_ = 	snop  }
0x5: {  	_ = 	snop  }
0x6: {  	_ = 	snop  }
0x7: {  	_ = 	snop  }
__scs_overlays_trampoline_lowered:
0x8: {  	[smem:$0x3FAC] =	sst s0  }
0x9: {  	[smem:$0x3FAD] =	sst s1  }
0xa: {  	[smem:$0x3FAE] =	sst s2  }
0xb: {  	[smem:$0x3FAF] =	sst s3  }
0xc: {  	[smem:$0x3FB0] =	sst s4  }
0xd: {  	[smem:$0x3FB1] =	sst s5  }
0xe: {  	[smem:$0x3FB2] =	sst s6  }
0xf: {  	[smem:$0x3FB3] =	sst s7  }
0x10: {  	[smem:$0x3FB4] =	sst s8  }
0x11: {  	[smem:$0x3FB5] =	sst s9;
	s0 =	simm.s32 @!p0 $0x0  }
0x12: {  	s1 =	sld [smem:$0x3F9B];
	s0 =	simm.s32 @p0 $0x1  }
0x13: {  	[smem:$0x3FB6] =	sst s0;
	s0 =	simm.s32 @!p1 $0x0  }
0x14: {  	s2 =	sld [smem:$0x3F9A];
	s0 =	simm.s32 @p1 $0x1  }
0x15: {  	[smem:$0x3FB7] =	sst s0;
	s0 =	simm.s32 @!p2 $0x0  }
0x16: {  	s3 =	sld [smem:$0x3FDB];
	s0 =	simm.s32 @p2 $0x1  }
0x17: {  	s4 =	simm.s32 $0x1BF5;
	[smem:$0x3FB9] =	sst s0  }
0x18: {  	s0 =	sld [smem:$0x3F9C];
	_ =	swait.ge [sflag:s4], $0x0  }
0x19: {  	s7 =	sld [smem:$0x3F9D]  }
0x1a: {  	s8 =	sadd.s32 $0xFFFFE003, lr  }
0x1b: {  	s9 =	sadd.s32 $0xFFFFFEF7, lr;
	s5 =	simm.s32 $0xFFFFFFFF;
	p2 =	slt.u32 s8, $0xFFFFF086  }
0x1c: {  	p1 =	slt.u32 s9, $0xF7A;
	s5 =	simm.s32 @!p2 $0x0  }
0x1d: {  	s5 =	simm.s32 @p1 $0x1;
	p0 =	seq.s32 s7, s2  }
0x1e: {  	s7 =	smul.u32 @!p0 $0xF7A, s2;
	p2 =	seq.s32 @!p0 s5, $0x0  }
0x1f: {  	s9 =	smul.u32 $0xF7A, s1;
	s8 =	simm.s32 @!p0 $0x1BF5;
	p2 =	por !p2, p0  }
0x20: {  	[sflag:s8] =	ssyncset.s32 @!p0 $0xFFFFF086;
	s6 =	sadd.s32 @!p0 s3, s7;
	s7 =	simm.s32 @!p0 $0x108  }
0x21: {  	s3 =	sadd.s32 s3, s9;
	s6 =	sadd.s32 @!p0 $0x88, s6;
	s7 =	simm.s32 @p2 $0x1082  }
0x22: {  	[simem:s7], [sflag:s8] =	dma.local @!p0 [hbm:s6], $0xF7A  }
0x23: {  	s9 =	sor.u32 $0xD0000000, s2;
	s6 =	simm.s32 $0x108;
	_ =	swait.ge @!p0 [sflag:s8], $0x0  }
0x24: {  	s3 =	sadd.s32 $0x88, s3;
	s6 =	simm.s32 @!p1 $0x1082;
	[sflag:s4] =	ssyncset.s32 $0xFFFFF086  }
0x25: {  	[simem:s6], [sflag:s4] =	dma.local [hbm:s3], $0xF7A  }
0x26: {  	[smem:$0x3F9D] =	sst s1;
	(tag) =	ssettag s2;
	_ =	strace s9  }
0x27: {  	s1 =	sld [smem:$0x3FAD]  }
0x28: {  	s2 =	sld [smem:$0x3FAE]  }
0x29: {  	s4 =	sld [smem:$0x3FB0]  }
0x2a: {  	p0 =	seq.s32 s5, $0x0;
	s5 =	sld [smem:$0x3FB1]  }
0x2b: {  	s6 =	sld [smem:$0x3FB2]  }
0x2c: {  	s7 =	sld [smem:$0x3FB3]  }
0x2d: {  	s3 =	simm.s32 $0x108;
	s8 =	sld [smem:$0x3FB4]  }
0x2e: {  	s3 =	simm.s32 @!p0 $0x1082;
	s9 =	sld [smem:$0x3FB5]  }
0x2f: {  	lr =	sadd.s32 s0, s3;
	s0 =	sld [smem:$0x3FAC]  }
0x30: {  	s3 =	sld [smem:$0x3FAF]  }
0x31: {  	[smem:$0x3FB8] =	sst s10  }
0x32: {  	s10 =	sld [smem:$0x3FB6];
	_ =	sdelay $0x3  }
0x33: {  	p0 =	seq.s32 s10, $0x1;
	s10 =	sld [smem:$0x3FB8];
	_ =	sdelay $0x3  }
0x34: {  	[smem:$0x3FB8] =	sst s10  }
0x35: {  	s10 =	sld [smem:$0x3FB7];
	_ =	sdelay $0x3  }
0x36: {  	p1 =	seq.s32 s10, $0x1;
	s10 =	sld [smem:$0x3FB8];
	_ =	sdelay $0x3  }
0x37: {  	[smem:$0x3FB8] =	sst s10  }
0x38: {  	s10 =	sld [smem:$0x3FB9]  }
0x39: {  	_ = 	snop;
	(pc) =	sbr.ind lr, $3  }
0x3a: {  	_ = 	snop  }
0x3b: {  	_ = 	snop  }
0x3c: {  	p2 =	seq.s32 s10, $0x1;
	s10 =	sld [smem:$0x3FB8]  }
0x3d: {  	_ =	shalt  }
0x3e: {  	_ =	shalt  }
0x3f: {  	_ =	shalt  }
0x40: {  	_ =	shalt  }
0x41: {  	_ =	shalt  }
0x42: {  	_ =	shalt  }
0x43: {  	_ =	shalt  }
0x44: {  	_ =	shalt  }
0x45: {  	_ =	shalt  }
0x46: {  	_ =	shalt  }
0x47: {  	_ =	shalt  }
0x48: {  	_ =	shalt  }
0x49: {  	_ =	shalt  }
0x4a: {  	_ =	shalt  }
0x4b: {  	_ =	shalt  }
0x4c: {  	_ =	shalt  }
0x4d: {  	_ =	shalt  }
0x4e: {  	_ =	shalt  }
0x4f: {  	_ =	shalt  }
0x50: {  	_ =	shalt  }
0x51: {  	_ =	shalt  }
0x52: {  	_ =	shalt  }
0x53: {  	_ =	shalt  }
0x54: {  	_ =	shalt  }
0x55: {  	_ =	shalt  }
0x56: {  	_ =	shalt  }
0x57: {  	_ =	shalt  }
0x58: {  	_ =	shalt  }
0x59: {  	_ =	shalt  }
0x5a: {  	_ =	shalt  }
0x5b: {  	_ =	shalt  }
0x5c: {  	_ =	shalt  }
0x5d: {  	_ =	shalt  }
0x5e: {  	_ =	shalt  }
0x5f: {  	_ =	shalt  }
0x60: {  	_ =	shalt  }
0x61: {  	_ =	shalt  }
0x62: {  	_ =	shalt  }
0x63: {  	_ =	shalt  }
0x64: {  	_ =	shalt  }
0x65: {  	_ =	shalt  }
0x66: {  	_ =	shalt  }
0x67: {  	_ =	shalt  }
0x68: {  	_ =	shalt  }
0x69: {  	_ =	shalt  }
0x6a: {  	_ =	shalt  }
0x6b: {  	_ =	shalt  }
0x6c: {  	_ =	shalt  }
0x6d: {  	_ =	shalt  }
0x6e: {  	_ =	shalt  }
0x6f: {  	_ =	shalt  }
0x70: {  	_ =	shalt  }
0x71: {  	_ =	shalt  }
0x72: {  	_ =	shalt  }
0x73: {  	_ =	shalt  }
0x74: {  	_ =	shalt  }
0x75: {  	_ =	shalt  }
0x76: {  	_ =	shalt  }
0x77: {  	_ =	shalt  }
0x78: {  	_ =	shalt  }
0x79: {  	_ =	shalt  }
0x7a: {  	_ =	shalt  }
0x7b: {  	_ =	shalt  }
0x7c: {  	_ =	shalt  }
0x7d: {  	_ =	shalt  }
0x7e: {  	_ =	shalt  }
0x7f: {  	_ =	shalt  }
0x80: {  	_ =	shalt  }
0x81: {  	_ =	shalt  }
0x82: {  	_ =	shalt  }
0x83: {  	_ =	shalt  }
0x84: {  	_ =	shalt  }
0x85: {  	_ =	shalt  }
0x86: {  	_ =	shalt  }
0x87: {  	_ =	shalt  }
.Lfunc_end0:
.L_simem_size_0:
called_computation_lowered:
.L_overlay_start_0:
0x88: {  	s2 =	sld [smem:$0x3FD9]  }
0x89: {  	s3 =	sld [smem:$0x3FFE];
	_ =	sdelay $0x1  }
0x8a: {  	s1 =	srdreg.scid  }
0x8b: {  	s0 =	sand.u32 $0x1, s1  }
0x8c: {  	s17 =	sshll.u32 s0, $0xA;
	s2 =	sadd.s32 s3, s2  }
0x8d: {  	s2 =	sadd.s32 s2, s17  }
0x8e: {  	[smem:$0x3FC4] =	sst s2  }
0x8f: {  	_ = 	snop  }
0x90: {  	s2 =	sld [smem:$0x3FD0];
	(tm) =	ssettm $0x1  }
0x91: {  	s18 =	sld [smem:$0x3FFB];
	_ =	sdelay $0x3  }
0x92: {  	_ =	strace s18  }
0x93: {  	s3 =	sld [smem:$0x3FFC];
	_ =	sdelay $0x3  }
0x94: {  	_ =	strace s3  }
0x95: {  	s3 =	sld [smem:$0x3FFD];
	_ =	sdelay $0x3  }
0x96: {  	_ =	strace s3  }
0x97: {  	_ =	strace $0x8FFFFFFF  }
0x98: {  	s19 =	sld [smem:$0x3FDB];
	_ =	sdelay $0x1  }
0x99: {  	s4 =	simm.s32 $_scs_section_size  }
0x9a: {  	s5 =	simm.s32 $_size__tile_overlayer_lowered;
	s6 =	simm.s32 $_tile_overlayer_lowered  }
0x9b: {  	s22 =	simm.s32 $0x1BFF;
	s21 =	sshll.u32 s6, $0x1;
	s3 =	sadd.s32 s4, s19  }
0x9c: {  	s7 =	simm.s32 $0x0;
	s20 =	sshll.u32 s5, $0x1;
	s5 =	sadd.s32 s21, s3  }
0x9d: {  	[timem:s7], [sflag:s22] =	dma.local [hbm:s5], s20  }
0x9e: {  	_ =	swait.ge [sflag:s22], s20  }
0x9f: {  	s4 =	ssub.s32 $0x0, s20;
	[sflag:s22] =	ssyncset.done $0x0  }
0xa0: {  	[sflag:s22] =	ssyncadd.s32 s4;
	_ =	sdelay $0x1  }
0xa1: {  	s23 =	simm.s32 $0x1B8B  }
0xa2: {  	_ =	swait.ge [sflag:s23], $0x1  }
0xa3: {  	[sflag:s23] =	ssyncset.done $0x0  }
0xa4: {  	s25 =	simm.s32 $0x1B8E;
	s24 =	sld [smem:$0x3FFE];
	[sflag:s23] =	ssyncadd.s32 $0xFFFFFFFF  }
0xa5: {  	s26 =	simm.s32 $execute0_lowered;
	[smem:$0x3FD2] =	sst s25  }
0xa6: {  	s5 =	sshll.u32 s26, $0x1;
	_ =	strace $0x80000046;
	[dreg:$0x1] =	wrdreg $0xFFFFFFFF  }
0xa7: {  	s28 =	simm.s32 $_size_execute0_lowered;
	s3 =	sadd.s32 s3, s5;
	[dreg:$0x0] =	wrdreg $0x0  }
0xa8: {  	s5 =	sshll.u32 s28, $0x1;
	[dreg:$0x2] =	wrdreg s3  }
0xa9: {  	[dreg:$0x3] =	wrdreg s5  }
0xaa: {  	[dreg:$0x4] =	wrdreg $0xC0  }
0xab: {  	_ =	task [dreg:s7], $0x5FFFF  }
0xac: {  	[dreg:$0x1] =	wrdreg $0xFFFFFFFF  }
0xad: {  	[dreg:$0x0] =	wrdreg $0x60  }
0xae: {  	[dreg:$0x2] =	wrdreg s2  }
0xaf: {  	[dreg:$0x3] =	wrdreg s24  }
0xb0: {  	[dreg:$0x4] =	wrdreg $0x9  }
0xb1: {  	_ =	task.clear_ibuf [dreg:s7], $0x5FFFF;
	_ =	strace $0x90000046  }
0xb2: {  	s29 =	simm.s32 $0x9;
	_ =	strace $0x80000048  }
0xb3: {  	_ =	swait.ge [sflag:s29], $0x1  }
0xb4: {  	[sflag:s29] =	ssyncadd.s32 $0xFFFFFFFF  }
0xb5: {  	_ =	strace $0x90000048  }
0xb6: {  	_ =	sfence  }
0xb7: {  	s30 =	sld [smem:$0x0];
	_ =	sdelay $0x2  }
0xb8: {  	s31 =	sshll.u32 s1, $0xD;
	s1 =	sshrl.u32 s1, $0x2  }
0xb9: {  	s3 =	sand.u32 $0x4000, s31;
	s1 =	sadd.s32 s1, s30  }
0xba: {  	s0 =	sor.u32 s3, s0;
	s1 =	sshll.u32 s1, $0x11  }
0xbb: {  	s0 =	sor.u32 s1, s0  }
0xbc: {  	s0 =	sadd.s32 $0x8F2B, s0  }
0xbd: {  	[sflag:s0] =	ssyncadd.remote.s32 $0x1  }
0xbe: {  	_ =	sfence.sel $0xFFFF  }
0xbf: {  	[dreg:$0x0] =	wrdreg $0xFFFFFFFF;
	(pc) =	sbr.abs _section_cstart, $3  }
0xc0: {  	[dreg:$0x1] =	wrdreg $0xFFFFFFFF  }
0xc1: {  	_ =	task.clear_ibuf [dreg:s7], $0x2FFFF;
	_ =	strace $0x9FFFFFFF  }
0xc2: {  	(tm) =	ssettm $0x7FFFFFFF  }
0xc3: {  	_ =	shalt  }
tec
execute0_lowered:
.L_overlay_start_1:
0x0: {  	(tag) =	ssettag $0x1  }
0x1: {  	s0 =	srdreg.scid;
	s1 =	rddreg [dreg:$0x0]  }
0x2: {  	s7 =	stileid.u32;
	vm0 =	vcmask $0x300;
	s3 =	rddreg [dreg:$0x1]  }
0x3: {  	v0 =	vimm.s32 $0x0;
	vm15 =	vcmask $0x704;
	vm4 =	vcmask $0xB08;
	s8 =	simm.s32 $0x0;
	s0 =	sand.u32 $0x1, s0;
	s2 =	sshll.u32 s7, $0x1  }
0x4: {  	vm1 =	vcmask $0xF0C;
	vm5 =	vcmask $0x1310;
	v1 =	vsel vm0, $0xFFFFFFFF, v0;
	s6 =	sshll.u32 s7, $0x7;
	[smem:$0x7FF] =	sst s8;
	s28 =	sshll.u32 s7, $0x9  }
0x5: {  	vm6 =	vcmask $0x1714;
	vm7 =	vcmask $0x1B18;
	s4 =	sor.u32 s0, s2;
	[tilespmem:$0x1FFD0] =	vst v1;
	v1 =	vsel vm15, $0xFFFFFFFF, v0;
	s26 =	sand.u32 $0x300, s6;
	s0 =	ssub.s32 $0x2, s0  }
0x6: {  	vm8 =	vcmask $0x1F1C;
	vm9 =	vcmask $0x2320;
	s5 =	sshll.u32 s4, $0x5;
	[tilespmem:$0x1FFE0] =	vst v1;
	v1 =	vsel vm4, $0xFFFFFFFF, v0;
	s4 =	sshll.u32 s4, $0x4;
	s29 =	sshrl.u32 s0, $0x1  }
0x7: {  	vm10 =	vcmask $0x2724;
	vm11 =	vcmask $0x2B28;
	vm12 =	vcmask $0x2F2C;
	s2 =	sor.u32 s2, s5;
	[tilespmem:$0x1FFF0] =	vst v1;
	s5 =	sand.u32 $0x1800, s28;
	s4 =	sand.u32 $0x70, s4  }
0x8: {  	vm13 =	vcmask $0x3330;
	vm14 =	vcmask $0x3734;
	vm2 =	vcmask $0x3B00;
	s0 =	ssub.s32 s0, s29;
	s2 =	sand.u32 $0x70, s2;
	_ =	strace $0x80000047  }
0x9: {  	v15 =	vimm.s32 $0xFFFFFFFF;
	v3 =	vsel vm1, $0xFFFFFFFF, v0;
	v4 =	vsel vm5, $0xFFFFFFFF, v0;
	s1 =	sadd.s32 s1, s5;
	s0 =	smax.u32 s0, $0x1;
	s2 =	sor.u32 s26, s2  }
0xa: {  	v5 =	vsel vm6, $0xFFFFFFFF, v0;
	v6 =	vsel vm7, $0xFFFFFFFF, v0;
	v7 =	vsel vm8, $0xFFFFFFFF, v0;
	s1 =	sadd.s32 s4, s1;
	[dreg:$0x18] =	wrdreg s0;
	s2 =	sadd.s32 s2, s3  }
0xb: {  	v8 =	vsel vm9, $0xFFFFFFFF, v0;
	v9 =	vsel vm10, $0xFFFFFFFF, v0;
	v10 =	vsel vm11, $0xFFFFFFFF, v0;
	s4 =	simm.s32 $0x1;
	[dreg:$0x15] =	wrdreg s1;
	s30 =	sadd.s32 $0x1000, s2  }
0xc: {  	v11 =	vsel vm12, $0xFFFFFFFF, v0;
	v12 =	vsel vm13, $0xFFFFFFFF, v0;
	vm15 =	vcmask $0x3B38;
	s3 =	simm.s32 $0x400;
	s31 =	sadd.s32 $0x1400, s2;
	[dreg:$0x16] =	wrdreg s30  }
0xd: {  	v13 =	vsel vm14, $0xFFFFFFFF, v0;
	v15 =	vsel vm2, $0x0, v15;
	v14 =	vsel vm15, $0xFFFFFFFF, v0;
	s1 =	simm.s32 $0x0;
	s2 =	simm.s32 $0x80;
	[dreg:$0x17] =	wrdreg s31  }
.LBB2_1:
0xe: {  	[dreg:$0x19] =	wrdreg s1  }
0xf: {  	s0 =	simm.s32 $0x0;
	s31 =	rddreg [dreg:$0x15]  }
0x10: {  	[tilespmem:s0], [sflag:$0x1] =	stream.strided.gather [hbm4b:s31+s2], $0x800, s3, s2, $0x38;
	[tilespmem:$0xA00] =	vst v63  }
0x11: {  	_ =	swait.ge [sflag:s4], $0x800  }
0x12: {  	s1 =	simm.s32 $0x3F800001;
	[sflag:s4] =	ssyncset.done $0x0  }
0x13: {  	s0 =	simm.s32 $0x0;
	s2 =	simm.s32 $0x0;
	[sflag:s4] =	ssyncadd.s32 $0xFFFFF800  }
.LBB2_2:
0x14: {  	s4 =	simm.s32 $0x0  }
0x15: {  	v17 =	vld [tilespmem:s4+$0x0]  }
0x16: {  	s3 =	ssub.s32 s1, s0;
	v18 =	vld [tilespmem:s4+$0x10]  }
0x17: {  	s3 =	sshra.s32 s3, $0x1;
	v16 =	vld [tilespmem:s4+$0x20]  }
0x18: {  	v19 =	vld [tilespmem:s4+$0x30];
	s13 =	sadd.s32 s0, s3  }
0x19: {  	v20 =	vimm.s32 $0x0;
	s3 =	simm.s32 $0x100;
	v0 =	vmov s13  }
.LBB2_3:
0x1a: {  	s4 =	sshra.s32 s3, $0x2;
	p0 =	sne.s32 s3, $0x1F00;
	s3 =	sadd.s32 $0x100, s3;
	v21 =	vsub.s32 v0, v17  }
.Ltmp0:
0x1b: {  	v17 =	vld [tilespmem:s4+$0x0];
	v21 =	vshrl.u32 v21, $0x1F;
	v22 =	vsub.s32 v0, v18;
	(pc) =	sbr.rel @p0 .LBB2_3-.Ltmp0, $4  }
0x1c: {  	v18 =	vld [tilespmem:s4+$0x10];
	v20 =	vadd.s32 v20, v21;
	v21 =	vshrl.u32 v22, $0x1F;
	v22 =	vsub.s32 v0, v16  }
0x1d: {  	v16 =	vld [tilespmem:s4+$0x20];
	v20 =	vadd.s32 v21, v20;
	v21 =	vshrl.u32 v22, $0x1F;
	v22 =	vsub.s32 v0, v19  }
0x1e: {  	v19 =	vld [tilespmem:s4+$0x30];
	v20 =	vadd.s32 v21, v20;
	v21 =	vshrl.u32 v22, $0x1F  }
0x1f: {  	v20 =	vadd.s32 v21, v20  }
0x20: {  	v17 =	vsub.s32 v0, v17  }
0x21: {  	v17 =	vshrl.u32 v17, $0x1F;
	v18 =	vsub.s32 v0, v18  }
0x22: {  	v17 =	vadd.s32 v20, v17;
	v18 =	vshrl.u32 v18, $0x1F;
	v16 =	vsub.s32 v0, v16  }
0x23: {  	v17 =	vadd.s32 v18, v17;
	v16 =	vshrl.u32 v16, $0x1F;
	v0 =	vsub.s32 v0, v19  }
0x24: {  	v16 =	vadd.s32 v16, v17;
	v0 =	vshrl.u32 v0, $0x1F  }
0x25: {  	v0 =	vadd.s32 v0, v16  }
0x26: {  	(v2sf) =	vpush v0, $0x0  }
0x27: {  	(v2sf) =	vpush v0, $0x1  }
0x28: {  	(v2sf) =	vpush v0, $0x2  }
0x29: {  	(v2sf) =	vpush v0, $0x3  }
0x2a: {  	(v2sf) =	vpush v0, $0x4  }
0x2b: {  	(v2sf) =	vpush v0, $0x5  }
0x2c: {  	(v2sf) =	vpush v0, $0x6  }
0x2d: {  	(v2sf) =	vpush v0, $0x7  }
0x2e: {  	(v2sf) =	vpush v0, $0x8  }
0x2f: {  	(v2sf) =	vpush v0, $0x9  }
0x30: {  	(v2sf) =	vpush v0, $0xA  }
0x31: {  	(v2sf) =	vpush v0, $0xB  }
0x32: {  	(v2sf) =	vpush v0, $0xC  }
0x33: {  	(v2sf) =	vpush v0, $0xD  }
0x34: {  	(v2sf) =	vpush v0, $0xE  }
0x35: {  	s3 =	spop (v2sf);
	(v2sf) =	vpush v0, $0xF  }
0x36: {  	s4 =	spop (v2sf)  }
0x37: {  	s3 =	sadd.s32 s4, s3;
	s17 =	spop (v2sf)  }
0x38: {  	s3 =	sadd.s32 s17, s3;
	s18 =	spop (v2sf)  }
0x39: {  	s3 =	sadd.s32 s18, s3;
	s19 =	spop (v2sf)  }
0x3a: {  	s3 =	sadd.s32 s19, s3;
	s20 =	spop (v2sf)  }
0x3b: {  	s3 =	sadd.s32 s20, s3;
	s21 =	spop (v2sf)  }
0x3c: {  	s3 =	sadd.s32 s21, s3;
	s22 =	spop (v2sf)  }
0x3d: {  	s3 =	sadd.s32 s22, s3;
	s23 =	spop (v2sf)  }
0x3e: {  	s3 =	sadd.s32 s23, s3;
	s24 =	spop (v2sf)  }
0x3f: {  	s3 =	sadd.s32 s24, s3;
	s25 =	spop (v2sf)  }
0x40: {  	s3 =	sadd.s32 s25, s3;
	s26 =	spop (v2sf)  }
0x41: {  	s3 =	sadd.s32 s26, s3;
	s28 =	spop (v2sf)  }
0x42: {  	s3 =	sadd.s32 s28, s3;
	s29 =	spop (v2sf)  }
0x43: {  	s3 =	sadd.s32 s29, s3;
	s30 =	spop (v2sf)  }
0x44: {  	s3 =	sadd.s32 s30, s3;
	s31 =	spop (v2sf)  }
0x45: {  	s3 =	sadd.s32 s31, s3  }
0x46: {  	s2 =	sadd.s32 $0x1, s2;
	p0 =	sgt.s32 s3, $0xFF  }
0x47: {  	s0 =	smov.u32 @p0 s13;
	s13 =	smov.u32 @p0 s1;
	p0 =	sne.s32 s2, $0x1F  }
.Ltmp1:
0x48: {  	_ = 	snop;
	(pc) =	sbr.rel @p0 .LBB2_2-.Ltmp1, $2  }
0x49: {  	_ =	sdelay $0x2  }
0x4a: {  	s1 =	smov.u32 s13  }
0x4b: {  	s1 =	simm.s32 $0x0  }
0x4c: {  	v19 =	vld [tilespmem:s1+$0x0]  }
0x4d: {  	v18 =	vld [tilespmem:s1+$0x10]  }
0x4e: {  	v16 =	vld [tilespmem:s1+$0x20]  }
0x4f: {  	v17 =	vld [tilespmem:s1+$0x30]  }
0x50: {  	v0 =	vmov s13;
	v20 =	vimm.s32 $0x0;
	s0 =	simm.s32 $0x100  }
.LBB2_6:
0x51: {  	s1 =	sshra.s32 s0, $0x2;
	p0 =	sne.s32 s0, $0x1F00;
	s0 =	sadd.s32 $0x100, s0;
	v21 =	vsub.s32 v0, v19  }
.Ltmp2:
0x52: {  	v19 =	vld [tilespmem:s1+$0x0];
	v21 =	vshrl.u32 v21, $0x1F;
	v22 =	vsub.s32 v0, v18;
	(pc) =	sbr.rel @p0 .LBB2_6-.Ltmp2, $4  }
0x53: {  	v18 =	vld [tilespmem:s1+$0x10];
	v20 =	vadd.s32 v20, v21;
	v21 =	vshrl.u32 v22, $0x1F;
	v22 =	vsub.s32 v0, v16  }
0x54: {  	v16 =	vld [tilespmem:s1+$0x20];
	v20 =	vadd.s32 v21, v20;
	v21 =	vshrl.u32 v22, $0x1F;
	v22 =	vsub.s32 v0, v17  }
0x55: {  	v17 =	vld [tilespmem:s1+$0x30];
	v20 =	vadd.s32 v21, v20;
	v21 =	vshrl.u32 v22, $0x1F  }
0x56: {  	v20 =	vadd.s32 v21, v20  }
0x57: {  	v19 =	vsub.s32 v0, v19  }
0x58: {  	v19 =	vshrl.u32 v19, $0x1F;
	v18 =	vsub.s32 v0, v18  }
0x59: {  	v19 =	vadd.s32 v20, v19;
	v18 =	vshrl.u32 v18, $0x1F;
	v16 =	vsub.s32 v0, v16  }
0x5a: {  	v18 =	vadd.s32 v18, v19;
	v16 =	vshrl.u32 v16, $0x1F;
	v0 =	vsub.s32 v0, v17  }
0x5b: {  	v16 =	vadd.s32 v16, v18;
	v0 =	vshrl.u32 v0, $0x1F  }
0x5c: {  	v0 =	vadd.s32 v0, v16  }
0x5d: {  	(v2sf) =	vpush v0, $0x0  }
0x5e: {  	(v2sf) =	vpush v0, $0x1  }
0x5f: {  	(v2sf) =	vpush v0, $0x2  }
0x60: {  	(v2sf) =	vpush v0, $0x3  }
0x61: {  	(v2sf) =	vpush v0, $0x4  }
0x62: {  	(v2sf) =	vpush v0, $0x5  }
0x63: {  	(v2sf) =	vpush v0, $0x6  }
0x64: {  	(v2sf) =	vpush v0, $0x7  }
0x65: {  	(v2sf) =	vpush v0, $0x8  }
0x66: {  	(v2sf) =	vpush v0, $0x9  }
0x67: {  	(v2sf) =	vpush v0, $0xA  }
0x68: {  	s0 =	simm.s32 $0x0;
	(v2sf) =	vpush v0, $0xB  }
0x69: {  	v16 =	vld [tilespmem:s0+$0x0];
	(v2sf) =	vpush v0, $0xC  }
0x6a: {  	(v2sf) =	vpush v0, $0xD  }
0x6b: {  	(v2sf) =	vpush v0, $0xE  }
0x6c: {  	s1 =	spop (v2sf);
	(v2sf) =	vpush v0, $0xF  }
0x6d: {  	s2 =	spop (v2sf)  }
0x6e: {  	s3 =	spop (v2sf);
	s1 =	sadd.s32 s1, s2;
	(v2sf) =	vpush v16, $0x0  }
0x6f: {  	s24 =	spop (v2sf);
	s1 =	sadd.s32 s3, s1  }
0x70: {  	s25 =	spop (v2sf);
	s1 =	sadd.s32 s24, s1  }
0x71: {  	(v2sf) =	vpush v16, $0xC;
	s26 =	spop (v2sf);
	s1 =	sadd.s32 s25, s1  }
0x72: {  	(v2sf) =	vpush v16, $0x3;
	s4 =	spop (v2sf);
	s1 =	sadd.s32 s26, s1  }
0x73: {  	(v2sf) =	vpush v16, $0x1;
	s5 =	spop (v2sf);
	s1 =	sadd.s32 s4, s1  }
0x74: {  	s6 =	spop (v2sf);
	s1 =	sadd.s32 s5, s1  }
0x75: {  	s7 =	spop (v2sf);
	s1 =	sadd.s32 s6, s1  }
0x76: {  	s8 =	spop (v2sf);
	s1 =	sadd.s32 s7, s1  }
0x77: {  	s9 =	spop (v2sf);
	s1 =	sadd.s32 s8, s1  }
0x78: {  	(v2sf) =	vpush v16, $0x2;
	s10 =	spop (v2sf);
	s1 =	sadd.s32 s9, s1  }
0x79: {  	s11 =	spop (v2sf);
	s1 =	sadd.s32 s10, s1  }
0x7a: {  	s12 =	spop (v2sf);
	s1 =	sadd.s32 s11, s1  }
0x7b: {  	s14 =	spop (v2sf);
	s1 =	sadd.s32 s12, s1  }
0x7c: {  	s1 =	sadd.s32 s14, s1  }
0x7d: {  	s14 =	ssub.s32 $0x100, s1;
	s6 =	spop (v2sf)  }
0x7e: {  	p0 =	sgt.s32 s14, $0x0;
	p1 =	seq.s32 s6, s13  }
0x7f: {  	p0 =	por !p0, !p1  }
0x80: {  	(v2sf) =	vpush v16, $0xB;
	s1 =	simm.s32 $0x1;
	s19 =	spop (v2sf);
	p2 =	por !p0, !p0  }
0x81: {  	(v2sf) =	vpush v16, $0xD;
	s3 =	spop (v2sf);
	s1 =	simm.s32 @!p2 $0x0  }
0x82: {  	(v2sf) =	vpush v16, $0xA;
	s5 =	spop (v2sf);
	s1 =	sadd.s32 $0x0, s1  }
0x83: {  	p5 =	seq.s32 s5, s13;
	p6 =	slt.s32 s1, s14  }
0x84: {  	p0 =	por !p5, !p6  }
0x85: {  	s2 =	simm.s32 $0x1;
	(v2sf) =	vpush v16, $0x4;
	p4 =	por !p0, !p0  }
0x86: {  	s2 =	simm.s32 @!p4 $0x0  }
0x87: {  	s4 =	spop (v2sf);
	s1 =	sadd.s32 s2, s1  }
0x88: {  	(v2sf) =	vpush v16, $0x5;
	p1 =	seq.s32 s4, s13;
	p3 =	slt.s32 s1, s14  }
0x89: {  	(v2sf) =	vpush v16, $0x9;
	p0 =	por !p1, !p3  }
0x8a: {  	s2 =	simm.s32 $0x1;
	p3 =	por !p0, !p0  }
0x8b: {  	(v2sf) =	vpush v16, $0x6;
	s2 =	simm.s32 @!p3 $0x0  }
0x8c: {  	s1 =	sadd.s32 s2, s1  }
0x8d: {  	p5 =	seq.s32 s3, s13;
	p6 =	slt.s32 s1, s14  }
0x8e: {  	p0 =	por !p5, !p6  }
0x8f: {  	s26 =	spop (v2sf);
	(v2sf) =	vpush v16, $0xE;
	p0 =	por !p0, !p0  }
0x90: {  	s23 =	spop (v2sf);
	(v2sf) =	vpush v16, $0x7;
	s2 =	simm.s32 @!p0 $0x0  }
0x91: {  	s24 =	spop (v2sf);
	(v2sf) =	vpush v16, $0xF;
	s2 =	simm.s32 @p0 $0x1  }
0x92: {  	[smem:$0x7F4] =	sst s2;
	s2 =	simm.s32 $0x1  }
0x93: {  	s16 =	simm.s32 $0xF;
	s17 =	simm.s32 $0x1;
	s2 =	simm.s32 @!p0 $0x0  }
0x94: {  	s31 =	simm.s32 $0x6;
	s7 =	spop (v2sf);
	s1 =	sadd.s32 s2, s1  }
0x95: {  	s8 =	simm.s32 $0x1;
	p0 =	seq.s32 s7, s13;
	p5 =	slt.s32 s1, s14  }
0x96: {  	s10 =	simm.s32 $0x1;
	s12 =	simm.s32 $0x1;
	p1 =	por !p0, !p5  }
0x97: {  	s28 =	smov.u32 s24;
	s22 =	spop (v2sf);
	p0 =	por !p1, !p1  }
0x98: {  	s21 =	spop (v2sf);
	[dreg:$0x7] =	wrdreg s22;
	s2 =	simm.s32 @!p0 $0x0  }
0x99: {  	p6 =	sgt.s32 s6, s13;
	[dreg:$0x4] =	wrdreg s21;
	s2 =	simm.s32 @p0 $0x1  }
0x9a: {  	(v2sf) =	vpush v16, $0x8;
	s29 =	spop (v2sf);
	[smem:$0x7F5] =	sst s2;
	s2 =	simm.s32 $0x1  }
0x9b: {  	p5 =	por p6, p2;
	p6 =	sgt.s32 s5, s13;
	s2 =	simm.s32 @!p0 $0x0  }
0x9c: {  	s15 =	sld [smem:$0x7F4];
	p4 =	por p6, p4;
	s1 =	sadd.s32 s2, s1  }
0x9d: {  	s8 =	simm.s32 @!p5 $0x0;
	p0 =	seq.s32 s22, s13;
	p6 =	slt.s32 s1, s14  }
0x9e: {  	p1 =	seq.s32 s29, s13;
	s11 =	spop (v2sf);
	p2 =	por !p0, !p6  }
0x9f: {  	s0 =	simm.s32 @!p5 $0x100;
	s30 =	spop (v2sf);
	p2 =	por !p2, !p2  }
0xa0: {  	s9 =	sadd.s32 $0x0, s8;
	s20 =	spop (v2sf);
	s10 =	simm.s32 @!p2 $0x0  }
0xa1: {  	s18 =	sld [smem:$0x7F5];
	s2 =	simm.s32 $0x1;
	s1 =	sadd.s32 s10, s1  }
0xa2: {  	s2 =	simm.s32 @!p4 $0x0;
	p6 =	sgt.s32 s4, s13;
	p0 =	slt.s32 s1, s14  }
0xa3: {  	s2 =	sadd.s32 s2, s9;
	p5 =	por p6, p3;
	p0 =	por !p1, !p0  }
0xa4: {  	s8 =	smov.u32 s2;
	s10 =	simm.s32 $0x1;
	p3 =	por !p0, !p0  }
0xa5: {  	s9 =	simm.s32 @!p4 $0x100;
	s8 =	simm.s32 @!p5 $0x100;
	s10 =	simm.s32 @!p3 $0x0  }
0xa6: {  	s17 =	simm.s32 @!p5 $0x0;
	p5 =	sgt.s32 s3, s13;
	s10 =	sadd.s32 s10, s1  }
0xa7: {  	s2 =	sadd.s32 s17, s2;
	p1 =	seq.s32 s30, s13;
	p6 =	slt.s32 s10, s14  }
0xa8: {  	s17 =	simm.s32 $0x1;
	p0 =	por !p1, !p6;
	p6 =	seq.s32 s15, $0x1  }
0xa9: {  	s1 =	spop (v2sf);
	p4 =	por p5, p6;
	p5 =	por !p0, !p0  }
0xaa: {  	p1 =	sgt.s32 s7, s13;
	s15 =	simm.s32 $0x1;
	s12 =	simm.s32 @!p5 $0x0  }
0xab: {  	p6 =	seq.s32 s18, $0x1;
	p0 =	seq.s32 s1, s13;
	s10 =	sadd.s32 s12, s10  }
0xac: {  	p6 =	por p1, p6;
	s15 =	simm.s32 @!p4 $0x0;
	p1 =	slt.s32 s10, s14  }
0xad: {  	s12 =	simm.s32 $0x1;
	s18 =	sadd.s32 s15, s2;
	p0 =	por !p0, !p1  }
0xae: {  	s15 =	simm.s32 $0x1;
	s12 =	simm.s32 @!p6 $0x0;
	p1 =	por !p0, !p0  }
0xaf: {  	p0 =	sgt.s32 s22, s13;
	s22 =	simm.s32 $0x0;
	s17 =	simm.s32 @!p1 $0x0  }
0xb0: {  	p0 =	por p0, p2;
	[smem:s0] =	sst s22;
	s22 =	simm.s32 $0x2  }
0xb1: {  	s25 =	sadd.s32 s17, s10;
	s17 =	smov.u32 s2;
	s10 =	simm.s32 $0x1  }
0xb2: {  	s2 =	sadd.s32 s12, s18;
	s18 =	simm.s32 @!p6 $0x100;
	p6 =	sgt.s32 s29, s13  }
0xb3: {  	[smem:s0+$0x180] =	sst s6;
	s0 =	simm.s32 $0x1;
	s12 =	simm.s32 $0xD  }
0xb4: {  	s17 =	simm.s32 @!p4 $0x100;
	s10 =	simm.s32 @!p0 $0x0;
	p4 =	por p6, p3  }
0xb5: {  	p3 =	seq.s32 s21, s13;
	p6 =	slt.s32 s25, s14;
	[smem:s9] =	sst s15  }
0xb6: {  	[dreg:$0x5] =	wrdreg s12;
	s10 =	sadd.s32 s10, s2;
	p2 =	por !p3, !p6  }
0xb7: {  	s6 =	simm.s32 @!p4 $0x0;
	s0 =	simm.s32 @!p4 $0x0;
	p6 =	seq.s32 s24, s13  }
0xb8: {  	[smem:s9+$0x180] =	sst s5;
	s9 =	simm.s32 $0x1;
	s5 =	simm.s32 $0x1  }
0xb9: {  	s2 =	simm.s32 @!p0 $0x100;
	p0 =	sgt.s32 s20, s13;
	s6 =	simm.s32 @p4 $0x1  }
0xba: {  	p2 =	por !p2, !p2;
	p4 =	sgt.s32 s30, s13;
	[smem:s8] =	sst s22  }
0xbb: {  	s0 =	sadd.s32 s0, s10;
	s22 =	simm.s32 $0xA;
	[smem:$0x7F6] =	sst s6  }
0xbc: {  	s6 =	simm.s32 $0x1;
	p3 =	por p4, p5;
	[smem:s8+$0x180] =	sst s4  }
0xbd: {  	s8 =	simm.s32 $0xC;
	[dreg:$0x9] =	wrdreg s22;
	s22 =	simm.s32 $0x7  }
0xbe: {  	s6 =	simm.s32 @!p2 $0x0;
	s9 =	simm.s32 @!p3 $0x0;
	[dreg:$0x6] =	wrdreg s8  }
0xbf: {  	s8 =	simm.s32 $0x8;
	s25 =	sadd.s32 s6, s25;
	s6 =	smov.u32 s0  }
0xc0: {  	s12 =	sadd.s32 s9, s0;
	s0 =	simm.s32 $0x1;
	p4 =	slt.s32 s25, s14  }
0xc1: {  	s6 =	simm.s32 @!p3 $0x100;
	p5 =	por !p6, !p4;
	p4 =	sgt.s32 s1, s13  }
0xc2: {  	p6 =	sgt.s32 s21, s13;
	s21 =	simm.s32 $0x1;
	p5 =	por !p5, !p5  }
0xc3: {  	p3 =	por p4, p1;
	p4 =	por p6, p2;
	p1 =	sgt.s32 s24, s13  }
0xc4: {  	s24 =	simm.s32 $0x3;
	s5 =	simm.s32 @!p5 $0x0;
	p1 =	por p1, p5  }
0xc5: {  	p5 =	seq.s32 s26, s13;
	[smem:s17] =	sst s24;
	s4 =	simm.s32 @!p3 $0x0  }
0xc6: {  	s21 =	simm.s32 @!p4 $0x0;
	s24 =	simm.s32 $0x9;
	s15 =	sadd.s32 s5, s25  }
0xc7: {  	s5 =	simm.s32 $0x1F;
	s25 =	simm.s32 $0xE;
	[smem:s17+$0x180] =	sst s3  }
0xc8: {  	s3 =	simm.s32 $0x1;
	s17 =	simm.s32 $0x4;
	[dreg:$0xa] =	wrdreg s24  }
0xc9: {  	s4 =	simm.s32 @p3 $0x1;
	s24 =	simm.s32 $0x10;
	[dreg:$0x3] =	wrdreg s25  }
0xca: {  	p6 =	slt.s32 s15, s14;
	[smem:$0x7F7] =	sst s4;
	s3 =	simm.s32 @!p3 $0x0  }
0xcb: {  	[smem:s18] =	sst s17;
	p3 =	sgt.s32 s26, s13;
	s4 =	simm.s32 @!p0 $0x0  }
0xcc: {  	p2 =	por !p5, !p6;
	p6 =	seq.s32 s19, s13;
	[smem:s18+$0x180] =	sst s7  }
0xcd: {  	s18 =	smov.u32 s20;
	s4 =	simm.s32 @p0 $0x1;
	s25 =	sadd.s32 s3, s12  }
0xce: {  	s3 =	simm.s32 @!p4 $0x0;
	p0 =	seq.s32 s20, s13;
	s20 =	simm.s32 $0xB  }
0xcf: {  	p5 =	por !p2, !p2;
	[smem:$0x7F8] =	sst s4;
	s3 =	simm.s32 @p4 $0x1  }
0xd0: {  	s4 =	simm.s32 $0x1;
	[smem:$0x7F9] =	sst s3;
	s3 =	simm.s32 @!p1 $0x0  }
0xd1: {  	[dreg:$0x8] =	wrdreg s20;
	s20 =	simm.s32 $0x5;
	s3 =	simm.s32 @p1 $0x1  }
0xd2: {  	p2 =	por p3, p5;
	[smem:$0x7FA] =	sst s3;
	s3 =	simm.s32 @!p0 $0x0  }
0xd3: {  	s0 =	simm.s32 @!p5 $0x0;
	s3 =	simm.s32 @p0 $0x1;
	p0 =	sgt.s32 s11, s13  }
0xd4: {  	s4 =	simm.s32 @!p1 $0x0;
	[smem:$0x7FB] =	sst s3;
	s3 =	simm.s32 @!p0 $0x0  }
0xd5: {  	p5 =	sgt.s32 s23, s13;
	s3 =	simm.s32 @p0 $0x1;
	p0 =	seq.s32 s11, s13  }
0xd6: {  	s7 =	sadd.s32 s0, s15;
	[smem:$0x7FC] =	sst s3;
	s3 =	simm.s32 @!p0 $0x0  }
0xd7: {  	s15 =	smov.u32 s11;
	s0 =	simm.s32 $0x1;
	s3 =	simm.s32 @p0 $0x1  }
0xd8: {  	s0 =	simm.s32 @!p2 $0x0;
	p0 =	seq.s32 s23, s13;
	[smem:$0x7FD] =	sst s3  }
.LBB2_8:
0xd9: {  	[smem:s2] =	sst s20  }
0xda: {  	s3 =	rddreg [dreg:$0x7]  }
0xdb: {  	p4 =	slt.s32 s7, s14;
	p3 =	por p6, p6;
	s11 =	sld [smem:$0x7F6]  }
0xdc: {  	p6 =	sgt.s32 s19, s13;
	s9 =	sadd.s32 s21, s25;
	s21 =	sld [smem:$0x7F7]  }
0xdd: {  	[smem:s2+$0x180] =	sst s3;
	p4 =	por !p3, !p4;
	s4 =	sadd.s32 s4, s9  }
0xde: {  	s2 =	simm.s32 $0x1;
	p3 =	por !p4, !p4;
	s0 =	sadd.s32 s0, s4  }
0xdf: {  	p1 =	seq.s32 s11, $0x1;
	p4 =	por p6, p3;
	s11 =	simm.s32 $0x1  }
0xe0: {  	s10 =	simm.s32 @!p1 $0x100;
	p1 =	seq.s32 s21, $0x1;
	s21 =	rddreg [dreg:$0x9]  }
0xe1: {  	s2 =	simm.s32 @!p3 $0x0;
	s11 =	simm.s32 @!p4 $0x0;
	[smem:s10] =	sst s31  }
0xe2: {  	s20 =	sadd.s32 s2, s7;
	s2 =	sadd.s32 s11, s0;
	s11 =	sld [smem:$0x7FD]  }
0xe3: {  	[smem:s10+$0x180] =	sst s29  }
0xe4: {  	v16 =	vld [tilespmem:s24+$0x0];
	s10 =	rddreg [dreg:$0xa]  }
0xe5: {  	[smem:s6] =	sst s22  }
0xe6: {  	s22 =	sld [smem:$0x7F9]  }
0xe7: {  	s12 =	simm.s32 @!p1 $0x100;
	[smem:s6+$0x180] =	sst s30  }
0xe8: {  	p1 =	slt.s32 s20, s14;
	[smem:s12] =	sst s8  }
0xe9: {  	(v2sf) =	vpush v16, $0x0;
	p0 =	por !p0, !p1;
	[smem:s12+$0x180] =	sst s1  }
0xea: {  	s6 =	simm.s32 $0x1;
	p1 =	seq.s32 s22, $0x1;
	s12 =	rddreg [dreg:$0x4]  }
0xeb: {  	s22 =	sld [smem:$0x7FC];
	s25 =	simm.s32 @!p1 $0x100;
	p1 =	por !p0, !p0  }
0xec: {  	s6 =	simm.s32 @!p1 $0x0;
	[smem:s25] =	sst s10  }
0xed: {  	(v2sf) =	vpush v16, $0xC;
	s6 =	sadd.s32 s6, s20;
	s20 =	sld [smem:$0x7FA]  }
0xee: {  	s17 =	smov.u32 s5;
	s3 =	simm.s32 $0x1;
	s10 =	rddreg [dreg:$0x5]  }
0xef: {  	(v2sf) =	vpush v16, $0x3;
	s8 =	simm.s32 $0x1;
	p0 =	por p5, p1;
	[smem:s25+$0x180] =	sst s12  }
0xf0: {  	s8 =	simm.s32 @!p0 $0x0;
	s25 =	rddreg [dreg:$0x8];
	p1 =	seq.s32 s20, $0x1  }
0xf1: {  	(v2sf) =	vpush v16, $0x1;
	s1 =	sadd.s32 s8, s2;
	s8 =	rddreg [dreg:$0x6];
	s9 =	simm.s32 @!p1 $0x100  }
0xf2: {  	s4 =	simm.s32 @!p2 $0x100;
	s7 =	simm.s32 $0x1;
	[smem:s9] =	sst s21  }
0xf3: {  	s0 =	simm.s32 @!p4 $0x100;
	s29 =	sadd.s32 $0x10, s24;
	(v2sf) =	vpush v16, $0x2;
	s21 =	rddreg [dreg:$0x3]  }
0xf4: {  	p5 =	seq.s32 s11, $0x1;
	p3 =	slt.s32 s6, s14;
	[smem:s9+$0x180] =	sst s28  }
0xf5: {  	(v2sf) =	vpush v16, $0xB;
	s2 =	simm.s32 @!p0 $0x100;
	p0 =	por !p5, !p3;
	s9 =	sld [smem:$0x7F8]  }
0xf6: {  	p6 =	seq.s32 s22, $0x1;
	p0 =	por !p0, !p0;
	[smem:s4] =	sst s25  }
0xf7: {  	p1 =	por p6, p0;
	s3 =	simm.s32 @!p0 $0x0;
	[smem:s4+$0x180] =	sst s26  }
0xf8: {  	s7 =	simm.s32 @!p1 $0x0;
	s11 =	spop (v2sf);
	s26 =	sld [smem:$0x7FB]  }
0xf9: {  	s3 =	sadd.s32 s3, s6;
	s6 =	smov.u32 s1;
	[dreg:$0xd] =	wrdreg s11  }
0xfa: {  	s6 =	simm.s32 @!p1 $0x100;
	p1 =	slt.s32 s3, s14;
	[smem:s0] =	sst s8  }
0xfb: {  	s1 =	sadd.s32 s7, s1;
	s7 =	simm.s32 $0x1;
	[smem:s0+$0x180] =	sst s19  }
0xfc: {  	p5 =	seq.s32 s11, s13;
	s19 =	spop (v2sf);
	[smem:s2] =	sst s10  }
0xfd: {  	p6 =	sgt.s32 s11, s13;
	p3 =	seq.s32 s9, $0x1;
	[dreg:$0xb] =	wrdreg s19  }
0xfe: {  	p2 =	seq.s32 s26, $0x1;
	s20 =	spop (v2sf);
	[smem:s2+$0x180] =	sst s23  }
0xff: {  	s0 =	simm.s32 $0x1;
	p0 =	por !p2, !p1;
	[dreg:$0x11] =	wrdreg s20  }
0x100: {  	s2 =	simm.s32 $0x1;
	s22 =	spop (v2sf);
	[smem:s6] =	sst s21  }
0x101: {  	s23 =	sadd.s32 $0x10, s5;
	p1 =	por !p0, !p0;
	[dreg:$0xe] =	wrdreg s22  }
0x102: {  	[dreg:$0xc] =	wrdreg s23;
	s25 =	spop (v2sf);
	p0 =	por p3, p1  }
0x103: {  	s0 =	simm.s32 @!p1 $0x0;
	[smem:s6+$0x180] =	sst s15;
	s6 =	simm.s32 $0x1  }
0x104: {  	p3 =	sgt.s32 s22, s13;
	[dreg:$0x10] =	wrdreg s25;
	s26 =	spop (v2sf)  }
0x105: {  	s7 =	simm.s32 @!p0 $0x0;
	s0 =	sadd.s32 s0, s3;
	[dreg:$0xf] =	wrdreg s26  }
0x106: {  	s3 =	simm.s32 $0x1;
	p4 =	slt.s32 s0, s14;
	s12 =	sadd.s32 s7, s1  }
0x107: {  	(v2sf) =	vpush v16, $0xD;
	s1 =	simm.s32 @!p0 $0x100;
	p1 =	por !p4, !p5;
	s9 =	smov.u32 s12  }
0x108: {  	[smem:s1] =	sst s16;
	p4 =	seq.s32 s25, s13;
	s16 =	smov.u32 s17  }
0x109: {  	p1 =	por !p1, !p1;
	[smem:s1+$0x180] =	sst s18;
	s1 =	simm.s32 $0x1  }
0x10a: {  	(v2sf) =	vpush v16, $0xA;
	s11 =	sadd.s32 $0xFFFFFFFD, s16;
	s15 =	sadd.s32 $0xFFFFFFFC, s16;
	s21 =	sadd.s32 $0xFFFFFFFA, s16  }
0x10b: {  	s24 =	sadd.s32 $0xFFFFFFF1, s16;
	p0 =	por p6, p1;
	[dreg:$0x6] =	wrdreg s11  }
0x10c: {  	(v2sf) =	vpush v16, $0x4;
	s2 =	simm.s32 @!p1 $0x0;
	p1 =	seq.s32 s22, s13;
	[dreg:$0x8] =	wrdreg s15  }
0x10d: {  	(v2sf) =	vpush v16, $0x5;
	p6 =	seq.s32 s19, s13;
	[dreg:$0xa] =	wrdreg s21;
	s0 =	sadd.s32 s2, s0  }
0x10e: {  	s22 =	sadd.s32 $0xFFFFFFF9, s16;
	s21 =	simm.s32 $0x1;
	p2 =	slt.s32 s0, s14  }
0x10f: {  	s6 =	simm.s32 @!p0 $0x0;
	s9 =	simm.s32 @!p0 $0x100;
	p0 =	por !p1, !p2  }
0x110: {  	(v2sf) =	vpush v16, $0x9;
	s2 =	simm.s32 $0x1;
	[dreg:$0x14] =	wrdreg s22;
	p1 =	por !p0, !p0  }
0x111: {  	[smem:s9] =	sst s24;
	p0 =	por p3, p1;
	s1 =	simm.s32 @!p1 $0x0  }
0x112: {  	(v2sf) =	vpush v16, $0x6;
	p3 =	sne.s32 s5, $0x7FF;
	s5 =	sadd.s32 s6, s12;
	s6 =	sadd.s32 $0xFFFFFFFF, s16  }
0x113: {  	s12 =	sadd.s32 $0xFFFFFFFE, s16;
	s2 =	simm.s32 @!p0 $0x0;
	[dreg:$0x3] =	wrdreg s6  }
0x114: {  	s0 =	sadd.s32 s1, s0;
	s4 =	simm.s32 @!p3 $0x0;
	[dreg:$0x5] =	wrdreg s12  }
0x115: {  	s6 =	simm.s32 $0x1;
	p5 =	slt.s32 s0, s14;
	s4 =	simm.s32 @p3 $0x1  }
0x116: {  	p3 =	sgt.s32 s25, s13;
	s8 =	spop (v2sf);
	s25 =	simm.s32 $0x1  }
0x117: {  	[smem:$0x7F3] =	sst s4;
	p1 =	por !p4, !p5;
	s4 =	sadd.s32 s2, s5  }
0x118: {  	s2 =	simm.s32 $0x1;
	p4 =	seq.s32 s20, s13;
	s5 =	simm.s32 @!p0 $0x100  }
0x119: {  	[dreg:$0x12] =	wrdreg s8;
	s10 =	spop (v2sf);
	p1 =	por !p1, !p1  }
0x11a: {  	(v2sf) =	vpush v16, $0xE;
	s26 =	smov.u32 s4;
	[dreg:$0x13] =	wrdreg s10;
	s2 =	simm.s32 @!p1 $0x0  }
0x11b: {  	s17 =	spop (v2sf);
	p2 =	por p3, p1;
	s0 =	sadd.s32 s2, s0  }
0x11c: {  	(v2sf) =	vpush v16, $0x7;
	p3 =	seq.s32 s17, s13;
	s18 =	spop (v2sf);
	p5 =	slt.s32 s0, s14  }
0x11d: {  	(v2sf) =	vpush v16, $0xF;
	s26 =	simm.s32 @!p2 $0x100;
	s3 =	simm.s32 @!p2 $0x0;
	p1 =	por !p4, !p5  }
0x11e: {  	p2 =	sgt.s32 s20, s13;
	s2 =	simm.s32 $0x1;
	p1 =	por !p1, !p1  }
0x11f: {  	[dreg:$0x7] =	wrdreg s18;
	s8 =	spop (v2sf);
	s2 =	simm.s32 @!p1 $0x0  }
0x120: {  	s1 =	sadd.s32 s3, s4;
	s3 =	simm.s32 $0x1;
	s0 =	sadd.s32 s2, s0  }
0x121: {  	s4 =	spop (v2sf);
	s7 =	smov.u32 s1;
	p4 =	slt.s32 s0, s14  }
0x122: {  	(v2sf) =	vpush v16, $0x8;
	p0 =	por p2, p1;
	s2 =	simm.s32 $0x1;
	p1 =	por !p3, !p4  }
0x123: {  	p5 =	sgt.s32 s17, s13;
	s2 =	simm.s32 @!p0 $0x0;
	p1 =	por !p1, !p1  }
0x124: {  	s7 =	simm.s32 @!p0 $0x100;
	s19 =	sadd.s32 s2, s1;
	s3 =	simm.s32 @!p1 $0x0  }
0x125: {  	s1 =	simm.s32 $0x1;
	p0 =	por p5, p1;
	s0 =	sadd.s32 s3, s0  }
0x126: {  	p4 =	seq.s32 s18, s13;
	s1 =	simm.s32 @!p0 $0x0;
	p5 =	slt.s32 s0, s14  }
0x127: {  	[dreg:$0x4] =	wrdreg s8;
	s2 =	sadd.s32 s1, s19;
	p1 =	por !p4, !p5  }
0x128: {  	s19 =	simm.s32 @!p0 $0x100;
	s1 =	simm.s32 $0x1;
	p0 =	por !p1, !p1  }
0x129: {  	s15 =	spop (v2sf);
	p2 =	sgt.s32 s18, s13;
	s1 =	simm.s32 @!p0 $0x0  }
0x12a: {  	p3 =	seq.s32 s4, s13;
	p5 =	sgt.s32 s4, s13;
	s0 =	sadd.s32 s1, s0  }
0x12b: {  	s30 =	spop (v2sf);
	p2 =	por p2, p0;
	p4 =	slt.s32 s0, s14  }
0x12c: {  	s18 =	spop (v2sf);
	s6 =	simm.s32 @!p2 $0x0;
	p0 =	por !p3, !p4  }
0x12d: {  	s1 =	simm.s32 $0x1;
	s10 =	sadd.s32 s6, s2;
	p0 =	por !p0, !p0  }
0x12e: {  	s6 =	simm.s32 $0x1;
	p3 =	seq.s32 s30, s13;
	s1 =	simm.s32 @!p0 $0x0  }
0x12f: {  	p1 =	por p5, p0;
	p5 =	sgt.s32 s30, s13;
	s0 =	sadd.s32 s1, s0  }
0x130: {  	s3 =	simm.s32 @!p1 $0x0;
	s6 =	simm.s32 @!p1 $0x0;
	p4 =	slt.s32 s0, s14  }
0x131: {  	s1 =	spop (v2sf);
	s3 =	simm.s32 @p1 $0x1;
	p0 =	por !p3, !p4  }
0x132: {  	s23 =	sadd.s32 s6, s10;
	[smem:$0x7F6] =	sst s3;
	p0 =	por !p0, !p0  }
0x133: {  	s6 =	smov.u32 s23;
	p3 =	seq.s32 s1, s13;
	p1 =	por p5, p0  }
0x134: {  	s21 =	simm.s32 @!p0 $0x0;
	p5 =	sgt.s32 s1, s13;
	s6 =	simm.s32 @!p1 $0x100  }
0x135: {  	s25 =	simm.s32 @!p1 $0x0;
	s21 =	sadd.s32 s21, s0;
	p1 =	sgt.s32 s18, s13  }
0x136: {  	s12 =	sadd.s32 s25, s23;
	p4 =	slt.s32 s21, s14;
	s3 =	simm.s32 @!p1 $0x0  }
0x137: {  	p0 =	por !p3, !p4;
	s3 =	simm.s32 @p1 $0x1;
	p3 =	seq.s32 s18, s13  }
0x138: {  	s25 =	simm.s32 $0x1;
	[smem:$0x7F8] =	sst s3;
	s3 =	simm.s32 @!p3 $0x0  }
0x139: {  	p4 =	seq.s32 s8, s13;
	p0 =	por !p0, !p0;
	s3 =	simm.s32 @p3 $0x1  }
0x13a: {  	p1 =	por p5, p0;
	s25 =	simm.s32 @!p0 $0x0;
	p0 =	sgt.s32 s15, s13  }
0x13b: {  	p3 =	sgt.s32 s8, s13;
	[smem:$0x7FB] =	sst s3;
	s11 =	simm.s32 @!p1 $0x0  }
0x13c: {  	s3 =	simm.s32 $0x1;
	s28 =	sadd.s32 s25, s21;
	s11 =	simm.s32 @p1 $0x1  }
0x13d: {  	s3 =	simm.s32 @!p1 $0x0;
	[smem:$0x7F7] =	sst s11;
	s11 =	simm.s32 @!p0 $0x0  }
0x13e: {  	p5 =	slt.s32 s28, s14;
	p1 =	seq.s32 s15, s13;
	s11 =	simm.s32 @p0 $0x1  }
0x13f: {  	p0 =	por !p4, !p5;
	[smem:$0x7FC] =	sst s11;
	s11 =	simm.s32 @!p1 $0x0  }
0x140: {  	s8 =	simm.s32 $0x1;
	p0 =	por !p0, !p0;
	s11 =	simm.s32 @p1 $0x1  }
0x141: {  	s8 =	simm.s32 @!p0 $0x0;
	[smem:$0x7FD] =	sst s11  }
0x142: {  	p1 =	por p3, p0;
	s8 =	sadd.s32 s8, s28;
	s28 =	rddreg [dreg:$0xd]  }
0x143: {  	s24 =	simm.s32 @!p1 $0x0;
	[smem:s9+$0x180] =	sst s28  }
0x144: {  	s24 =	simm.s32 @p1 $0x1;
	s9 =	rddreg [dreg:$0xe]  }
0x145: {  	[smem:$0x7F9] =	sst s24  }
0x146: {  	s20 =	sadd.s32 $0xFFFFFFFB, s16;
	s11 =	sadd.s32 $0xFFFFFFF2, s16;
	s24 =	rddreg [dreg:$0x13]  }
0x147: {  	s2 =	simm.s32 @!p2 $0x100;
	s0 =	sadd.s32 $0xFFFFFFF5, s16;
	[smem:s5] =	sst s11  }
0x148: {  	s23 =	sadd.s32 $0xFFFFFFF4, s16;
	s21 =	simm.s32 $0x1;
	[smem:s5+$0x180] =	sst s9  }
0x149: {  	s25 =	sadd.s32 s3, s12;
	s3 =	sadd.s32 $0xFFFFFFF3, s16;
	s5 =	rddreg [dreg:$0x10]  }
0x14a: {  	s21 =	simm.s32 @!p1 $0x0;
	p5 =	slt.s32 s8, s14;
	s9 =	rddreg [dreg:$0x11]  }
0x14b: {  	p4 =	seq.s32 s24, s13;
	s28 =	smov.u32 s24;
	[smem:s26] =	sst s3  }
0x14c: {  	p1 =	sgt.s32 s24, s13;
	s24 =	smov.u32 s29;
	[smem:s26+$0x180] =	sst s5  }
0x14d: {  	s29 =	smov.u32 s4;
	p0 =	por !p4, !p5;
	s26 =	rddreg [dreg:$0xf]  }
0x14e: {  	s4 =	simm.s32 $0x1;
	p0 =	por !p0, !p0;
	[smem:s7] =	sst s23  }
0x14f: {  	s3 =	simm.s32 $0x1;
	p1 =	por p1, p0;
	[smem:s7+$0x180] =	sst s9  }
0x150: {  	s3 =	simm.s32 @!p0 $0x0;
	p3 =	seq.s32 s26, s13;
	[smem:s19] =	sst s0  }
0x151: {  	s5 =	simm.s32 @!p1 $0x0;
	s3 =	sadd.s32 s3, s8;
	[smem:s19+$0x180] =	sst s17  }
0x152: {  	s4 =	simm.s32 @!p1 $0x0;
	p4 =	slt.s32 s3, s14;
	s17 =	sld [smem:$0x7F3]  }
0x153: {  	s5 =	simm.s32 @p1 $0x1;
	p1 =	sgt.s32 s26, s13;
	p3 =	por !p3, !p4  }
0x154: {  	[smem:$0x7FA] =	sst s5;
	s5 =	simm.s32 $0x1;
	p3 =	por !p3, !p3  }
0x155: {  	p2 =	por p1, p3;
	s5 =	simm.s32 @!p3 $0x0;
	p3 =	seq.s32 s17, $0x1  }
.Ltmp3:
0x156: {  	s31 =	sadd.s32 $0xFFFFFFF7, s16;
	[dreg:$0x9] =	wrdreg s20;
	(pc) =	sbr.rel @p3 .LBB2_8-.Ltmp3, $4  }
0x157: {  	s22 =	sadd.s32 $0xFFFFFFF8, s16;
	s20 =	sadd.s32 $0xFFFFFFF6, s16;
	s11 =	rddreg [dreg:$0x12]  }
0x158: {  	p5 =	sgt.s32 s11, s13;
	s23 =	smov.u32 s11;
	s8 =	rddreg [dreg:$0x14]  }
0x159: {  	p0 =	seq.s32 s11, s13;
	s0 =	simm.s32 $0x1;
	s19 =	rddreg [dreg:$0xb]  }
0x15a: {  	s0 =	simm.s32 @!p2 $0x0;
	s7 =	sadd.s32 s5, s3;
	s5 =	rddreg [dreg:$0xc]  }
0x15b: {  	[smem:s2] =	sst s20  }
0x15c: {  	s3 =	rddreg [dreg:$0x7]  }
0x15d: {  	s24 =	sld [smem:$0x7F6]  }
0x15e: {  	s5 =	sld [smem:$0x7F7]  }
0x15f: {  	s9 =	sld [smem:$0x7FD]  }
0x160: {  	s11 =	rddreg [dreg:$0x8]  }
0x161: {  	p1 =	sgt.s32 s19, s13;
	s13 =	rddreg [dreg:$0x6]  }
0x162: {  	s17 =	rddreg [dreg:$0x5]  }
0x163: {  	p3 =	slt.s32 s7, s14;
	[smem:s2+$0x180] =	sst s3  }
0x164: {  	p3 =	por !p6, !p3;
	s2 =	simm.s32 $0x1;
	p4 =	seq.s32 s24, $0x1  }
0x165: {  	s3 =	sadd.s32 s21, s25;
	p3 =	por !p3, !p3;
	s10 =	simm.s32 @!p4 $0x100  }
0x166: {  	s4 =	sadd.s32 s4, s3;
	s2 =	simm.s32 @!p3 $0x0;
	[smem:s10] =	sst s31  }
0x167: {  	s0 =	sadd.s32 s0, s4;
	s2 =	sadd.s32 s2, s7;
	s31 =	rddreg [dreg:$0xa]  }
0x168: {  	p4 =	por p1, p3;
	p1 =	seq.s32 s5, $0x1;
	[smem:s10+$0x180] =	sst s29  }
0x169: {  	s5 =	simm.s32 $0x1;
	s7 =	simm.s32 $0x1;
	s29 =	sld [smem:$0x7F9]  }
0x16a: {  	p6 =	slt.s32 s2, s14;
	s12 =	simm.s32 @!p1 $0x100;
	[smem:s6] =	sst s22  }
0x16b: {  	p0 =	por !p0, !p6;
	[smem:s6+$0x180] =	sst s30;
	s6 =	simm.s32 $0x1  }
0x16c: {  	s10 =	rddreg [dreg:$0x9];
	p1 =	seq.s32 s29, $0x1;
	s6 =	simm.s32 @!p4 $0x0  }
0x16d: {  	[smem:s12] =	sst s8;
	s25 =	simm.s32 @!p1 $0x100;
	p1 =	por !p0, !p0  }
0x16e: {  	s8 =	rddreg [dreg:$0x4];
	s6 =	sadd.s32 s6, s0;
	p0 =	por p5, p1  }
0x16f: {  	[smem:s12+$0x180] =	sst s1;
	s5 =	simm.s32 @!p1 $0x0;
	s7 =	simm.s32 @!p0 $0x0  }
0x170: {  	s30 =	sadd.s32 s5, s2;
	s2 =	sadd.s32 s7, s6;
	s7 =	sld [smem:$0x7FA]  }
0x171: {  	p6 =	seq.s32 s9, $0x1;
	s12 =	sld [smem:$0x7FC];
	p5 =	slt.s32 s30, s14  }
0x172: {  	[smem:s25] =	sst s31;
	s6 =	simm.s32 @!p0 $0x100;
	p0 =	por !p6, !p5  }
0x173: {  	s5 =	simm.s32 $0x1;
	p0 =	por !p0, !p0;
	p1 =	seq.s32 s7, $0x1  }
0x174: {  	[smem:s25+$0x180] =	sst s8;
	s5 =	simm.s32 @!p0 $0x0;
	s3 =	simm.s32 @!p1 $0x100  }
0x175: {  	s1 =	sadd.s32 s5, s30;
	[smem:s3] =	sst s10  }
0x176: {  	p3 =	slt.s32 s1, s14;
	s14 =	sld [smem:$0x7FB]  }
0x177: {  	s4 =	simm.s32 @!p2 $0x100;
	[smem:s3+$0x180] =	sst s28  }
0x178: {  	[smem:s4] =	sst s11  }
0x179: {  	s0 =	simm.s32 @!p4 $0x100;
	[smem:s4+$0x180] =	sst s26  }
0x17a: {  	p2 =	seq.s32 s12, $0x1;
	[smem:s0] =	sst s13  }
0x17b: {  	p0 =	por p2, p0;
	[smem:s0+$0x180] =	sst s19  }
0x17c: {  	s3 =	simm.s32 $0x1;
	p4 =	seq.s32 s14, $0x1;
	s19 =	sld [smem:$0x7F8]  }
0x17d: {  	s20 =	rddreg [dreg:$0x3];
	s3 =	simm.s32 @!p0 $0x0;
	p1 =	por !p4, !p3  }
0x17e: {  	s0 =	sadd.s32 s3, s2;
	s2 =	simm.s32 @!p0 $0x100;
	[smem:s6] =	sst s17  }
0x17f: {  	p5 =	por !p1, !p1;
	[smem:s6+$0x180] =	sst s23;
	p6 =	seq.s32 s19, $0x1  }
0x180: {  	[smem:s2] =	sst s20;
	p0 =	por p6, p5  }
0x181: {  	[smem:s2+$0x180] =	sst s15;
	s0 =	simm.s32 @!p0 $0x100  }
0x182: {  	[smem:s0] =	sst s16  }
0x183: {  	[smem:s0+$0x180] =	sst s18  }
0x184: {  	s0 =	sld [smem:$0x0]  }
0x185: {  	s1 =	sld [smem:$0x180]  }
0x186: {  	s2 =	sld [smem:$0x1]  }
0x187: {  	s21 =	sld [smem:$0x181]  }
0x188: {  	s4 =	sld [smem:$0x2]  }
0x189: {  	s25 =	sld [smem:$0x182]  }
0x18a: {  	s6 =	sld [smem:$0x3]  }
0x18b: {  	s26 =	sld [smem:$0x183]  }
0x18c: {  	v1 =	vld [tilespmem:$0x1FFD0];
	s8 =	sld [smem:$0x4]  }
0x18d: {  	v2 =	vld [tilespmem:$0x1FFE0];
	s9 =	sld [smem:$0x184]  }
0x18e: {  	v23 =	vld [tilespmem:$0x1FFF0];
	s10 =	sld [smem:$0x5]  }
0x18f: {  	s11 =	sld [smem:$0x185]  }
0x190: {  	s12 =	sld [smem:$0x6]  }
0x191: {  	s28 =	sld [smem:$0x186]  }
0x192: {  	s29 =	sld [smem:$0x7];
	v0 =	vand.u32 s0, v1;
	v16 =	vand.u32 s1, v1;
	v17 =	vand.u32 s2, v2  }
0x193: {  	s15 =	sld [smem:$0x187];
	v18 =	vand.u32 s21, v2;
	v0 =	vadd.s32 v0, v17;
	v17 =	vand.u32 s4, v23  }
0x194: {  	s16 =	sld [smem:$0x8];
	v16 =	vadd.s32 v16, v18;
	v0 =	vadd.s32 v17, v0;
	v17 =	vand.u32 s25, v23  }
0x195: {  	s17 =	sld [smem:$0x188];
	v39 =	vand.u32 s6, v3;
	v16 =	vadd.s32 v17, v16;
	v17 =	vand.u32 s26, v3  }
0x196: {  	s18 =	sld [smem:$0x9];
	v0 =	vadd.s32 v39, v0;
	v16 =	vadd.s32 v17, v16;
	v17 =	vand.u32 s8, v4  }
0x197: {  	s19 =	sld [smem:$0x189];
	v40 =	vand.u32 s9, v4;
	v0 =	vadd.s32 v17, v0;
	v17 =	vand.u32 s10, v5  }
0x198: {  	s20 =	sld [smem:$0xA];
	v16 =	vadd.s32 v40, v16;
	v0 =	vadd.s32 v17, v0;
	v17 =	vand.u32 s11, v5  }
0x199: {  	s30 =	sld [smem:$0x18A];
	v41 =	vand.u32 s12, v6;
	v16 =	vadd.s32 v17, v16;
	v17 =	vand.u32 s28, v6  }
0x19a: {  	s22 =	sld [smem:$0xB];
	v0 =	vadd.s32 v41, v0;
	v16 =	vadd.s32 v17, v16;
	v17 =	vand.u32 s29, v7  }
0x19b: {  	s23 =	sld [smem:$0x18B];
	v42 =	vand.u32 s15, v7;
	v0 =	vadd.s32 v17, v0;
	v17 =	vand.u32 s16, v8  }
0x19c: {  	s24 =	sld [smem:$0xC];
	v16 =	vadd.s32 v42, v16;
	v0 =	vadd.s32 v17, v0;
	v17 =	vand.u32 s17, v8  }
0x19d: {  	s31 =	sld [smem:$0x18C];
	v43 =	vand.u32 s18, v9;
	v16 =	vadd.s32 v17, v16;
	v17 =	vand.u32 s19, v9  }
0x19e: {  	s3 =	sld [smem:$0xD];
	v0 =	vadd.s32 v43, v0;
	v16 =	vadd.s32 v17, v16;
	v17 =	vand.u32 s20, v10  }
0x19f: {  	v44 =	vand.u32 s30, v10;
	s4 =	sld [smem:$0x18D];
	v0 =	vadd.s32 v17, v0;
	v17 =	vand.u32 s22, v11  }
0x1a0: {  	s5 =	sld [smem:$0xE];
	v16 =	vadd.s32 v44, v16;
	v0 =	vadd.s32 v17, v0;
	v17 =	vand.u32 s23, v11  }
0x1a1: {  	v16 =	vadd.s32 v17, v16;
	v17 =	vand.u32 s31, v12;
	s31 =	sld [smem:$0x194];
	_ =	sdelay $0x2  }
0x1a2: {  	[smem:$0x744] =	sst s31  }
0x1a3: {  	s31 =	sld [smem:$0x1A4];
	_ =	sdelay $0x2  }
0x1a4: {  	[smem:$0x746] =	sst s31  }
0x1a5: {  	s31 =	sld [smem:$0x25];
	_ =	sdelay $0x2  }
0x1a6: {  	[smem:$0x747] =	sst s31  }
0x1a7: {  	s31 =	sld [smem:$0x1A5];
	_ =	sdelay $0x2  }
0x1a8: {  	[smem:$0x748] =	sst s31  }
0x1a9: {  	s31 =	sld [smem:$0x26];
	_ =	sdelay $0x2  }
0x1aa: {  	[smem:$0x749] =	sst s31  }
0x1ab: {  	s31 =	sld [smem:$0x1A6];
	_ =	sdelay $0x2  }
0x1ac: {  	[smem:$0x74A] =	sst s31  }
0x1ad: {  	s31 =	sld [smem:$0x27];
	_ =	sdelay $0x2  }
0x1ae: {  	[smem:$0x74B] =	sst s31  }
0x1af: {  	s31 =	sld [smem:$0x1A7];
	_ =	sdelay $0x2  }
0x1b0: {  	[smem:$0x74C] =	sst s31  }
0x1b1: {  	s31 =	sld [smem:$0x28];
	_ =	sdelay $0x2  }
0x1b2: {  	[smem:$0x74D] =	sst s31  }
0x1b3: {  	s31 =	sld [smem:$0x1A8];
	_ =	sdelay $0x2  }
0x1b4: {  	[smem:$0x74E] =	sst s31  }
0x1b5: {  	s31 =	sld [smem:$0x29];
	_ =	sdelay $0x2  }
0x1b6: {  	[smem:$0x74F] =	sst s31  }
0x1b7: {  	s31 =	sld [smem:$0x1A9];
	_ =	sdelay $0x2  }
0x1b8: {  	[smem:$0x750] =	sst s31  }
0x1b9: {  	s31 =	sld [smem:$0x2A];
	_ =	sdelay $0x2  }
0x1ba: {  	[smem:$0x751] =	sst s31  }
0x1bb: {  	s31 =	sld [smem:$0x1AA];
	_ =	sdelay $0x2  }
0x1bc: {  	[smem:$0x752] =	sst s31  }
0x1bd: {  	s31 =	sld [smem:$0x2B];
	_ =	sdelay $0x2  }
0x1be: {  	[smem:$0x753] =	sst s31  }
0x1bf: {  	s31 =	sld [smem:$0x1AB];
	_ =	sdelay $0x2  }
0x1c0: {  	[smem:$0x754] =	sst s31  }
0x1c1: {  	s31 =	sld [smem:$0x2C];
	_ =	sdelay $0x2  }
0x1c2: {  	[smem:$0x755] =	sst s31  }
0x1c3: {  	s31 =	sld [smem:$0x1AC];
	_ =	sdelay $0x2  }
0x1c4: {  	[smem:$0x756] =	sst s31  }
0x1c5: {  	s31 =	sld [smem:$0x2D];
	_ =	sdelay $0x2  }
0x1c6: {  	[smem:$0x757] =	sst s31  }
0x1c7: {  	s31 =	sld [smem:$0x1AD];
	_ =	sdelay $0x2  }
0x1c8: {  	[smem:$0x758] =	sst s31  }
0x1c9: {  	s31 =	sld [smem:$0x2E];
	_ =	sdelay $0x2  }
0x1ca: {  	[smem:$0x759] =	sst s31  }
0x1cb: {  	s31 =	sld [smem:$0x1AE];
	_ =	sdelay $0x2  }
0x1cc: {  	[smem:$0x75A] =	sst s31  }
0x1cd: {  	s31 =	sld [smem:$0x2F];
	_ =	sdelay $0x2  }
0x1ce: {  	[smem:$0x75B] =	sst s31  }
0x1cf: {  	s31 =	sld [smem:$0x1AF];
	_ =	sdelay $0x2  }
0x1d0: {  	[smem:$0x75C] =	sst s31  }
0x1d1: {  	s31 =	sld [smem:$0x30];
	_ =	sdelay $0x2  }
0x1d2: {  	[smem:$0x75D] =	sst s31  }
0x1d3: {  	s31 =	sld [smem:$0x1B0];
	_ =	sdelay $0x2  }
0x1d4: {  	[smem:$0x75E] =	sst s31  }
0x1d5: {  	s31 =	sld [smem:$0x31];
	_ =	sdelay $0x2  }
0x1d6: {  	[smem:$0x75F] =	sst s31  }
0x1d7: {  	s31 =	sld [smem:$0x1B1];
	_ =	sdelay $0x2  }
0x1d8: {  	[smem:$0x760] =	sst s31  }
0x1d9: {  	s31 =	sld [smem:$0x32];
	_ =	sdelay $0x2  }
0x1da: {  	[smem:$0x761] =	sst s31  }
0x1db: {  	s31 =	sld [smem:$0x1B2];
	_ =	sdelay $0x2  }
0x1dc: {  	[smem:$0x762] =	sst s31  }
0x1dd: {  	s31 =	sld [smem:$0x33];
	_ =	sdelay $0x2  }
0x1de: {  	[smem:$0x763] =	sst s31  }
0x1df: {  	s31 =	sld [smem:$0x1B3];
	_ =	sdelay $0x2  }
0x1e0: {  	[smem:$0x764] =	sst s31  }
0x1e1: {  	s31 =	sld [smem:$0x34];
	_ =	sdelay $0x2  }
0x1e2: {  	[smem:$0x765] =	sst s31  }
0x1e3: {  	s31 =	sld [smem:$0x1B4];
	_ =	sdelay $0x2  }
0x1e4: {  	[smem:$0x766] =	sst s31  }
0x1e5: {  	s31 =	sld [smem:$0x35];
	_ =	sdelay $0x2  }
0x1e6: {  	[smem:$0x767] =	sst s31  }
0x1e7: {  	s31 =	sld [smem:$0x1B5];
	_ =	sdelay $0x2  }
0x1e8: {  	[smem:$0x768] =	sst s31  }
0x1e9: {  	s31 =	sld [smem:$0x36];
	_ =	sdelay $0x2  }
0x1ea: {  	[smem:$0x769] =	sst s31  }
0x1eb: {  	s31 =	sld [smem:$0x1B6];
	_ =	sdelay $0x2  }
0x1ec: {  	[smem:$0x76A] =	sst s31  }
0x1ed: {  	s31 =	sld [smem:$0x37];
	_ =	sdelay $0x2  }
0x1ee: {  	[smem:$0x76B] =	sst s31  }
0x1ef: {  	s31 =	sld [smem:$0x1B7];
	_ =	sdelay $0x2  }
0x1f0: {  	[smem:$0x76C] =	sst s31  }
0x1f1: {  	s31 =	sld [smem:$0x38];
	_ =	sdelay $0x2  }
0x1f2: {  	[smem:$0x76D] =	sst s31  }
0x1f3: {  	s31 =	sld [smem:$0x1B8];
	_ =	sdelay $0x2  }
0x1f4: {  	[smem:$0x76E] =	sst s31  }
0x1f5: {  	s31 =	sld [smem:$0x39];
	_ =	sdelay $0x2  }
0x1f6: {  	[smem:$0x76F] =	sst s31  }
0x1f7: {  	s31 =	sld [smem:$0x1B9];
	_ =	sdelay $0x2  }
0x1f8: {  	[smem:$0x770] =	sst s31  }
0x1f9: {  	s31 =	sld [smem:$0x3A];
	_ =	sdelay $0x2  }
0x1fa: {  	[smem:$0x771] =	sst s31  }
0x1fb: {  	s31 =	sld [smem:$0x1BA];
	_ =	sdelay $0x2  }
0x1fc: {  	[smem:$0x772] =	sst s31  }
0x1fd: {  	s31 =	sld [smem:$0x3B];
	_ =	sdelay $0x2  }
0x1fe: {  	[smem:$0x773] =	sst s31  }
0x1ff: {  	s31 =	sld [smem:$0x1BB];
	_ =	sdelay $0x2  }
0x200: {  	[smem:$0x774] =	sst s31  }
0x201: {  	s31 =	sld [smem:$0x3C];
	_ =	sdelay $0x2  }
0x202: {  	[smem:$0x775] =	sst s31  }
0x203: {  	s31 =	sld [smem:$0x1BC];
	_ =	sdelay $0x2  }
0x204: {  	[smem:$0x776] =	sst s31  }
0x205: {  	s31 =	sld [smem:$0x3D];
	_ =	sdelay $0x2  }
0x206: {  	[smem:$0x777] =	sst s31  }
0x207: {  	s31 =	sld [smem:$0x1BD];
	_ =	sdelay $0x2  }
0x208: {  	[smem:$0x778] =	sst s31  }
0x209: {  	s31 =	sld [smem:$0x3E];
	_ =	sdelay $0x2  }
0x20a: {  	[smem:$0x779] =	sst s31  }
0x20b: {  	s31 =	sld [smem:$0x1BE];
	_ =	sdelay $0x2  }
0x20c: {  	[smem:$0x77A] =	sst s31  }
0x20d: {  	s31 =	sld [smem:$0x3F];
	_ =	sdelay $0x2  }
0x20e: {  	[smem:$0x77B] =	sst s31  }
0x20f: {  	s31 =	sld [smem:$0x1BF];
	_ =	sdelay $0x2  }
0x210: {  	[smem:$0x77C] =	sst s31  }
0x211: {  	s31 =	sld [smem:$0x40];
	_ =	sdelay $0x2  }
0x212: {  	[smem:$0x77D] =	sst s31  }
0x213: {  	s31 =	sld [smem:$0x1C0];
	_ =	sdelay $0x2  }
0x214: {  	[smem:$0x77E] =	sst s31  }
0x215: {  	s31 =	sld [smem:$0x41];
	_ =	sdelay $0x2  }
0x216: {  	[smem:$0x77F] =	sst s31  }
0x217: {  	s31 =	sld [smem:$0x1C1];
	_ =	sdelay $0x2  }
0x218: {  	[smem:$0x780] =	sst s31  }
0x219: {  	s31 =	sld [smem:$0x42];
	_ =	sdelay $0x2  }
0x21a: {  	[smem:$0x781] =	sst s31  }
0x21b: {  	s31 =	sld [smem:$0x1C2];
	_ =	sdelay $0x2  }
0x21c: {  	[smem:$0x782] =	sst s31  }
0x21d: {  	s31 =	sld [smem:$0x43];
	_ =	sdelay $0x2  }
0x21e: {  	[smem:$0x783] =	sst s31  }
0x21f: {  	s31 =	sld [smem:$0x1C3];
	_ =	sdelay $0x2  }
0x220: {  	[smem:$0x784] =	sst s31  }
0x221: {  	s31 =	sld [smem:$0x44];
	_ =	sdelay $0x2  }
0x222: {  	[smem:$0x785] =	sst s31  }
0x223: {  	s31 =	sld [smem:$0x1C4];
	_ =	sdelay $0x2  }
0x224: {  	[smem:$0x786] =	sst s31  }
0x225: {  	s31 =	sld [smem:$0x45];
	_ =	sdelay $0x2  }
0x226: {  	[smem:$0x787] =	sst s31  }
0x227: {  	s31 =	sld [smem:$0x1C5];
	_ =	sdelay $0x2  }
0x228: {  	[smem:$0x788] =	sst s31  }
0x229: {  	s31 =	sld [smem:$0x46];
	_ =	sdelay $0x2  }
0x22a: {  	[smem:$0x789] =	sst s31  }
0x22b: {  	s31 =	sld [smem:$0x1C6];
	_ =	sdelay $0x2  }
0x22c: {  	[smem:$0x78A] =	sst s31  }
0x22d: {  	s31 =	sld [smem:$0x47];
	_ =	sdelay $0x2  }
0x22e: {  	[smem:$0x78B] =	sst s31  }
0x22f: {  	s31 =	sld [smem:$0x1C7];
	_ =	sdelay $0x2  }
0x230: {  	[smem:$0x78C] =	sst s31  }
0x231: {  	s31 =	sld [smem:$0x48];
	_ =	sdelay $0x2  }
0x232: {  	[smem:$0x78D] =	sst s31  }
0x233: {  	s31 =	sld [smem:$0x1C8];
	_ =	sdelay $0x2  }
0x234: {  	[smem:$0x78E] =	sst s31  }
0x235: {  	s31 =	sld [smem:$0x49];
	_ =	sdelay $0x2  }
0x236: {  	[smem:$0x78F] =	sst s31  }
0x237: {  	s31 =	sld [smem:$0x1C9];
	_ =	sdelay $0x2  }
0x238: {  	[smem:$0x790] =	sst s31  }
0x239: {  	s31 =	sld [smem:$0x4A];
	_ =	sdelay $0x2  }
0x23a: {  	[smem:$0x791] =	sst s31  }
0x23b: {  	s31 =	sld [smem:$0x1CA];
	_ =	sdelay $0x2  }
0x23c: {  	[smem:$0x792] =	sst s31  }
0x23d: {  	s31 =	sld [smem:$0x4B];
	_ =	sdelay $0x2  }
0x23e: {  	[smem:$0x793] =	sst s31  }
0x23f: {  	s31 =	sld [smem:$0x1CB];
	_ =	sdelay $0x2  }
0x240: {  	[smem:$0x794] =	sst s31  }
0x241: {  	s31 =	sld [smem:$0x4C];
	_ =	sdelay $0x2  }
0x242: {  	[smem:$0x795] =	sst s31  }
0x243: {  	s31 =	sld [smem:$0x1CC];
	_ =	sdelay $0x2  }
0x244: {  	[smem:$0x796] =	sst s31  }
0x245: {  	s31 =	sld [smem:$0x4D];
	_ =	sdelay $0x2  }
0x246: {  	[smem:$0x797] =	sst s31  }
0x247: {  	s31 =	sld [smem:$0x1CD];
	_ =	sdelay $0x2  }
0x248: {  	[smem:$0x798] =	sst s31  }
0x249: {  	s31 =	sld [smem:$0x4E];
	_ =	sdelay $0x2  }
0x24a: {  	[smem:$0x799] =	sst s31  }
0x24b: {  	s31 =	sld [smem:$0x1CE];
	_ =	sdelay $0x2  }
0x24c: {  	[smem:$0x79A] =	sst s31  }
0x24d: {  	s31 =	sld [smem:$0x4F];
	_ =	sdelay $0x2  }
0x24e: {  	[smem:$0x79B] =	sst s31  }
0x24f: {  	s31 =	sld [smem:$0x1CF];
	_ =	sdelay $0x2  }
0x250: {  	[smem:$0x79C] =	sst s31  }
0x251: {  	s31 =	sld [smem:$0x50];
	_ =	sdelay $0x2  }
0x252: {  	[smem:$0x79D] =	sst s31  }
0x253: {  	s31 =	sld [smem:$0x1D0];
	_ =	sdelay $0x2  }
0x254: {  	[smem:$0x79E] =	sst s31  }
0x255: {  	s31 =	sld [smem:$0x51];
	_ =	sdelay $0x2  }
0x256: {  	[smem:$0x79F] =	sst s31  }
0x257: {  	s31 =	sld [smem:$0x1D1];
	_ =	sdelay $0x2  }
0x258: {  	[smem:$0x7A0] =	sst s31  }
0x259: {  	s31 =	sld [smem:$0x52];
	_ =	sdelay $0x2  }
0x25a: {  	[smem:$0x7A1] =	sst s31  }
0x25b: {  	s31 =	sld [smem:$0x1D2];
	_ =	sdelay $0x2  }
0x25c: {  	[smem:$0x7A2] =	sst s31  }
0x25d: {  	s31 =	sld [smem:$0x53];
	_ =	sdelay $0x2  }
0x25e: {  	[smem:$0x7A3] =	sst s31  }
0x25f: {  	s31 =	sld [smem:$0x1D3];
	_ =	sdelay $0x2  }
0x260: {  	[smem:$0x7A4] =	sst s31  }
0x261: {  	s31 =	sld [smem:$0x54];
	_ =	sdelay $0x2  }
0x262: {  	[smem:$0x7A5] =	sst s31  }
0x263: {  	s31 =	sld [smem:$0x1D4];
	_ =	sdelay $0x2  }
0x264: {  	[smem:$0x7A6] =	sst s31  }
0x265: {  	s31 =	sld [smem:$0x55];
	_ =	sdelay $0x2  }
0x266: {  	[smem:$0x7A7] =	sst s31  }
0x267: {  	s31 =	sld [smem:$0x1D5];
	_ =	sdelay $0x2  }
0x268: {  	[smem:$0x7A8] =	sst s31  }
0x269: {  	s31 =	sld [smem:$0x56];
	_ =	sdelay $0x2  }
0x26a: {  	[smem:$0x7A9] =	sst s31  }
0x26b: {  	s31 =	sld [smem:$0x1D6];
	_ =	sdelay $0x2  }
0x26c: {  	[smem:$0x7AA] =	sst s31  }
0x26d: {  	s31 =	sld [smem:$0x57];
	_ =	sdelay $0x2  }
0x26e: {  	[smem:$0x7AB] =	sst s31  }
0x26f: {  	s31 =	sld [smem:$0x1D7];
	_ =	sdelay $0x2  }
0x270: {  	[smem:$0x7AC] =	sst s31  }
0x271: {  	s31 =	sld [smem:$0x58];
	_ =	sdelay $0x2  }
0x272: {  	[smem:$0x7AD] =	sst s31  }
0x273: {  	s31 =	sld [smem:$0x1D8];
	_ =	sdelay $0x2  }
0x274: {  	[smem:$0x7AE] =	sst s31  }
0x275: {  	s31 =	sld [smem:$0x59];
	_ =	sdelay $0x2  }
0x276: {  	[smem:$0x7AF] =	sst s31  }
0x277: {  	s31 =	sld [smem:$0x1D9];
	_ =	sdelay $0x2  }
0x278: {  	[smem:$0x7B0] =	sst s31  }
0x279: {  	s31 =	sld [smem:$0x5A];
	_ =	sdelay $0x1  }
0x27a: {  	s6 =	sld [smem:$0x18E]  }
0x27b: {  	[smem:$0x7B1] =	sst s31  }
0x27c: {  	s31 =	sld [smem:$0x1DA]  }
0x27d: {  	s9 =	sld [smem:$0xF]  }
0x27e: {  	s12 =	sld [smem:$0x10]  }
0x27f: {  	[smem:$0x7B2] =	sst s31  }
0x280: {  	s31 =	sld [smem:$0x5B]  }
0x281: {  	s13 =	sld [smem:$0x190]  }
0x282: {  	s15 =	sld [smem:$0x11]  }
0x283: {  	[smem:$0x7B3] =	sst s31  }
0x284: {  	s31 =	sld [smem:$0x1DB]  }
0x285: {  	s25 =	sld [smem:$0x12]  }
0x286: {  	s26 =	sld [smem:$0x192]  }
0x287: {  	[smem:$0x7B4] =	sst s31  }
0x288: {  	s31 =	sld [smem:$0x5C]  }
0x289: {  	s30 =	sld [smem:$0x14]  }
0x28a: {  	s2 =	sld [smem:$0x15]  }
0x28b: {  	[smem:$0x7B5] =	sst s31  }
0x28c: {  	s31 =	sld [smem:$0x1DC]  }
0x28d: {  	s0 =	sld [smem:$0x197]  }
0x28e: {  	s1 =	sld [smem:$0x18]  }
0x28f: {  	[smem:$0x7B6] =	sst s31  }
0x290: {  	s31 =	sld [smem:$0x5D]  }
0x291: {  	s7 =	sld [smem:$0x1B]  }
0x292: {  	s14 =	sld [smem:$0x1E]  }
0x293: {  	[smem:$0x7B7] =	sst s31  }
0x294: {  	s31 =	sld [smem:$0x1DD]  }
0x295: {  	s18 =	sld [smem:$0x1F]  }
0x296: {  	s21 =	sld [smem:$0x20]  }
0x297: {  	[smem:$0x7B8] =	sst s31  }
0x298: {  	s31 =	sld [smem:$0x5E]  }
0x299: {  	v45 =	vand.u32 s24, v12;
	s24 =	sld [smem:$0x1A1]  }
0x29a: {  	s8 =	sld [smem:$0x196]  }
0x29b: {  	[smem:$0x7B9] =	sst s31  }
0x29c: {  	s31 =	sld [smem:$0x1DE]  }
0x29d: {  	v46 =	vand.u32 s4, v13;
	s4 =	sld [smem:$0x17]  }
0x29e: {  	s10 =	sld [smem:$0x18F]  }
0x29f: {  	[smem:$0x7BA] =	sst s31  }
0x2a0: {  	s31 =	sld [smem:$0x5F]  }
0x2a1: {  	[smem:$0x73B] =	sst s12  }
0x2a2: {  	[smem:$0x73C] =	sst s13  }
0x2a3: {  	[smem:$0x7BB] =	sst s31  }
0x2a4: {  	s31 =	sld [smem:$0x1DF]  }
0x2a5: {  	[smem:$0x73D] =	sst s15  }
0x2a6: {  	[smem:$0x73F] =	sst s25  }
0x2a7: {  	[smem:$0x7BC] =	sst s31  }
0x2a8: {  	s31 =	sld [smem:$0x60]  }
0x2a9: {  	[smem:$0x740] =	sst s26  }
0x2aa: {  	[smem:$0x743] =	sst s30  }
0x2ab: {  	[smem:$0x7BD] =	sst s31  }
0x2ac: {  	s31 =	sld [smem:$0x1E0]  }
0x2ad: {  	[smem:$0x745] =	sst s2  }
0x2ae: {  	s2 =	sld [smem:$0x19]  }
0x2af: {  	[smem:$0x7BE] =	sst s31  }
0x2b0: {  	s31 =	sld [smem:$0x61]  }
0x2b1: {  	v47 =	vand.u32 s9, v15;
	s9 =	sld [smem:$0x1A]  }
0x2b2: {  	s12 =	sld [smem:$0x19B]  }
0x2b3: {  	[smem:$0x7BF] =	sst s31  }
0x2b4: {  	s31 =	sld [smem:$0x1E1]  }
0x2b5: {  	s11 =	sld [smem:$0x19C]  }
0x2b6: {  	s15 =	sld [smem:$0x1D]  }
0x2b7: {  	[smem:$0x7C0] =	sst s31  }
0x2b8: {  	s31 =	sld [smem:$0x62]  }
0x2b9: {  	s13 =	sld [smem:$0x19D]  }
0x2ba: {  	s25 =	sld [smem:$0x22]  }
0x2bb: {  	[smem:$0x7C1] =	sst s31  }
0x2bc: {  	s31 =	sld [smem:$0x1E2]  }
0x2bd: {  	s30 =	sld [smem:$0x23]  }
0x2be: {  	s26 =	sld [smem:$0x1A3]  }
0x2bf: {  	[smem:$0x7C2] =	sst s31  }
0x2c0: {  	s31 =	sld [smem:$0x63]  }
0x2c1: {  	v39 =	vand.u32 s7, v11;
	s7 =	sld [smem:$0x70]  }
0x2c2: {  	v49 =	vand.u32 s18, v15;
	s18 =	sld [smem:$0x73]  }
0x2c3: {  	[smem:$0x7C3] =	sst s31  }
0x2c4: {  	s31 =	sld [smem:$0x1E3]  }
0x2c5: {  	s28 =	sld [smem:$0x13]  }
0x2c6: {  	v40 =	vand.u32 s4, v7;
	s4 =	sld [smem:$0x6F]  }
0x2c7: {  	[smem:$0x7C4] =	sst s31  }
0x2c8: {  	s31 =	sld [smem:$0x64]  }
0x2c9: {  	s29 =	sld [smem:$0x193]  }
0x2ca: {  	s16 =	sld [smem:$0x191]  }
0x2cb: {  	[smem:$0x7C5] =	sst s31  }
0x2cc: {  	s31 =	sld [smem:$0x1E4]  }
0x2cd: {  	[smem:$0x7D6] =	sst s7  }
0x2ce: {  	v38 =	vand.u32 s12, v11;
	s12 =	sld [smem:$0x1F0]  }
0x2cf: {  	[smem:$0x7C6] =	sst s31  }
0x2d0: {  	s31 =	sld [smem:$0x65]  }
0x2d1: {  	[smem:$0x741] =	sst s28  }
0x2d2: {  	s17 =	sld [smem:$0x19E]  }
0x2d3: {  	[smem:$0x7C7] =	sst s31  }
0x2d4: {  	s31 =	sld [smem:$0x1E5]  }
0x2d5: {  	s28 =	sld [smem:$0x24]  }
0x2d6: {  	[smem:$0x7D4] =	sst s4  }
0x2d7: {  	[smem:$0x7C8] =	sst s31  }
0x2d8: {  	s31 =	sld [smem:$0x66]  }
0x2d9: {  	s4 =	sld [smem:$0x76]  }
0x2da: {  	[smem:$0x742] =	sst s29  }
0x2db: {  	[smem:$0x7C9] =	sst s31  }
0x2dc: {  	s31 =	sld [smem:$0x1E6]  }
0x2dd: {  	s29 =	sld [smem:$0x195]  }
0x2de: {  	s19 =	sld [smem:$0x19F]  }
0x2df: {  	[smem:$0x7CA] =	sst s31  }
0x2e0: {  	s31 =	sld [smem:$0x67]  }
0x2e1: {  	v43 =	vand.u32 s15, v13;
	s15 =	sld [smem:$0x72]  }
0x2e2: {  	[smem:$0x73E] =	sst s16  }
0x2e3: {  	[smem:$0x7CB] =	sst s31  }
0x2e4: {  	s31 =	sld [smem:$0x1E7]  }
0x2e5: {  	s16 =	sld [smem:$0x16]  }
0x2e6: {  	s20 =	sld [smem:$0x21]  }
0x2e7: {  	[smem:$0x7CC] =	sst s31  }
0x2e8: {  	s31 =	sld [smem:$0x68]  }
0x2e9: {  	s22 =	sld [smem:$0x1A0]  }
0x2ea: {  	v44 =	vand.u32 s13, v13;
	s13 =	sld [smem:$0x71]  }
0x2eb: {  	[smem:$0x7CD] =	sst s31  }
0x2ec: {  	s31 =	sld [smem:$0x1E8]  }
0x2ed: {  	[smem:$0x7D7] =	sst s4  }
0x2ee: {  	s23 =	sld [smem:$0x1A2]  }
0x2ef: {  	[smem:$0x7CE] =	sst s31  }
0x2f0: {  	s31 =	sld [smem:$0x69]  }
0x2f1: {  	v50 =	vand.u32 s19, v15;
	s19 =	sld [smem:$0x1F3]  }
0x2f2: {  	v30 =	vand.u32 s16, v6;
	s16 =	sld [smem:$0x1EE]  }
0x2f3: {  	[smem:$0x7CF] =	sst s31  }
0x2f4: {  	s31 =	sld [smem:$0x1E9]  }
0x2f5: {  	v0 =	vadd.s32 v45, v0;
	v45 =	vand.u32 s17, v14;
	s17 =	sld [smem:$0x1F2]  }
0x2f6: {  	v16 =	vadd.s32 v17, v16;
	v17 =	vand.u32 s3, v13;
	s3 =	sld [smem:$0x199]  }
0x2f7: {  	[dreg:$0x1d] =	wrdreg s31  }
0x2f8: {  	s31 =	sld [smem:$0x6A]  }
0x2f9: {  	v0 =	vadd.s32 v17, v0;
	v17 =	vand.u32 s5, v14;
	s5 =	sld [smem:$0x198]  }
0x2fa: {  	v0 =	vadd.s32 v17, v0;
	v17 =	vand.u32 s6, v14;
	s6 =	sld [smem:$0x19A]  }
0x2fb: {  	[dreg:$0x1e] =	wrdreg s31  }
0x2fc: {  	v16 =	vadd.s32 v46, v16;
	s31 =	sld [smem:$0x1EA]  }
0x2fd: {  	v16 =	vadd.s32 v17, v16;
	v17 =	vand.u32 s10, v15;
	s10 =	sld [smem:$0x1C]  }
0x2fe: {  	v0 =	vadd.s32 v47, v0;
	v47 =	vand.u32 s14, v14;
	s14 =	sld [smem:$0x1F1]  }
0x2ff: {  	[dreg:$0x1f] =	wrdreg s31  }
0x300: {  	s31 =	sld [smem:$0x6B]  }
0x301: {  	v32 =	vand.u32 s5, v8;
	s5 =	sld [smem:$0x1EF]  }
0x302: {  	v29 =	vand.u32 s8, v6;
	s8 =	sld [smem:$0x746]  }
0x303: {  	[dreg:$0x1a] =	wrdreg s31  }
0x304: {  	s31 =	sld [smem:$0x1EB]  }
0x305: {  	[smem:$0x7D5] =	sst s5  }
0x306: {  	v36 =	vand.u32 s9, v10;
	s9 =	sld [smem:$0x747]  }
0x307: {  	[dreg:$0x1b] =	wrdreg s31  }
0x308: {  	s31 =	sld [smem:$0x6C]  }
0x309: {  	v57 =	vand.u32 s8, v4;
	s8 =	sld [smem:$0x1F6]  }
0x30a: {  	v41 =	vand.u32 s10, v12;
	s10 =	sld [smem:$0x748]  }
0x30b: {  	[dreg:$0x1c] =	wrdreg s31  }
0x30c: {  	s31 =	sld [smem:$0x73B]  }
0x30d: {  	[smem:$0x7D8] =	sst s8  }
0x30e: {  	v42 =	vand.u32 s11, v12;
	s11 =	sld [smem:$0x749]  }
0x30f: {  	v20 =	vand.u32 s31, v1;
	s31 =	sld [smem:$0x73C]  }
0x310: {  	v48 =	vand.u32 s20, v2;
	s20 =	sld [smem:$0x74A]  }
0x311: {  	v53 =	vand.u32 s21, v1;
	s21 =	sld [smem:$0x74B]  }
0x312: {  	v21 =	vand.u32 s31, v1;
	s31 =	sld [smem:$0x1EC]  }
0x313: {  	v62 =	vand.u32 s20, v6;
	s20 =	sld [smem:$0x74]  }
0x314: {  	v54 =	vand.u32 s22, v1;
	s22 =	sld [smem:$0x74C]  }
0x315: {  	[smem:$0x7D0] =	sst s31  }
0x316: {  	s31 =	sld [smem:$0x73D]  }
0x317: {  	[tilespmem:$0x800] =	vst v0;
	v0 =	vand.u32 s21, v7;
	s21 =	sld [smem:$0x1F4]  }
0x318: {  	v52 =	vand.u32 s23, v23;
	v16 =	vadd.s32 v17, v16;
	s23 =	sld [smem:$0x74D]  }
0x319: {  	[tilespmem:$0x900] =	vst v16;
	v16 =	vand.u32 s31, v2;
	s31 =	sld [smem:$0x73E]  }
0x31a: {  	v63 =	vand.u32 s22, v7;
	s22 =	sld [smem:$0x75]  }
0x31b: {  	v46 =	vand.u32 s24, v2;
	s24 =	sld [smem:$0x74E]  }
0x31c: {  	v17 =	vand.u32 s31, v2;
	s31 =	sld [smem:$0x73F]  }
0x31d: {  	[tilespmem:$0x1ED40] =	vst v0;
	v0 =	vand.u32 s23, v8;
	s23 =	sld [smem:$0x1F5]  }
0x31e: {  	v51 =	vand.u32 s25, v23;
	s25 =	sld [smem:$0x74F]  }
0x31f: {  	v19 =	vand.u32 s31, v23;
	s31 =	sld [smem:$0x6D]  }
0x320: {  	[tilespmem:$0x1ED50] =	vst v0;
	v0 =	vand.u32 s24, v8;
	s24 =	sld [smem:$0x77]  }
0x321: {  	v56 =	vand.u32 s26, v3;
	s26 =	sld [smem:$0x750]  }
0x322: {  	[smem:$0x7D1] =	sst s31  }
0x323: {  	s31 =	sld [smem:$0x740]  }
0x324: {  	v58 =	vand.u32 s28, v4;
	s28 =	sld [smem:$0x751]  }
0x325: {  	v26 =	vand.u32 s29, v5;
	[tilespmem:$0x1ED60] =	vst v0;
	v0 =	vand.u32 s25, v9;
	s29 =	sld [smem:$0x752]  }
0x326: {  	[tilespmem:$0x1ED70] =	vst v0;
	v0 =	vand.u32 s26, v9;
	v18 =	vand.u32 s31, v23;
	s31 =	sld [smem:$0x741]  }
0x327: {  	[smem:$0x7D9] =	sst s24;
	[tilespmem:$0x1ED80] =	vst v0;
	v0 =	vand.u32 s28, v10  }
0x328: {  	[tilespmem:$0x1ED90] =	vst v0;
	v0 =	vand.u32 s29, v10;
	s29 =	sld [smem:$0x1F7]  }
0x329: {  	v22 =	vand.u32 s31, v3;
	s31 =	sld [smem:$0x742]  }
0x32a: {  	v55 =	vand.u32 s30, v3;
	s30 =	sld [smem:$0x753]  }
0x32b: {  	[smem:$0x7DA] =	sst s29  }
0x32c: {  	v28 =	vand.u32 s31, v3;
	s31 =	sld [smem:$0x1ED]  }
0x32d: {  	v33 =	vand.u32 s1, v8;
	s1 =	sld [smem:$0x755]  }
0x32e: {  	v34 =	vand.u32 s2, v9;
	s2 =	sld [smem:$0x756]  }
0x32f: {  	[smem:$0x7D2] =	sst s31  }
0x330: {  	s31 =	sld [smem:$0x743]  }
0x331: {  	v35 =	vand.u32 s3, v9;
	s3 =	sld [smem:$0x757]  }
0x332: {  	s5 =	sld [smem:$0x758]  }
0x333: {  	v24 =	vand.u32 s31, v4;
	s31 =	sld [smem:$0x744]  }
0x334: {  	v37 =	vand.u32 s6, v10;
	s6 =	sld [smem:$0x759]  }
0x335: {  	s7 =	sld [smem:$0x75A]  }
0x336: {  	v25 =	vand.u32 s31, v4;
	s31 =	sld [smem:$0x745]  }
0x337: {  	v59 =	vand.u32 s9, v5;
	s9 =	sld [smem:$0x75B]  }
0x338: {  	v60 =	vand.u32 s10, v5;
	s10 =	sld [smem:$0x75C]  }
0x339: {  	v27 =	vand.u32 s31, v5;
	s31 =	sld [smem:$0x6E]  }
0x33a: {  	v61 =	vand.u32 s11, v6;
	s11 =	sld [smem:$0x75D]  }
0x33b: {  	s25 =	sld [smem:$0x75E]  }
0x33c: {  	[smem:$0x7D3] =	sst s31  }
0x33d: {  	s31 =	sld [smem:$0x754]  }
0x33e: {  	s26 =	sld [smem:$0x75F]  }
0x33f: {  	[tilespmem:$0x1EDA0] =	vst v0;
	v0 =	vand.u32 s30, v11;
	s28 =	sld [smem:$0x760]  }
0x340: {  	[tilespmem:$0x1EDB0] =	vst v0;
	s30 =	sld [smem:$0x761];
	v0 =	vand.u32 s31, v11  }
0x341: {  	s4 =	sld [smem:$0x765];
	[tilespmem:$0x1EDC0] =	vst v0;
	v0 =	vand.u32 s1, v12  }
0x342: {  	s8 =	sld [smem:$0x768];
	[tilespmem:$0x1EDD0] =	vst v0;
	v0 =	vand.u32 s2, v12  }
0x343: {  	s24 =	sld [smem:$0x76B];
	[tilespmem:$0x1EDE0] =	vst v0;
	v0 =	vand.u32 s3, v13  }
0x344: {  	s29 =	sld [smem:$0x76E];
	[tilespmem:$0x1EDF0] =	vst v0;
	v0 =	vand.u32 s5, v13  }
0x345: {  	s31 =	sld [smem:$0x762];
	[tilespmem:$0x1EE00] =	vst v0;
	v0 =	vand.u32 s6, v14  }
0x346: {  	s1 =	sld [smem:$0x763];
	[tilespmem:$0x1EE10] =	vst v0;
	v0 =	vand.u32 s7, v14  }
0x347: {  	s2 =	sld [smem:$0x78];
	[tilespmem:$0x1EE20] =	vst v0;
	v0 =	vand.u32 s9, v15  }
0x348: {  	s3 =	sld [smem:$0x764];
	[tilespmem:$0x1EE30] =	vst v0;
	v0 =	vand.u32 s10, v15  }
0x349: {  	s5 =	sld [smem:$0x766];
	[tilespmem:$0x1EE40] =	vst v0;
	v0 =	vand.u32 s11, v1  }
0x34a: {  	[smem:$0x7DB] =	sst s2;
	[tilespmem:$0x1EE50] =	vst v0;
	v0 =	vand.u32 s25, v1  }
0x34b: {  	s6 =	sld [smem:$0x1F8];
	[tilespmem:$0x1EE70] =	vst v0;
	v0 =	vand.u32 s26, v2  }
0x34c: {  	s2 =	sld [smem:$0x771];
	[tilespmem:$0x1EE60] =	vst v0;
	v0 =	vand.u32 s28, v2  }
0x34d: {  	s7 =	sld [smem:$0x767];
	[tilespmem:$0x1EE80] =	vst v0;
	v0 =	vand.u32 s30, v23  }
0x34e: {  	s9 =	sld [smem:$0x769];
	[tilespmem:$0x1EE90] =	vst v0;
	v0 =	vand.u32 s31, v23  }
0x34f: {  	[smem:$0x7DC] =	sst s6;
	[tilespmem:$0x1EEA0] =	vst v0;
	v0 =	vand.u32 s1, v3  }
0x350: {  	s10 =	sld [smem:$0x79];
	[tilespmem:$0x1EEB0] =	vst v0;
	v0 =	vand.u32 s3, v3  }
0x351: {  	s6 =	sld [smem:$0x774];
	[tilespmem:$0x1EEC0] =	vst v0;
	v0 =	vand.u32 s4, v4  }
0x352: {  	s11 =	sld [smem:$0x76A];
	[tilespmem:$0x1EED0] =	vst v0;
	v0 =	vand.u32 s5, v4  }
0x353: {  	s25 =	sld [smem:$0x76C];
	[tilespmem:$0x1EEE0] =	vst v0;
	v0 =	vand.u32 s7, v5  }
0x354: {  	[smem:$0x7DD] =	sst s10;
	[tilespmem:$0x1EEF0] =	vst v0;
	v0 =	vand.u32 s8, v5  }
0x355: {  	s26 =	sld [smem:$0x1F9];
	[tilespmem:$0x1EF00] =	vst v0;
	v0 =	vand.u32 s9, v6  }
0x356: {  	s28 =	sld [smem:$0x76D];
	[tilespmem:$0x1EF10] =	vst v0;
	v0 =	vand.u32 s11, v6  }
0x357: {  	s10 =	sld [smem:$0x777];
	[tilespmem:$0x1EF20] =	vst v0;
	v0 =	vand.u32 s24, v7  }
0x358: {  	s30 =	sld [smem:$0x76F];
	[tilespmem:$0x1EF30] =	vst v0;
	v0 =	vand.u32 s25, v7  }
0x359: {  	s1 =	sld [smem:$0x770];
	[tilespmem:$0x1EF40] =	vst v0;
	v0 =	vand.u32 s28, v8  }
0x35a: {  	[smem:$0x7DE] =	sst s26;
	[tilespmem:$0x1EF50] =	vst v0;
	v0 =	vand.u32 s29, v8  }
0x35b: {  	s3 =	sld [smem:$0x772];
	[tilespmem:$0x1EF60] =	vst v0;
	v0 =	vand.u32 s30, v9  }
0x35c: {  	s5 =	sld [smem:$0x773];
	[tilespmem:$0x1EF70] =	vst v0;
	v0 =	vand.u32 s1, v9  }
0x35d: {  	s31 =	sld [smem:$0x7A];
	[tilespmem:$0x1EF80] =	vst v0;
	v0 =	vand.u32 s2, v10  }
0x35e: {  	s7 =	sld [smem:$0x775];
	[tilespmem:$0x1EF90] =	vst v0;
	v0 =	vand.u32 s3, v10  }
0x35f: {  	s9 =	sld [smem:$0x776];
	[tilespmem:$0x1EFA0] =	vst v0;
	v0 =	vand.u32 s5, v11  }
0x360: {  	s4 =	sld [smem:$0x1FA];
	[tilespmem:$0x1EFB0] =	vst v0;
	v0 =	vand.u32 s6, v11  }
0x361: {  	s11 =	sld [smem:$0x778];
	[tilespmem:$0x1EFC0] =	vst v0;
	v0 =	vand.u32 s7, v12  }
0x362: {  	s8 =	sld [smem:$0x7B];
	[tilespmem:$0x1EFD0] =	vst v0;
	v0 =	vand.u32 s9, v12  }
0x363: {  	[smem:$0x7DF] =	sst s31;
	[tilespmem:$0x1EFE0] =	vst v0;
	v0 =	vand.u32 s10, v13  }
0x364: {  	[smem:$0x7E0] =	sst s4;
	[tilespmem:$0x1EFF0] =	vst v0;
	v0 =	vand.u32 s11, v13  }
0x365: {  	[smem:$0x7E1] =	sst s8;
	[tilespmem:$0x1F000] =	vst v0  }
0x366: {  	s24 =	sld [smem:$0x1FB]  }
0x367: {  	s25 =	sld [smem:$0x779]  }
0x368: {  	s26 =	sld [smem:$0x77A]  }
0x369: {  	s28 =	sld [smem:$0x77B]  }
0x36a: {  	s29 =	sld [smem:$0x7C]  }
0x36b: {  	s30 =	sld [smem:$0x77C]  }
0x36c: {  	s31 =	sld [smem:$0x77D]  }
0x36d: {  	s1 =	sld [smem:$0x77E]  }
0x36e: {  	s2 =	sld [smem:$0x1FC]  }
0x36f: {  	s3 =	sld [smem:$0x77F]  }
0x370: {  	s4 =	sld [smem:$0x780]  }
0x371: {  	s5 =	sld [smem:$0x781]  }
0x372: {  	s6 =	sld [smem:$0x7D]  }
0x373: {  	s7 =	sld [smem:$0x782]  }
0x374: {  	s8 =	sld [smem:$0x783]  }
0x375: {  	s9 =	sld [smem:$0x784]  }
0x376: {  	s10 =	sld [smem:$0x1FD]  }
0x377: {  	s11 =	sld [smem:$0x785]  }
0x378: {  	[smem:$0x7E2] =	sst s24  }
0x379: {  	[smem:$0x7E3] =	sst s29  }
0x37a: {  	[smem:$0x7E4] =	sst s2  }
0x37b: {  	[smem:$0x7E5] =	sst s6  }
0x37c: {  	[smem:$0x7E6] =	sst s10  }
0x37d: {  	s24 =	sld [smem:$0x786]  }
0x37e: {  	v0 =	vand.u32 s25, v14;
	s25 =	sld [smem:$0x787]  }
0x37f: {  	s29 =	sld [smem:$0x789]  }
0x380: {  	s2 =	sld [smem:$0x78C]  }
0x381: {  	s6 =	sld [smem:$0x78F]  }
0x382: {  	s10 =	sld [smem:$0x792]  }
0x383: {  	[tilespmem:$0x1F010] =	vst v0;
	v0 =	vand.u32 s26, v14;
	s26 =	sld [smem:$0x7E]  }
0x384: {  	[tilespmem:$0x1F020] =	vst v0;
	v0 =	vand.u32 s28, v15;
	s28 =	sld [smem:$0x788]  }
0x385: {  	[tilespmem:$0x1F030] =	vst v0;
	v0 =	vand.u32 s30, v15;
	s30 =	sld [smem:$0x78A]  }
0x386: {  	[smem:$0x7E7] =	sst s26  }
0x387: {  	[tilespmem:$0x1F040] =	vst v0;
	v0 =	vand.u32 s31, v1;
	s31 =	sld [smem:$0x1FE]  }
0x388: {  	s26 =	sld [smem:$0x795]  }
0x389: {  	[tilespmem:$0x1F050] =	vst v0;
	v0 =	vand.u32 s1, v1;
	s1 =	sld [smem:$0x78B]  }
0x38a: {  	[tilespmem:$0x1F070] =	vst v0;
	v0 =	vand.u32 s3, v2;
	s3 =	sld [smem:$0x78D]  }
0x38b: {  	[smem:$0x7E8] =	sst s31  }
0x38c: {  	[tilespmem:$0x1F060] =	vst v0;
	v0 =	vand.u32 s4, v2;
	s4 =	sld [smem:$0x7F]  }
0x38d: {  	s31 =	sld [smem:$0x798]  }
0x38e: {  	[tilespmem:$0x1F080] =	vst v0;
	v0 =	vand.u32 s5, v23;
	s5 =	sld [smem:$0x78E]  }
0x38f: {  	[tilespmem:$0x1F090] =	vst v0;
	v0 =	vand.u32 s7, v23;
	s7 =	sld [smem:$0x790]  }
0x390: {  	[smem:$0x7E9] =	sst s4  }
0x391: {  	[tilespmem:$0x1F0A0] =	vst v0;
	v0 =	vand.u32 s8, v3;
	s8 =	sld [smem:$0x1FF]  }
0x392: {  	s4 =	sld [smem:$0x79B]  }
0x393: {  	[tilespmem:$0x1F0B0] =	vst v0;
	v0 =	vand.u32 s9, v3;
	s9 =	sld [smem:$0x791]  }
0x394: {  	[tilespmem:$0x1F0C0] =	vst v0;
	v0 =	vand.u32 s11, v4;
	s11 =	sld [smem:$0x793]  }
0x395: {  	[smem:$0x7EA] =	sst s8  }
0x396: {  	[tilespmem:$0x1F0D0] =	vst v0;
	v0 =	vand.u32 s24, v4;
	s24 =	sld [smem:$0x80]  }
0x397: {  	s8 =	sld [smem:$0x79E]  }
0x398: {  	[tilespmem:$0x1F0E0] =	vst v0;
	v0 =	vand.u32 s25, v5;
	s25 =	sld [smem:$0x794]  }
0x399: {  	[tilespmem:$0x1F0F0] =	vst v0;
	v0 =	vand.u32 s28, v5;
	s28 =	sld [smem:$0x796]  }
0x39a: {  	[smem:$0x7EB] =	sst s24  }
0x39b: {  	[tilespmem:$0x1F100] =	vst v0;
	v0 =	vand.u32 s29, v6;
	s29 =	sld [smem:$0x200]  }
0x39c: {  	s24 =	sld [smem:$0x7A1];
	[tilespmem:$0x1F110] =	vst v0;
	v0 =	vand.u32 s30, v6  }
0x39d: {  	s30 =	sld [smem:$0x797];
	[tilespmem:$0x1F120] =	vst v0;
	v0 =	vand.u32 s1, v7  }
0x39e: {  	s1 =	sld [smem:$0x799];
	[tilespmem:$0x1F130] =	vst v0;
	v0 =	vand.u32 s2, v7  }
0x39f: {  	[smem:$0x7EC] =	sst s29;
	[tilespmem:$0x1F140] =	vst v0;
	v0 =	vand.u32 s3, v8  }
0x3a0: {  	s2 =	sld [smem:$0x81];
	[tilespmem:$0x1F150] =	vst v0;
	v0 =	vand.u32 s5, v8  }
0x3a1: {  	s29 =	sld [smem:$0x7A4];
	[tilespmem:$0x1F160] =	vst v0;
	v0 =	vand.u32 s6, v9  }
0x3a2: {  	s3 =	sld [smem:$0x79A];
	[tilespmem:$0x1F170] =	vst v0;
	v0 =	vand.u32 s7, v9  }
0x3a3: {  	s5 =	sld [smem:$0x79C];
	[tilespmem:$0x1F180] =	vst v0;
	v0 =	vand.u32 s9, v10  }
0x3a4: {  	[smem:$0x7ED] =	sst s2;
	[tilespmem:$0x1F190] =	vst v0;
	v0 =	vand.u32 s10, v10  }
0x3a5: {  	s6 =	sld [smem:$0x201];
	[tilespmem:$0x1F1A0] =	vst v0;
	v0 =	vand.u32 s11, v11  }
0x3a6: {  	s2 =	sld [smem:$0x7A7];
	[tilespmem:$0x1F1B0] =	vst v0;
	v0 =	vand.u32 s25, v11  }
0x3a7: {  	s7 =	sld [smem:$0x79D];
	[tilespmem:$0x1F1C0] =	vst v0;
	v0 =	vand.u32 s26, v12  }
0x3a8: {  	s9 =	sld [smem:$0x79F];
	[tilespmem:$0x1F1D0] =	vst v0;
	v0 =	vand.u32 s28, v12  }
0x3a9: {  	[smem:$0x7EE] =	sst s6;
	[tilespmem:$0x1F1E0] =	vst v0;
	v0 =	vand.u32 s30, v13  }
0x3aa: {  	s10 =	sld [smem:$0x82];
	[tilespmem:$0x1F1F0] =	vst v0;
	v0 =	vand.u32 s31, v13  }
0x3ab: {  	s6 =	sld [smem:$0x7AA];
	[tilespmem:$0x1F200] =	vst v0;
	v0 =	vand.u32 s1, v14  }
0x3ac: {  	s11 =	sld [smem:$0x7A0];
	[tilespmem:$0x1F210] =	vst v0;
	v0 =	vand.u32 s3, v14  }
0x3ad: {  	s25 =	sld [smem:$0x7A2];
	[tilespmem:$0x1F220] =	vst v0;
	v0 =	vand.u32 s4, v15  }
0x3ae: {  	[smem:$0x7EF] =	sst s10;
	[tilespmem:$0x1F230] =	vst v0;
	v0 =	vand.u32 s5, v15  }
0x3af: {  	s26 =	sld [smem:$0x202];
	[tilespmem:$0x1F240] =	vst v0;
	v0 =	vand.u32 s7, v1  }
0x3b0: {  	s10 =	sld [smem:$0x7AE];
	[tilespmem:$0x1F250] =	vst v0;
	v0 =	vand.u32 s8, v1  }
0x3b1: {  	s28 =	sld [smem:$0x7A3];
	[tilespmem:$0x1F270] =	vst v0;
	v0 =	vand.u32 s9, v2  }
0x3b2: {  	s30 =	sld [smem:$0x7A5];
	[tilespmem:$0x1F260] =	vst v0;
	v0 =	vand.u32 s11, v2  }
0x3b3: {  	[smem:$0x7F0] =	sst s26;
	[tilespmem:$0x1F280] =	vst v0;
	v0 =	vand.u32 s24, v23  }
0x3b4: {  	s31 =	sld [smem:$0x83];
	[tilespmem:$0x1F290] =	vst v0;
	v0 =	vand.u32 s25, v23  }
0x3b5: {  	s1 =	sld [smem:$0x7A6];
	[tilespmem:$0x1F2A0] =	vst v0;
	v0 =	vand.u32 s28, v3  }
0x3b6: {  	s26 =	sld [smem:$0x7B2];
	[tilespmem:$0x1F2B0] =	vst v0;
	v0 =	vand.u32 s29, v3  }
0x3b7: {  	s3 =	sld [smem:$0x7A8];
	[tilespmem:$0x1F2C0] =	vst v0;
	v0 =	vand.u32 s30, v4  }
0x3b8: {  	s5 =	sld [smem:$0x7A9];
	[tilespmem:$0x1F2D0] =	vst v0;
	v0 =	vand.u32 s1, v4  }
0x3b9: {  	[smem:$0x7F1] =	sst s31;
	[tilespmem:$0x1F2E0] =	vst v0;
	v0 =	vand.u32 s2, v5  }
0x3ba: {  	s7 =	sld [smem:$0x7AB];
	[tilespmem:$0x1F2F0] =	vst v0;
	v0 =	vand.u32 s3, v5  }
0x3bb: {  	s8 =	sld [smem:$0x7AC];
	[tilespmem:$0x1F300] =	vst v0;
	v0 =	vand.u32 s5, v6  }
0x3bc: {  	s9 =	sld [smem:$0x7AD];
	[tilespmem:$0x1F310] =	vst v0;
	v0 =	vand.u32 s6, v6  }
0x3bd: {  	s4 =	sld [smem:$0x203];
	[tilespmem:$0x1F320] =	vst v0;
	v0 =	vand.u32 s7, v7  }
0x3be: {  	s11 =	sld [smem:$0x7AF];
	[tilespmem:$0x1F330] =	vst v0;
	v0 =	vand.u32 s8, v7  }
0x3bf: {  	s24 =	sld [smem:$0x7B0];
	[tilespmem:$0x1F340] =	vst v0;
	v0 =	vand.u32 s9, v8  }
0x3c0: {  	s25 =	sld [smem:$0x7B1];
	[tilespmem:$0x1F350] =	vst v0;
	v0 =	vand.u32 s10, v8  }
0x3c1: {  	s31 =	sld [smem:$0x7B3];
	[tilespmem:$0x1F360] =	vst v0;
	v0 =	vand.u32 s11, v9  }
0x3c2: {  	[smem:$0x7F2] =	sst s4;
	[tilespmem:$0x1F370] =	vst v0;
	v0 =	vand.u32 s24, v9  }
0x3c3: {  	s1 =	sld [smem:$0x7B4];
	[tilespmem:$0x1F380] =	vst v0;
	v0 =	vand.u32 s25, v10  }
0x3c4: {  	s2 =	sld [smem:$0x7B5];
	[tilespmem:$0x1F390] =	vst v0;
	v0 =	vand.u32 s26, v10  }
0x3c5: {  	s3 =	sld [smem:$0x7B6];
	[tilespmem:$0x1F3A0] =	vst v0;
	v0 =	vand.u32 s31, v11  }
0x3c6: {  	s4 =	sld [smem:$0x7B7];
	[tilespmem:$0x1F3B0] =	vst v0;
	v0 =	vand.u32 s1, v11  }
0x3c7: {  	s5 =	sld [smem:$0x7B8];
	[tilespmem:$0x1F3C0] =	vst v0;
	v0 =	vand.u32 s2, v12  }
0x3c8: {  	s6 =	sld [smem:$0x7B9];
	[tilespmem:$0x1F3D0] =	vst v0;
	v0 =	vand.u32 s3, v12  }
0x3c9: {  	s7 =	sld [smem:$0x7BA];
	[tilespmem:$0x1F3E0] =	vst v0;
	v0 =	vand.u32 s4, v13  }
0x3ca: {  	s8 =	sld [smem:$0x7BB];
	[tilespmem:$0x1F3F0] =	vst v0;
	v0 =	vand.u32 s5, v13  }
0x3cb: {  	s9 =	sld [smem:$0x7BC];
	[tilespmem:$0x1F400] =	vst v0;
	v0 =	vand.u32 s6, v14  }
0x3cc: {  	s10 =	sld [smem:$0x7BD];
	[tilespmem:$0x1F410] =	vst v0;
	v0 =	vand.u32 s7, v14  }
0x3cd: {  	s11 =	sld [smem:$0x7BE];
	[tilespmem:$0x1F420] =	vst v0;
	v0 =	vand.u32 s8, v15  }
0x3ce: {  	s31 =	sld [smem:$0x7BF];
	[tilespmem:$0x1F430] =	vst v0;
	v0 =	vand.u32 s9, v15  }
0x3cf: {  	s2 =	sld [smem:$0x7C0];
	[tilespmem:$0x1F440] =	vst v0;
	v0 =	vand.u32 s10, v1  }
0x3d0: {  	s3 =	sld [smem:$0x7C1];
	[tilespmem:$0x1F450] =	vst v0;
	v0 =	vand.u32 s11, v1  }
0x3d1: {  	s4 =	sld [smem:$0x7C2];
	[tilespmem:$0x1F470] =	vst v0;
	v0 =	vand.u32 s31, v2  }
0x3d2: {  	s5 =	sld [smem:$0x7C3];
	[tilespmem:$0x1F460] =	vst v0;
	v0 =	vand.u32 s2, v2  }
0x3d3: {  	s6 =	sld [smem:$0x7C4];
	[tilespmem:$0x1F480] =	vst v0;
	v0 =	vand.u32 s3, v23  }
0x3d4: {  	s7 =	sld [smem:$0x7C5];
	[tilespmem:$0x1F490] =	vst v0;
	v0 =	vand.u32 s4, v23  }
0x3d5: {  	s8 =	sld [smem:$0x7C6];
	[tilespmem:$0x1F4A0] =	vst v0;
	v0 =	vand.u32 s5, v3  }
0x3d6: {  	s9 =	sld [smem:$0x7C7];
	[tilespmem:$0x1F4B0] =	vst v0;
	v0 =	vand.u32 s6, v3  }
0x3d7: {  	s10 =	sld [smem:$0x7C8];
	[tilespmem:$0x1F4C0] =	vst v0;
	v0 =	vand.u32 s7, v4  }
0x3d8: {  	s11 =	sld [smem:$0x7C9];
	[tilespmem:$0x1F4D0] =	vst v0;
	v0 =	vand.u32 s8, v4  }
0x3d9: {  	s31 =	sld [smem:$0x7CA];
	[tilespmem:$0x1F4E0] =	vst v0;
	v0 =	vand.u32 s9, v5  }
0x3da: {  	s6 =	sld [smem:$0x7CB];
	[tilespmem:$0x1F4F0] =	vst v0;
	v0 =	vand.u32 s10, v5  }
0x3db: {  	s7 =	sld [smem:$0x7CC];
	[tilespmem:$0x1F500] =	vst v0;
	v0 =	vand.u32 s11, v6  }
0x3dc: {  	s8 =	sld [smem:$0x7CD];
	[tilespmem:$0x1F510] =	vst v0;
	v0 =	vand.u32 s31, v6  }
0x3dd: {  	s9 =	sld [smem:$0x7CE];
	[tilespmem:$0x1F520] =	vst v0;
	v0 =	vand.u32 s6, v7  }
0x3de: {  	s10 =	sld [smem:$0x7CF];
	[tilespmem:$0x1F530] =	vst v0;
	v0 =	vand.u32 s7, v7  }
0x3df: {  	s11 =	rddreg [dreg:$0x1d];
	[tilespmem:$0x1F540] =	vst v0;
	v0 =	vand.u32 s8, v8  }
0x3e0: {  	s31 =	rddreg [dreg:$0x1e];
	[tilespmem:$0x1F550] =	vst v0;
	v0 =	vand.u32 s9, v8  }
0x3e1: {  	s8 =	rddreg [dreg:$0x1f];
	[tilespmem:$0x1F560] =	vst v0;
	v0 =	vand.u32 s10, v9  }
0x3e2: {  	s9 =	rddreg [dreg:$0x1a];
	[tilespmem:$0x1F570] =	vst v0;
	v0 =	vand.u32 s11, v9  }
0x3e3: {  	s10 =	rddreg [dreg:$0x1b];
	[tilespmem:$0x1F580] =	vst v0;
	v0 =	vand.u32 s31, v10  }
0x3e4: {  	s11 =	rddreg [dreg:$0x1c];
	[tilespmem:$0x1F590] =	vst v0;
	v0 =	vand.u32 s8, v10  }
0x3e5: {  	s31 =	sld [smem:$0x7D0];
	[tilespmem:$0x1F5A0] =	vst v0;
	v0 =	vand.u32 s9, v11  }
0x3e6: {  	[tilespmem:$0x1F5B0] =	vst v0;
	v0 =	vand.u32 s10, v11;
	s10 =	sld [smem:$0x7D1]  }
0x3e7: {  	[tilespmem:$0x1F5C0] =	vst v0;
	v0 =	vand.u32 s11, v12;
	s11 =	sld [smem:$0x7D2]  }
0x3e8: {  	[tilespmem:$0x1F5D0] =	vst v0;
	v0 =	vand.u32 s31, v12;
	s31 =	sld [smem:$0x7D3]  }
0x3e9: {  	[tilespmem:$0x1F5E0] =	vst v0;
	v0 =	vand.u32 s10, v13  }
0x3ea: {  	[tilespmem:$0x1F5F0] =	vst v0;
	v0 =	vand.u32 s11, v13  }
0x3eb: {  	s11 =	sld [smem:$0x7D4];
	[tilespmem:$0x1F600] =	vst v0;
	v0 =	vand.u32 s31, v14  }
0x3ec: {  	[tilespmem:$0x1F610] =	vst v0;
	v0 =	vand.u32 s16, v14;
	s16 =	sld [smem:$0x7D5]  }
0x3ed: {  	s31 =	sld [smem:$0x7D6]  }
0x3ee: {  	[tilespmem:$0x1F620] =	vst v0;
	v0 =	vand.u32 s11, v15  }
0x3ef: {  	[tilespmem:$0x1F630] =	vst v0;
	v0 =	vand.u32 s16, v15  }
0x3f0: {  	[tilespmem:$0x1F640] =	vst v0;
	v0 =	vand.u32 s31, v1  }
0x3f1: {  	[tilespmem:$0x1F650] =	vst v0;
	v0 =	vand.u32 s12, v1  }
0x3f2: {  	[tilespmem:$0x1F670] =	vst v0;
	v0 =	vand.u32 s13, v2  }
0x3f3: {  	[tilespmem:$0x1F660] =	vst v0;
	v0 =	vand.u32 s14, v2  }
0x3f4: {  	[tilespmem:$0x1F680] =	vst v0;
	v0 =	vand.u32 s15, v23  }
0x3f5: {  	[tilespmem:$0x1F690] =	vst v0;
	v0 =	vand.u32 s17, v23  }
0x3f6: {  	[tilespmem:$0x1F6A0] =	vst v0;
	v0 =	vand.u32 s18, v3  }
0x3f7: {  	[tilespmem:$0x1F6B0] =	vst v0;
	v0 =	vand.u32 s19, v3  }
0x3f8: {  	[tilespmem:$0x1F6C0] =	vst v0;
	v0 =	vand.u32 s20, v4  }
0x3f9: {  	s16 =	sld [smem:$0x7D7];
	[tilespmem:$0x1F6D0] =	vst v0;
	v0 =	vand.u32 s21, v4  }
0x3fa: {  	s17 =	sld [smem:$0x7D8];
	[tilespmem:$0x1F6E0] =	vst v0;
	v0 =	vand.u32 s22, v5  }
0x3fb: {  	s18 =	sld [smem:$0x7D9];
	[tilespmem:$0x1F6F0] =	vst v0;
	v0 =	vand.u32 s23, v5  }
0x3fc: {  	s19 =	sld [smem:$0x7DA];
	[tilespmem:$0x1F700] =	vst v0;
	v0 =	vand.u32 s16, v6  }
0x3fd: {  	s20 =	sld [smem:$0x7DB];
	[tilespmem:$0x1F710] =	vst v0;
	v0 =	vand.u32 s17, v6  }
0x3fe: {  	s21 =	sld [smem:$0x7DC];
	[tilespmem:$0x1F720] =	vst v0;
	v0 =	vand.u32 s18, v7  }
0x3ff: {  	s22 =	sld [smem:$0x7DD];
	[tilespmem:$0x1F730] =	vst v0;
	v0 =	vand.u32 s19, v7  }
0x400: {  	s23 =	sld [smem:$0x7DE];
	[tilespmem:$0x1F740] =	vst v0;
	v0 =	vand.u32 s20, v8  }
0x401: {  	s31 =	sld [smem:$0x7DF];
	[tilespmem:$0x1F750] =	vst v0;
	v0 =	vand.u32 s21, v8  }
0x402: {  	s19 =	sld [smem:$0x7E0];
	[tilespmem:$0x1F760] =	vst v0;
	v0 =	vand.u32 s22, v9  }
0x403: {  	s20 =	sld [smem:$0x7E1];
	[tilespmem:$0x1F770] =	vst v0;
	v0 =	vand.u32 s23, v9  }
0x404: {  	s21 =	sld [smem:$0x7E2];
	[tilespmem:$0x1F780] =	vst v0;
	v0 =	vand.u32 s31, v10  }
0x405: {  	s22 =	sld [smem:$0x7E3];
	[tilespmem:$0x1F790] =	vst v0;
	v0 =	vand.u32 s19, v10  }
0x406: {  	s23 =	sld [smem:$0x7E4];
	[tilespmem:$0x1F7A0] =	vst v0;
	v0 =	vand.u32 s20, v11  }
0x407: {  	s31 =	sld [smem:$0x7E5];
	[tilespmem:$0x1F7B0] =	vst v0;
	v0 =	vand.u32 s21, v11  }
0x408: {  	s21 =	sld [smem:$0x7E6];
	[tilespmem:$0x1F7C0] =	vst v0;
	v0 =	vand.u32 s22, v12  }
0x409: {  	s22 =	sld [smem:$0x7E7];
	[tilespmem:$0x1F7D0] =	vst v0;
	v0 =	vand.u32 s23, v12  }
0x40a: {  	s23 =	sld [smem:$0x7E8];
	[tilespmem:$0x1F7E0] =	vst v0;
	v0 =	vand.u32 s31, v13  }
0x40b: {  	s31 =	sld [smem:$0x7E9];
	[tilespmem:$0x1F7F0] =	vst v0;
	v0 =	vand.u32 s21, v13  }
0x40c: {  	[tilespmem:$0x1F800] =	vst v0;
	v0 =	vand.u32 s22, v14;
	s22 =	sld [smem:$0x7EA]  }
0x40d: {  	[tilespmem:$0x1F810] =	vst v0;
	v0 =	vand.u32 s23, v14;
	s23 =	sld [smem:$0x7EB]  }
0x40e: {  	[tilespmem:$0x1F820] =	vst v0;
	v0 =	vand.u32 s31, v15;
	s31 =	sld [smem:$0x7EC]  }
0x40f: {  	v16 =	vadd.s32 v20, v16;
	[tilespmem:$0x1F830] =	vst v0;
	v0 =	vand.u32 s22, v15  }
0x410: {  	v17 =	vadd.s32 v21, v17;
	v16 =	vadd.s32 v19, v16;
	[tilespmem:$0x1F840] =	vst v0;
	v0 =	vand.u32 s23, v1;
	s23 =	sld [smem:$0x7ED]  }
0x411: {  	v17 =	vadd.s32 v18, v17;
	v16 =	vadd.s32 v22, v16;
	[tilespmem:$0x1F850] =	vst v0;
	v0 =	vand.u32 s31, v1;
	s31 =	sld [smem:$0x7EE]  }
0x412: {  	v17 =	vadd.s32 v28, v17;
	v16 =	vadd.s32 v24, v16  }
0x413: {  	v17 =	vadd.s32 v25, v17;
	v16 =	vadd.s32 v27, v16;
	[tilespmem:$0x1F870] =	vst v0;
	v0 =	vand.u32 s23, v2  }
0x414: {  	v17 =	vadd.s32 v26, v17;
	v16 =	vadd.s32 v30, v16;
	[tilespmem:$0x1F860] =	vst v0;
	v0 =	vand.u32 s31, v2;
	s31 =	sld [smem:$0x7EF]  }
0x415: {  	v31 =	vand.u32 s0, v7;
	v17 =	vadd.s32 v29, v17;
	v16 =	vadd.s32 v40, v16  }
0x416: {  	v17 =	vadd.s32 v31, v17;
	v16 =	vadd.s32 v33, v16  }
0x417: {  	v17 =	vadd.s32 v32, v17;
	v16 =	vadd.s32 v34, v16;
	[tilespmem:$0x1F880] =	vst v0;
	v0 =	vand.u32 s31, v23;
	s31 =	sld [smem:$0x7F0]  }
0x418: {  	v17 =	vadd.s32 v35, v17;
	v16 =	vadd.s32 v36, v16  }
0x419: {  	v17 =	vadd.s32 v37, v17;
	v16 =	vadd.s32 v39, v16  }
0x41a: {  	v17 =	vadd.s32 v38, v17;
	v16 =	vadd.s32 v41, v16;
	[tilespmem:$0x1F890] =	vst v0;
	v0 =	vand.u32 s31, v23;
	s31 =	sld [smem:$0x7F1]  }
0x41b: {  	v17 =	vadd.s32 v42, v17;
	v16 =	vadd.s32 v43, v16  }
0x41c: {  	v17 =	vadd.s32 v44, v17;
	v16 =	vadd.s32 v47, v16  }
0x41d: {  	v17 =	vadd.s32 v45, v17;
	v16 =	vadd.s32 v49, v16;
	[tilespmem:$0x1F8A0] =	vst v0;
	v0 =	vand.u32 s31, v3;
	s31 =	sld [smem:$0x7F2]  }
0x41e: {  	[tilespmem:$0x1FE50] =	vst v16;
	v16 =	vadd.s32 v50, v17;
	s30 =	sld [smem:$0x84]  }
0x41f: {  	[tilespmem:$0x1FE60] =	vst v16;
	s29 =	sld [smem:$0x204]  }
0x420: {  	s28 =	sld [smem:$0x85];
	[tilespmem:$0x1F8B0] =	vst v0;
	v0 =	vand.u32 s31, v3  }
0x421: {  	s26 =	sld [smem:$0x205];
	[tilespmem:$0x1F8C0] =	vst v0;
	v0 =	vand.u32 s30, v4  }
0x422: {  	s25 =	sld [smem:$0x86];
	[tilespmem:$0x1F8D0] =	vst v0;
	v0 =	vand.u32 s29, v4  }
0x423: {  	s24 =	sld [smem:$0x206];
	[tilespmem:$0x1F8E0] =	vst v0;
	v0 =	vand.u32 s28, v5  }
0x424: {  	s0 =	sld [smem:$0x87];
	[tilespmem:$0x1F8F0] =	vst v0;
	v0 =	vand.u32 s26, v5  }
0x425: {  	[tilespmem:$0x1F900] =	vst v0;
	v0 =	vand.u32 s25, v6  }
0x426: {  	[tilespmem:$0x1F910] =	vst v0;
	v0 =	vand.u32 s24, v6  }
0x427: {  	v17 =	vadd.s32 v54, v46;
	v16 =	vadd.s32 v53, v48;
	[tilespmem:$0x1F920] =	vst v0;
	v0 =	vand.u32 s0, v7  }
0x428: {  	v17 =	vadd.s32 v52, v17;
	v16 =	vadd.s32 v51, v16;
	[tilespmem:$0x1F930] =	vst v0;
	v0 =	vld [tilespmem:$0x1ED40]  }
0x429: {  	v17 =	vadd.s32 v56, v17;
	v16 =	vadd.s32 v55, v16  }
0x42a: {  	v17 =	vadd.s32 v57, v17;
	v16 =	vadd.s32 v58, v16  }
0x42b: {  	v17 =	vadd.s32 v60, v17;
	v16 =	vadd.s32 v59, v16  }
0x42c: {  	v17 =	vadd.s32 v62, v17;
	v16 =	vadd.s32 v61, v16  }
0x42d: {  	v0 =	vadd.s32 v0, v16;
	v16 =	vadd.s32 v63, v17;
	v17 =	vld [tilespmem:$0x1ED50];
	_ =	sdelay $0x4  }
0x42e: {  	v0 =	vadd.s32 v17, v0;
	v17 =	vld [tilespmem:$0x1ED60];
	_ =	sdelay $0x4  }
0x42f: {  	v16 =	vadd.s32 v17, v16;
	v17 =	vld [tilespmem:$0x1ED70];
	_ =	sdelay $0x4  }
0x430: {  	v0 =	vadd.s32 v17, v0;
	v17 =	vld [tilespmem:$0x1ED80];
	_ =	sdelay $0x4  }
0x431: {  	v16 =	vadd.s32 v17, v16;
	v17 =	vld [tilespmem:$0x1ED90];
	_ =	sdelay $0x4  }
0x432: {  	v0 =	vadd.s32 v17, v0;
	v17 =	vld [tilespmem:$0x1EDA0];
	_ =	sdelay $0x4  }
0x433: {  	v16 =	vadd.s32 v17, v16;
	v17 =	vld [tilespmem:$0x1EDB0];
	_ =	sdelay $0x4  }
0x434: {  	v0 =	vadd.s32 v17, v0;
	v17 =	vld [tilespmem:$0x1EDC0];
	_ =	sdelay $0x4  }
0x435: {  	v16 =	vadd.s32 v17, v16;
	v17 =	vld [tilespmem:$0x1EDD0];
	_ =	sdelay $0x4  }
0x436: {  	v0 =	vadd.s32 v17, v0;
	v17 =	vld [tilespmem:$0x1EDE0];
	_ =	sdelay $0x4  }
0x437: {  	v16 =	vadd.s32 v17, v16;
	v17 =	vld [tilespmem:$0x1EDF0];
	_ =	sdelay $0x4  }
0x438: {  	v0 =	vadd.s32 v17, v0;
	v17 =	vld [tilespmem:$0x1EE00];
	_ =	sdelay $0x4  }
0x439: {  	v16 =	vadd.s32 v17, v16;
	v17 =	vld [tilespmem:$0x1EE10];
	_ =	sdelay $0x4  }
0x43a: {  	v0 =	vadd.s32 v17, v0;
	v17 =	vld [tilespmem:$0x1EE20];
	_ =	sdelay $0x4  }
0x43b: {  	v16 =	vadd.s32 v17, v16;
	v17 =	vld [tilespmem:$0x1EE30];
	_ =	sdelay $0x4  }
0x43c: {  	v0 =	vadd.s32 v17, v0  }
0x43d: {  	[tilespmem:$0x1FE70] =	vst v0;
	v0 =	vld [tilespmem:$0x1EE40];
	_ =	sdelay $0x4  }
0x43e: {  	v0 =	vadd.s32 v0, v16;
	v16 =	vld [tilespmem:$0x1EE60]  }
0x43f: {  	[tilespmem:$0x1FE80] =	vst v0;
	v0 =	vld [tilespmem:$0x1EE50];
	_ =	sdelay $0x3  }
0x440: {  	v17 =	vld [tilespmem:$0x1EE80]  }
0x441: {  	v0 =	vadd.s32 v0, v16;
	v16 =	vld [tilespmem:$0x1EE70];
	_ =	sdelay $0x4  }
0x442: {  	v16 =	vadd.s32 v16, v17;
	v17 =	vld [tilespmem:$0x1EE90];
	_ =	sdelay $0x4  }
0x443: {  	v0 =	vadd.s32 v17, v0;
	v17 =	vld [tilespmem:$0x1EEA0];
	_ =	sdelay $0x4  }
0x444: {  	v16 =	vadd.s32 v17, v16;
	v17 =	vld [tilespmem:$0x1EEB0];
	_ =	sdelay $0x4  }
0x445: {  	v0 =	vadd.s32 v17, v0;
	v17 =	vld [tilespmem:$0x1EEC0];
	_ =	sdelay $0x4  }
0x446: {  	v16 =	vadd.s32 v17, v16;
	v17 =	vld [tilespmem:$0x1EED0];
	_ =	sdelay $0x4  }
0x447: {  	v0 =	vadd.s32 v17, v0;
	v17 =	vld [tilespmem:$0x1EEE0];
	_ =	sdelay $0x4  }
0x448: {  	v16 =	vadd.s32 v17, v16;
	v17 =	vld [tilespmem:$0x1EEF0];
	_ =	sdelay $0x4  }
0x449: {  	v0 =	vadd.s32 v17, v0;
	v17 =	vld [tilespmem:$0x1EF00];
	_ =	sdelay $0x4  }
0x44a: {  	v16 =	vadd.s32 v17, v16;
	v17 =	vld [tilespmem:$0x1EF10];
	_ =	sdelay $0x4  }
0x44b: {  	v0 =	vadd.s32 v17, v0;
	v17 =	vld [tilespmem:$0x1EF20];
	_ =	sdelay $0x4  }
0x44c: {  	v16 =	vadd.s32 v17, v16;
	v17 =	vld [tilespmem:$0x1EF30];
	_ =	sdelay $0x4  }
0x44d: {  	v0 =	vadd.s32 v17, v0;
	v17 =	vld [tilespmem:$0x1EF40];
	_ =	sdelay $0x4  }
0x44e: {  	v16 =	vadd.s32 v17, v16;
	v17 =	vld [tilespmem:$0x1EF50];
	_ =	sdelay $0x4  }
0x44f: {  	v0 =	vadd.s32 v17, v0;
	v17 =	vld [tilespmem:$0x1EF60];
	_ =	sdelay $0x4  }
0x450: {  	v16 =	vadd.s32 v17, v16;
	v17 =	vld [tilespmem:$0x1EF70];
	_ =	sdelay $0x4  }
0x451: {  	v0 =	vadd.s32 v17, v0;
	v17 =	vld [tilespmem:$0x1EF80];
	_ =	sdelay $0x4  }
0x452: {  	v16 =	vadd.s32 v17, v16;
	v17 =	vld [tilespmem:$0x1EF90];
	_ =	sdelay $0x4  }
0x453: {  	v0 =	vadd.s32 v17, v0;
	v17 =	vld [tilespmem:$0x1EFA0];
	_ =	sdelay $0x4  }
0x454: {  	v16 =	vadd.s32 v17, v16;
	v17 =	vld [tilespmem:$0x1EFB0];
	_ =	sdelay $0x4  }
0x455: {  	v0 =	vadd.s32 v17, v0;
	v17 =	vld [tilespmem:$0x1EFC0];
	_ =	sdelay $0x4  }
0x456: {  	v16 =	vadd.s32 v17, v16;
	v17 =	vld [tilespmem:$0x1EFD0];
	_ =	sdelay $0x4  }
0x457: {  	v0 =	vadd.s32 v17, v0;
	v17 =	vld [tilespmem:$0x1EFE0];
	_ =	sdelay $0x4  }
0x458: {  	v16 =	vadd.s32 v17, v16;
	v17 =	vld [tilespmem:$0x1EFF0];
	_ =	sdelay $0x4  }
0x459: {  	v0 =	vadd.s32 v17, v0;
	v17 =	vld [tilespmem:$0x1F000];
	_ =	sdelay $0x4  }
0x45a: {  	v16 =	vadd.s32 v17, v16;
	v17 =	vld [tilespmem:$0x1F010];
	_ =	sdelay $0x4  }
0x45b: {  	v0 =	vadd.s32 v17, v0;
	v17 =	vld [tilespmem:$0x1F020];
	_ =	sdelay $0x4  }
0x45c: {  	v16 =	vadd.s32 v17, v16;
	v17 =	vld [tilespmem:$0x1F030];
	_ =	sdelay $0x4  }
0x45d: {  	v0 =	vadd.s32 v17, v0  }
0x45e: {  	[tilespmem:$0x1FE90] =	vst v0;
	v0 =	vld [tilespmem:$0x1F040];
	_ =	sdelay $0x4  }
0x45f: {  	v0 =	vadd.s32 v0, v16;
	v16 =	vld [tilespmem:$0x1F060]  }
0x460: {  	[tilespmem:$0x1FEA0] =	vst v0;
	v0 =	vld [tilespmem:$0x1F050];
	_ =	sdelay $0x3  }
0x461: {  	s19 =	sld [smem:$0x210];
	v17 =	vld [tilespmem:$0x1F080]  }
0x462: {  	v0 =	vadd.s32 v0, v16;
	v16 =	vld [tilespmem:$0x1F070];
	_ =	sdelay $0x1  }
0x463: {  	v37 =	vand.u32 s19, v1;
	s19 =	sld [smem:$0x9E];
	_ =	sdelay $0x2  }
0x464: {  	v16 =	vadd.s32 v16, v17;
	v17 =	vand.u32 s19, v14  }
0x465: {  	[tilespmem:$0x1F940] =	vst v17;
	v17 =	vld [tilespmem:$0x1F090];
	_ =	sdelay $0x3  }
0x466: {  	s20 =	sld [smem:$0x91]  }
0x467: {  	v0 =	vadd.s32 v17, v0;
	v17 =	vld [tilespmem:$0x1F0A0];
	_ =	sdelay $0x1  }
0x468: {  	v38 =	vand.u32 s20, v2;
	s20 =	sld [smem:$0x21E];
	_ =	sdelay $0x2  }
0x469: {  	v16 =	vadd.s32 v17, v16;
	v17 =	vand.u32 s20, v14  }
0x46a: {  	[tilespmem:$0x1F950] =	vst v17;
	v17 =	vld [tilespmem:$0x1F0B0];
	_ =	sdelay $0x3  }
0x46b: {  	s21 =	sld [smem:$0x211]  }
0x46c: {  	v0 =	vadd.s32 v17, v0;
	v17 =	vld [tilespmem:$0x1F0C0];
	_ =	sdelay $0x1  }
0x46d: {  	v39 =	vand.u32 s21, v2;
	s21 =	sld [smem:$0x9F];
	_ =	sdelay $0x2  }
0x46e: {  	v16 =	vadd.s32 v17, v16;
	v17 =	vand.u32 s21, v15  }
0x46f: {  	[tilespmem:$0x1F960] =	vst v17;
	v17 =	vld [tilespmem:$0x1F0D0];
	_ =	sdelay $0x3  }
0x470: {  	s22 =	sld [smem:$0x92]  }
0x471: {  	v0 =	vadd.s32 v17, v0;
	v17 =	vld [tilespmem:$0x1F0E0];
	_ =	sdelay $0x1  }
0x472: {  	v40 =	vand.u32 s22, v23;
	s22 =	sld [smem:$0x21F];
	_ =	sdelay $0x2  }
0x473: {  	v16 =	vadd.s32 v17, v16;
	v17 =	vand.u32 s22, v15  }
0x474: {  	[tilespmem:$0x1F970] =	vst v17;
	v17 =	vld [tilespmem:$0x1F0F0];
	_ =	sdelay $0x3  }
0x475: {  	s23 =	sld [smem:$0x212]  }
0x476: {  	v0 =	vadd.s32 v17, v0;
	v17 =	vld [tilespmem:$0x1F100];
	_ =	sdelay $0x1  }
0x477: {  	v41 =	vand.u32 s23, v23;
	s23 =	sld [smem:$0xA0];
	_ =	sdelay $0x2  }
0x478: {  	v16 =	vadd.s32 v17, v16;
	v17 =	vand.u32 s23, v1  }
0x479: {  	[tilespmem:$0x1F980] =	vst v17;
	v17 =	vld [tilespmem:$0x1F110];
	_ =	sdelay $0x3  }
0x47a: {  	s30 =	sld [smem:$0x93]  }
0x47b: {  	v0 =	vadd.s32 v17, v0;
	v17 =	vld [tilespmem:$0x1F120];
	_ =	sdelay $0x1  }
0x47c: {  	v42 =	vand.u32 s30, v3;
	s30 =	sld [smem:$0x220];
	_ =	sdelay $0x2  }
0x47d: {  	v16 =	vadd.s32 v17, v16;
	v17 =	vand.u32 s30, v1  }
0x47e: {  	[tilespmem:$0x1F9A0] =	vst v17;
	v17 =	vld [tilespmem:$0x1F130];
	_ =	sdelay $0x3  }
0x47f: {  	s31 =	sld [smem:$0x94]  }
0x480: {  	v0 =	vadd.s32 v17, v0;
	v17 =	vld [tilespmem:$0x1F140];
	_ =	sdelay $0x1  }
0x481: {  	v44 =	vand.u32 s31, v4;
	s31 =	sld [smem:$0xA1];
	_ =	sdelay $0x2  }
0x482: {  	v16 =	vadd.s32 v17, v16;
	v17 =	vand.u32 s31, v2  }
0x483: {  	[tilespmem:$0x1F990] =	vst v17;
	v17 =	vld [tilespmem:$0x1F150]  }
0x484: {  	s1 =	sld [smem:$0x207];
	_ =	sdelay $0x2  }
0x485: {  	v20 =	vand.u32 s1, v7;
	s1 =	sld [smem:$0x214]  }
0x486: {  	v0 =	vadd.s32 v17, v0;
	v17 =	vld [tilespmem:$0x1F160];
	_ =	sdelay $0x1  }
0x487: {  	v45 =	vand.u32 s1, v4;
	s1 =	sld [smem:$0x221];
	_ =	sdelay $0x2  }
0x488: {  	v16 =	vadd.s32 v17, v16;
	v17 =	vand.u32 s1, v2  }
0x489: {  	s2 =	sld [smem:$0x88];
	[tilespmem:$0x1F9B0] =	vst v17;
	v17 =	vld [tilespmem:$0x1F170]  }
0x48a: {  	s3 =	sld [smem:$0x208]  }
0x48b: {  	s4 =	sld [smem:$0x89]  }
0x48c: {  	s5 =	sld [smem:$0x209]  }
0x48d: {  	v18 =	vand.u32 s2, v8;
	s2 =	sld [smem:$0xA2]  }
0x48e: {  	v19 =	vand.u32 s3, v8;
	s3 =	sld [smem:$0x222];
	v0 =	vadd.s32 v17, v0;
	v17 =	vld [tilespmem:$0x1F180]  }
0x48f: {  	v21 =	vand.u32 s4, v9;
	s4 =	sld [smem:$0xA3]  }
0x490: {  	s6 =	sld [smem:$0x8A]  }
0x491: {  	v22 =	vand.u32 s5, v9;
	s5 =	sld [smem:$0x216]  }
0x492: {  	s7 =	sld [smem:$0x20A]  }
0x493: {  	v24 =	vand.u32 s6, v10;
	s6 =	sld [smem:$0x217];
	v16 =	vadd.s32 v17, v16;
	v17 =	vand.u32 s2, v23  }
0x494: {  	v49 =	vand.u32 s5, v6;
	s5 =	sld [smem:$0x224];
	[tilespmem:$0x1F9C0] =	vst v17;
	v17 =	vld [tilespmem:$0x1F190]  }
0x495: {  	v25 =	vand.u32 s7, v10;
	s7 =	sld [smem:$0x98]  }
0x496: {  	v51 =	vand.u32 s6, v7;
	s6 =	sld [smem:$0xA5]  }
0x497: {  	s8 =	sld [smem:$0x8B]  }
0x498: {  	v52 =	vand.u32 s7, v8;
	s7 =	sld [smem:$0x225]  }
0x499: {  	s9 =	sld [smem:$0x20B];
	v0 =	vadd.s32 v17, v0;
	v17 =	vld [tilespmem:$0x1F1A0]  }
0x49a: {  	v26 =	vand.u32 s8, v11;
	s8 =	sld [smem:$0x218]  }
0x49b: {  	s10 =	sld [smem:$0x8C]  }
0x49c: {  	v27 =	vand.u32 s9, v11;
	s9 =	sld [smem:$0x99]  }
0x49d: {  	v53 =	vand.u32 s8, v8;
	s8 =	sld [smem:$0xA6]  }
0x49e: {  	v28 =	vand.u32 s10, v12;
	s10 =	sld [smem:$0x219];
	v16 =	vadd.s32 v17, v16;
	v17 =	vand.u32 s3, v23  }
0x49f: {  	s11 =	sld [smem:$0x20C];
	[tilespmem:$0x1F9D0] =	vst v17;
	v17 =	vld [tilespmem:$0x1F1B0]  }
0x4a0: {  	v54 =	vand.u32 s9, v9;
	s9 =	sld [smem:$0x226]  }
0x4a1: {  	v55 =	vand.u32 s10, v9;
	s10 =	sld [smem:$0xA7]  }
0x4a2: {  	v29 =	vand.u32 s11, v12;
	s11 =	sld [smem:$0x9A]  }
0x4a3: {  	s12 =	sld [smem:$0x8D]  }
0x4a4: {  	s13 =	sld [smem:$0x20D];
	v0 =	vadd.s32 v17, v0;
	v17 =	vld [tilespmem:$0x1F1C0]  }
0x4a5: {  	s14 =	sld [smem:$0x8E]  }
0x4a6: {  	v56 =	vand.u32 s11, v10;
	s11 =	sld [smem:$0x227]  }
0x4a7: {  	s15 =	sld [smem:$0x20E]  }
0x4a8: {  	v30 =	vand.u32 s12, v13;
	s12 =	sld [smem:$0x21A]  }
0x4a9: {  	v31 =	vand.u32 s13, v13;
	s13 =	sld [smem:$0x9B];
	v16 =	vadd.s32 v17, v16;
	v17 =	vand.u32 s4, v3  }
0x4aa: {  	v32 =	vand.u32 s14, v14;
	s14 =	sld [smem:$0x21B];
	[tilespmem:$0x1F9E0] =	vst v17;
	v17 =	vld [tilespmem:$0x1F1D0]  }
0x4ab: {  	v33 =	vand.u32 s15, v14;
	s15 =	sld [smem:$0x9C]  }
0x4ac: {  	v57 =	vand.u32 s12, v10;
	s12 =	sld [smem:$0xA8]  }
0x4ad: {  	v58 =	vand.u32 s13, v11;
	s13 =	sld [smem:$0x228]  }
0x4ae: {  	s25 =	sld [smem:$0x215]  }
0x4af: {  	v59 =	vand.u32 s14, v11;
	s14 =	sld [smem:$0xA9];
	v0 =	vadd.s32 v17, v0;
	v17 =	vld [tilespmem:$0x1F1E0]  }
0x4b0: {  	v60 =	vand.u32 s15, v12;
	s15 =	sld [smem:$0x229]  }
0x4b1: {  	v47 =	vand.u32 s25, v5;
	s25 =	sld [smem:$0x223]  }
0x4b2: {  	s16 =	sld [smem:$0x8F]  }
0x4b3: {  	s17 =	sld [smem:$0x20F]  }
0x4b4: {  	s18 =	sld [smem:$0x90];
	v16 =	vadd.s32 v17, v16;
	v17 =	vand.u32 s25, v3  }
0x4b5: {  	v34 =	vand.u32 s16, v15;
	s16 =	sld [smem:$0x21C];
	[tilespmem:$0x1F9F0] =	vst v17;
	v17 =	vld [tilespmem:$0x1F1F0]  }
0x4b6: {  	v35 =	vand.u32 s17, v15;
	s17 =	sld [smem:$0x9D]  }
0x4b7: {  	v36 =	vand.u32 s18, v1;
	s18 =	sld [smem:$0x21D]  }
0x4b8: {  	s29 =	sld [smem:$0x97]  }
0x4b9: {  	s0 =	sld [smem:$0x95]  }
0x4ba: {  	s28 =	sld [smem:$0x96];
	v0 =	vadd.s32 v17, v0;
	v17 =	vld [tilespmem:$0x1F200]  }
0x4bb: {  	s26 =	sld [smem:$0x213]  }
0x4bc: {  	v46 =	vand.u32 s0, v5;
	s0 =	sld [smem:$0xA4]  }
0x4bd: {  	v50 =	vand.u32 s29, v7;
	s29 =	sld [smem:$0xAB]  }
0x4be: {  	v48 =	vand.u32 s28, v6;
	s28 =	sld [smem:$0x22A]  }
0x4bf: {  	v43 =	vand.u32 s26, v3;
	s26 =	sld [smem:$0xAA];
	v16 =	vadd.s32 v17, v16;
	v17 =	vand.u32 s0, v4  }
0x4c0: {  	s19 =	sld [smem:$0x22B];
	[tilespmem:$0x1FA00] =	vst v17;
	v17 =	vld [tilespmem:$0x1F210]  }
0x4c1: {  	s20 =	sld [smem:$0xAC]  }
0x4c2: {  	s21 =	sld [smem:$0x22C]  }
0x4c3: {  	s22 =	sld [smem:$0xAD]  }
0x4c4: {  	s30 =	sld [smem:$0x22D]  }
0x4c5: {  	s31 =	sld [smem:$0xAE];
	v0 =	vadd.s32 v17, v0;
	v17 =	vld [tilespmem:$0x1F220]  }
0x4c6: {  	s1 =	sld [smem:$0x22E]  }
0x4c7: {  	s2 =	sld [smem:$0xAF]  }
0x4c8: {  	s3 =	sld [smem:$0x22F]  }
0x4c9: {  	s4 =	sld [smem:$0xB0]  }
0x4ca: {  	s25 =	sld [smem:$0x230];
	v16 =	vadd.s32 v17, v16;
	v17 =	vand.u32 s5, v4  }
0x4cb: {  	s0 =	sld [smem:$0xB1];
	[tilespmem:$0x1FA10] =	vst v17  }
0x4cc: {  	s5 =	sld [smem:$0x231];
	v17 =	vld [tilespmem:$0x1F230];
	_ =	sdelay $0x4  }
0x4cd: {  	v0 =	vadd.s32 v17, v0  }
0x4ce: {  	[tilespmem:$0x1FEB0] =	vst v0;
	v0 =	vld [tilespmem:$0x1F240];
	_ =	sdelay $0x4  }
0x4cf: {  	v0 =	vadd.s32 v0, v16  }
0x4d0: {  	v16 =	vld [tilespmem:$0x1F260];
	[tilespmem:$0x1FEC0] =	vst v0;
	v0 =	vand.u32 s6, v5  }
0x4d1: {  	[tilespmem:$0x1FA20] =	vst v0;
	v0 =	vld [tilespmem:$0x1F250];
	_ =	sdelay $0x3  }
0x4d2: {  	v17 =	vld [tilespmem:$0x1F280]  }
0x4d3: {  	v0 =	vadd.s32 v0, v16;
	v16 =	vld [tilespmem:$0x1F270];
	_ =	sdelay $0x4  }
0x4d4: {  	v16 =	vadd.s32 v16, v17;
	v17 =	vand.u32 s7, v5  }
0x4d5: {  	[tilespmem:$0x1FA30] =	vst v17;
	v17 =	vld [tilespmem:$0x1F290];
	_ =	sdelay $0x4  }
0x4d6: {  	v0 =	vadd.s32 v17, v0;
	v17 =	vld [tilespmem:$0x1F2A0];
	_ =	sdelay $0x4  }
0x4d7: {  	v16 =	vadd.s32 v17, v16;
	v17 =	vand.u32 s8, v6  }
0x4d8: {  	[tilespmem:$0x1FA40] =	vst v17;
	v17 =	vld [tilespmem:$0x1F2B0];
	_ =	sdelay $0x4  }
0x4d9: {  	v0 =	vadd.s32 v17, v0;
	v17 =	vld [tilespmem:$0x1F2C0];
	_ =	sdelay $0x4  }
0x4da: {  	v16 =	vadd.s32 v17, v16;
	v17 =	vand.u32 s9, v6  }
0x4db: {  	[tilespmem:$0x1FA50] =	vst v17;
	v17 =	vld [tilespmem:$0x1F2D0];
	_ =	sdelay $0x4  }
0x4dc: {  	v0 =	vadd.s32 v17, v0;
	v17 =	vld [tilespmem:$0x1F2E0];
	_ =	sdelay $0x4  }
0x4dd: {  	v16 =	vadd.s32 v17, v16;
	v17 =	vand.u32 s10, v7  }
0x4de: {  	[tilespmem:$0x1FA60] =	vst v17;
	v17 =	vld [tilespmem:$0x1F2F0];
	_ =	sdelay $0x4  }
0x4df: {  	v0 =	vadd.s32 v17, v0;
	v17 =	vld [tilespmem:$0x1F300];
	_ =	sdelay $0x4  }
0x4e0: {  	v16 =	vadd.s32 v17, v16;
	v17 =	vand.u32 s11, v7  }
0x4e1: {  	[tilespmem:$0x1FA70] =	vst v17;
	v17 =	vld [tilespmem:$0x1F310];
	_ =	sdelay $0x4  }
0x4e2: {  	v0 =	vadd.s32 v17, v0;
	v17 =	vld [tilespmem:$0x1F320];
	_ =	sdelay $0x4  }
0x4e3: {  	v16 =	vadd.s32 v17, v16;
	v17 =	vand.u32 s12, v8  }
0x4e4: {  	[tilespmem:$0x1FA80] =	vst v17;
	v17 =	vld [tilespmem:$0x1F330];
	_ =	sdelay $0x4  }
0x4e5: {  	v0 =	vadd.s32 v17, v0;
	v17 =	vld [tilespmem:$0x1F340];
	_ =	sdelay $0x4  }
0x4e6: {  	v16 =	vadd.s32 v17, v16;
	v17 =	vand.u32 s13, v8  }
0x4e7: {  	[tilespmem:$0x1FA90] =	vst v17;
	v17 =	vld [tilespmem:$0x1F350];
	_ =	sdelay $0x4  }
0x4e8: {  	v0 =	vadd.s32 v17, v0;
	v17 =	vld [tilespmem:$0x1F360];
	_ =	sdelay $0x4  }
0x4e9: {  	v16 =	vadd.s32 v17, v16;
	v17 =	vand.u32 s14, v9  }
0x4ea: {  	[tilespmem:$0x1FAA0] =	vst v17;
	v17 =	vld [tilespmem:$0x1F370];
	_ =	sdelay $0x4  }
0x4eb: {  	v0 =	vadd.s32 v17, v0;
	v17 =	vld [tilespmem:$0x1F380];
	_ =	sdelay $0x4  }
0x4ec: {  	v16 =	vadd.s32 v17, v16;
	v17 =	vand.u32 s15, v9  }
0x4ed: {  	[tilespmem:$0x1FAB0] =	vst v17;
	v17 =	vld [tilespmem:$0x1F390];
	_ =	sdelay $0x4  }
0x4ee: {  	v0 =	vadd.s32 v17, v0;
	v17 =	vld [tilespmem:$0x1F3A0];
	_ =	sdelay $0x4  }
0x4ef: {  	v16 =	vadd.s32 v17, v16;
	v17 =	vand.u32 s26, v10  }
0x4f0: {  	[tilespmem:$0x1FAC0] =	vst v17;
	v17 =	vld [tilespmem:$0x1F3B0];
	_ =	sdelay $0x4  }
0x4f1: {  	v0 =	vadd.s32 v17, v0;
	v17 =	vld [tilespmem:$0x1F3C0];
	_ =	sdelay $0x4  }
0x4f2: {  	v16 =	vadd.s32 v17, v16;
	v17 =	vand.u32 s28, v10  }
0x4f3: {  	[tilespmem:$0x1FAD0] =	vst v17;
	v17 =	vld [tilespmem:$0x1F3D0];
	_ =	sdelay $0x4  }
0x4f4: {  	v0 =	vadd.s32 v17, v0;
	v17 =	vld [tilespmem:$0x1F3E0];
	_ =	sdelay $0x4  }
0x4f5: {  	v16 =	vadd.s32 v17, v16;
	v17 =	vand.u32 s29, v11  }
0x4f6: {  	[tilespmem:$0x1FAE0] =	vst v17;
	v17 =	vld [tilespmem:$0x1F3F0];
	_ =	sdelay $0x4  }
0x4f7: {  	v0 =	vadd.s32 v17, v0;
	v17 =	vld [tilespmem:$0x1F400];
	_ =	sdelay $0x4  }
0x4f8: {  	v16 =	vadd.s32 v17, v16;
	v17 =	vand.u32 s19, v11  }
0x4f9: {  	[tilespmem:$0x1FAF0] =	vst v17;
	v17 =	vld [tilespmem:$0x1F410];
	_ =	sdelay $0x4  }
0x4fa: {  	v0 =	vadd.s32 v17, v0;
	v17 =	vld [tilespmem:$0x1F420];
	_ =	sdelay $0x4  }
0x4fb: {  	v16 =	vadd.s32 v17, v16;
	v17 =	vand.u32 s20, v12  }
0x4fc: {  	[tilespmem:$0x1FB00] =	vst v17;
	v17 =	vld [tilespmem:$0x1F430];
	_ =	sdelay $0x4  }
0x4fd: {  	v0 =	vadd.s32 v17, v0  }
0x4fe: {  	[tilespmem:$0x1FED0] =	vst v0;
	v0 =	vld [tilespmem:$0x1F440];
	_ =	sdelay $0x4  }
0x4ff: {  	v0 =	vadd.s32 v0, v16  }
0x500: {  	v16 =	vld [tilespmem:$0x1F460];
	[tilespmem:$0x1FEE0] =	vst v0;
	v0 =	vand.u32 s21, v12  }
0x501: {  	[tilespmem:$0x1FB10] =	vst v0;
	v0 =	vld [tilespmem:$0x1F450];
	_ =	sdelay $0x3  }
0x502: {  	v17 =	vld [tilespmem:$0x1F480]  }
0x503: {  	v0 =	vadd.s32 v0, v16;
	v16 =	vld [tilespmem:$0x1F470];
	_ =	sdelay $0x4  }
0x504: {  	v16 =	vadd.s32 v16, v17;
	v17 =	vand.u32 s22, v13  }
0x505: {  	[tilespmem:$0x1FB20] =	vst v17;
	v17 =	vld [tilespmem:$0x1F490];
	_ =	sdelay $0x4  }
0x506: {  	v0 =	vadd.s32 v17, v0;
	v17 =	vld [tilespmem:$0x1F4A0];
	_ =	sdelay $0x4  }
0x507: {  	v16 =	vadd.s32 v17, v16;
	v17 =	vand.u32 s30, v13  }
0x508: {  	[tilespmem:$0x1FB30] =	vst v17;
	v17 =	vld [tilespmem:$0x1F4B0];
	_ =	sdelay $0x4  }
0x509: {  	v0 =	vadd.s32 v17, v0;
	v17 =	vld [tilespmem:$0x1F4C0];
	_ =	sdelay $0x4  }
0x50a: {  	v16 =	vadd.s32 v17, v16;
	v17 =	vand.u32 s31, v14  }
0x50b: {  	[tilespmem:$0x1FB40] =	vst v17;
	v17 =	vld [tilespmem:$0x1F4D0];
	_ =	sdelay $0x4  }
0x50c: {  	v0 =	vadd.s32 v17, v0;
	v17 =	vld [tilespmem:$0x1F4E0];
	_ =	sdelay $0x4  }
0x50d: {  	v16 =	vadd.s32 v17, v16;
	v17 =	vand.u32 s1, v14  }
0x50e: {  	[tilespmem:$0x1FB50] =	vst v17;
	v17 =	vld [tilespmem:$0x1F4F0];
	_ =	sdelay $0x4  }
0x50f: {  	v0 =	vadd.s32 v17, v0;
	v17 =	vld [tilespmem:$0x1F500];
	_ =	sdelay $0x4  }
0x510: {  	v16 =	vadd.s32 v17, v16;
	v17 =	vand.u32 s2, v15  }
0x511: {  	[tilespmem:$0x1FB60] =	vst v17;
	v17 =	vld [tilespmem:$0x1F510];
	_ =	sdelay $0x4  }
0x512: {  	v0 =	vadd.s32 v17, v0;
	v17 =	vld [tilespmem:$0x1F520];
	_ =	sdelay $0x4  }
0x513: {  	v16 =	vadd.s32 v17, v16;
	v17 =	vand.u32 s3, v15  }
0x514: {  	[tilespmem:$0x1FB70] =	vst v17;
	v17 =	vld [tilespmem:$0x1F530];
	_ =	sdelay $0x4  }
0x515: {  	v0 =	vadd.s32 v17, v0;
	v17 =	vld [tilespmem:$0x1F540];
	_ =	sdelay $0x4  }
0x516: {  	v16 =	vadd.s32 v17, v16;
	v17 =	vand.u32 s4, v1  }
0x517: {  	[tilespmem:$0x1FB80] =	vst v17;
	v17 =	vld [tilespmem:$0x1F550];
	_ =	sdelay $0x4  }
0x518: {  	v0 =	vadd.s32 v17, v0;
	v17 =	vld [tilespmem:$0x1F560];
	_ =	sdelay $0x4  }
0x519: {  	v16 =	vadd.s32 v17, v16;
	v17 =	vand.u32 s25, v1  }
0x51a: {  	[tilespmem:$0x1FBA0] =	vst v17;
	v17 =	vld [tilespmem:$0x1F570];
	_ =	sdelay $0x4  }
0x51b: {  	v0 =	vadd.s32 v17, v0;
	v17 =	vld [tilespmem:$0x1F580];
	_ =	sdelay $0x4  }
0x51c: {  	v16 =	vadd.s32 v17, v16;
	v17 =	vand.u32 s0, v2  }
0x51d: {  	[tilespmem:$0x1FB90] =	vst v17;
	v17 =	vld [tilespmem:$0x1F590];
	_ =	sdelay $0x4  }
0x51e: {  	v0 =	vadd.s32 v17, v0;
	v17 =	vld [tilespmem:$0x1F5A0];
	_ =	sdelay $0x4  }
0x51f: {  	v16 =	vadd.s32 v17, v16;
	v17 =	vand.u32 s5, v2  }
0x520: {  	[tilespmem:$0x1FBB0] =	vst v17;
	v17 =	vld [tilespmem:$0x1F5B0];
	_ =	sdelay $0x4  }
0x521: {  	v0 =	vadd.s32 v17, v0;
	v17 =	vld [tilespmem:$0x1F5C0];
	_ =	sdelay $0x1  }
0x522: {  	s6 =	sld [smem:$0xB2];
	_ =	sdelay $0x2  }
0x523: {  	v16 =	vadd.s32 v17, v16;
	v17 =	vand.u32 s6, v23  }
0x524: {  	[tilespmem:$0x1FBC0] =	vst v17;
	v17 =	vld [tilespmem:$0x1F5D0];
	_ =	sdelay $0x4  }
0x525: {  	v0 =	vadd.s32 v17, v0;
	v17 =	vld [tilespmem:$0x1F5E0];
	_ =	sdelay $0x1  }
0x526: {  	s7 =	sld [smem:$0x232];
	_ =	sdelay $0x2  }
0x527: {  	v16 =	vadd.s32 v17, v16;
	v17 =	vand.u32 s7, v23  }
0x528: {  	[tilespmem:$0x1FBD0] =	vst v17;
	v17 =	vld [tilespmem:$0x1F5F0];
	_ =	sdelay $0x4  }
0x529: {  	v0 =	vadd.s32 v17, v0;
	v17 =	vld [tilespmem:$0x1F600];
	_ =	sdelay $0x1  }
0x52a: {  	s8 =	sld [smem:$0xB3];
	_ =	sdelay $0x2  }
0x52b: {  	v16 =	vadd.s32 v17, v16;
	v17 =	vand.u32 s8, v3  }
0x52c: {  	[tilespmem:$0x1FBE0] =	vst v17;
	v17 =	vld [tilespmem:$0x1F610];
	_ =	sdelay $0x4  }
0x52d: {  	v0 =	vadd.s32 v17, v0;
	v17 =	vld [tilespmem:$0x1F620];
	_ =	sdelay $0x1  }
0x52e: {  	s9 =	sld [smem:$0x233];
	_ =	sdelay $0x2  }
0x52f: {  	v16 =	vadd.s32 v17, v16;
	v17 =	vand.u32 s9, v3  }
0x530: {  	[tilespmem:$0x1FBF0] =	vst v17;
	v17 =	vld [tilespmem:$0x1F630];
	_ =	sdelay $0x4  }
0x531: {  	v0 =	vadd.s32 v17, v0  }
0x532: {  	[tilespmem:$0x1FEF0] =	vst v0;
	v0 =	vld [tilespmem:$0x1F640];
	_ =	sdelay $0x2  }
0x533: {  	s10 =	sld [smem:$0xB4];
	_ =	sdelay $0x1  }
0x534: {  	v0 =	vadd.s32 v0, v16  }
0x535: {  	v16 =	vld [tilespmem:$0x1F660];
	[tilespmem:$0x1FF00] =	vst v0;
	v0 =	vand.u32 s10, v4  }
0x536: {  	[tilespmem:$0x1FC00] =	vst v0;
	v0 =	vld [tilespmem:$0x1F650];
	_ =	sdelay $0x3  }
0x537: {  	v17 =	vld [tilespmem:$0x1F680]  }
0x538: {  	v0 =	vadd.s32 v0, v16;
	v16 =	vld [tilespmem:$0x1F670];
	_ =	sdelay $0x1  }
0x539: {  	s11 =	sld [smem:$0x234];
	_ =	sdelay $0x2  }
0x53a: {  	v16 =	vadd.s32 v16, v17;
	v17 =	vand.u32 s11, v4  }
0x53b: {  	[tilespmem:$0x1FC10] =	vst v17;
	v17 =	vld [tilespmem:$0x1F690];
	_ =	sdelay $0x4  }
0x53c: {  	v0 =	vadd.s32 v17, v0;
	v17 =	vld [tilespmem:$0x1F6A0];
	_ =	sdelay $0x1  }
0x53d: {  	s12 =	sld [smem:$0xB5];
	_ =	sdelay $0x2  }
0x53e: {  	v16 =	vadd.s32 v17, v16;
	v17 =	vand.u32 s12, v5  }
0x53f: {  	[tilespmem:$0x1FC20] =	vst v17;
	v17 =	vld [tilespmem:$0x1F6B0];
	_ =	sdelay $0x4  }
0x540: {  	v0 =	vadd.s32 v17, v0;
	v17 =	vld [tilespmem:$0x1F6C0];
	_ =	sdelay $0x1  }
0x541: {  	s13 =	sld [smem:$0x235];
	_ =	sdelay $0x2  }
0x542: {  	v16 =	vadd.s32 v17, v16;
	v17 =	vand.u32 s13, v5  }
0x543: {  	[tilespmem:$0x1FC30] =	vst v17;
	v17 =	vld [tilespmem:$0x1F6D0];
	_ =	sdelay $0x4  }
0x544: {  	v0 =	vadd.s32 v17, v0;
	v17 =	vld [tilespmem:$0x1F6E0];
	_ =	sdelay $0x1  }
0x545: {  	s14 =	sld [smem:$0xB6];
	_ =	sdelay $0x2  }
0x546: {  	v16 =	vadd.s32 v17, v16;
	v17 =	vand.u32 s14, v6  }
0x547: {  	[tilespmem:$0x1FC40] =	vst v17;
	v17 =	vld [tilespmem:$0x1F6F0];
	_ =	sdelay $0x4  }
0x548: {  	v0 =	vadd.s32 v17, v0;
	v17 =	vld [tilespmem:$0x1F700];
	_ =	sdelay $0x1  }
0x549: {  	s15 =	sld [smem:$0x236];
	_ =	sdelay $0x2  }
0x54a: {  	v16 =	vadd.s32 v17, v16;
	v17 =	vand.u32 s15, v6  }
0x54b: {  	[tilespmem:$0x1FC50] =	vst v17;
	v17 =	vld [tilespmem:$0x1F710];
	_ =	sdelay $0x4  }
0x54c: {  	v0 =	vadd.s32 v17, v0;
	v17 =	vld [tilespmem:$0x1F720];
	_ =	sdelay $0x1  }
0x54d: {  	s26 =	sld [smem:$0xB7];
	_ =	sdelay $0x2  }
0x54e: {  	v16 =	vadd.s32 v17, v16;
	v17 =	vand.u32 s26, v7  }
0x54f: {  	[tilespmem:$0x1FC60] =	vst v17;
	v17 =	vld [tilespmem:$0x1F730];
	_ =	sdelay $0x4  }
0x550: {  	v0 =	vadd.s32 v17, v0;
	v17 =	vld [tilespmem:$0x1F740];
	_ =	sdelay $0x1  }
0x551: {  	s28 =	sld [smem:$0x237];
	_ =	sdelay $0x2  }
0x552: {  	v16 =	vadd.s32 v17, v16;
	v17 =	vand.u32 s28, v7  }
0x553: {  	[tilespmem:$0x1FC70] =	vst v17;
	v17 =	vld [tilespmem:$0x1F750];
	_ =	sdelay $0x4  }
0x554: {  	v0 =	vadd.s32 v17, v0;
	v17 =	vld [tilespmem:$0x1F760];
	_ =	sdelay $0x1  }
0x555: {  	s29 =	sld [smem:$0xB8];
	_ =	sdelay $0x2  }
0x556: {  	v16 =	vadd.s32 v17, v16;
	v17 =	vand.u32 s29, v8  }
0x557: {  	[tilespmem:$0x1FC80] =	vst v17;
	v17 =	vld [tilespmem:$0x1F770];
	_ =	sdelay $0x4  }
0x558: {  	v0 =	vadd.s32 v17, v0;
	v17 =	vld [tilespmem:$0x1F780];
	_ =	sdelay $0x1  }
0x559: {  	s19 =	sld [smem:$0x238];
	_ =	sdelay $0x2  }
0x55a: {  	v16 =	vadd.s32 v17, v16;
	v17 =	vand.u32 s19, v8  }
0x55b: {  	[tilespmem:$0x1FC90] =	vst v17;
	v17 =	vld [tilespmem:$0x1F790];
	_ =	sdelay $0x4  }
0x55c: {  	v0 =	vadd.s32 v17, v0;
	v17 =	vld [tilespmem:$0x1F7A0];
	_ =	sdelay $0x1  }
0x55d: {  	s20 =	sld [smem:$0xB9];
	_ =	sdelay $0x2  }
0x55e: {  	v16 =	vadd.s32 v17, v16;
	v17 =	vand.u32 s20, v9  }
0x55f: {  	[tilespmem:$0x1FCA0] =	vst v17;
	v17 =	vld [tilespmem:$0x1F7B0];
	_ =	sdelay $0x4  }
0x560: {  	v0 =	vadd.s32 v17, v0;
	v17 =	vld [tilespmem:$0x1F7C0];
	_ =	sdelay $0x1  }
0x561: {  	s21 =	sld [smem:$0x239];
	_ =	sdelay $0x2  }
0x562: {  	v16 =	vadd.s32 v17, v16;
	v17 =	vand.u32 s21, v9  }
0x563: {  	[tilespmem:$0x1FCB0] =	vst v17;
	v17 =	vld [tilespmem:$0x1F7D0];
	_ =	sdelay $0x4  }
0x564: {  	v0 =	vadd.s32 v17, v0;
	v17 =	vld [tilespmem:$0x1F7E0];
	_ =	sdelay $0x1  }
0x565: {  	s22 =	sld [smem:$0xBA];
	_ =	sdelay $0x2  }
0x566: {  	v16 =	vadd.s32 v17, v16;
	v17 =	vand.u32 s22, v10  }
0x567: {  	[tilespmem:$0x1FCC0] =	vst v17;
	v17 =	vld [tilespmem:$0x1F7F0];
	_ =	sdelay $0x4  }
0x568: {  	v0 =	vadd.s32 v17, v0;
	v17 =	vld [tilespmem:$0x1F800];
	_ =	sdelay $0x1  }
0x569: {  	s30 =	sld [smem:$0x23A];
	_ =	sdelay $0x2  }
0x56a: {  	v16 =	vadd.s32 v17, v16;
	v17 =	vand.u32 s30, v10  }
0x56b: {  	[tilespmem:$0x1FCD0] =	vst v17;
	v17 =	vld [tilespmem:$0x1F810];
	_ =	sdelay $0x4  }
0x56c: {  	v0 =	vadd.s32 v17, v0;
	v17 =	vld [tilespmem:$0x1F820];
	_ =	sdelay $0x1  }
0x56d: {  	s31 =	sld [smem:$0xBB];
	_ =	sdelay $0x2  }
0x56e: {  	v16 =	vadd.s32 v17, v16;
	v17 =	vand.u32 s31, v11  }
0x56f: {  	[tilespmem:$0x1FCE0] =	vst v17;
	v17 =	vld [tilespmem:$0x1F830];
	_ =	sdelay $0x4  }
0x570: {  	v0 =	vadd.s32 v17, v0  }
0x571: {  	[tilespmem:$0x1FF10] =	vst v0;
	v0 =	vld [tilespmem:$0x1F840];
	_ =	sdelay $0x2  }
0x572: {  	s1 =	sld [smem:$0x23B];
	_ =	sdelay $0x1  }
0x573: {  	v0 =	vadd.s32 v0, v16  }
0x574: {  	v16 =	vld [tilespmem:$0x1F860];
	[tilespmem:$0x1FF20] =	vst v0;
	v0 =	vand.u32 s1, v11  }
0x575: {  	[tilespmem:$0x1FCF0] =	vst v0;
	v0 =	vld [tilespmem:$0x1F850];
	_ =	sdelay $0x3  }
0x576: {  	v17 =	vld [tilespmem:$0x1F880]  }
0x577: {  	v0 =	vadd.s32 v0, v16;
	v16 =	vld [tilespmem:$0x1F870];
	_ =	sdelay $0x1  }
0x578: {  	s2 =	sld [smem:$0xBC];
	_ =	sdelay $0x2  }
0x579: {  	v16 =	vadd.s32 v16, v17;
	v17 =	vand.u32 s2, v12  }
0x57a: {  	[tilespmem:$0x1FD00] =	vst v17;
	v17 =	vld [tilespmem:$0x1F890];
	_ =	sdelay $0x4  }
0x57b: {  	v0 =	vadd.s32 v17, v0;
	v17 =	vld [tilespmem:$0x1F8A0];
	_ =	sdelay $0x1  }
0x57c: {  	s3 =	sld [smem:$0x23C];
	_ =	sdelay $0x2  }
0x57d: {  	v16 =	vadd.s32 v17, v16;
	v17 =	vand.u32 s3, v12  }
0x57e: {  	[tilespmem:$0x1FD10] =	vst v17;
	v17 =	vld [tilespmem:$0x1F8B0];
	_ =	sdelay $0x4  }
0x57f: {  	v0 =	vadd.s32 v17, v0;
	v17 =	vld [tilespmem:$0x1F8C0];
	_ =	sdelay $0x1  }
0x580: {  	s4 =	sld [smem:$0xBD];
	_ =	sdelay $0x2  }
0x581: {  	v16 =	vadd.s32 v17, v16;
	v17 =	vand.u32 s4, v13  }
0x582: {  	[tilespmem:$0x1FD20] =	vst v17;
	v17 =	vld [tilespmem:$0x1F8D0];
	_ =	sdelay $0x4  }
0x583: {  	v0 =	vadd.s32 v17, v0;
	v17 =	vld [tilespmem:$0x1F8E0];
	_ =	sdelay $0x1  }
0x584: {  	s25 =	sld [smem:$0x23D];
	_ =	sdelay $0x2  }
0x585: {  	v16 =	vadd.s32 v17, v16;
	v17 =	vand.u32 s25, v13  }
0x586: {  	[tilespmem:$0x1FD30] =	vst v17;
	v17 =	vld [tilespmem:$0x1F8F0];
	_ =	sdelay $0x4  }
0x587: {  	v0 =	vadd.s32 v17, v0;
	v17 =	vld [tilespmem:$0x1F900];
	_ =	sdelay $0x1  }
0x588: {  	s0 =	sld [smem:$0xBE];
	_ =	sdelay $0x2  }
0x589: {  	v16 =	vadd.s32 v17, v16;
	v17 =	vand.u32 s0, v14  }
0x58a: {  	[tilespmem:$0x1FD40] =	vst v17;
	v17 =	vld [tilespmem:$0x1F910];
	_ =	sdelay $0x4  }
0x58b: {  	v0 =	vadd.s32 v17, v0;
	v17 =	vld [tilespmem:$0x1F920];
	_ =	sdelay $0x1  }
0x58c: {  	s5 =	sld [smem:$0x23E];
	_ =	sdelay $0x2  }
0x58d: {  	v16 =	vadd.s32 v17, v16;
	v17 =	vand.u32 s5, v14  }
0x58e: {  	[tilespmem:$0x1FD50] =	vst v17;
	v17 =	vld [tilespmem:$0x1F930];
	_ =	sdelay $0x3  }
0x58f: {  	s6 =	sld [smem:$0xBF]  }
0x590: {  	s7 =	sld [smem:$0x23F];
	v0 =	vadd.s32 v17, v0  }
0x591: {  	s8 =	sld [smem:$0xC0];
	v16 =	vadd.s32 v20, v16;
	v0 =	vadd.s32 v18, v0  }
0x592: {  	s9 =	sld [smem:$0x240];
	v16 =	vadd.s32 v19, v16;
	v17 =	vand.u32 s6, v15;
	v0 =	vadd.s32 v21, v0  }
0x593: {  	s10 =	sld [smem:$0xC1];
	v16 =	vadd.s32 v22, v16;
	[tilespmem:$0x1FD60] =	vst v17;
	v17 =	vand.u32 s7, v15;
	v0 =	vadd.s32 v24, v0  }
0x594: {  	s11 =	sld [smem:$0x241];
	v16 =	vadd.s32 v25, v16;
	[tilespmem:$0x1FD70] =	vst v17;
	v17 =	vand.u32 s8, v1;
	v0 =	vadd.s32 v26, v0  }
0x595: {  	v16 =	vadd.s32 v27, v16;
	[tilespmem:$0x1FD80] =	vst v17;
	v17 =	vand.u32 s9, v1;
	v0 =	vadd.s32 v28, v0  }
0x596: {  	v16 =	vadd.s32 v29, v16;
	[tilespmem:$0x1FDA0] =	vst v17;
	v17 =	vand.u32 s10, v2;
	v0 =	vadd.s32 v30, v0  }
0x597: {  	s14 =	sld [smem:$0xC3];
	v16 =	vadd.s32 v31, v16;
	[tilespmem:$0x1FD90] =	vst v17;
	v17 =	vand.u32 s11, v2;
	v0 =	vadd.s32 v32, v0  }
0x598: {  	s12 =	sld [smem:$0xC2];
	v16 =	vadd.s32 v33, v16;
	[tilespmem:$0x1FDB0] =	vst v17;
	v0 =	vadd.s32 v34, v0  }
0x599: {  	s13 =	sld [smem:$0x242];
	[tilespmem:$0x1FF30] =	vst v0;
	v0 =	vadd.s32 v35, v16  }
0x59a: {  	s15 =	sld [smem:$0x243];
	[tilespmem:$0x1FF40] =	vst v0;
	v0 =	vand.u32 s14, v3  }
0x59b: {  	s26 =	sld [smem:$0xC4];
	v17 =	vand.u32 s12, v23;
	[tilespmem:$0x1FDE0] =	vst v0;
	v0 =	vadd.s32 v36, v38  }
0x59c: {  	s28 =	sld [smem:$0x244];
	[tilespmem:$0x1FDC0] =	vst v17;
	v17 =	vand.u32 s13, v23;
	v0 =	vadd.s32 v40, v0  }
0x59d: {  	s29 =	sld [smem:$0xC5];
	[tilespmem:$0x1FDD0] =	vst v17;
	v17 =	vand.u32 s15, v3;
	v0 =	vadd.s32 v42, v0  }
0x59e: {  	s19 =	sld [smem:$0x245];
	[tilespmem:$0x1FDF0] =	vst v17;
	v17 =	vand.u32 s26, v4;
	v0 =	vadd.s32 v44, v0  }
0x59f: {  	s20 =	sld [smem:$0xC6];
	[tilespmem:$0x1FE00] =	vst v17;
	v17 =	vand.u32 s28, v4;
	v0 =	vadd.s32 v46, v0  }
0x5a0: {  	v16 =	vadd.s32 v37, v39;
	[tilespmem:$0x1FE10] =	vst v17;
	v17 =	vand.u32 s29, v5;
	v0 =	vadd.s32 v48, v0  }
0x5a1: {  	v16 =	vadd.s32 v41, v16;
	[tilespmem:$0x1FE20] =	vst v17;
	v17 =	vand.u32 s19, v5;
	v0 =	vadd.s32 v50, v0  }
0x5a2: {  	v16 =	vadd.s32 v43, v16;
	[tilespmem:$0x1FE30] =	vst v17;
	v17 =	vand.u32 s20, v6;
	v0 =	vadd.s32 v52, v0  }
0x5a3: {  	v16 =	vadd.s32 v45, v16;
	[tilespmem:$0x1FE40] =	vst v17;
	v17 =	vld [tilespmem:$0x1F940];
	v0 =	vadd.s32 v54, v0  }
0x5a4: {  	v16 =	vadd.s32 v47, v16;
	v0 =	vadd.s32 v56, v0  }
0x5a5: {  	v16 =	vadd.s32 v49, v16;
	v0 =	vadd.s32 v58, v0  }
0x5a6: {  	v62 =	vand.u32 s17, v13;
	v16 =	vadd.s32 v51, v16;
	v0 =	vadd.s32 v60, v0  }
0x5a7: {  	v16 =	vadd.s32 v53, v16;
	v0 =	vadd.s32 v62, v0  }
0x5a8: {  	v16 =	vadd.s32 v55, v16;
	v0 =	vadd.s32 v17, v0;
	v17 =	vld [tilespmem:$0x1F950]  }
0x5a9: {  	v16 =	vadd.s32 v57, v16  }
0x5aa: {  	v61 =	vand.u32 s16, v12;
	v16 =	vadd.s32 v59, v16  }
0x5ab: {  	v63 =	vand.u32 s18, v13;
	v16 =	vadd.s32 v61, v16  }
0x5ac: {  	v16 =	vadd.s32 v63, v16  }
0x5ad: {  	v16 =	vadd.s32 v17, v16;
	v17 =	vld [tilespmem:$0x1F960];
	_ =	sdelay $0x4  }
0x5ae: {  	v0 =	vadd.s32 v17, v0  }
0x5af: {  	[tilespmem:$0x1FF50] =	vst v0;
	v0 =	vld [tilespmem:$0x1F970];
	_ =	sdelay $0x4  }
0x5b0: {  	v0 =	vadd.s32 v0, v16;
	v16 =	vld [tilespmem:$0x1F990]  }
0x5b1: {  	[tilespmem:$0x1FF60] =	vst v0;
	v0 =	vld [tilespmem:$0x1F980];
	_ =	sdelay $0x3  }
0x5b2: {  	v17 =	vld [tilespmem:$0x1F9B0]  }
0x5b3: {  	v0 =	vadd.s32 v0, v16;
	v16 =	vld [tilespmem:$0x1F9A0];
	_ =	sdelay $0x4  }
0x5b4: {  	v16 =	vadd.s32 v16, v17;
	v17 =	vld [tilespmem:$0x1F9C0];
	_ =	sdelay $0x4  }
0x5b5: {  	v0 =	vadd.s32 v17, v0;
	v17 =	vld [tilespmem:$0x1F9D0];
	_ =	sdelay $0x4  }
0x5b6: {  	v16 =	vadd.s32 v17, v16;
	v17 =	vld [tilespmem:$0x1F9E0];
	_ =	sdelay $0x4  }
0x5b7: {  	v0 =	vadd.s32 v17, v0;
	v17 =	vld [tilespmem:$0x1F9F0];
	_ =	sdelay $0x4  }
0x5b8: {  	v16 =	vadd.s32 v17, v16;
	v17 =	vld [tilespmem:$0x1FA00];
	_ =	sdelay $0x4  }
0x5b9: {  	v0 =	vadd.s32 v17, v0;
	v17 =	vld [tilespmem:$0x1FA10];
	_ =	sdelay $0x4  }
0x5ba: {  	v16 =	vadd.s32 v17, v16;
	v17 =	vld [tilespmem:$0x1FA20];
	_ =	sdelay $0x4  }
0x5bb: {  	v0 =	vadd.s32 v17, v0;
	v17 =	vld [tilespmem:$0x1FA30];
	_ =	sdelay $0x4  }
0x5bc: {  	v16 =	vadd.s32 v17, v16;
	v17 =	vld [tilespmem:$0x1FA40];
	_ =	sdelay $0x4  }
0x5bd: {  	v0 =	vadd.s32 v17, v0;
	v17 =	vld [tilespmem:$0x1FA50];
	_ =	sdelay $0x4  }
0x5be: {  	v16 =	vadd.s32 v17, v16;
	v17 =	vld [tilespmem:$0x1FA60];
	_ =	sdelay $0x4  }
0x5bf: {  	v0 =	vadd.s32 v17, v0;
	v17 =	vld [tilespmem:$0x1FA70];
	_ =	sdelay $0x4  }
0x5c0: {  	v16 =	vadd.s32 v17, v16;
	v17 =	vld [tilespmem:$0x1FA80];
	_ =	sdelay $0x4  }
0x5c1: {  	v0 =	vadd.s32 v17, v0;
	v17 =	vld [tilespmem:$0x1FA90];
	_ =	sdelay $0x4  }
0x5c2: {  	v16 =	vadd.s32 v17, v16;
	v17 =	vld [tilespmem:$0x1FAA0];
	_ =	sdelay $0x4  }
0x5c3: {  	v0 =	vadd.s32 v17, v0;
	v17 =	vld [tilespmem:$0x1FAB0];
	_ =	sdelay $0x4  }
0x5c4: {  	v16 =	vadd.s32 v17, v16;
	v17 =	vld [tilespmem:$0x1FAC0];
	_ =	sdelay $0x4  }
0x5c5: {  	v0 =	vadd.s32 v17, v0;
	v17 =	vld [tilespmem:$0x1FAD0];
	_ =	sdelay $0x4  }
0x5c6: {  	v16 =	vadd.s32 v17, v16;
	v17 =	vld [tilespmem:$0x1FAE0];
	_ =	sdelay $0x4  }
0x5c7: {  	v0 =	vadd.s32 v17, v0;
	v17 =	vld [tilespmem:$0x1FAF0];
	_ =	sdelay $0x4  }
0x5c8: {  	v16 =	vadd.s32 v17, v16;
	v17 =	vld [tilespmem:$0x1FB00];
	_ =	sdelay $0x4  }
0x5c9: {  	v0 =	vadd.s32 v17, v0;
	v17 =	vld [tilespmem:$0x1FB10];
	_ =	sdelay $0x4  }
0x5ca: {  	v16 =	vadd.s32 v17, v16;
	v17 =	vld [tilespmem:$0x1FB20];
	_ =	sdelay $0x4  }
0x5cb: {  	v0 =	vadd.s32 v17, v0;
	v17 =	vld [tilespmem:$0x1FB30];
	_ =	sdelay $0x3  }
0x5cc: {  	s23 =	sld [smem:$0x272]  }
0x5cd: {  	s24 =	sld [smem:$0xF3];
	v16 =	vadd.s32 v17, v16;
	v17 =	vld [tilespmem:$0x1FB40]  }
0x5ce: {  	s17 =	sld [smem:$0xFC];
	v48 =	vld [tilespmem:$0x1FB60]  }
0x5cf: {  	s18 =	sld [smem:$0x27C]  }
0x5d0: {  	s21 =	sld [smem:$0x246];
	v45 =	vld [tilespmem:$0x1FC20]  }
0x5d1: {  	s22 =	sld [smem:$0xC7];
	v47 =	vld [tilespmem:$0x1FC40]  }
0x5d2: {  	s30 =	sld [smem:$0x247];
	v49 =	vld [tilespmem:$0x1FB90];
	v0 =	vadd.s32 v17, v0  }
0x5d3: {  	s31 =	sld [smem:$0xC8];
	v17 =	vld [tilespmem:$0x1FB50];
	v0 =	vadd.s32 v48, v0  }
0x5d4: {  	s1 =	sld [smem:$0x248];
	[tilespmem:$0x1FF70] =	vst v0;
	v0 =	vld [tilespmem:$0x1FB70]  }
0x5d5: {  	s2 =	sld [smem:$0xC9];
	v44 =	vld [tilespmem:$0x1FC10]  }
0x5d6: {  	s3 =	sld [smem:$0x249];
	v51 =	vld [tilespmem:$0x1FBB0]  }
0x5d7: {  	s4 =	sld [smem:$0xCA];
	v46 =	vld [tilespmem:$0x1FC30]  }
0x5d8: {  	s25 =	sld [smem:$0x24A];
	v53 =	vld [tilespmem:$0x1FBC0];
	v16 =	vadd.s32 v17, v16  }
0x5d9: {  	s0 =	sld [smem:$0xCB];
	v54 =	vld [tilespmem:$0x1FBD0];
	v0 =	vadd.s32 v0, v16  }
0x5da: {  	s5 =	sld [smem:$0x24B];
	[tilespmem:$0x1FF80] =	vst v0;
	v0 =	vld [tilespmem:$0x1FB80]  }
0x5db: {  	s6 =	sld [smem:$0xCC];
	v59 =	vld [tilespmem:$0x1FC00]  }
0x5dc: {  	s7 =	sld [smem:$0x24C];
	v56 =	vld [tilespmem:$0x1FBE0]  }
0x5dd: {  	v31 =	vand.u32 s25, v10;
	s25 =	sld [smem:$0x257];
	v58 =	vld [tilespmem:$0x1FBF0]  }
0x5de: {  	s8 =	sld [smem:$0xCD];
	v48 =	vld [tilespmem:$0x1FC50]  }
0x5df: {  	v33 =	vand.u32 s3, v9;
	s3 =	sld [smem:$0x256];
	v50 =	vadd.s32 v0, v49;
	v0 =	vld [tilespmem:$0x1FBA0]  }
0x5e0: {  	s9 =	sld [smem:$0x24D];
	v49 =	vld [tilespmem:$0x1FC60];
	v62 =	vadd.s32 v53, v50  }
0x5e1: {  	v29 =	vand.u32 s6, v12;
	s6 =	sld [smem:$0xD9];
	v50 =	vld [tilespmem:$0x1FC70];
	v57 =	vadd.s32 v56, v62  }
0x5e2: {  	s10 =	sld [smem:$0xCE];
	v53 =	vld [tilespmem:$0x1FCA0];
	v60 =	vadd.s32 v59, v57  }
0x5e3: {  	v27 =	vand.u32 s7, v12;
	s7 =	sld [smem:$0x259];
	v60 =	vadd.s32 v45, v60;
	v45 =	vld [tilespmem:$0x1FCD0]  }
0x5e4: {  	s11 =	sld [smem:$0x24E];
	v52 =	vadd.s32 v0, v51;
	v51 =	vld [tilespmem:$0x1FC80]  }
0x5e5: {  	v26 =	vand.u32 s8, v13;
	s8 =	sld [smem:$0xDA];
	v60 =	vadd.s32 v47, v60;
	v47 =	vld [tilespmem:$0x1FCF0]  }
0x5e6: {  	s12 =	sld [smem:$0xCF];
	v55 =	vadd.s32 v54, v52;
	v52 =	vld [tilespmem:$0x1FC90]  }
0x5e7: {  	v30 =	vand.u32 s5, v11;
	s5 =	sld [smem:$0x258];
	v54 =	vld [tilespmem:$0x1FCB0];
	v61 =	vadd.s32 v58, v55  }
0x5e8: {  	v25 =	vand.u32 s9, v13;
	s9 =	sld [smem:$0x25A];
	v61 =	vadd.s32 v44, v61;
	v44 =	vld [tilespmem:$0x1FCC0]  }
0x5e9: {  	s13 =	sld [smem:$0x24F];
	v60 =	vadd.s32 v49, v60;
	v49 =	vld [tilespmem:$0x1FD10];
	v61 =	vadd.s32 v46, v61  }
0x5ea: {  	v32 =	vand.u32 s4, v10;
	s4 =	sld [smem:$0xD7];
	v46 =	vld [tilespmem:$0x1FCE0];
	v61 =	vadd.s32 v48, v61  }
0x5eb: {  	v24 =	vand.u32 s10, v14;
	s10 =	sld [smem:$0xDB];
	v60 =	vadd.s32 v51, v60;
	v48 =	vld [tilespmem:$0x1FD00];
	v61 =	vadd.s32 v50, v61  }
0x5ec: {  	s15 =	sld [smem:$0x250];
	v60 =	vadd.s32 v53, v60;
	v50 =	vld [tilespmem:$0x1FD20];
	v61 =	vadd.s32 v52, v61  }
0x5ed: {  	v34 =	vand.u32 s2, v9;
	s2 =	sld [smem:$0xD6];
	v61 =	vadd.s32 v54, v61;
	v60 =	vadd.s32 v44, v60;
	v44 =	vld [tilespmem:$0x1FD30]  }
0x5ee: {  	v22 =	vand.u32 s11, v14;
	s11 =	sld [smem:$0x25B];
	v61 =	vadd.s32 v45, v61;
	v45 =	vld [tilespmem:$0x1FD40]  }
0x5ef: {  	s26 =	sld [smem:$0xD1];
	v60 =	vadd.s32 v46, v60;
	v46 =	vld [tilespmem:$0x1FD50]  }
0x5f0: {  	v39 =	vand.u32 s21, v6;
	s21 =	sld [smem:$0x253];
	v61 =	vadd.s32 v47, v61;
	v47 =	vld [tilespmem:$0x1FD60]  }
0x5f1: {  	v37 =	vand.u32 s30, v7;
	s30 =	sld [smem:$0x254];
	v60 =	vadd.s32 v48, v60;
	v48 =	vld [tilespmem:$0x1FD70]  }
0x5f2: {  	v35 =	vand.u32 s1, v8;
	s1 =	sld [smem:$0x255]  }
0x5f3: {  	v28 =	vand.u32 s12, v15;
	s12 =	sld [smem:$0xDC];
	v61 =	vadd.s32 v49, v61;
	v60 =	vadd.s32 v50, v60  }
0x5f4: {  	s14 =	sld [smem:$0xD0];
	v61 =	vadd.s32 v44, v61;
	v60 =	vadd.s32 v45, v60  }
0x5f5: {  	s28 =	sld [smem:$0x251];
	v61 =	vadd.s32 v46, v61;
	v41 =	vadd.s32 v47, v60;
	v60 =	vld [tilespmem:$0x1FD80]  }
0x5f6: {  	v21 =	vand.u32 s13, v15;
	s13 =	sld [smem:$0x25C];
	[tilespmem:$0x1FF90] =	vst v41;
	v41 =	vadd.s32 v48, v61;
	v61 =	vld [tilespmem:$0x1FD90]  }
0x5f7: {  	s29 =	sld [smem:$0xD2]  }
0x5f8: {  	v38 =	vand.u32 s22, v7;
	s22 =	sld [smem:$0xD4]  }
0x5f9: {  	v36 =	vand.u32 s31, v8;
	s31 =	sld [smem:$0xD5]  }
0x5fa: {  	v19 =	vand.u32 s15, v1;
	s15 =	sld [smem:$0x25D];
	v45 =	vld [tilespmem:$0x1FDA0]  }
0x5fb: {  	v43 =	vand.u32 s10, v11;
	s10 =	sld [smem:$0xE8];
	v47 =	vadd.s32 v60, v61;
	v61 =	vld [tilespmem:$0x1FDC0]  }
0x5fc: {  	s19 =	sld [smem:$0x252];
	v46 =	vld [tilespmem:$0x1FDB0]  }
0x5fd: {  	v40 =	vand.u32 s0, v11;
	s0 =	sld [smem:$0xD8];
	v44 =	vld [tilespmem:$0x1FDD0]  }
0x5fe: {  	v18 =	vand.u32 s26, v2;
	s26 =	sld [smem:$0xDE]  }
0x5ff: {  	s20 =	sld [smem:$0xD3]  }
0x600: {  	v20 =	vand.u32 s14, v1;
	s14 =	sld [smem:$0xDD];
	v47 =	vadd.s32 v61, v47;
	v61 =	vld [tilespmem:$0x1FDF0]  }
0x601: {  	v42 =	vand.u32 s11, v11;
	s11 =	sld [smem:$0x268];
	v60 =	vadd.s32 v45, v46  }
0x602: {  	v63 =	vand.u32 s20, v3;
	s20 =	sld [smem:$0xE0];
	v46 =	vadd.s32 v44, v60;
	v60 =	vld [tilespmem:$0x1FDE0]  }
0x603: {  	v17 =	vand.u32 s28, v2;
	s28 =	sld [smem:$0x25E]  }
0x604: {  	v18 =	vadd.s32 v20, v18;
	v16 =	vand.u32 s29, v23;
	s29 =	sld [smem:$0xDF]  }
0x605: {  	v16 =	vadd.s32 v16, v18;
	v62 =	vand.u32 s21, v3;
	s21 =	sld [smem:$0x260];
	v46 =	vadd.s32 v61, v46;
	v61 =	vld [tilespmem:$0x1FE10]  }
0x606: {  	v17 =	vadd.s32 v19, v17;
	v16 =	vadd.s32 v63, v16;
	v56 =	vand.u32 s1, v5;
	s1 =	sld [smem:$0x262]  }
0x607: {  	v59 =	vand.u32 s22, v4;
	s22 =	sld [smem:$0xE1];
	v0 =	vand.u32 s19, v23;
	v47 =	vadd.s32 v60, v47;
	v60 =	vld [tilespmem:$0x1FE00]  }
0x608: {  	v57 =	vand.u32 s31, v5;
	s31 =	sld [smem:$0xE2];
	v16 =	vadd.s32 v59, v16;
	v0 =	vadd.s32 v0, v17  }
0x609: {  	s19 =	sld [smem:$0x25F];
	v16 =	vadd.s32 v57, v16;
	v58 =	vand.u32 s30, v4;
	v0 =	vadd.s32 v62, v0  }
0x60a: {  	s30 =	sld [smem:$0x261];
	v55 =	vand.u32 s2, v6;
	v0 =	vadd.s32 v58, v0;
	v46 =	vadd.s32 v61, v46;
	v61 =	vld [tilespmem:$0x1FE30]  }
0x60b: {  	v16 =	vadd.s32 v55, v16;
	v0 =	vadd.s32 v56, v0;
	v52 =	vand.u32 s25, v7;
	s25 =	sld [smem:$0x264]  }
0x60c: {  	s2 =	sld [smem:$0xE3];
	v56 =	vand.u32 s10, v8;
	v53 =	vand.u32 s4, v7;
	v47 =	vadd.s32 v60, v47;
	v60 =	vld [tilespmem:$0x1FE20]  }
0x60d: {  	v51 =	vand.u32 s0, v8;
	v16 =	vadd.s32 v53, v16;
	v54 =	vand.u32 s3, v6;
	s3 =	sld [smem:$0x263]  }
0x60e: {  	s10 =	sld [smem:$0xF2];
	v16 =	vadd.s32 v51, v16;
	v0 =	vadd.s32 v54, v0;
	v19 =	vand.u32 s25, v4  }
0x60f: {  	s0 =	sld [smem:$0xE5];
	v0 =	vadd.s32 v52, v0;
	v50 =	vand.u32 s5, v8;
	v46 =	vadd.s32 v61, v46  }
0x610: {  	s4 =	sld [smem:$0xE4];
	v49 =	vand.u32 s6, v9;
	v20 =	vand.u32 s3, v3;
	v39 =	vadd.s32 v39, v46  }
0x611: {  	[tilespmem:$0x1FFA0] =	vst v41;
	v41 =	vand.u32 s12, v12;
	s12 =	sld [smem:$0xE9];
	v47 =	vadd.s32 v60, v47;
	v60 =	vld [tilespmem:$0x1FE40];
	v37 =	vadd.s32 v37, v39  }
0x612: {  	s25 =	sld [smem:$0x273];
	v0 =	vadd.s32 v50, v0;
	v48 =	vand.u32 s7, v9;
	v35 =	vadd.s32 v35, v37  }
0x613: {  	s5 =	sld [smem:$0x265];
	v16 =	vadd.s32 v49, v16;
	v0 =	vadd.s32 v48, v0;
	v33 =	vadd.s32 v33, v35  }
0x614: {  	s6 =	sld [smem:$0xE6];
	v55 =	vand.u32 s12, v9;
	v45 =	vand.u32 s8, v10;
	v31 =	vadd.s32 v31, v33  }
0x615: {  	v44 =	vand.u32 s9, v10;
	s9 =	sld [smem:$0x267];
	v16 =	vadd.s32 v45, v16;
	v31 =	vadd.s32 v30, v31  }
0x616: {  	s3 =	sld [smem:$0x26F];
	v16 =	vadd.s32 v43, v16;
	v47 =	vadd.s32 v60, v47;
	v27 =	vadd.s32 v27, v31  }
0x617: {  	s7 =	sld [smem:$0x266];
	v41 =	vadd.s32 v41, v16;
	v38 =	vadd.s32 v38, v47;
	v25 =	vadd.s32 v25, v27  }
0x618: {  	s12 =	sld [smem:$0xFA];
	v58 =	vand.u32 s9, v7;
	v36 =	vadd.s32 v36, v38;
	v22 =	vadd.s32 v22, v25  }
0x619: {  	v34 =	vadd.s32 v34, v36;
	v36 =	vand.u32 s6, v6;
	s6 =	sld [smem:$0x270];
	v21 =	vadd.s32 v21, v22  }
0x61a: {  	v39 =	vand.u32 s14, v13;
	v32 =	vadd.s32 v32, v34;
	[tilespmem:$0x1FFC0] =	vst v21;
	v21 =	vand.u32 s4, v4;
	s4 =	sld [smem:$0xF0]  }
0x61b: {  	s8 =	sld [smem:$0xE7];
	v46 =	vand.u32 s13, v12;
	v39 =	vadd.s32 v39, v41;
	v32 =	vadd.s32 v40, v32  }
0x61c: {  	s9 =	sld [smem:$0x271];
	v29 =	vadd.s32 v29, v32;
	v32 =	vand.u32 s20, v1;
	v43 =	vand.u32 s6, v1  }
0x61d: {  	s13 =	sld [smem:$0x269];
	v26 =	vadd.s32 v26, v29;
	v29 =	vand.u32 s21, v1;
	v41 =	vand.u32 s4, v1;
	v1 =	vld [tilespmem:$0x1FE50]  }
0x61e: {  	v0 =	vadd.s32 v44, v0;
	v60 =	vand.u32 s29, v15;
	s29 =	sld [smem:$0xEC]  }
0x61f: {  	v17 =	vadd.s32 v42, v0;
	s14 =	sld [smem:$0xEA]  }
0x620: {  	v46 =	vadd.s32 v46, v17;
	v17 =	vand.u32 s3, v15;
	s3 =	sld [smem:$0xF7]  }
0x621: {  	v57 =	vand.u32 s11, v8;
	v47 =	vand.u32 s8, v7;
	s8 =	sld [smem:$0xF9]  }
0x622: {  	v18 =	vand.u32 s0, v5;
	v61 =	vand.u32 s19, v15;
	v37 =	vand.u32 s15, v13;
	s15 =	sld [smem:$0x26A];
	[tilespmem:$0x810] =	vst v1;
	v1 =	vld [tilespmem:$0x1FE60]  }
0x623: {  	v38 =	vand.u32 s7, v6;
	s7 =	sld [smem:$0xF1];
	v35 =	vand.u32 s26, v14;
	v53 =	vand.u32 s13, v9  }
0x624: {  	s26 =	sld [smem:$0xEB];
	v49 =	vand.u32 s29, v12;
	v37 =	vadd.s32 v37, v46;
	v46 =	vand.u32 s24, v3  }
0x625: {  	s29 =	sld [smem:$0xF5];
	v33 =	vand.u32 s28, v14;
	v34 =	vand.u32 s5, v5;
	v54 =	vand.u32 s14, v10  }
0x626: {  	s28 =	sld [smem:$0x26B];
	v35 =	vadd.s32 v35, v39;
	v39 =	vand.u32 s9, v2;
	v52 =	vand.u32 s15, v10  }
0x627: {  	s5 =	sld [smem:$0xF8];
	v33 =	vadd.s32 v33, v37;
	v37 =	vand.u32 s7, v2;
	v40 =	vand.u32 s3, v7;
	[tilespmem:$0x910] =	vst v1;
	v1 =	vld [tilespmem:$0x1FE70]  }
0x628: {  	s14 =	sld [smem:$0x27A];
	v35 =	vadd.s32 v60, v35;
	v31 =	vand.u32 s22, v2;
	v50 =	vand.u32 s26, v11  }
0x629: {  	s20 =	sld [smem:$0x26C];
	v62 =	vand.u32 s29, v5;
	v33 =	vadd.s32 v61, v33;
	v27 =	vand.u32 s30, v2  }
0x62a: {  	s26 =	sld [smem:$0xF4];
	v51 =	vand.u32 s28, v11;
	v31 =	vadd.s32 v32, v31;
	v32 =	vand.u32 s10, v23  }
0x62b: {  	s21 =	sld [smem:$0xED];
	v30 =	vand.u32 s5, v8;
	v39 =	vadd.s32 v43, v39;
	v24 =	vadd.s32 v24, v26  }
0x62c: {  	s30 =	sld [smem:$0x26D];
	v25 =	vand.u32 s31, v23;
	v26 =	vand.u32 s1, v23;
	v27 =	vadd.s32 v29, v27;
	[tilespmem:$0x820] =	vst v1;
	v1 =	vld [tilespmem:$0x1FE80]  }
0x62d: {  	s28 =	sld [smem:$0x274];
	v29 =	vand.u32 s23, v23;
	v23 =	vand.u32 s12, v10;
	v24 =	vadd.s32 v28, v24  }
0x62e: {  	s31 =	sld [smem:$0xEE];
	v45 =	vand.u32 s20, v12;
	v25 =	vadd.s32 v25, v31;
	v31 =	vand.u32 s25, v3  }
0x62f: {  	v60 =	vld [tilespmem:$0x1FF20];
	s1 =	sld [smem:$0x26E];
	v59 =	vand.u32 s26, v4;
	v26 =	vadd.s32 v26, v27;
	v28 =	vand.u32 s8, v9  }
0x630: {  	s7 =	sld [smem:$0x278];
	v2 =	vld [tilespmem:$0x1FED0];
	v29 =	vadd.s32 v29, v39;
	[tilespmem:$0x1FFB0] =	vst v24;
	v24 =	vand.u32 s2, v3;
	v48 =	vand.u32 s21, v13  }
0x631: {  	s10 =	sld [smem:$0x279];
	v44 =	vand.u32 s30, v13;
	v27 =	vand.u32 s28, v4;
	v20 =	vadd.s32 v20, v26;
	[tilespmem:$0x920] =	vst v1;
	v1 =	vld [tilespmem:$0x1FE90]  }
0x632: {  	v61 =	vld [tilespmem:$0x1FF30];
	[tilespmem:$0x8D0] =	vst v35;
	s2 =	sld [smem:$0xEF];
	v29 =	vadd.s32 v31, v29;
	v42 =	vand.u32 s31, v14;
	v0 =	vand.u32 s1, v14  }
0x633: {  	v43 =	vld [tilespmem:$0x1FF60];
	[tilespmem:$0x9D0] =	vst v33;
	s30 =	sld [smem:$0x275];
	v24 =	vadd.s32 v24, v25;
	v19 =	vadd.s32 v19, v20;
	v20 =	vand.u32 s7, v8  }
0x634: {  	v22 =	vld [tilespmem:$0x1FEE0];
	[tilespmem:$0x970] =	vst v60;
	s31 =	sld [smem:$0xF6];
	v27 =	vadd.s32 v27, v29;
	v21 =	vadd.s32 v21, v24;
	v19 =	vadd.s32 v34, v19  }
0x635: {  	s16 =	sld [smem:$0x27B];
	v39 =	vld [tilespmem:$0x1FF50];
	v34 =	vand.u32 s14, v10;
	[tilespmem:$0x850] =	vst v2;
	v2 =	vand.u32 s17, v12;
	v16 =	vand.u32 s2, v15  }
0x636: {  	v25 =	vand.u32 s30, v5;
	v18 =	vadd.s32 v18, v21;
	v21 =	vand.u32 s10, v9;
	[tilespmem:$0x830] =	vst v1;
	v1 =	vld [tilespmem:$0x1FEA0]  }
0x637: {  	[tilespmem:$0x880] =	vst v61;
	v61 =	vld [tilespmem:$0x1FFC0];
	s2 =	sld [smem:$0x276];
	v19 =	vadd.s32 v38, v19;
	v38 =	vand.u32 s18, v12;
	v63 =	vand.u32 s31, v6  }
0x638: {  	[tilespmem:$0x990] =	vst v43;
	s4 =	sld [smem:$0x277];
	v18 =	vadd.s32 v36, v18;
	v36 =	vand.u32 s16, v11;
	v19 =	vadd.s32 v58, v19;
	v58 =	vld [tilespmem:$0x1FF10]  }
0x639: {  	[tilespmem:$0x950] =	vst v22;
	v37 =	vadd.s32 v41, v37;
	v25 =	vadd.s32 v25, v27;
	v18 =	vadd.s32 v47, v18;
	v47 =	vld [tilespmem:$0x1FEF0]  }
0x63a: {  	[tilespmem:$0x890] =	vst v39;
	v19 =	vadd.s32 v57, v19;
	v32 =	vadd.s32 v32, v37;
	v37 =	vld [tilespmem:$0x1FF40];
	v26 =	vand.u32 s2, v6  }
0x63b: {  	s21 =	sld [smem:$0xFE];
	v24 =	vand.u32 s4, v7;
	v18 =	vadd.s32 v56, v18;
	v19 =	vadd.s32 v53, v19;
	[tilespmem:$0x930] =	vst v1;
	v1 =	vld [tilespmem:$0x1FEB0]  }
0x63c: {  	v56 =	vld [tilespmem:$0x1FF00];
	v32 =	vadd.s32 v46, v32;
	[tilespmem:$0x9C0] =	vst v61;
	v18 =	vadd.s32 v55, v18;
	v19 =	vadd.s32 v52, v19  }
0x63d: {  	s22 =	sld [smem:$0x27E];
	v41 =	vadd.s32 v59, v32;
	v52 =	vld [tilespmem:$0x1FF80];
	v25 =	vadd.s32 v26, v25;
	v18 =	vadd.s32 v54, v18;
	[tilespmem:$0x870] =	vst v58  }
0x63e: {  	s20 =	sld [smem:$0x27D];
	v59 =	vld [tilespmem:$0x1FFB0];
	v19 =	vadd.s32 v51, v19;
	v46 =	vadd.s32 v62, v41;
	v51 =	vand.u32 s21, v14;
	[tilespmem:$0x860] =	vst v47  }
0x63f: {  	v54 =	vld [tilespmem:$0x1FF90];
	v24 =	vadd.s32 v24, v25;
	v18 =	vadd.s32 v50, v18;
	v19 =	vadd.s32 v45, v19;
	[tilespmem:$0x980] =	vst v37  }
0x640: {  	v50 =	vadd.s32 v63, v46;
	v20 =	vadd.s32 v20, v24;
	v58 =	vand.u32 s22, v14;
	[tilespmem:$0x840] =	vst v1;
	v1 =	vld [tilespmem:$0x1FEC0]  }
0x641: {  	v37 =	vand.u32 s20, v13;
	v18 =	vadd.s32 v49, v18;
	v53 =	vadd.s32 v40, v50;
	[tilespmem:$0x960] =	vst v56  }
0x642: {  	s15 =	sld [smem:$0xFB];
	v19 =	vadd.s32 v44, v19;
	v20 =	vadd.s32 v21, v20;
	v18 =	vadd.s32 v48, v18;
	[tilespmem:$0x9A0] =	vst v52  }
0x643: {  	v49 =	vld [tilespmem:$0x1FF70];
	v55 =	vadd.s32 v30, v53;
	v0 =	vadd.s32 v0, v19;
	v62 =	vadd.s32 v34, v20;
	[tilespmem:$0x8C0] =	vst v59  }
0x644: {  	s19 =	sld [smem:$0xFD];
	v56 =	vld [tilespmem:$0x1FFA0];
	v57 =	vadd.s32 v28, v55;
	v18 =	vadd.s32 v42, v18;
	v19 =	vadd.s32 v36, v62;
	[tilespmem:$0x8B0] =	vst v54  }
0x645: {  	s24 =	sld [smem:$0x27F];
	v0 =	vadd.s32 v17, v0;
	v60 =	vadd.s32 v23, v57;
	[tilespmem:$0x940] =	vst v1;
	v1 =	vand.u32 s15, v11  }
0x646: {  	s23 =	sld [smem:$0xFF];
	v16 =	vadd.s32 v16, v18;
	v63 =	vadd.s32 v38, v19;
	[tilespmem:$0x9E0] =	vst v0;
	v1 =	vadd.s32 v1, v60  }
0x647: {  	v47 =	vand.u32 s19, v13;
	[tilespmem:$0x8E0] =	vst v16;
	v16 =	vadd.s32 v37, v63;
	v1 =	vadd.s32 v2, v1  }
0x648: {  	v17 =	vand.u32 s24, v15;
	[tilespmem:$0x8A0] =	vst v49;
	v0 =	vadd.s32 v58, v16;
	v1 =	vadd.s32 v47, v1  }
0x649: {  	[tilespmem:$0x9B0] =	vst v56;
	v0 =	vadd.s32 v17, v0;
	v2 =	vand.u32 s23, v15;
	v1 =	vadd.s32 v51, v1  }
0x64a: {  	s3 =	simm.s32 $0x400;
	s25 =	rddreg [dreg:$0x16];
	[tilespmem:$0x9F0] =	vst v0;
	v1 =	vadd.s32 v2, v1  }
0x64b: {  	s26 =	simm.s32 $0x800;
	s2 =	simm.s32 $0x80;
	s4 =	simm.s32 $0x1;
	[tilespmem:$0x8F0] =	vst v1  }
0x64c: {  	[hbm4b:s25+s2] =	stream.strided.scatter [tilespmem:s26], [sflag:$0x1], $0x100, s3, s2, $0x38;
	[tilespmem:$0xA00] =	vst v63  }
0x64d: {  	_ =	swait.ge [sflag:s4], $0x100  }
0x64e: {  	[sflag:s4] =	ssyncset.done $0x0  }
0x64f: {  	s29 =	simm.s32 $0x900;
	s28 =	rddreg [dreg:$0x17];
	[sflag:s4] =	ssyncadd.s32 $0xFFFFFF00  }
0x650: {  	[hbm4b:s28+s2] =	stream.strided.scatter [tilespmem:s29], [sflag:$0x1], $0x100, s3, s2, $0x38;
	[tilespmem:$0xA00] =	vst v63  }
0x651: {  	_ =	swait.ge [sflag:s4], $0x100  }
0x652: {  	s30 =	rddreg [dreg:$0x19]  }
0x653: {  	s31 =	rddreg [dreg:$0x18];
	s1 =	sadd.s32 $0x1, s30  }
0x654: {  	p0 =	sne.s32 s1, s31  }
.Ltmp4:
0x655: {  	_ = 	snop;
	(pc) =	sbr.rel @p0 .LBB2_1-.Ltmp4, $3  }
0x656: {  	_ =	sdelay $0x1  }
0x657: {  	[sflag:s4] =	ssyncset.done $0x0  }
0x658: {  	[sflag:s4] =	ssyncadd.s32 $0xFFFFFF00  }
0x659: {  	_ =	sfence.sel $0x180000  }
0x65a: {  	[bflag:$0x0] =	sbarrier.arrive $0xFFFF  }
0x65b: {  	_ =	strace $0x90000047  }
0x65c: {  	s0 =	stileid.u32;
	[bflag:$0x2] =	sbarrier.arrive $0xFFFF  }
0x65d: {  	p0 =	sne.s32 s0, $0x0;
	s0 =	rddreg [dreg:$0x2]  }
0x65e: {  	s0 =	sadd.s32 @!p0 $0x100000, s0  }
0x65f: {  	[sflag:s0] =	ssyncadd.tile.s32 @!p0 $0x1;
	_ =	shalt  }
.Lfunc_end2:
_tile_overlayer_lowered:
.L_overlay_start_2:
0x660: {  	(tag) =	ssettag $0x2  }
0x661: {  	s0 =	rddreg [dreg:$0x0];
	s2 =	stileid.u32  }
0x662: {  	s1 =	rddreg [dreg:$0x1];
	p0 =	sne.s32 s2, $0x0  }
0x663: {  	s3 =	rddreg [dreg:$0x2];
	[bflag:$0x3] =	sbarrier.arrive $0xFFFF;
	s2 =	simm.s32 @!p0 $0x1C01  }
0x664: {  	[timem:s3], [sflag:s2] =	dma.local @!p0 [hbm:s0], s1  }
0x665: {  	s0 =	simm.s32 @!p0 $0x1  }
0x666: {  	_ =	swait.ge @!p0 [sflag:s0], s1  }
0x667: {  	s1 =	ssub.s32 @!p0 $0x0, s1;
	[sflag:s0] =	ssyncset.done @!p0 $0x0  }
0x668: {  	[sflag:s0] =	ssyncadd.s32 @!p0 s1  }
0x669: {  	[bflag:$0x3] =	sbarrier.arrive $0xFFFF  }
0x66a: {  	_ =	shalt  }

</sc_bundles>
